<compile_context>
chip_gen: v7x
topology: tpu7x:2x2x1
jax: 0.10.2.dev20260603
libtpu: 0.0.44.dev20260713+nightly
codegen_flags: <defaults>
</compile_context>

<pallas_src>
import functools

import jax
import jax.numpy as jnp
from jax import lax
from jax.experimental import pallas as pl
from jax.experimental.pallas import tpu as pltpu
from jax.experimental.pallas import tpu_sc as plsc

N = 10000
D_IN = 128
H = 64
E = 320000

NC = 2
NS = 16
NW = NC * NS

LCHUNK = 128
CPW = 80
EP = NW * LCHUNK * CPW
DUMMY = N

NP = 10240
RPS = NP // NS
BLK = 512
NBLK = NP // BLK
DEGW = 16

_MESH = dict(core_axis_name="c", subcore_axis_name="s",
             num_cores=NC, num_subcores=NS)

_SC_PARAMS = pltpu.CompilerParams(use_tc_tiling_on_sc=False)


def _sc_degree(dst2d, ones_d, zeros_d):
    @functools.partial(
        pl.kernel,
        out_type=jax.ShapeDtypeStruct((NC, NP, DEGW), jnp.float32),
        mesh=plsc.VectorSubcoreMesh(**_MESH),
        compiler_params=_SC_PARAMS,
        scratch_types=[
            pltpu.VMEM((CPW, LCHUNK), jnp.int32),
            pltpu.VMEM((LCHUNK, DEGW), jnp.float32),
            pltpu.VMEM_SHARED((NP, DEGW), jnp.float32),
        ],
    )
    def k(dst_hbm, ones_hbm, zeros_hbm, out_hbm, dst_v, ones_v, acc):
        cid = lax.axis_index("c")
        sid = lax.axis_index("s")
        wid = sid * NC + cid
        r0 = sid * RPS
        pltpu.sync_copy(zeros_hbm.at[pl.ds(r0, RPS)], acc.at[pl.ds(r0, RPS)])
        pltpu.sync_copy(ones_hbm, ones_v)
        pltpu.sync_copy(dst_hbm.at[pl.ds(wid * CPW, CPW)], dst_v)
        plsc.subcore_barrier()

        @pl.loop(0, CPW)
        def _(j):
            pltpu.sync_copy(ones_v, acc.at[dst_v.at[j]], add=True)

        plsc.subcore_barrier()
        pltpu.sync_copy(acc.at[pl.ds(r0, RPS)],
                        out_hbm.at[cid].at[pl.ds(r0, RPS)])

    return k(dst2d, ones_d, zeros_d)


def _sc_scatter(table, src2d, dst2d, zeros_hh):
    HH = H // 2

    @functools.partial(
        pl.kernel,
        out_type=jax.ShapeDtypeStruct((NC, 2, NP, HH), jnp.float32),
        mesh=plsc.VectorSubcoreMesh(**_MESH),
        compiler_params=_SC_PARAMS,
        scratch_types=[
            pltpu.VMEM((CPW, LCHUNK), jnp.int32),
            pltpu.VMEM((CPW, LCHUNK), jnp.int32),
            [pltpu.VMEM((LCHUNK, HH), jnp.float32) for _ in range(4)],
            pltpu.VMEM_SHARED((NP, HH), jnp.float32),
            pltpu.VMEM_SHARED((NP, HH), jnp.float32),
            [pltpu.SemaphoreType.DMA for _ in range(4)],
        ],
    )
    def k(table_hbm, src_hbm, dst_hbm, zeros_hbm, out_hbm,
          src_v, dst_v, rows_bufs, acc, tbl, sems):
        cid = lax.axis_index("c")
        sid = lax.axis_index("s")
        r0 = sid * RPS
        base = (cid * NS + sid) * CPW
        pltpu.sync_copy(src_hbm.at[pl.ds(base, CPW)], src_v)
        pltpu.sync_copy(dst_hbm.at[pl.ds(base, CPW)], dst_v)

        for half in range(2):
            pltpu.sync_copy(zeros_hbm.at[pl.ds(r0, RPS)],
                            acc.at[pl.ds(r0, RPS)])
            pltpu.sync_copy(
                table_hbm.at[pl.ds(r0, RPS), pl.ds(half * HH, HH)],
                tbl.at[pl.ds(r0, RPS)])
            plsc.subcore_barrier()

            for b in range(4):
                pltpu.async_copy(tbl.at[src_v.at[b]], rows_bufs[b], sems[b])

            @pl.loop(0, CPW, step=4)
            def _(j):
                for b in range(4):
                    pltpu.make_async_copy(tbl.at[src_v.at[0]],
                                          rows_bufs[b], sems[b]).wait()
                    pltpu.sync_copy(rows_bufs[b], acc.at[dst_v.at[j + b]],
                                    add=True)

                    @pl.when(j + b + 4 < CPW)
                    def _():
                        pltpu.async_copy(tbl.at[src_v.at[j + b + 4]],
                                         rows_bufs[b], sems[b])

            plsc.subcore_barrier()
            pltpu.sync_copy(acc.at[pl.ds(r0, RPS)],
                            out_hbm.at[cid].at[half].at[pl.ds(r0, RPS)])
            plsc.subcore_barrier()

    return k(table, src2d, dst2d, zeros_hh)


def _dinv_block(d_ref):
    s = jnp.sum(d_ref[0] + d_ref[1], axis=1, keepdims=True)
    return lax.rsqrt(s * (1.0 / DEGW) + 1.0)


_PREC = None


def _tc_prep(x_pad, W1, degp):
    def body(x_ref, w_ref, d_ref, g_ref):
        dinv = _dinv_block(d_ref)
        g_ref[...] = jnp.dot(x_ref[...], w_ref[...],
                             preferred_element_type=jnp.float32,
                             precision=_PREC) * dinv

    return pl.pallas_call(
        body,
        grid=(NBLK,),
        in_specs=[
            pl.BlockSpec((BLK, D_IN), lambda i: (i, 0)),
            pl.BlockSpec((D_IN, H), lambda i: (0, 0)),
            pl.BlockSpec((NC, BLK, DEGW), lambda i: (0, i, 0)),
        ],
        out_specs=pl.BlockSpec((BLK, H), lambda i: (i, 0)),
        out_shape=jax.ShapeDtypeStruct((NP, H), jnp.float32),
    )(x_pad, W1, degp)


def _s_block(s_ref):
    lo = s_ref[0, 0] + s_ref[1, 0]
    hi = s_ref[0, 1] + s_ref[1, 1]
    return jnp.concatenate([lo, hi], axis=1)


def _pre_block(s_ref, g_ref, d_ref, b_ref):
    dinv = _dinv_block(d_ref)
    return dinv * (_s_block(s_ref) + g_ref[...]) + b_ref[...]


def _tc_stats(Sp, g, degp, b2d):
    def body(s_ref, g_ref, d_ref, b_ref, o_ref, acc_ref):
        i = pl.program_id(0)

        @pl.when(i == 0)
        def _():
            acc_ref[0] = 0.0
            acc_ref[1] = 0.0

        pre = _pre_block(s_ref, g_ref, d_ref, b_ref)
        rows = lax.broadcasted_iota(jnp.int32, (BLK, H), 0) + i * BLK
        prem = jnp.where(rows < N, pre, 0.0)
        acc_ref[0] += jnp.sum(prem)
        acc_ref[1] += jnp.sum(prem * prem)

        @pl.when(i == NBLK - 1)
        def _():
            cnt = float(N * H)
            mean = acc_ref[0] / cnt
            var = acc_ref[1] / cnt - mean * mean
            o_ref[0] = mean
            o_ref[1] = lax.rsqrt(var + 1e-5)

    return pl.pallas_call(
        body,
        grid=(NBLK,),
        in_specs=[
            pl.BlockSpec((NC, 2, BLK, H // 2), lambda i: (0, 0, i, 0)),
            pl.BlockSpec((BLK, H), lambda i: (i, 0)),
            pl.BlockSpec((NC, BLK, DEGW), lambda i: (0, i, 0)),
            pl.BlockSpec((1, H), lambda i: (0, 0)),
        ],
        out_specs=pl.BlockSpec(memory_space=pltpu.SMEM),
        out_shape=jax.ShapeDtypeStruct((2,), jnp.float32),
        scratch_shapes=[pltpu.SMEM((2,), jnp.float32)],
    )(Sp, g, degp, b2d)


def _tc_epilogue(Sp, g, degp, b2d, st, lnw2d, lnb2d, h_prev, W_next):
    residual = h_prev is not None

    def body(s_ref, g_ref, d_ref, b_ref, lnw_ref, lnb_ref, *rest):
        if residual:
            hp_ref, w_ref, st_ref, h_ref, gn_ref = rest
        else:
            w_ref, st_ref, h_ref, gn_ref = rest
        dinv = _dinv_block(d_ref)
        pre = dinv * (_s_block(s_ref) + g_ref[...]) + b_ref[...]
        y = (pre - st_ref[0]) * st_ref[1] * lnw_ref[...] + lnb_ref[...]
        h = jnp.maximum(y, 0.0)
        if residual:
            h = h + hp_ref[...]
        h_ref[...] = h
        gn_ref[...] = jnp.dot(h, w_ref[...],
                              preferred_element_type=jnp.float32,
                              precision=_PREC) * dinv

    in_specs = [
        pl.BlockSpec((NC, 2, BLK, H // 2), lambda i: (0, 0, i, 0)),
        pl.BlockSpec((BLK, H), lambda i: (i, 0)),
        pl.BlockSpec((NC, BLK, DEGW), lambda i: (0, i, 0)),
        pl.BlockSpec((1, H), lambda i: (0, 0)),
        pl.BlockSpec((1, H), lambda i: (0, 0)),
        pl.BlockSpec((1, H), lambda i: (0, 0)),
    ]
    args = [Sp, g, degp, b2d, lnw2d, lnb2d]
    if residual:
        in_specs.append(pl.BlockSpec((BLK, H), lambda i: (i, 0)))
        args.append(h_prev)
    in_specs.append(pl.BlockSpec((H, H), lambda i: (0, 0)))
    args.append(W_next)
    in_specs.append(pl.BlockSpec(memory_space=pltpu.SMEM))
    args.append(st)

    return pl.pallas_call(
        body,
        grid=(NBLK,),
        in_specs=in_specs,
        out_specs=[
            pl.BlockSpec((BLK, H), lambda i: (i, 0)),
            pl.BlockSpec((BLK, H), lambda i: (i, 0)),
        ],
        out_shape=[
            jax.ShapeDtypeStruct((NP, H), jnp.float32),
            jax.ShapeDtypeStruct((NP, H), jnp.float32),
        ],
    )(*args)


def _tc_epilogue_head(Sp, g, degp, b2d, st, lnw2d, lnb2d, h_prev,
                      Wp1, bp1_2d, Wp2_row, bp2):
    def body(s_ref, g_ref, d_ref, b_ref, lnw_ref, lnb_ref, hp_ref,
             wp1_ref, bp1_ref, wp2_ref, st_ref, bp2_ref,
             emb_ref, pk_ref):
        pre = _pre_block(s_ref, g_ref, d_ref, b_ref)
        y = (pre - st_ref[0]) * st_ref[1] * lnw_ref[...] + lnb_ref[...]
        h = jnp.maximum(y, 0.0) + hp_ref[...]
        emb_ref[...] = h
        t = jnp.maximum(
            jnp.dot(h, wp1_ref[...], preferred_element_type=jnp.float32,
                    precision=_PREC) + bp1_ref[...], 0.0)
        pk_ref[...] = jnp.sum(t * wp2_ref[...], axis=1) + bp2_ref[0]

    return pl.pallas_call(
        body,
        grid=(NBLK,),
        in_specs=[
            pl.BlockSpec((NC, 2, BLK, H // 2), lambda i: (0, 0, i, 0)),
            pl.BlockSpec((BLK, H), lambda i: (i, 0)),
            pl.BlockSpec((NC, BLK, DEGW), lambda i: (0, i, 0)),
            pl.BlockSpec((1, H), lambda i: (0, 0)),
            pl.BlockSpec((1, H), lambda i: (0, 0)),
            pl.BlockSpec((1, H), lambda i: (0, 0)),
            pl.BlockSpec((BLK, H), lambda i: (i, 0)),
            pl.BlockSpec((H, H // 2), lambda i: (0, 0)),
            pl.BlockSpec((1, H // 2), lambda i: (0, 0)),
            pl.BlockSpec((1, H // 2), lambda i: (0, 0)),
            pl.BlockSpec(memory_space=pltpu.SMEM),
            pl.BlockSpec(memory_space=pltpu.SMEM),
        ],
        out_specs=[
            pl.BlockSpec((BLK, H), lambda i: (i, 0)),
            pl.BlockSpec((BLK,), lambda i: (i,)),
        ],
        out_shape=[
            jax.ShapeDtypeStruct((NP, H), jnp.float32),
            jax.ShapeDtypeStruct((NP,), jnp.float32),
        ],
    )(Sp, g, degp, b2d, lnw2d, lnb2d, h_prev, Wp1, bp1_2d, Wp2_row, st, bp2)


def kernel(x, edge_index, W1, b1, ln_w1, ln_b1, W2, b2, ln_w2, ln_b2,
           W3, b3, ln_w3, ln_b3, Wp1, bp1, Wp2, bp2):
    src = edge_index[0]
    dst = edge_index[1]
    pad = jnp.full((EP - E,), DUMMY, dtype=src.dtype)
    src2d = jnp.concatenate([src, pad]).reshape(NW * CPW, LCHUNK)
    dst2d = jnp.concatenate([dst, pad]).reshape(NW * CPW, LCHUNK)

    x_pad = jnp.pad(x, ((0, NP - N), (0, 0)))
    zeros_h = jnp.zeros((NP, H // 2), jnp.float32)
    zeros_d = jnp.zeros((NP, DEGW), jnp.float32)
    ones_d = jnp.ones((LCHUNK, DEGW), jnp.float32)

    b1r = b1.reshape(1, H)
    b2r = b2.reshape(1, H)
    b3r = b3.reshape(1, H)
    lnw1r = ln_w1.reshape(1, H)
    lnb1r = ln_b1.reshape(1, H)
    lnw2r = ln_w2.reshape(1, H)
    lnb2r = ln_b2.reshape(1, H)
    lnw3r = ln_w3.reshape(1, H)
    lnb3r = ln_b3.reshape(1, H)
    bp1r = bp1.reshape(1, H // 2)
    wp2r = Wp2.reshape(1, H // 2)

    degp = _sc_degree(dst2d, ones_d, zeros_d)

    g1 = _tc_prep(x_pad, W1, degp)
    S1 = _sc_scatter(g1, src2d, dst2d, zeros_h)
    st1 = _tc_stats(S1, g1, degp, b1r)
    h1, g2 = _tc_epilogue(S1, g1, degp, b1r, st1, lnw1r, lnb1r, None, W2)

    S2 = _sc_scatter(g2, src2d, dst2d, zeros_h)
    st2 = _tc_stats(S2, g2, degp, b2r)
    h2, g3 = _tc_epilogue(S2, g2, degp, b2r, st2, lnw2r, lnb2r, h1, W3)

    S3 = _sc_scatter(g3, src2d, dst2d, zeros_h)
    st3 = _tc_stats(S3, g3, degp, b3r)
    emb, pk = _tc_epilogue_head(S3, g3, degp, b3r, st3, lnw3r, lnb3r, h2,
                                Wp1, bp1r, wp2r, bp2)

    return (emb[:N], pk[:N, None])

# --- scband reference (transcript-rebuilt; emitter-appended) ---
"""Pipeline reference for scband-pkgnnencoder-17617955848712 (READ-ONLY COPY).

The authoritative reference and input builder live on the scoring server;
editing this copy changes nothing except your own understanding.
"""

import jax, jax.numpy as jnp
import numpy as np

N = 10000
E = 320000
D_IN = 128
H = 64


def gcn_conv(x, W, b, src, dst, n):
    # PyG GCNConv: linear transform, add self-loops, symmetric normalization, scatter-add
    h = x @ W
    loop = jnp.arange(n, dtype=src.dtype)
    s = jnp.concatenate([src, loop])
    d = jnp.concatenate([dst, loop])
    ones = jnp.ones(s.shape[0], dtype=x.dtype)
    deg = jnp.zeros((n,), dtype=x.dtype).at[d].add(ones)
    dinv = jnp.where(deg > 0, jax.lax.rsqrt(jnp.maximum(deg, 1e-12)), 0.0)
    norm = dinv[s] * dinv[d]
    msg = h[s] * norm[:, None]
    out = jnp.zeros((n, h.shape[1]), dtype=x.dtype).at[d].add(msg)
    return out + b


def graph_layernorm(x, w, b, eps=1e-5):
    # torch_geometric.nn.LayerNorm default mode='graph': normalize over all nodes+features
    mean = jnp.mean(x)
    var = jnp.mean((x - mean) ** 2)
    xn = (x - mean) * jax.lax.rsqrt(var + eps)
    return xn * w + b


def forward(x, edge_index, W1, b1, ln_w1, ln_b1, W2, b2, ln_w2, ln_b2, W3, b3, ln_w3, ln_b3, Wp1, bp1, Wp2, bp2):
    src, dst = edge_index[0], edge_index[1]
    layers = [(W1, b1, ln_w1, ln_b1), (W2, b2, ln_w2, ln_b2), (W3, b3, ln_w3, ln_b3)]
    h = x
    for i, (W, b, lw, lb) in enumerate(layers):
        h_new = gcn_conv(h, W, b, src, dst, N)
        h_new = graph_layernorm(h_new, lw, lb)
        h_new = jax.nn.relu(h_new)
        # dropout is identity in eval mode
        if i > 0 and h.shape[-1] == h_new.shape[-1]:
            h = h + h_new
        else:
            h = h_new
    embeddings = h
    pk = jax.nn.relu(embeddings @ Wp1 + bp1) @ Wp2 + bp2
    return (embeddings, pk)


def setup_inputs(seed: int = 0):
    key = jax.random.key(seed)
    ks = jax.random.split(key, 16)
    x = jax.random.normal(ks[0], (N, D_IN), dtype=jnp.float32)
    edge_index = jax.random.randint(ks[1], (2, E), 0, N, dtype=jnp.int32)
    def lin(k, fan_in, fan_out):
        return jax.random.normal(k, (fan_in, fan_out), dtype=jnp.float32) * (1.0 / np.sqrt(fan_in))
    return {
        "x": x,
        "edge_index": edge_index,
        "W1": lin(ks[2], D_IN, H), "b1": jnp.zeros((H,), jnp.float32),
        "ln_w1": jnp.ones((H,), jnp.float32), "ln_b1": jnp.zeros((H,), jnp.float32),
        "W2": lin(ks[3], H, H), "b2": jnp.zeros((H,), jnp.float32),
        "ln_w2": jnp.ones((H,), jnp.float32), "ln_b2": jnp.zeros((H,), jnp.float32),
        "W3": lin(ks[4], H, H), "b3": jnp.zeros((H,), jnp.float32),
        "ln_w3": jnp.ones((H,), jnp.float32), "ln_b3": jnp.zeros((H,), jnp.float32),
        "Wp1": lin(ks[5], H, H // 2), "bp1": jnp.zeros((H // 2,), jnp.float32),
        "Wp2": lin(ks[6], H // 2, 1), "bp2": jnp.zeros((1,), jnp.float32),
    }


def reference(x, edge_index, W1, b1, ln_w1, ln_b1, W2, b2, ln_w2, ln_b2, W3, b3, ln_w3, ln_b3, Wp1, bp1, Wp2, bp2):
    return forward(x, edge_index, W1, b1, ln_w1, ln_b1, W2, b2, ln_w2, ln_b2, W3, b3, ln_w3, ln_b3, Wp1, bp1, Wp2, bp2)

if __name__ == "__main__":
    import jax
    _d = setup_inputs()
    print(jax.jit(kernel)(*tuple(_d.values())))

</pallas_src>

<mosaic_0001>
#map = affine_map<(d0, d1) -> (0, 0)>
#map1 = affine_map<(d0, d1) -> (0, 0, 0, 0)>
module attributes {stable_mosaic.version = 14 : i64} {
  func.func @k(%arg0: i32, %arg1: i32, %arg2: memref<10240x64xf32, #tpu.memory_space<hbm>>, %arg3: memref<2560x128xi32, #tpu.memory_space<hbm>>, %arg4: memref<2560x128xi32, #tpu.memory_space<hbm>>, %arg5: memref<10240x32xf32, #tpu.memory_space<hbm>>, %arg6: memref<2x2x10240x32xf32, #tpu.memory_space<hbm>>, %arg7: memref<80x128xi32, #tpu.memory_space<vmem>>, %arg8: memref<80x128xi32, #tpu.memory_space<vmem>>, %arg9: memref<128x32xf32, #tpu.memory_space<vmem>>, %arg10: memref<128x32xf32, #tpu.memory_space<vmem>>, %arg11: memref<128x32xf32, #tpu.memory_space<vmem>>, %arg12: memref<128x32xf32, #tpu.memory_space<vmem>>, %arg13: memref<10240x32xf32, #tpu.memory_space<vmem_shared>>, %arg14: memref<10240x32xf32, #tpu.memory_space<vmem_shared>>, %arg15: memref<!tpu.dma_semaphore, #tpu.memory_space<semaphore_mem>>, %arg16: memref<!tpu.dma_semaphore, #tpu.memory_space<semaphore_mem>>, %arg17: memref<!tpu.dma_semaphore, #tpu.memory_space<semaphore_mem>>, %arg18: memref<!tpu.dma_semaphore, #tpu.memory_space<semaphore_mem>>) attributes {dimension_semantics = [#tpu.dimension_semantics<core_parallel>, #tpu.dimension_semantics<subcore_parallel>], iteration_bounds = array<i64: 2, 16>, scalar_prefetch = 0 : i64, scratch_operands = 12 : i64, tpu.core_type = #tpu.core_type<sc_vector_subcore>, window_params = [{transform_indices = #map}, {transform_indices = #map}, {transform_indices = #map}, {transform_indices = #map}, {transform_indices = #map1}]} {
    %mul3A = arith.constant 640 : i32
    %mul3A_0 = arith.muli %arg1, %mul3A : i32
    %mul3A_1 = arith.constant 16 : i32
    %mul3A_2 = arith.muli %arg0, %mul3A_1 : i32
    %add3A = arith.addi %mul3A_2, %arg1 : i32
    %mul3A_3 = arith.constant 80 : i32
    %mul3A_4 = arith.muli %add3A, %mul3A_3 : i32
    "tpu.region"() ({
      %run_scoped3A_75 = tpu.sem_alloc : memref<!tpu.dma_semaphore, #tpu.memory_space<semaphore_mem>>
      %dma_start3A_76 = arith.constant 0 : i32
      %dma_start3A_77 = tpu.memref_slice %arg3[%mul3A_4, %dma_start3A_76] : memref<2560x128xi32, #tpu.memory_space<hbm>> -> memref<80x128xi32, #tpu.memory_space<hbm>>
      %dma_start3A_78 = arith.constant 0 : i32
      %dma_start3A_79 = tpu.memref_slice %arg3[%mul3A_4, %dma_start3A_78] : memref<2560x128xi32, #tpu.memory_space<hbm>> -> memref<80x128xi32, #tpu.memory_space<hbm>>
      tpu.enqueue_dma source(%dma_start3A_79 : memref<80x128xi32, #tpu.memory_space<hbm>>) target(%arg7 : memref<80x128xi32, #tpu.memory_space<vmem>>) target_semaphore(%run_scoped3A_75 : memref<!tpu.dma_semaphore, #tpu.memory_space<semaphore_mem>>)
      %dma_wait3A = arith.constant 0 : i32
      %dma_wait3A_80 = tpu.memref_slice %arg3[%mul3A_4, %dma_wait3A] : memref<2560x128xi32, #tpu.memory_space<hbm>> -> memref<80x128xi32, #tpu.memory_space<hbm>>
      %dma_wait3A_81 = arith.constant 0 : i32
      %dma_wait3A_82 = tpu.memref_slice %arg3[%mul3A_4, %dma_wait3A_81] : memref<2560x128xi32, #tpu.memory_space<hbm>> -> memref<80x128xi32, #tpu.memory_space<hbm>>
      tpu.wait_dma2 semaphore(%run_scoped3A_75 : memref<!tpu.dma_semaphore, #tpu.memory_space<semaphore_mem>>) src(%dma_wait3A_82 : memref<80x128xi32, #tpu.memory_space<hbm>>) dst(%arg7 : memref<80x128xi32, #tpu.memory_space<vmem>>)
      tpu.yield
    }) : () -> ()
    "tpu.region"() ({
      %run_scoped3A_75 = tpu.sem_alloc : memref<!tpu.dma_semaphore, #tpu.memory_space<semaphore_mem>>
      %dma_start3A_76 = arith.constant 0 : i32
      %dma_start3A_77 = tpu.memref_slice %arg4[%mul3A_4, %dma_start3A_76] : memref<2560x128xi32, #tpu.memory_space<hbm>> -> memref<80x128xi32, #tpu.memory_space<hbm>>
      %dma_start3A_78 = arith.constant 0 : i32
      %dma_start3A_79 = tpu.memref_slice %arg4[%mul3A_4, %dma_start3A_78] : memref<2560x128xi32, #tpu.memory_space<hbm>> -> memref<80x128xi32, #tpu.memory_space<hbm>>
      tpu.enqueue_dma source(%dma_start3A_79 : memref<80x128xi32, #tpu.memory_space<hbm>>) target(%arg8 : memref<80x128xi32, #tpu.memory_space<vmem>>) target_semaphore(%run_scoped3A_75 : memref<!tpu.dma_semaphore, #tpu.memory_space<semaphore_mem>>)
      %dma_wait3A = arith.constant 0 : i32
      %dma_wait3A_80 = tpu.memref_slice %arg4[%mul3A_4, %dma_wait3A] : memref<2560x128xi32, #tpu.memory_space<hbm>> -> memref<80x128xi32, #tpu.memory_space<hbm>>
      %dma_wait3A_81 = arith.constant 0 : i32
      %dma_wait3A_82 = tpu.memref_slice %arg4[%mul3A_4, %dma_wait3A_81] : memref<2560x128xi32, #tpu.memory_space<hbm>> -> memref<80x128xi32, #tpu.memory_space<hbm>>
      tpu.wait_dma2 semaphore(%run_scoped3A_75 : memref<!tpu.dma_semaphore, #tpu.memory_space<semaphore_mem>>) src(%dma_wait3A_82 : memref<80x128xi32, #tpu.memory_space<hbm>>) dst(%arg8 : memref<80x128xi32, #tpu.memory_space<vmem>>)
      tpu.yield
    }) : () -> ()
    "tpu.region"() ({
      %run_scoped3A_75 = tpu.sem_alloc : memref<!tpu.dma_semaphore, #tpu.memory_space<semaphore_mem>>
      %dma_start3A_76 = arith.constant 0 : i32
      %dma_start3A_77 = tpu.memref_slice %arg13[%mul3A_0, %dma_start3A_76] : memref<10240x32xf32, #tpu.memory_space<vmem_shared>> -> memref<640x32xf32, #tpu.memory_space<vmem_shared>>
      %dma_start3A_78 = arith.constant 0 : i32
      %dma_start3A_79 = tpu.memref_slice %arg5[%mul3A_0, %dma_start3A_78] : memref<10240x32xf32, #tpu.memory_space<hbm>> -> memref<640x32xf32, #tpu.memory_space<hbm>>
      tpu.enqueue_dma source(%dma_start3A_79 : memref<640x32xf32, #tpu.memory_space<hbm>>) target(%dma_start3A_77 : memref<640x32xf32, #tpu.memory_space<vmem_shared>>) target_semaphore(%run_scoped3A_75 : memref<!tpu.dma_semaphore, #tpu.memory_space<semaphore_mem>>)
      %dma_wait3A = arith.constant 0 : i32
      %dma_wait3A_80 = tpu.memref_slice %arg13[%mul3A_0, %dma_wait3A] : memref<10240x32xf32, #tpu.memory_space<vmem_shared>> -> memref<640x32xf32, #tpu.memory_space<vmem_shared>>
      %dma_wait3A_81 = arith.constant 0 : i32
      %dma_wait3A_82 = tpu.memref_slice %arg5[%mul3A_0, %dma_wait3A_81] : memref<10240x32xf32, #tpu.memory_space<hbm>> -> memref<640x32xf32, #tpu.memory_space<hbm>>
      tpu.wait_dma2 semaphore(%run_scoped3A_75 : memref<!tpu.dma_semaphore, #tpu.memory_space<semaphore_mem>>) src(%dma_wait3A_82 : memref<640x32xf32, #tpu.memory_space<hbm>>) dst(%dma_wait3A_80 : memref<640x32xf32, #tpu.memory_space<vmem_shared>>)
      tpu.yield
    }) : () -> ()
    "tpu.region"() ({
      %run_scoped3A_75 = tpu.sem_alloc : memref<!tpu.dma_semaphore, #tpu.memory_space<semaphore_mem>>
      %dma_start3A_76 = arith.constant 0 : i32
      %dma_start3A_77 = tpu.memref_slice %arg14[%mul3A_0, %dma_start3A_76] : memref<10240x32xf32, #tpu.memory_space<vmem_shared>> -> memref<640x32xf32, #tpu.memory_space<vmem_shared>>
      %dma_start3A_78 = arith.constant 0 : i32
      %dma_start3A_79 = tpu.memref_slice %arg2[%mul3A_0, %dma_start3A_78] : memref<10240x64xf32, #tpu.memory_space<hbm>> -> memref<640x32xf32, #tpu.memory_space<hbm>>
      tpu.enqueue_dma source(%dma_start3A_79 : memref<640x32xf32, #tpu.memory_space<hbm>>) target(%dma_start3A_77 : memref<640x32xf32, #tpu.memory_space<vmem_shared>>) target_semaphore(%run_scoped3A_75 : memref<!tpu.dma_semaphore, #tpu.memory_space<semaphore_mem>>)
      %dma_wait3A = arith.constant 0 : i32
      %dma_wait3A_80 = tpu.memref_slice %arg14[%mul3A_0, %dma_wait3A] : memref<10240x32xf32, #tpu.memory_space<vmem_shared>> -> memref<640x32xf32, #tpu.memory_space<vmem_shared>>
      %dma_wait3A_81 = arith.constant 0 : i32
      %dma_wait3A_82 = tpu.memref_slice %arg2[%mul3A_0, %dma_wait3A_81] : memref<10240x64xf32, #tpu.memory_space<hbm>> -> memref<640x32xf32, #tpu.memory_space<hbm>>
      tpu.wait_dma2 semaphore(%run_scoped3A_75 : memref<!tpu.dma_semaphore, #tpu.memory_space<semaphore_mem>>) src(%dma_wait3A_82 : memref<640x32xf32, #tpu.memory_space<hbm>>) dst(%dma_wait3A_80 : memref<640x32xf32, #tpu.memory_space<vmem_shared>>)
      tpu.yield
    }) : () -> ()
    %barrier3A = arith.constant 0 : index
    tpu.barrier barrier_id(%barrier3A)
    %dma_start3A = arith.constant 0 : i32
    %dma_start3A_5 = arith.constant 0 : i32
    %dma_start3A_6 = tpu.memref_slice %arg7[%dma_start3A, %dma_start3A_5] : memref<80x128xi32, #tpu.memory_space<vmem>> -> memref<1x128xi32, #tpu.memory_space<vmem>>
    %dma_start3A_7 = tpu.memref_squeeze %dma_start3A_6 : memref<1x128xi32, #tpu.memory_space<vmem>> -> memref<128xi32, #tpu.memory_space<vmem>>
    %dma_start3A_8 = arith.constant 0 : i32
    %dma_start3A_9 = arith.constant 0 : i32
    %dma_start3A_10 = tpu.memref_slice %arg14[%dma_start3A_8, %dma_start3A_9] : memref<10240x32xf32, #tpu.memory_space<vmem_shared>> -> memref<10240x32xf32, #tpu.memory_space<vmem_shared>>
    tpu.enqueue_indirect_dma source(%dma_start3A_10 : memref<10240x32xf32, #tpu.memory_space<vmem_shared>>) target(%arg9 : memref<128x32xf32, #tpu.memory_space<vmem>>) offsets(%dma_start3A_7 : memref<128xi32, #tpu.memory_space<vmem>>) semaphore(%arg15 : memref<!tpu.dma_semaphore, #tpu.memory_space<semaphore_mem>>)
    %dma_start3A_11 = arith.constant 1 : i32
    %dma_start3A_12 = arith.constant 0 : i32
    %dma_start3A_13 = tpu.memref_slice %arg7[%dma_start3A_11, %dma_start3A_12] : memref<80x128xi32, #tpu.memory_space<vmem>> -> memref<1x128xi32, #tpu.memory_space<vmem>>
    %dma_start3A_14 = tpu.memref_squeeze %dma_start3A_13 : memref<1x128xi32, #tpu.memory_space<vmem>> -> memref<128xi32, #tpu.memory_space<vmem>>
    %dma_start3A_15 = arith.constant 0 : i32
    %dma_start3A_16 = arith.constant 0 : i32
    %dma_start3A_17 = tpu.memref_slice %arg14[%dma_start3A_15, %dma_start3A_16] : memref<10240x32xf32, #tpu.memory_space<vmem_shared>> -> memref<10240x32xf32, #tpu.memory_space<vmem_shared>>
    tpu.enqueue_indirect_dma source(%dma_start3A_17 : memref<10240x32xf32, #tpu.memory_space<vmem_shared>>) target(%arg10 : memref<128x32xf32, #tpu.memory_space<vmem>>) offsets(%dma_start3A_14 : memref<128xi32, #tpu.memory_space<vmem>>) semaphore(%arg16 : memref<!tpu.dma_semaphore, #tpu.memory_space<semaphore_mem>>)
    %dma_start3A_18 = arith.constant 2 : i32
    %dma_start3A_19 = arith.constant 0 : i32
    %dma_start3A_20 = tpu.memref_slice %arg7[%dma_start3A_18, %dma_start3A_19] : memref<80x128xi32, #tpu.memory_space<vmem>> -> memref<1x128xi32, #tpu.memory_space<vmem>>
    %dma_start3A_21 = tpu.memref_squeeze %dma_start3A_20 : memref<1x128xi32, #tpu.memory_space<vmem>> -> memref<128xi32, #tpu.memory_space<vmem>>
    %dma_start3A_22 = arith.constant 0 : i32
    %dma_start3A_23 = arith.constant 0 : i32
    %dma_start3A_24 = tpu.memref_slice %arg14[%dma_start3A_22, %dma_start3A_23] : memref<10240x32xf32, #tpu.memory_space<vmem_shared>> -> memref<10240x32xf32, #tpu.memory_space<vmem_shared>>
    tpu.enqueue_indirect_dma source(%dma_start3A_24 : memref<10240x32xf32, #tpu.memory_space<vmem_shared>>) target(%arg11 : memref<128x32xf32, #tpu.memory_space<vmem>>) offsets(%dma_start3A_21 : memref<128xi32, #tpu.memory_space<vmem>>) semaphore(%arg17 : memref<!tpu.dma_semaphore, #tpu.memory_space<semaphore_mem>>)
    %dma_start3A_25 = arith.constant 3 : i32
    %dma_start3A_26 = arith.constant 0 : i32
    %dma_start3A_27 = tpu.memref_slice %arg7[%dma_start3A_25, %dma_start3A_26] : memref<80x128xi32, #tpu.memory_space<vmem>> -> memref<1x128xi32, #tpu.memory_space<vmem>>
    %dma_start3A_28 = tpu.memref_squeeze %dma_start3A_27 : memref<1x128xi32, #tpu.memory_space<vmem>> -> memref<128xi32, #tpu.memory_space<vmem>>
    %dma_start3A_29 = arith.constant 0 : i32
    %dma_start3A_30 = arith.constant 0 : i32
    %dma_start3A_31 = tpu.memref_slice %arg14[%dma_start3A_29, %dma_start3A_30] : memref<10240x32xf32, #tpu.memory_space<vmem_shared>> -> memref<10240x32xf32, #tpu.memory_space<vmem_shared>>
    tpu.enqueue_indirect_dma source(%dma_start3A_31 : memref<10240x32xf32, #tpu.memory_space<vmem_shared>>) target(%arg12 : memref<128x32xf32, #tpu.memory_space<vmem>>) offsets(%dma_start3A_28 : memref<128xi32, #tpu.memory_space<vmem>>) semaphore(%arg18 : memref<!tpu.dma_semaphore, #tpu.memory_space<semaphore_mem>>)
    %scan3A = arith.constant 0 : i32
    %scan3A_32 = arith.constant 20 : i32
    %scan3A_33 = arith.addi %scan3A, %scan3A_32 : i32
    %scan3A_34 = arith.constant 1 : i32
    scf.for %scan3A_75 = %scan3A to %scan3A_33 step %scan3A_34  : i32 {
      %mul3A_76 = arith.constant 4 : i32
      %mul3A_77 = arith.muli %scan3A_75, %mul3A_76 : i32
      %add3A_78 = arith.constant 0 : i32
      %add3A_79 = arith.addi %add3A_78, %mul3A_77 : i32
      %dma_wait3A = arith.constant 0 : i32
      %dma_wait3A_80 = arith.constant 0 : i32
      %dma_wait3A_81 = tpu.memref_slice %arg7[%dma_wait3A, %dma_wait3A_80] : memref<80x128xi32, #tpu.memory_space<vmem>> -> memref<1x128xi32, #tpu.memory_space<vmem>>
      %dma_wait3A_82 = tpu.memref_squeeze %dma_wait3A_81 : memref<1x128xi32, #tpu.memory_space<vmem>> -> memref<128xi32, #tpu.memory_space<vmem>>
      %dma_wait3A_83 = arith.constant 0 : i32
      %dma_wait3A_84 = arith.constant 0 : i32
      %dma_wait3A_85 = tpu.memref_slice %arg14[%dma_wait3A_83, %dma_wait3A_84] : memref<10240x32xf32, #tpu.memory_space<vmem_shared>> -> memref<10240x32xf32, #tpu.memory_space<vmem_shared>>
      tpu.wait_indirect_dma semaphore(%arg15 : memref<!tpu.dma_semaphore, #tpu.memory_space<semaphore_mem>>) src(%dma_wait3A_85 : memref<10240x32xf32, #tpu.memory_space<vmem_shared>>) dst(%arg9 : memref<128x32xf32, #tpu.memory_space<vmem>>)
      %add3A_86 = arith.constant 0 : i32
      %add3A_87 = arith.addi %add3A_79, %add3A_86 : i32
      "tpu.region"() ({
        %run_scoped3A_148 = tpu.sem_alloc : memref<!tpu.dma_semaphore, #tpu.memory_space<semaphore_mem>>
        %dma_start3A_149 = arith.constant 0 : i32
        %dma_start3A_150 = tpu.memref_slice %arg8[%add3A_87, %dma_start3A_149] : memref<80x128xi32, #tpu.memory_space<vmem>> -> memref<1x128xi32, #tpu.memory_space<vmem>>
        %dma_start3A_151 = tpu.memref_squeeze %dma_start3A_150 : memref<1x128xi32, #tpu.memory_space<vmem>> -> memref<128xi32, #tpu.memory_space<vmem>>
        %dma_start3A_152 = arith.constant 0 : i32
        %dma_start3A_153 = arith.constant 0 : i32
        %dma_start3A_154 = tpu.memref_slice %arg13[%dma_start3A_152, %dma_start3A_153] : memref<10240x32xf32, #tpu.memory_space<vmem_shared>> -> memref<10240x32xf32, #tpu.memory_space<vmem_shared>>
        tpu.enqueue_indirect_dma source(%arg9 : memref<128x32xf32, #tpu.memory_space<vmem>>) target(%dma_start3A_154 : memref<10240x32xf32, #tpu.memory_space<vmem_shared>>) offsets(%dma_start3A_151 : memref<128xi32, #tpu.memory_space<vmem>>) semaphore(%run_scoped3A_148 : memref<!tpu.dma_semaphore, #tpu.memory_space<semaphore_mem>>) {add = true}
        %dma_wait3A_155 = arith.constant 0 : i32
        %dma_wait3A_156 = tpu.memref_slice %arg8[%add3A_87, %dma_wait3A_155] : memref<80x128xi32, #tpu.memory_space<vmem>> -> memref<1x128xi32, #tpu.memory_space<vmem>>
        %dma_wait3A_157 = tpu.memref_squeeze %dma_wait3A_156 : memref<1x128xi32, #tpu.memory_space<vmem>> -> memref<128xi32, #tpu.memory_space<vmem>>
        %dma_wait3A_158 = arith.constant 0 : i32
        %dma_wait3A_159 = arith.constant 0 : i32
        %dma_wait3A_160 = tpu.memref_slice %arg13[%dma_wait3A_158, %dma_wait3A_159] : memref<10240x32xf32, #tpu.memory_space<vmem_shared>> -> memref<10240x32xf32, #tpu.memory_space<vmem_shared>>
        tpu.wait_indirect_dma semaphore(%run_scoped3A_148 : memref<!tpu.dma_semaphore, #tpu.memory_space<semaphore_mem>>) src(%arg9 : memref<128x32xf32, #tpu.memory_space<vmem>>) dst(%dma_wait3A_160 : memref<10240x32xf32, #tpu.memory_space<vmem_shared>>)
        tpu.yield
      }) : () -> ()
      %add3A_88 = arith.constant 0 : i32
      %add3A_89 = arith.addi %add3A_79, %add3A_88 : i32
      %add3A_90 = arith.constant 4 : i32
      %add3A_91 = arith.addi %add3A_89, %add3A_90 : i32
      %lt3A = arith.constant 80 : i32
      %lt3A_92 = arith.cmpi slt, %add3A_91, %lt3A : i32
      %convert_element_type3A = arith.extui %lt3A_92 : i1 to i32
      %cond3A = arith.constant 0 : i32
      %cond3A_93 = arith.cmpi ne, %convert_element_type3A, %cond3A : i32
      scf.if %cond3A_93 {
        %add3A_148 = arith.constant 0 : i32
        %add3A_149 = arith.addi %add3A_79, %add3A_148 : i32
        %add3A_150 = arith.constant 4 : i32
        %add3A_151 = arith.addi %add3A_149, %add3A_150 : i32
        %dma_start3A_152 = arith.constant 0 : i32
        %dma_start3A_153 = tpu.memref_slice %arg7[%add3A_151, %dma_start3A_152] : memref<80x128xi32, #tpu.memory_space<vmem>> -> memref<1x128xi32, #tpu.memory_space<vmem>>
        %dma_start3A_154 = tpu.memref_squeeze %dma_start3A_153 : memref<1x128xi32, #tpu.memory_space<vmem>> -> memref<128xi32, #tpu.memory_space<vmem>>
        %dma_start3A_155 = arith.constant 0 : i32
        %dma_start3A_156 = arith.constant 0 : i32
        %dma_start3A_157 = tpu.memref_slice %arg14[%dma_start3A_155, %dma_start3A_156] : memref<10240x32xf32, #tpu.memory_space<vmem_shared>> -> memref<10240x32xf32, #tpu.memory_space<vmem_shared>>
        tpu.enqueue_indirect_dma source(%dma_start3A_157 : memref<10240x32xf32, #tpu.memory_space<vmem_shared>>) target(%arg9 : memref<128x32xf32, #tpu.memory_space<vmem>>) offsets(%dma_start3A_154 : memref<128xi32, #tpu.memory_space<vmem>>) semaphore(%arg15 : memref<!tpu.dma_semaphore, #tpu.memory_space<semaphore_mem>>)
      } else {
      }
      %dma_wait3A_94 = arith.constant 0 : i32
      %dma_wait3A_95 = arith.constant 0 : i32
      %dma_wait3A_96 = tpu.memref_slice %arg7[%dma_wait3A_94, %dma_wait3A_95] : memref<80x128xi32, #tpu.memory_space<vmem>> -> memref<1x128xi32, #tpu.memory_space<vmem>>
      %dma_wait3A_97 = tpu.memref_squeeze %dma_wait3A_96 : memref<1x128xi32, #tpu.memory_space<vmem>> -> memref<128xi32, #tpu.memory_space<vmem>>
      %dma_wait3A_98 = arith.constant 0 : i32
      %dma_wait3A_99 = arith.constant 0 : i32
      %dma_wait3A_100 = tpu.memref_slice %arg14[%dma_wait3A_98, %dma_wait3A_99] : memref<10240x32xf32, #tpu.memory_space<vmem_shared>> -> memref<10240x32xf32, #tpu.memory_space<vmem_shared>>
      tpu.wait_indirect_dma semaphore(%arg16 : memref<!tpu.dma_semaphore, #tpu.memory_space<semaphore_mem>>) src(%dma_wait3A_100 : memref<10240x32xf32, #tpu.memory_space<vmem_shared>>) dst(%arg10 : memref<128x32xf32, #tpu.memory_space<vmem>>)
      %add3A_101 = arith.constant 1 : i32
      %add3A_102 = arith.addi %add3A_79, %add3A_101 : i32
      "tpu.region"() ({
        %run_scoped3A_148 = tpu.sem_alloc : memref<!tpu.dma_semaphore, #tpu.memory_space<semaphore_mem>>
        %dma_start3A_149 = arith.constant 0 : i32
        %dma_start3A_150 = tpu.memref_slice %arg8[%add3A_102, %dma_start3A_149] : memref<80x128xi32, #tpu.memory_space<vmem>> -> memref<1x128xi32, #tpu.memory_space<vmem>>
        %dma_start3A_151 = tpu.memref_squeeze %dma_start3A_150 : memref<1x128xi32, #tpu.memory_space<vmem>> -> memref<128xi32, #tpu.memory_space<vmem>>
        %dma_start3A_152 = arith.constant 0 : i32
        %dma_start3A_153 = arith.constant 0 : i32
        %dma_start3A_154 = tpu.memref_slice %arg13[%dma_start3A_152, %dma_start3A_153] : memref<10240x32xf32, #tpu.memory_space<vmem_shared>> -> memref<10240x32xf32, #tpu.memory_space<vmem_shared>>
        tpu.enqueue_indirect_dma source(%arg10 : memref<128x32xf32, #tpu.memory_space<vmem>>) target(%dma_start3A_154 : memref<10240x32xf32, #tpu.memory_space<vmem_shared>>) offsets(%dma_start3A_151 : memref<128xi32, #tpu.memory_space<vmem>>) semaphore(%run_scoped3A_148 : memref<!tpu.dma_semaphore, #tpu.memory_space<semaphore_mem>>) {add = true}
        %dma_wait3A_155 = arith.constant 0 : i32
        %dma_wait3A_156 = tpu.memref_slice %arg8[%add3A_102, %dma_wait3A_155] : memref<80x128xi32, #tpu.memory_space<vmem>> -> memref<1x128xi32, #tpu.memory_space<vmem>>
        %dma_wait3A_157 = tpu.memref_squeeze %dma_wait3A_156 : memref<1x128xi32, #tpu.memory_space<vmem>> -> memref<128xi32, #tpu.memory_space<vmem>>
        %dma_wait3A_158 = arith.constant 0 : i32
        %dma_wait3A_159 = arith.constant 0 : i32
        %dma_wait3A_160 = tpu.memref_slice %arg13[%dma_wait3A_158, %dma_wait3A_159] : memref<10240x32xf32, #tpu.memory_space<vmem_shared>> -> memref<10240x32xf32, #tpu.memory_space<vmem_shared>>
        tpu.wait_indirect_dma semaphore(%run_scoped3A_148 : memref<!tpu.dma_semaphore, #tpu.memory_space<semaphore_mem>>) src(%arg10 : memref<128x32xf32, #tpu.memory_space<vmem>>) dst(%dma_wait3A_160 : memref<10240x32xf32, #tpu.memory_space<vmem_shared>>)
        tpu.yield
      }) : () -> ()
      %add3A_103 = arith.constant 1 : i32
      %add3A_104 = arith.addi %add3A_79, %add3A_103 : i32
      %add3A_105 = arith.constant 4 : i32
      %add3A_106 = arith.addi %add3A_104, %add3A_105 : i32
      %lt3A_107 = arith.constant 80 : i32
      %lt3A_108 = arith.cmpi slt, %add3A_106, %lt3A_107 : i32
      %convert_element_type3A_109 = arith.extui %lt3A_108 : i1 to i32
      %cond3A_110 = arith.constant 0 : i32
      %cond3A_111 = arith.cmpi ne, %convert_element_type3A_109, %cond3A_110 : i32
      scf.if %cond3A_111 {
        %add3A_148 = arith.constant 1 : i32
        %add3A_149 = arith.addi %add3A_79, %add3A_148 : i32
        %add3A_150 = arith.constant 4 : i32
        %add3A_151 = arith.addi %add3A_149, %add3A_150 : i32
        %dma_start3A_152 = arith.constant 0 : i32
        %dma_start3A_153 = tpu.memref_slice %arg7[%add3A_151, %dma_start3A_152] : memref<80x128xi32, #tpu.memory_space<vmem>> -> memref<1x128xi32, #tpu.memory_space<vmem>>
        %dma_start3A_154 = tpu.memref_squeeze %dma_start3A_153 : memref<1x128xi32, #tpu.memory_space<vmem>> -> memref<128xi32, #tpu.memory_space<vmem>>
        %dma_start3A_155 = arith.constant 0 : i32
        %dma_start3A_156 = arith.constant 0 : i32
        %dma_start3A_157 = tpu.memref_slice %arg14[%dma_start3A_155, %dma_start3A_156] : memref<10240x32xf32, #tpu.memory_space<vmem_shared>> -> memref<10240x32xf32, #tpu.memory_space<vmem_shared>>
        tpu.enqueue_indirect_dma source(%dma_start3A_157 : memref<10240x32xf32, #tpu.memory_space<vmem_shared>>) target(%arg10 : memref<128x32xf32, #tpu.memory_space<vmem>>) offsets(%dma_start3A_154 : memref<128xi32, #tpu.memory_space<vmem>>) semaphore(%arg16 : memref<!tpu.dma_semaphore, #tpu.memory_space<semaphore_mem>>)
      } else {
      }
      %dma_wait3A_112 = arith.constant 0 : i32
      %dma_wait3A_113 = arith.constant 0 : i32
      %dma_wait3A_114 = tpu.memref_slice %arg7[%dma_wait3A_112, %dma_wait3A_113] : memref<80x128xi32, #tpu.memory_space<vmem>> -> memref<1x128xi32, #tpu.memory_space<vmem>>
      %dma_wait3A_115 = tpu.memref_squeeze %dma_wait3A_114 : memref<1x128xi32, #tpu.memory_space<vmem>> -> memref<128xi32, #tpu.memory_space<vmem>>
      %dma_wait3A_116 = arith.constant 0 : i32
      %dma_wait3A_117 = arith.constant 0 : i32
      %dma_wait3A_118 = tpu.memref_slice %arg14[%dma_wait3A_116, %dma_wait3A_117] : memref<10240x32xf32, #tpu.memory_space<vmem_shared>> -> memref<10240x32xf32, #tpu.memory_space<vmem_shared>>
      tpu.wait_indirect_dma semaphore(%arg17 : memref<!tpu.dma_semaphore, #tpu.memory_space<semaphore_mem>>) src(%dma_wait3A_118 : memref<10240x32xf32, #tpu.memory_space<vmem_shared>>) dst(%arg11 : memref<128x32xf32, #tpu.memory_space<vmem>>)
      %add3A_119 = arith.constant 2 : i32
      %add3A_120 = arith.addi %add3A_79, %add3A_119 : i32
      "tpu.region"() ({
        %run_scoped3A_148 = tpu.sem_alloc : memref<!tpu.dma_semaphore, #tpu.memory_space<semaphore_mem>>
        %dma_start3A_149 = arith.constant 0 : i32
        %dma_start3A_150 = tpu.memref_slice %arg8[%add3A_120, %dma_start3A_149] : memref<80x128xi32, #tpu.memory_space<vmem>> -> memref<1x128xi32, #tpu.memory_space<vmem>>
        %dma_start3A_151 = tpu.memref_squeeze %dma_start3A_150 : memref<1x128xi32, #tpu.memory_space<vmem>> -> memref<128xi32, #tpu.memory_space<vmem>>
        %dma_start3A_152 = arith.constant 0 : i32
        %dma_start3A_153 = arith.constant 0 : i32
        %dma_start3A_154 = tpu.memref_slice %arg13[%dma_start3A_152, %dma_start3A_153] : memref<10240x32xf32, #tpu.memory_space<vmem_shared>> -> memref<10240x32xf32, #tpu.memory_space<vmem_shared>>
        tpu.enqueue_indirect_dma source(%arg11 : memref<128x32xf32, #tpu.memory_space<vmem>>) target(%dma_start3A_154 : memref<10240x32xf32, #tpu.memory_space<vmem_shared>>) offsets(%dma_start3A_151 : memref<128xi32, #tpu.memory_space<vmem>>) semaphore(%run_scoped3A_148 : memref<!tpu.dma_semaphore, #tpu.memory_space<semaphore_mem>>) {add = true}
        %dma_wait3A_155 = arith.constant 0 : i32
        %dma_wait3A_156 = tpu.memref_slice %arg8[%add3A_120, %dma_wait3A_155] : memref<80x128xi32, #tpu.memory_space<vmem>> -> memref<1x128xi32, #tpu.memory_space<vmem>>
        %dma_wait3A_157 = tpu.memref_squeeze %dma_wait3A_156 : memref<1x128xi32, #tpu.memory_space<vmem>> -> memref<128xi32, #tpu.memory_space<vmem>>
        %dma_wait3A_158 = arith.constant 0 : i32
        %dma_wait3A_159 = arith.constant 0 : i32
        %dma_wait3A_160 = tpu.memref_slice %arg13[%dma_wait3A_158, %dma_wait3A_159] : memref<10240x32xf32, #tpu.memory_space<vmem_shared>> -> memref<10240x32xf32, #tpu.memory_space<vmem_shared>>
        tpu.wait_indirect_dma semaphore(%run_scoped3A_148 : memref<!tpu.dma_semaphore, #tpu.memory_space<semaphore_mem>>) src(%arg11 : memref<128x32xf32, #tpu.memory_space<vmem>>) dst(%dma_wait3A_160 : memref<10240x32xf32, #tpu.memory_space<vmem_shared>>)
        tpu.yield
      }) : () -> ()
      %add3A_121 = arith.constant 2 : i32
      %add3A_122 = arith.addi %add3A_79, %add3A_121 : i32
      %add3A_123 = arith.constant 4 : i32
      %add3A_124 = arith.addi %add3A_122, %add3A_123 : i32
      %lt3A_125 = arith.constant 80 : i32
      %lt3A_126 = arith.cmpi slt, %add3A_124, %lt3A_125 : i32
      %convert_element_type3A_127 = arith.extui %lt3A_126 : i1 to i32
      %cond3A_128 = arith.constant 0 : i32
      %cond3A_129 = arith.cmpi ne, %convert_element_type3A_127, %cond3A_128 : i32
      scf.if %cond3A_129 {
        %add3A_148 = arith.constant 2 : i32
        %add3A_149 = arith.addi %add3A_79, %add3A_148 : i32
        %add3A_150 = arith.constant 4 : i32
        %add3A_151 = arith.addi %add3A_149, %add3A_150 : i32
        %dma_start3A_152 = arith.constant 0 : i32
        %dma_start3A_153 = tpu.memref_slice %arg7[%add3A_151, %dma_start3A_152] : memref<80x128xi32, #tpu.memory_space<vmem>> -> memref<1x128xi32, #tpu.memory_space<vmem>>
        %dma_start3A_154 = tpu.memref_squeeze %dma_start3A_153 : memref<1x128xi32, #tpu.memory_space<vmem>> -> memref<128xi32, #tpu.memory_space<vmem>>
        %dma_start3A_155 = arith.constant 0 : i32
        %dma_start3A_156 = arith.constant 0 : i32
        %dma_start3A_157 = tpu.memref_slice %arg14[%dma_start3A_155, %dma_start3A_156] : memref<10240x32xf32, #tpu.memory_space<vmem_shared>> -> memref<10240x32xf32, #tpu.memory_space<vmem_shared>>
        tpu.enqueue_indirect_dma source(%dma_start3A_157 : memref<10240x32xf32, #tpu.memory_space<vmem_shared>>) target(%arg11 : memref<128x32xf32, #tpu.memory_space<vmem>>) offsets(%dma_start3A_154 : memref<128xi32, #tpu.memory_space<vmem>>) semaphore(%arg17 : memref<!tpu.dma_semaphore, #tpu.memory_space<semaphore_mem>>)
      } else {
      }
      %dma_wait3A_130 = arith.constant 0 : i32
      %dma_wait3A_131 = arith.constant 0 : i32
      %dma_wait3A_132 = tpu.memref_slice %arg7[%dma_wait3A_130, %dma_wait3A_131] : memref<80x128xi32, #tpu.memory_space<vmem>> -> memref<1x128xi32, #tpu.memory_space<vmem>>
      %dma_wait3A_133 = tpu.memref_squeeze %dma_wait3A_132 : memref<1x128xi32, #tpu.memory_space<vmem>> -> memref<128xi32, #tpu.memory_space<vmem>>
      %dma_wait3A_134 = arith.constant 0 : i32
      %dma_wait3A_135 = arith.constant 0 : i32
      %dma_wait3A_136 = tpu.memref_slice %arg14[%dma_wait3A_134, %dma_wait3A_135] : memref<10240x32xf32, #tpu.memory_space<vmem_shared>> -> memref<10240x32xf32, #tpu.memory_space<vmem_shared>>
      tpu.wait_indirect_dma semaphore(%arg18 : memref<!tpu.dma_semaphore, #tpu.memory_space<semaphore_mem>>) src(%dma_wait3A_136 : memref<10240x32xf32, #tpu.memory_space<vmem_shared>>) dst(%arg12 : memref<128x32xf32, #tpu.memory_space<vmem>>)
      %add3A_137 = arith.constant 3 : i32
      %add3A_138 = arith.addi %add3A_79, %add3A_137 : i32
      "tpu.region"() ({
        %run_scoped3A_148 = tpu.sem_alloc : memref<!tpu.dma_semaphore, #tpu.memory_space<semaphore_mem>>
        %dma_start3A_149 = arith.constant 0 : i32
        %dma_start3A_150 = tpu.memref_slice %arg8[%add3A_138, %dma_start3A_149] : memref<80x128xi32, #tpu.memory_space<vmem>> -> memref<1x128xi32, #tpu.memory_space<vmem>>
        %dma_start3A_151 = tpu.memref_squeeze %dma_start3A_150 : memref<1x128xi32, #tpu.memory_space<vmem>> -> memref<128xi32, #tpu.memory_space<vmem>>
        %dma_start3A_152 = arith.constant 0 : i32
        %dma_start3A_153 = arith.constant 0 : i32
        %dma_start3A_154 = tpu.memref_slice %arg13[%dma_start3A_152, %dma_start3A_153] : memref<10240x32xf32, #tpu.memory_space<vmem_shared>> -> memref<10240x32xf32, #tpu.memory_space<vmem_shared>>
        tpu.enqueue_indirect_dma source(%arg12 : memref<128x32xf32, #tpu.memory_space<vmem>>) target(%dma_start3A_154 : memref<10240x32xf32, #tpu.memory_space<vmem_shared>>) offsets(%dma_start3A_151 : memref<128xi32, #tpu.memory_space<vmem>>) semaphore(%run_scoped3A_148 : memref<!tpu.dma_semaphore, #tpu.memory_space<semaphore_mem>>) {add = true}
        %dma_wait3A_155 = arith.constant 0 : i32
        %dma_wait3A_156 = tpu.memref_slice %arg8[%add3A_138, %dma_wait3A_155] : memref<80x128xi32, #tpu.memory_space<vmem>> -> memref<1x128xi32, #tpu.memory_space<vmem>>
        %dma_wait3A_157 = tpu.memref_squeeze %dma_wait3A_156 : memref<1x128xi32, #tpu.memory_space<vmem>> -> memref<128xi32, #tpu.memory_space<vmem>>
        %dma_wait3A_158 = arith.constant 0 : i32
        %dma_wait3A_159 = arith.constant 0 : i32
        %dma_wait3A_160 = tpu.memref_slice %arg13[%dma_wait3A_158, %dma_wait3A_159] : memref<10240x32xf32, #tpu.memory_space<vmem_shared>> -> memref<10240x32xf32, #tpu.memory_space<vmem_shared>>
        tpu.wait_indirect_dma semaphore(%run_scoped3A_148 : memref<!tpu.dma_semaphore, #tpu.memory_space<semaphore_mem>>) src(%arg12 : memref<128x32xf32, #tpu.memory_space<vmem>>) dst(%dma_wait3A_160 : memref<10240x32xf32, #tpu.memory_space<vmem_shared>>)
        tpu.yield
      }) : () -> ()
      %add3A_139 = arith.constant 3 : i32
      %add3A_140 = arith.addi %add3A_79, %add3A_139 : i32
      %add3A_141 = arith.constant 4 : i32
      %add3A_142 = arith.addi %add3A_140, %add3A_141 : i32
      %lt3A_143 = arith.constant 80 : i32
      %lt3A_144 = arith.cmpi slt, %add3A_142, %lt3A_143 : i32
      %convert_element_type3A_145 = arith.extui %lt3A_144 : i1 to i32
      %cond3A_146 = arith.constant 0 : i32
      %cond3A_147 = arith.cmpi ne, %convert_element_type3A_145, %cond3A_146 : i32
      scf.if %cond3A_147 {
        %add3A_148 = arith.constant 3 : i32
        %add3A_149 = arith.addi %add3A_79, %add3A_148 : i32
        %add3A_150 = arith.constant 4 : i32
        %add3A_151 = arith.addi %add3A_149, %add3A_150 : i32
        %dma_start3A_152 = arith.constant 0 : i32
        %dma_start3A_153 = tpu.memref_slice %arg7[%add3A_151, %dma_start3A_152] : memref<80x128xi32, #tpu.memory_space<vmem>> -> memref<1x128xi32, #tpu.memory_space<vmem>>
        %dma_start3A_154 = tpu.memref_squeeze %dma_start3A_153 : memref<1x128xi32, #tpu.memory_space<vmem>> -> memref<128xi32, #tpu.memory_space<vmem>>
        %dma_start3A_155 = arith.constant 0 : i32
        %dma_start3A_156 = arith.constant 0 : i32
        %dma_start3A_157 = tpu.memref_slice %arg14[%dma_start3A_155, %dma_start3A_156] : memref<10240x32xf32, #tpu.memory_space<vmem_shared>> -> memref<10240x32xf32, #tpu.memory_space<vmem_shared>>
        tpu.enqueue_indirect_dma source(%dma_start3A_157 : memref<10240x32xf32, #tpu.memory_space<vmem_shared>>) target(%arg12 : memref<128x32xf32, #tpu.memory_space<vmem>>) offsets(%dma_start3A_154 : memref<128xi32, #tpu.memory_space<vmem>>) semaphore(%arg18 : memref<!tpu.dma_semaphore, #tpu.memory_space<semaphore_mem>>)
      } else {
      }
    }
    %scan3A_35 = arith.constant 20 : i32
    %barrier3A_36 = arith.constant 0 : index
    tpu.barrier barrier_id(%barrier3A_36)
    %run_scoped3A = arith.constant 0 : i32
    "tpu.region"() ({
      %run_scoped3A_75 = tpu.sem_alloc : memref<!tpu.dma_semaphore, #tpu.memory_space<semaphore_mem>>
      %dma_start3A_76 = arith.constant 0 : i32
      %dma_start3A_77 = arith.constant 0 : i32
      %dma_start3A_78 = arith.constant 0 : i32
      %dma_start3A_79 = tpu.memref_slice %arg6[%arg0, %dma_start3A_76, %dma_start3A_77, %dma_start3A_78] : memref<2x2x10240x32xf32, #tpu.memory_space<hbm>> -> memref<1x2x10240x32xf32, #tpu.memory_space<hbm>>
      %dma_start3A_80 = tpu.memref_squeeze %dma_start3A_79 : memref<1x2x10240x32xf32, #tpu.memory_space<hbm>> -> memref<2x10240x32xf32, #tpu.memory_space<hbm>>
      %dma_start3A_81 = arith.constant 0 : i32
      %dma_start3A_82 = arith.constant 0 : i32
      %dma_start3A_83 = tpu.memref_slice %dma_start3A_80[%run_scoped3A, %dma_start3A_81, %dma_start3A_82] : memref<2x10240x32xf32, #tpu.memory_space<hbm>> -> memref<1x10240x32xf32, #tpu.memory_space<hbm>>
      %dma_start3A_84 = tpu.memref_squeeze %dma_start3A_83 : memref<1x10240x32xf32, #tpu.memory_space<hbm>> -> memref<10240x32xf32, #tpu.memory_space<hbm>>
      %dma_start3A_85 = arith.constant 0 : i32
      %dma_start3A_86 = tpu.memref_slice %dma_start3A_84[%mul3A_0, %dma_start3A_85] : memref<10240x32xf32, #tpu.memory_space<hbm>> -> memref<640x32xf32, #tpu.memory_space<hbm>>
      %dma_start3A_87 = arith.constant 0 : i32
      %dma_start3A_88 = tpu.memref_slice %arg13[%mul3A_0, %dma_start3A_87] : memref<10240x32xf32, #tpu.memory_space<vmem_shared>> -> memref<640x32xf32, #tpu.memory_space<vmem_shared>>
      tpu.enqueue_dma source(%dma_start3A_88 : memref<640x32xf32, #tpu.memory_space<vmem_shared>>) target(%dma_start3A_86 : memref<640x32xf32, #tpu.memory_space<hbm>>) target_semaphore(%run_scoped3A_75 : memref<!tpu.dma_semaphore, #tpu.memory_space<semaphore_mem>>)
      %dma_wait3A = arith.constant 0 : i32
      %dma_wait3A_89 = arith.constant 0 : i32
      %dma_wait3A_90 = arith.constant 0 : i32
      %dma_wait3A_91 = tpu.memref_slice %arg6[%arg0, %dma_wait3A, %dma_wait3A_89, %dma_wait3A_90] : memref<2x2x10240x32xf32, #tpu.memory_space<hbm>> -> memref<1x2x10240x32xf32, #tpu.memory_space<hbm>>
      %dma_wait3A_92 = tpu.memref_squeeze %dma_wait3A_91 : memref<1x2x10240x32xf32, #tpu.memory_space<hbm>> -> memref<2x10240x32xf32, #tpu.memory_space<hbm>>
      %dma_wait3A_93 = arith.constant 0 : i32
      %dma_wait3A_94 = arith.constant 0 : i32
      %dma_wait3A_95 = tpu.memref_slice %dma_wait3A_92[%run_scoped3A, %dma_wait3A_93, %dma_wait3A_94] : memref<2x10240x32xf32, #tpu.memory_space<hbm>> -> memref<1x10240x32xf32, #tpu.memory_space<hbm>>
      %dma_wait3A_96 = tpu.memref_squeeze %dma_wait3A_95 : memref<1x10240x32xf32, #tpu.memory_space<hbm>> -> memref<10240x32xf32, #tpu.memory_space<hbm>>
      %dma_wait3A_97 = arith.constant 0 : i32
      %dma_wait3A_98 = tpu.memref_slice %dma_wait3A_96[%mul3A_0, %dma_wait3A_97] : memref<10240x32xf32, #tpu.memory_space<hbm>> -> memref<640x32xf32, #tpu.memory_space<hbm>>
      %dma_wait3A_99 = arith.constant 0 : i32
      %dma_wait3A_100 = tpu.memref_slice %arg13[%mul3A_0, %dma_wait3A_99] : memref<10240x32xf32, #tpu.memory_space<vmem_shared>> -> memref<640x32xf32, #tpu.memory_space<vmem_shared>>
      tpu.wait_dma2 semaphore(%run_scoped3A_75 : memref<!tpu.dma_semaphore, #tpu.memory_space<semaphore_mem>>) src(%dma_wait3A_100 : memref<640x32xf32, #tpu.memory_space<vmem_shared>>) dst(%dma_wait3A_98 : memref<640x32xf32, #tpu.memory_space<hbm>>)
      tpu.yield
    }) : () -> ()
    %barrier3A_37 = arith.constant 0 : index
    tpu.barrier barrier_id(%barrier3A_37)
    "tpu.region"() ({
      %run_scoped3A_75 = tpu.sem_alloc : memref<!tpu.dma_semaphore, #tpu.memory_space<semaphore_mem>>
      %dma_start3A_76 = arith.constant 0 : i32
      %dma_start3A_77 = tpu.memref_slice %arg13[%mul3A_0, %dma_start3A_76] : memref<10240x32xf32, #tpu.memory_space<vmem_shared>> -> memref<640x32xf32, #tpu.memory_space<vmem_shared>>
      %dma_start3A_78 = arith.constant 0 : i32
      %dma_start3A_79 = tpu.memref_slice %arg5[%mul3A_0, %dma_start3A_78] : memref<10240x32xf32, #tpu.memory_space<hbm>> -> memref<640x32xf32, #tpu.memory_space<hbm>>
      tpu.enqueue_dma source(%dma_start3A_79 : memref<640x32xf32, #tpu.memory_space<hbm>>) target(%dma_start3A_77 : memref<640x32xf32, #tpu.memory_space<vmem_shared>>) target_semaphore(%run_scoped3A_75 : memref<!tpu.dma_semaphore, #tpu.memory_space<semaphore_mem>>)
      %dma_wait3A = arith.constant 0 : i32
      %dma_wait3A_80 = tpu.memref_slice %arg13[%mul3A_0, %dma_wait3A] : memref<10240x32xf32, #tpu.memory_space<vmem_shared>> -> memref<640x32xf32, #tpu.memory_space<vmem_shared>>
      %dma_wait3A_81 = arith.constant 0 : i32
      %dma_wait3A_82 = tpu.memref_slice %arg5[%mul3A_0, %dma_wait3A_81] : memref<10240x32xf32, #tpu.memory_space<hbm>> -> memref<640x32xf32, #tpu.memory_space<hbm>>
      tpu.wait_dma2 semaphore(%run_scoped3A_75 : memref<!tpu.dma_semaphore, #tpu.memory_space<semaphore_mem>>) src(%dma_wait3A_82 : memref<640x32xf32, #tpu.memory_space<hbm>>) dst(%dma_wait3A_80 : memref<640x32xf32, #tpu.memory_space<vmem_shared>>)
      tpu.yield
    }) : () -> ()
    "tpu.region"() ({
      %run_scoped3A_75 = tpu.sem_alloc : memref<!tpu.dma_semaphore, #tpu.memory_space<semaphore_mem>>
      %dma_start3A_76 = arith.constant 0 : i32
      %dma_start3A_77 = tpu.memref_slice %arg14[%mul3A_0, %dma_start3A_76] : memref<10240x32xf32, #tpu.memory_space<vmem_shared>> -> memref<640x32xf32, #tpu.memory_space<vmem_shared>>
      %dma_start3A_78 = arith.constant 32 : i32
      %dma_start3A_79 = tpu.memref_slice %arg2[%mul3A_0, %dma_start3A_78] : memref<10240x64xf32, #tpu.memory_space<hbm>> -> memref<640x32xf32, #tpu.memory_space<hbm>>
      tpu.enqueue_dma source(%dma_start3A_79 : memref<640x32xf32, #tpu.memory_space<hbm>>) target(%dma_start3A_77 : memref<640x32xf32, #tpu.memory_space<vmem_shared>>) target_semaphore(%run_scoped3A_75 : memref<!tpu.dma_semaphore, #tpu.memory_space<semaphore_mem>>)
      %dma_wait3A = arith.constant 0 : i32
      %dma_wait3A_80 = tpu.memref_slice %arg14[%mul3A_0, %dma_wait3A] : memref<10240x32xf32, #tpu.memory_space<vmem_shared>> -> memref<640x32xf32, #tpu.memory_space<vmem_shared>>
      %dma_wait3A_81 = arith.constant 32 : i32
      %dma_wait3A_82 = tpu.memref_slice %arg2[%mul3A_0, %dma_wait3A_81] : memref<10240x64xf32, #tpu.memory_space<hbm>> -> memref<640x32xf32, #tpu.memory_space<hbm>>
      tpu.wait_dma2 semaphore(%run_scoped3A_75 : memref<!tpu.dma_semaphore, #tpu.memory_space<semaphore_mem>>) src(%dma_wait3A_82 : memref<640x32xf32, #tpu.memory_space<hbm>>) dst(%dma_wait3A_80 : memref<640x32xf32, #tpu.memory_space<vmem_shared>>)
      tpu.yield
    }) : () -> ()
    %barrier3A_38 = arith.constant 0 : index
    tpu.barrier barrier_id(%barrier3A_38)
    %dma_start3A_39 = arith.constant 0 : i32
    %dma_start3A_40 = arith.constant 0 : i32
    %dma_start3A_41 = tpu.memref_slice %arg7[%dma_start3A_39, %dma_start3A_40] : memref<80x128xi32, #tpu.memory_space<vmem>> -> memref<1x128xi32, #tpu.memory_space<vmem>>
    %dma_start3A_42 = tpu.memref_squeeze %dma_start3A_41 : memref<1x128xi32, #tpu.memory_space<vmem>> -> memref<128xi32, #tpu.memory_space<vmem>>
    %dma_start3A_43 = arith.constant 0 : i32
    %dma_start3A_44 = arith.constant 0 : i32
    %dma_start3A_45 = tpu.memref_slice %arg14[%dma_start3A_43, %dma_start3A_44] : memref<10240x32xf32, #tpu.memory_space<vmem_shared>> -> memref<10240x32xf32, #tpu.memory_space<vmem_shared>>
    tpu.enqueue_indirect_dma source(%dma_start3A_45 : memref<10240x32xf32, #tpu.memory_space<vmem_shared>>) target(%arg9 : memref<128x32xf32, #tpu.memory_space<vmem>>) offsets(%dma_start3A_42 : memref<128xi32, #tpu.memory_space<vmem>>) semaphore(%arg15 : memref<!tpu.dma_semaphore, #tpu.memory_space<semaphore_mem>>)
    %dma_start3A_46 = arith.constant 1 : i32
    %dma_start3A_47 = arith.constant 0 : i32
    %dma_start3A_48 = tpu.memref_slice %arg7[%dma_start3A_46, %dma_start3A_47] : memref<80x128xi32, #tpu.memory_space<vmem>> -> memref<1x128xi32, #tpu.memory_space<vmem>>
    %dma_start3A_49 = tpu.memref_squeeze %dma_start3A_48 : memref<1x128xi32, #tpu.memory_space<vmem>> -> memref<128xi32, #tpu.memory_space<vmem>>
    %dma_start3A_50 = arith.constant 0 : i32
    %dma_start3A_51 = arith.constant 0 : i32
    %dma_start3A_52 = tpu.memref_slice %arg14[%dma_start3A_50, %dma_start3A_51] : memref<10240x32xf32, #tpu.memory_space<vmem_shared>> -> memref<10240x32xf32, #tpu.memory_space<vmem_shared>>
    tpu.enqueue_indirect_dma source(%dma_start3A_52 : memref<10240x32xf32, #tpu.memory_space<vmem_shared>>) target(%arg10 : memref<128x32xf32, #tpu.memory_space<vmem>>) offsets(%dma_start3A_49 : memref<128xi32, #tpu.memory_space<vmem>>) semaphore(%arg16 : memref<!tpu.dma_semaphore, #tpu.memory_space<semaphore_mem>>)
    %dma_start3A_53 = arith.constant 2 : i32
    %dma_start3A_54 = arith.constant 0 : i32
    %dma_start3A_55 = tpu.memref_slice %arg7[%dma_start3A_53, %dma_start3A_54] : memref<80x128xi32, #tpu.memory_space<vmem>> -> memref<1x128xi32, #tpu.memory_space<vmem>>
    %dma_start3A_56 = tpu.memref_squeeze %dma_start3A_55 : memref<1x128xi32, #tpu.memory_space<vmem>> -> memref<128xi32, #tpu.memory_space<vmem>>
    %dma_start3A_57 = arith.constant 0 : i32
    %dma_start3A_58 = arith.constant 0 : i32
    %dma_start3A_59 = tpu.memref_slice %arg14[%dma_start3A_57, %dma_start3A_58] : memref<10240x32xf32, #tpu.memory_space<vmem_shared>> -> memref<10240x32xf32, #tpu.memory_space<vmem_shared>>
    tpu.enqueue_indirect_dma source(%dma_start3A_59 : memref<10240x32xf32, #tpu.memory_space<vmem_shared>>) target(%arg11 : memref<128x32xf32, #tpu.memory_space<vmem>>) offsets(%dma_start3A_56 : memref<128xi32, #tpu.memory_space<vmem>>) semaphore(%arg17 : memref<!tpu.dma_semaphore, #tpu.memory_space<semaphore_mem>>)
    %dma_start3A_60 = arith.constant 3 : i32
    %dma_start3A_61 = arith.constant 0 : i32
    %dma_start3A_62 = tpu.memref_slice %arg7[%dma_start3A_60, %dma_start3A_61] : memref<80x128xi32, #tpu.memory_space<vmem>> -> memref<1x128xi32, #tpu.memory_space<vmem>>
    %dma_start3A_63 = tpu.memref_squeeze %dma_start3A_62 : memref<1x128xi32, #tpu.memory_space<vmem>> -> memref<128xi32, #tpu.memory_space<vmem>>
    %dma_start3A_64 = arith.constant 0 : i32
    %dma_start3A_65 = arith.constant 0 : i32
    %dma_start3A_66 = tpu.memref_slice %arg14[%dma_start3A_64, %dma_start3A_65] : memref<10240x32xf32, #tpu.memory_space<vmem_shared>> -> memref<10240x32xf32, #tpu.memory_space<vmem_shared>>
    tpu.enqueue_indirect_dma source(%dma_start3A_66 : memref<10240x32xf32, #tpu.memory_space<vmem_shared>>) target(%arg12 : memref<128x32xf32, #tpu.memory_space<vmem>>) offsets(%dma_start3A_63 : memref<128xi32, #tpu.memory_space<vmem>>) semaphore(%arg18 : memref<!tpu.dma_semaphore, #tpu.memory_space<semaphore_mem>>)
    %scan3A_67 = arith.constant 0 : i32
    %scan3A_68 = arith.constant 20 : i32
    %scan3A_69 = arith.addi %scan3A_67, %scan3A_68 : i32
    %scan3A_70 = arith.constant 1 : i32
    scf.for %scan3A_75 = %scan3A_67 to %scan3A_69 step %scan3A_70  : i32 {
      %mul3A_76 = arith.constant 4 : i32
      %mul3A_77 = arith.muli %scan3A_75, %mul3A_76 : i32
      %add3A_78 = arith.constant 0 : i32
      %add3A_79 = arith.addi %add3A_78, %mul3A_77 : i32
      %dma_wait3A = arith.constant 0 : i32
      %dma_wait3A_80 = arith.constant 0 : i32
      %dma_wait3A_81 = tpu.memref_slice %arg7[%dma_wait3A, %dma_wait3A_80] : memref<80x128xi32, #tpu.memory_space<vmem>> -> memref<1x128xi32, #tpu.memory_space<vmem>>
      %dma_wait3A_82 = tpu.memref_squeeze %dma_wait3A_81 : memref<1x128xi32, #tpu.memory_space<vmem>> -> memref<128xi32, #tpu.memory_space<vmem>>
      %dma_wait3A_83 = arith.constant 0 : i32
      %dma_wait3A_84 = arith.constant 0 : i32
      %dma_wait3A_85 = tpu.memref_slice %arg14[%dma_wait3A_83, %dma_wait3A_84] : memref<10240x32xf32, #tpu.memory_space<vmem_shared>> -> memref<10240x32xf32, #tpu.memory_space<vmem_shared>>
      tpu.wait_indirect_dma semaphore(%arg15 : memref<!tpu.dma_semaphore, #tpu.memory_space<semaphore_mem>>) src(%dma_wait3A_85 : memref<10240x32xf32, #tpu.memory_space<vmem_shared>>) dst(%arg9 : memref<128x32xf32, #tpu.memory_space<vmem>>)
      %add3A_86 = arith.constant 0 : i32
      %add3A_87 = arith.addi %add3A_79, %add3A_86 : i32
      "tpu.region"() ({
        %run_scoped3A_148 = tpu.sem_alloc : memref<!tpu.dma_semaphore, #tpu.memory_space<semaphore_mem>>
        %dma_start3A_149 = arith.constant 0 : i32
        %dma_start3A_150 = tpu.memref_slice %arg8[%add3A_87, %dma_start3A_149] : memref<80x128xi32, #tpu.memory_space<vmem>> -> memref<1x128xi32, #tpu.memory_space<vmem>>
        %dma_start3A_151 = tpu.memref_squeeze %dma_start3A_150 : memref<1x128xi32, #tpu.memory_space<vmem>> -> memref<128xi32, #tpu.memory_space<vmem>>
        %dma_start3A_152 = arith.constant 0 : i32
        %dma_start3A_153 = arith.constant 0 : i32
        %dma_start3A_154 = tpu.memref_slice %arg13[%dma_start3A_152, %dma_start3A_153] : memref<10240x32xf32, #tpu.memory_space<vmem_shared>> -> memref<10240x32xf32, #tpu.memory_space<vmem_shared>>
        tpu.enqueue_indirect_dma source(%arg9 : memref<128x32xf32, #tpu.memory_space<vmem>>) target(%dma_start3A_154 : memref<10240x32xf32, #tpu.memory_space<vmem_shared>>) offsets(%dma_start3A_151 : memref<128xi32, #tpu.memory_space<vmem>>) semaphore(%run_scoped3A_148 : memref<!tpu.dma_semaphore, #tpu.memory_space<semaphore_mem>>) {add = true}
        %dma_wait3A_155 = arith.constant 0 : i32
        %dma_wait3A_156 = tpu.memref_slice %arg8[%add3A_87, %dma_wait3A_155] : memref<80x128xi32, #tpu.memory_space<vmem>> -> memref<1x128xi32, #tpu.memory_space<vmem>>
        %dma_wait3A_157 = tpu.memref_squeeze %dma_wait3A_156 : memref<1x128xi32, #tpu.memory_space<vmem>> -> memref<128xi32, #tpu.memory_space<vmem>>
        %dma_wait3A_158 = arith.constant 0 : i32
        %dma_wait3A_159 = arith.constant 0 : i32
        %dma_wait3A_160 = tpu.memref_slice %arg13[%dma_wait3A_158, %dma_wait3A_159] : memref<10240x32xf32, #tpu.memory_space<vmem_shared>> -> memref<10240x32xf32, #tpu.memory_space<vmem_shared>>
        tpu.wait_indirect_dma semaphore(%run_scoped3A_148 : memref<!tpu.dma_semaphore, #tpu.memory_space<semaphore_mem>>) src(%arg9 : memref<128x32xf32, #tpu.memory_space<vmem>>) dst(%dma_wait3A_160 : memref<10240x32xf32, #tpu.memory_space<vmem_shared>>)
        tpu.yield
      }) : () -> ()
      %add3A_88 = arith.constant 0 : i32
      %add3A_89 = arith.addi %add3A_79, %add3A_88 : i32
      %add3A_90 = arith.constant 4 : i32
      %add3A_91 = arith.addi %add3A_89, %add3A_90 : i32
      %lt3A = arith.constant 80 : i32
      %lt3A_92 = arith.cmpi slt, %add3A_91, %lt3A : i32
      %convert_element_type3A = arith.extui %lt3A_92 : i1 to i32
      %cond3A = arith.constant 0 : i32
      %cond3A_93 = arith.cmpi ne, %convert_element_type3A, %cond3A : i32
      scf.if %cond3A_93 {
        %add3A_148 = arith.constant 0 : i32
        %add3A_149 = arith.addi %add3A_79, %add3A_148 : i32
        %add3A_150 = arith.constant 4 : i32
        %add3A_151 = arith.addi %add3A_149, %add3A_150 : i32
        %dma_start3A_152 = arith.constant 0 : i32
        %dma_start3A_153 = tpu.memref_slice %arg7[%add3A_151, %dma_start3A_152] : memref<80x128xi32, #tpu.memory_space<vmem>> -> memref<1x128xi32, #tpu.memory_space<vmem>>
        %dma_start3A_154 = tpu.memref_squeeze %dma_start3A_153 : memref<1x128xi32, #tpu.memory_space<vmem>> -> memref<128xi32, #tpu.memory_space<vmem>>
        %dma_start3A_155 = arith.constant 0 : i32
        %dma_start3A_156 = arith.constant 0 : i32
        %dma_start3A_157 = tpu.memref_slice %arg14[%dma_start3A_155, %dma_start3A_156] : memref<10240x32xf32, #tpu.memory_space<vmem_shared>> -> memref<10240x32xf32, #tpu.memory_space<vmem_shared>>
        tpu.enqueue_indirect_dma source(%dma_start3A_157 : memref<10240x32xf32, #tpu.memory_space<vmem_shared>>) target(%arg9 : memref<128x32xf32, #tpu.memory_space<vmem>>) offsets(%dma_start3A_154 : memref<128xi32, #tpu.memory_space<vmem>>) semaphore(%arg15 : memref<!tpu.dma_semaphore, #tpu.memory_space<semaphore_mem>>)
      } else {
      }
      %dma_wait3A_94 = arith.constant 0 : i32
      %dma_wait3A_95 = arith.constant 0 : i32
      %dma_wait3A_96 = tpu.memref_slice %arg7[%dma_wait3A_94, %dma_wait3A_95] : memref<80x128xi32, #tpu.memory_space<vmem>> -> memref<1x128xi32, #tpu.memory_space<vmem>>
      %dma_wait3A_97 = tpu.memref_squeeze %dma_wait3A_96 : memref<1x128xi32, #tpu.memory_space<vmem>> -> memref<128xi32, #tpu.memory_space<vmem>>
      %dma_wait3A_98 = arith.constant 0 : i32
      %dma_wait3A_99 = arith.constant 0 : i32
      %dma_wait3A_100 = tpu.memref_slice %arg14[%dma_wait3A_98, %dma_wait3A_99] : memref<10240x32xf32, #tpu.memory_space<vmem_shared>> -> memref<10240x32xf32, #tpu.memory_space<vmem_shared>>
      tpu.wait_indirect_dma semaphore(%arg16 : memref<!tpu.dma_semaphore, #tpu.memory_space<semaphore_mem>>) src(%dma_wait3A_100 : memref<10240x32xf32, #tpu.memory_space<vmem_shared>>) dst(%arg10 : memref<128x32xf32, #tpu.memory_space<vmem>>)
      %add3A_101 = arith.constant 1 : i32
      %add3A_102 = arith.addi %add3A_79, %add3A_101 : i32
      "tpu.region"() ({
        %run_scoped3A_148 = tpu.sem_alloc : memref<!tpu.dma_semaphore, #tpu.memory_space<semaphore_mem>>
        %dma_start3A_149 = arith.constant 0 : i32
        %dma_start3A_150 = tpu.memref_slice %arg8[%add3A_102, %dma_start3A_149] : memref<80x128xi32, #tpu.memory_space<vmem>> -> memref<1x128xi32, #tpu.memory_space<vmem>>
        %dma_start3A_151 = tpu.memref_squeeze %dma_start3A_150 : memref<1x128xi32, #tpu.memory_space<vmem>> -> memref<128xi32, #tpu.memory_space<vmem>>
        %dma_start3A_152 = arith.constant 0 : i32
        %dma_start3A_153 = arith.constant 0 : i32
        %dma_start3A_154 = tpu.memref_slice %arg13[%dma_start3A_152, %dma_start3A_153] : memref<10240x32xf32, #tpu.memory_space<vmem_shared>> -> memref<10240x32xf32, #tpu.memory_space<vmem_shared>>
        tpu.enqueue_indirect_dma source(%arg10 : memref<128x32xf32, #tpu.memory_space<vmem>>) target(%dma_start3A_154 : memref<10240x32xf32, #tpu.memory_space<vmem_shared>>) offsets(%dma_start3A_151 : memref<128xi32, #tpu.memory_space<vmem>>) semaphore(%run_scoped3A_148 : memref<!tpu.dma_semaphore, #tpu.memory_space<semaphore_mem>>) {add = true}
        %dma_wait3A_155 = arith.constant 0 : i32
        %dma_wait3A_156 = tpu.memref_slice %arg8[%add3A_102, %dma_wait3A_155] : memref<80x128xi32, #tpu.memory_space<vmem>> -> memref<1x128xi32, #tpu.memory_space<vmem>>
        %dma_wait3A_157 = tpu.memref_squeeze %dma_wait3A_156 : memref<1x128xi32, #tpu.memory_space<vmem>> -> memref<128xi32, #tpu.memory_space<vmem>>
        %dma_wait3A_158 = arith.constant 0 : i32
        %dma_wait3A_159 = arith.constant 0 : i32
        %dma_wait3A_160 = tpu.memref_slice %arg13[%dma_wait3A_158, %dma_wait3A_159] : memref<10240x32xf32, #tpu.memory_space<vmem_shared>> -> memref<10240x32xf32, #tpu.memory_space<vmem_shared>>
        tpu.wait_indirect_dma semaphore(%run_scoped3A_148 : memref<!tpu.dma_semaphore, #tpu.memory_space<semaphore_mem>>) src(%arg10 : memref<128x32xf32, #tpu.memory_space<vmem>>) dst(%dma_wait3A_160 : memref<10240x32xf32, #tpu.memory_space<vmem_shared>>)
        tpu.yield
      }) : () -> ()
      %add3A_103 = arith.constant 1 : i32
      %add3A_104 = arith.addi %add3A_79, %add3A_103 : i32
      %add3A_105 = arith.constant 4 : i32
      %add3A_106 = arith.addi %add3A_104, %add3A_105 : i32
      %lt3A_107 = arith.constant 80 : i32
      %lt3A_108 = arith.cmpi slt, %add3A_106, %lt3A_107 : i32
      %convert_element_type3A_109 = arith.extui %lt3A_108 : i1 to i32
      %cond3A_110 = arith.constant 0 : i32
      %cond3A_111 = arith.cmpi ne, %convert_element_type3A_109, %cond3A_110 : i32
      scf.if %cond3A_111 {
        %add3A_148 = arith.constant 1 : i32
        %add3A_149 = arith.addi %add3A_79, %add3A_148 : i32
        %add3A_150 = arith.constant 4 : i32
        %add3A_151 = arith.addi %add3A_149, %add3A_150 : i32
        %dma_start3A_152 = arith.constant 0 : i32
        %dma_start3A_153 = tpu.memref_slice %arg7[%add3A_151, %dma_start3A_152] : memref<80x128xi32, #tpu.memory_space<vmem>> -> memref<1x128xi32, #tpu.memory_space<vmem>>
        %dma_start3A_154 = tpu.memref_squeeze %dma_start3A_153 : memref<1x128xi32, #tpu.memory_space<vmem>> -> memref<128xi32, #tpu.memory_space<vmem>>
        %dma_start3A_155 = arith.constant 0 : i32
        %dma_start3A_156 = arith.constant 0 : i32
        %dma_start3A_157 = tpu.memref_slice %arg14[%dma_start3A_155, %dma_start3A_156] : memref<10240x32xf32, #tpu.memory_space<vmem_shared>> -> memref<10240x32xf32, #tpu.memory_space<vmem_shared>>
        tpu.enqueue_indirect_dma source(%dma_start3A_157 : memref<10240x32xf32, #tpu.memory_space<vmem_shared>>) target(%arg10 : memref<128x32xf32, #tpu.memory_space<vmem>>) offsets(%dma_start3A_154 : memref<128xi32, #tpu.memory_space<vmem>>) semaphore(%arg16 : memref<!tpu.dma_semaphore, #tpu.memory_space<semaphore_mem>>)
      } else {
      }
      %dma_wait3A_112 = arith.constant 0 : i32
      %dma_wait3A_113 = arith.constant 0 : i32
      %dma_wait3A_114 = tpu.memref_slice %arg7[%dma_wait3A_112, %dma_wait3A_113] : memref<80x128xi32, #tpu.memory_space<vmem>> -> memref<1x128xi32, #tpu.memory_space<vmem>>
      %dma_wait3A_115 = tpu.memref_squeeze %dma_wait3A_114 : memref<1x128xi32, #tpu.memory_space<vmem>> -> memref<128xi32, #tpu.memory_space<vmem>>
      %dma_wait3A_116 = arith.constant 0 : i32
      %dma_wait3A_117 = arith.constant 0 : i32
      %dma_wait3A_118 = tpu.memref_slice %arg14[%dma_wait3A_116, %dma_wait3A_117] : memref<10240x32xf32, #tpu.memory_space<vmem_shared>> -> memref<10240x32xf32, #tpu.memory_space<vmem_shared>>
      tpu.wait_indirect_dma semaphore(%arg17 : memref<!tpu.dma_semaphore, #tpu.memory_space<semaphore_mem>>) src(%dma_wait3A_118 : memref<10240x32xf32, #tpu.memory_space<vmem_shared>>) dst(%arg11 : memref<128x32xf32, #tpu.memory_space<vmem>>)
      %add3A_119 = arith.constant 2 : i32
      %add3A_120 = arith.addi %add3A_79, %add3A_119 : i32
      "tpu.region"() ({
        %run_scoped3A_148 = tpu.sem_alloc : memref<!tpu.dma_semaphore, #tpu.memory_space<semaphore_mem>>
        %dma_start3A_149 = arith.constant 0 : i32
        %dma_start3A_150 = tpu.memref_slice %arg8[%add3A_120, %dma_start3A_149] : memref<80x128xi32, #tpu.memory_space<vmem>> -> memref<1x128xi32, #tpu.memory_space<vmem>>
        %dma_start3A_151 = tpu.memref_squeeze %dma_start3A_150 : memref<1x128xi32, #tpu.memory_space<vmem>> -> memref<128xi32, #tpu.memory_space<vmem>>
        %dma_start3A_152 = arith.constant 0 : i32
        %dma_start3A_153 = arith.constant 0 : i32
        %dma_start3A_154 = tpu.memref_slice %arg13[%dma_start3A_152, %dma_start3A_153] : memref<10240x32xf32, #tpu.memory_space<vmem_shared>> -> memref<10240x32xf32, #tpu.memory_space<vmem_shared>>
        tpu.enqueue_indirect_dma source(%arg11 : memref<128x32xf32, #tpu.memory_space<vmem>>) target(%dma_start3A_154 : memref<10240x32xf32, #tpu.memory_space<vmem_shared>>) offsets(%dma_start3A_151 : memref<128xi32, #tpu.memory_space<vmem>>) semaphore(%run_scoped3A_148 : memref<!tpu.dma_semaphore, #tpu.memory_space<semaphore_mem>>) {add = true}
        %dma_wait3A_155 = arith.constant 0 : i32
        %dma_wait3A_156 = tpu.memref_slice %arg8[%add3A_120, %dma_wait3A_155] : memref<80x128xi32, #tpu.memory_space<vmem>> -> memref<1x128xi32, #tpu.memory_space<vmem>>
        %dma_wait3A_157 = tpu.memref_squeeze %dma_wait3A_156 : memref<1x128xi32, #tpu.memory_space<vmem>> -> memref<128xi32, #tpu.memory_space<vmem>>
        %dma_wait3A_158 = arith.constant 0 : i32
        %dma_wait3A_159 = arith.constant 0 : i32
        %dma_wait3A_160 = tpu.memref_slice %arg13[%dma_wait3A_158, %dma_wait3A_159] : memref<10240x32xf32, #tpu.memory_space<vmem_shared>> -> memref<10240x32xf32, #tpu.memory_space<vmem_shared>>
        tpu.wait_indirect_dma semaphore(%run_scoped3A_148 : memref<!tpu.dma_semaphore, #tpu.memory_space<semaphore_mem>>) src(%arg11 : memref<128x32xf32, #tpu.memory_space<vmem>>) dst(%dma_wait3A_160 : memref<10240x32xf32, #tpu.memory_space<vmem_shared>>)
        tpu.yield
      }) : () -> ()
      %add3A_121 = arith.constant 2 : i32
      %add3A_122 = arith.addi %add3A_79, %add3A_121 : i32
      %add3A_123 = arith.constant 4 : i32
      %add3A_124 = arith.addi %add3A_122, %add3A_123 : i32
      %lt3A_125 = arith.constant 80 : i32
      %lt3A_126 = arith.cmpi slt, %add3A_124, %lt3A_125 : i32
      %convert_element_type3A_127 = arith.extui %lt3A_126 : i1 to i32
      %cond3A_128 = arith.constant 0 : i32
      %cond3A_129 = arith.cmpi ne, %convert_element_type3A_127, %cond3A_128 : i32
      scf.if %cond3A_129 {
        %add3A_148 = arith.constant 2 : i32
        %add3A_149 = arith.addi %add3A_79, %add3A_148 : i32
        %add3A_150 = arith.constant 4 : i32
        %add3A_151 = arith.addi %add3A_149, %add3A_150 : i32
        %dma_start3A_152 = arith.constant 0 : i32
        %dma_start3A_153 = tpu.memref_slice %arg7[%add3A_151, %dma_start3A_152] : memref<80x128xi32, #tpu.memory_space<vmem>> -> memref<1x128xi32, #tpu.memory_space<vmem>>
        %dma_start3A_154 = tpu.memref_squeeze %dma_start3A_153 : memref<1x128xi32, #tpu.memory_space<vmem>> -> memref<128xi32, #tpu.memory_space<vmem>>
        %dma_start3A_155 = arith.constant 0 : i32
        %dma_start3A_156 = arith.constant 0 : i32
        %dma_start3A_157 = tpu.memref_slice %arg14[%dma_start3A_155, %dma_start3A_156] : memref<10240x32xf32, #tpu.memory_space<vmem_shared>> -> memref<10240x32xf32, #tpu.memory_space<vmem_shared>>
        tpu.enqueue_indirect_dma source(%dma_start3A_157 : memref<10240x32xf32, #tpu.memory_space<vmem_shared>>) target(%arg11 : memref<128x32xf32, #tpu.memory_space<vmem>>) offsets(%dma_start3A_154 : memref<128xi32, #tpu.memory_space<vmem>>) semaphore(%arg17 : memref<!tpu.dma_semaphore, #tpu.memory_space<semaphore_mem>>)
      } else {
      }
      %dma_wait3A_130 = arith.constant 0 : i32
      %dma_wait3A_131 = arith.constant 0 : i32
      %dma_wait3A_132 = tpu.memref_slice %arg7[%dma_wait3A_130, %dma_wait3A_131] : memref<80x128xi32, #tpu.memory_space<vmem>> -> memref<1x128xi32, #tpu.memory_space<vmem>>
      %dma_wait3A_133 = tpu.memref_squeeze %dma_wait3A_132 : memref<1x128xi32, #tpu.memory_space<vmem>> -> memref<128xi32, #tpu.memory_space<vmem>>
      %dma_wait3A_134 = arith.constant 0 : i32
      %dma_wait3A_135 = arith.constant 0 : i32
      %dma_wait3A_136 = tpu.memref_slice %arg14[%dma_wait3A_134, %dma_wait3A_135] : memref<10240x32xf32, #tpu.memory_space<vmem_shared>> -> memref<10240x32xf32, #tpu.memory_space<vmem_shared>>
      tpu.wait_indirect_dma semaphore(%arg18 : memref<!tpu.dma_semaphore, #tpu.memory_space<semaphore_mem>>) src(%dma_wait3A_136 : memref<10240x32xf32, #tpu.memory_space<vmem_shared>>) dst(%arg12 : memref<128x32xf32, #tpu.memory_space<vmem>>)
      %add3A_137 = arith.constant 3 : i32
      %add3A_138 = arith.addi %add3A_79, %add3A_137 : i32
      "tpu.region"() ({
        %run_scoped3A_148 = tpu.sem_alloc : memref<!tpu.dma_semaphore, #tpu.memory_space<semaphore_mem>>
        %dma_start3A_149 = arith.constant 0 : i32
        %dma_start3A_150 = tpu.memref_slice %arg8[%add3A_138, %dma_start3A_149] : memref<80x128xi32, #tpu.memory_space<vmem>> -> memref<1x128xi32, #tpu.memory_space<vmem>>
        %dma_start3A_151 = tpu.memref_squeeze %dma_start3A_150 : memref<1x128xi32, #tpu.memory_space<vmem>> -> memref<128xi32, #tpu.memory_space<vmem>>
        %dma_start3A_152 = arith.constant 0 : i32
        %dma_start3A_153 = arith.constant 0 : i32
        %dma_start3A_154 = tpu.memref_slice %arg13[%dma_start3A_152, %dma_start3A_153] : memref<10240x32xf32, #tpu.memory_space<vmem_shared>> -> memref<10240x32xf32, #tpu.memory_space<vmem_shared>>
        tpu.enqueue_indirect_dma source(%arg12 : memref<128x32xf32, #tpu.memory_space<vmem>>) target(%dma_start3A_154 : memref<10240x32xf32, #tpu.memory_space<vmem_shared>>) offsets(%dma_start3A_151 : memref<128xi32, #tpu.memory_space<vmem>>) semaphore(%run_scoped3A_148 : memref<!tpu.dma_semaphore, #tpu.memory_space<semaphore_mem>>) {add = true}
        %dma_wait3A_155 = arith.constant 0 : i32
        %dma_wait3A_156 = tpu.memref_slice %arg8[%add3A_138, %dma_wait3A_155] : memref<80x128xi32, #tpu.memory_space<vmem>> -> memref<1x128xi32, #tpu.memory_space<vmem>>
        %dma_wait3A_157 = tpu.memref_squeeze %dma_wait3A_156 : memref<1x128xi32, #tpu.memory_space<vmem>> -> memref<128xi32, #tpu.memory_space<vmem>>
        %dma_wait3A_158 = arith.constant 0 : i32
        %dma_wait3A_159 = arith.constant 0 : i32
        %dma_wait3A_160 = tpu.memref_slice %arg13[%dma_wait3A_158, %dma_wait3A_159] : memref<10240x32xf32, #tpu.memory_space<vmem_shared>> -> memref<10240x32xf32, #tpu.memory_space<vmem_shared>>
        tpu.wait_indirect_dma semaphore(%run_scoped3A_148 : memref<!tpu.dma_semaphore, #tpu.memory_space<semaphore_mem>>) src(%arg12 : memref<128x32xf32, #tpu.memory_space<vmem>>) dst(%dma_wait3A_160 : memref<10240x32xf32, #tpu.memory_space<vmem_shared>>)
        tpu.yield
      }) : () -> ()
      %add3A_139 = arith.constant 3 : i32
      %add3A_140 = arith.addi %add3A_79, %add3A_139 : i32
      %add3A_141 = arith.constant 4 : i32
      %add3A_142 = arith.addi %add3A_140, %add3A_141 : i32
      %lt3A_143 = arith.constant 80 : i32
      %lt3A_144 = arith.cmpi slt, %add3A_142, %lt3A_143 : i32
      %convert_element_type3A_145 = arith.extui %lt3A_144 : i1 to i32
      %cond3A_146 = arith.constant 0 : i32
      %cond3A_147 = arith.cmpi ne, %convert_element_type3A_145, %cond3A_146 : i32
      scf.if %cond3A_147 {
        %add3A_148 = arith.constant 3 : i32
        %add3A_149 = arith.addi %add3A_79, %add3A_148 : i32
        %add3A_150 = arith.constant 4 : i32
        %add3A_151 = arith.addi %add3A_149, %add3A_150 : i32
        %dma_start3A_152 = arith.constant 0 : i32
        %dma_start3A_153 = tpu.memref_slice %arg7[%add3A_151, %dma_start3A_152] : memref<80x128xi32, #tpu.memory_space<vmem>> -> memref<1x128xi32, #tpu.memory_space<vmem>>
        %dma_start3A_154 = tpu.memref_squeeze %dma_start3A_153 : memref<1x128xi32, #tpu.memory_space<vmem>> -> memref<128xi32, #tpu.memory_space<vmem>>
        %dma_start3A_155 = arith.constant 0 : i32
        %dma_start3A_156 = arith.constant 0 : i32
        %dma_start3A_157 = tpu.memref_slice %arg14[%dma_start3A_155, %dma_start3A_156] : memref<10240x32xf32, #tpu.memory_space<vmem_shared>> -> memref<10240x32xf32, #tpu.memory_space<vmem_shared>>
        tpu.enqueue_indirect_dma source(%dma_start3A_157 : memref<10240x32xf32, #tpu.memory_space<vmem_shared>>) target(%arg12 : memref<128x32xf32, #tpu.memory_space<vmem>>) offsets(%dma_start3A_154 : memref<128xi32, #tpu.memory_space<vmem>>) semaphore(%arg18 : memref<!tpu.dma_semaphore, #tpu.memory_space<semaphore_mem>>)
      } else {
      }
    }
    %scan3A_71 = arith.constant 20 : i32
    %barrier3A_72 = arith.constant 0 : index
    tpu.barrier barrier_id(%barrier3A_72)
    %run_scoped3A_73 = arith.constant 1 : i32
    "tpu.region"() ({
      %run_scoped3A_75 = tpu.sem_alloc : memref<!tpu.dma_semaphore, #tpu.memory_space<semaphore_mem>>
      %dma_start3A_76 = arith.constant 0 : i32
      %dma_start3A_77 = arith.constant 0 : i32
      %dma_start3A_78 = arith.constant 0 : i32
      %dma_start3A_79 = tpu.memref_slice %arg6[%arg0, %dma_start3A_76, %dma_start3A_77, %dma_start3A_78] : memref<2x2x10240x32xf32, #tpu.memory_space<hbm>> -> memref<1x2x10240x32xf32, #tpu.memory_space<hbm>>
      %dma_start3A_80 = tpu.memref_squeeze %dma_start3A_79 : memref<1x2x10240x32xf32, #tpu.memory_space<hbm>> -> memref<2x10240x32xf32, #tpu.memory_space<hbm>>
      %dma_start3A_81 = arith.constant 0 : i32
      %dma_start3A_82 = arith.constant 0 : i32
      %dma_start3A_83 = tpu.memref_slice %dma_start3A_80[%run_scoped3A_73, %dma_start3A_81, %dma_start3A_82] : memref<2x10240x32xf32, #tpu.memory_space<hbm>> -> memref<1x10240x32xf32, #tpu.memory_space<hbm>>
      %dma_start3A_84 = tpu.memref_squeeze %dma_start3A_83 : memref<1x10240x32xf32, #tpu.memory_space<hbm>> -> memref<10240x32xf32, #tpu.memory_space<hbm>>
      %dma_start3A_85 = arith.constant 0 : i32
      %dma_start3A_86 = tpu.memref_slice %dma_start3A_84[%mul3A_0, %dma_start3A_85] : memref<10240x32xf32, #tpu.memory_space<hbm>> -> memref<640x32xf32, #tpu.memory_space<hbm>>
      %dma_start3A_87 = arith.constant 0 : i32
      %dma_start3A_88 = tpu.memref_slice %arg13[%mul3A_0, %dma_start3A_87] : memref<10240x32xf32, #tpu.memory_space<vmem_shared>> -> memref<640x32xf32, #tpu.memory_space<vmem_shared>>
      tpu.enqueue_dma source(%dma_start3A_88 : memref<640x32xf32, #tpu.memory_space<vmem_shared>>) target(%dma_start3A_86 : memref<640x32xf32, #tpu.memory_space<hbm>>) target_semaphore(%run_scoped3A_75 : memref<!tpu.dma_semaphore, #tpu.memory_space<semaphore_mem>>)
      %dma_wait3A = arith.constant 0 : i32
      %dma_wait3A_89 = arith.constant 0 : i32
      %dma_wait3A_90 = arith.constant 0 : i32
      %dma_wait3A_91 = tpu.memref_slice %arg6[%arg0, %dma_wait3A, %dma_wait3A_89, %dma_wait3A_90] : memref<2x2x10240x32xf32, #tpu.memory_space<hbm>> -> memref<1x2x10240x32xf32, #tpu.memory_space<hbm>>
      %dma_wait3A_92 = tpu.memref_squeeze %dma_wait3A_91 : memref<1x2x10240x32xf32, #tpu.memory_space<hbm>> -> memref<2x10240x32xf32, #tpu.memory_space<hbm>>
      %dma_wait3A_93 = arith.constant 0 : i32
      %dma_wait3A_94 = arith.constant 0 : i32
      %dma_wait3A_95 = tpu.memref_slice %dma_wait3A_92[%run_scoped3A_73, %dma_wait3A_93, %dma_wait3A_94] : memref<2x10240x32xf32, #tpu.memory_space<hbm>> -> memref<1x10240x32xf32, #tpu.memory_space<hbm>>
      %dma_wait3A_96 = tpu.memref_squeeze %dma_wait3A_95 : memref<1x10240x32xf32, #tpu.memory_space<hbm>> -> memref<10240x32xf32, #tpu.memory_space<hbm>>
      %dma_wait3A_97 = arith.constant 0 : i32
      %dma_wait3A_98 = tpu.memref_slice %dma_wait3A_96[%mul3A_0, %dma_wait3A_97] : memref<10240x32xf32, #tpu.memory_space<hbm>> -> memref<640x32xf32, #tpu.memory_space<hbm>>
      %dma_wait3A_99 = arith.constant 0 : i32
      %dma_wait3A_100 = tpu.memref_slice %arg13[%mul3A_0, %dma_wait3A_99] : memref<10240x32xf32, #tpu.memory_space<vmem_shared>> -> memref<640x32xf32, #tpu.memory_space<vmem_shared>>
      tpu.wait_dma2 semaphore(%run_scoped3A_75 : memref<!tpu.dma_semaphore, #tpu.memory_space<semaphore_mem>>) src(%dma_wait3A_100 : memref<640x32xf32, #tpu.memory_space<vmem_shared>>) dst(%dma_wait3A_98 : memref<640x32xf32, #tpu.memory_space<hbm>>)
      tpu.yield
    }) : () -> ()
    %barrier3A_74 = arith.constant 0 : index
    tpu.barrier barrier_id(%barrier3A_74)
    return
  }
}

#map = affine_map<(d0, d1) -> (0, 0)>
#map1 = affine_map<(d0, d1) -> (0, 0, 0)>
module attributes {stable_mosaic.version = 14 : i64} {
  func.func @k(%arg0: i32, %arg1: i32, %arg2: memref<2560x128xi32, #tpu.memory_space<hbm>>, %arg3: memref<128x16xf32, #tpu.memory_space<hbm>>, %arg4: memref<10240x16xf32, #tpu.memory_space<hbm>>, %arg5: memref<2x10240x16xf32, #tpu.memory_space<hbm>>, %arg6: memref<80x128xi32, #tpu.memory_space<vmem>>, %arg7: memref<128x16xf32, #tpu.memory_space<vmem>>, %arg8: memref<10240x16xf32, #tpu.memory_space<vmem_shared>>) attributes {dimension_semantics = [#tpu.dimension_semantics<core_parallel>, #tpu.dimension_semantics<subcore_parallel>], iteration_bounds = array<i64: 2, 16>, scalar_prefetch = 0 : i64, scratch_operands = 3 : i64, tpu.core_type = #tpu.core_type<sc_vector_subcore>, window_params = [{transform_indices = #map}, {transform_indices = #map}, {transform_indices = #map}, {transform_indices = #map1}]} {
    %mul3A = arith.constant 2 : i32
    %mul3A_0 = arith.muli %arg1, %mul3A : i32
    %add3A = arith.addi %mul3A_0, %arg0 : i32
    %mul3A_1 = arith.constant 640 : i32
    %mul3A_2 = arith.muli %arg1, %mul3A_1 : i32
    "tpu.region"() ({
      %run_scoped3A = tpu.sem_alloc : memref<!tpu.dma_semaphore, #tpu.memory_space<semaphore_mem>>
      %dma_start3A = arith.constant 0 : i32
      %dma_start3A_10 = tpu.memref_slice %arg8[%mul3A_2, %dma_start3A] : memref<10240x16xf32, #tpu.memory_space<vmem_shared>> -> memref<640x16xf32, #tpu.memory_space<vmem_shared>>
      %dma_start3A_11 = arith.constant 0 : i32
      %dma_start3A_12 = tpu.memref_slice %arg4[%mul3A_2, %dma_start3A_11] : memref<10240x16xf32, #tpu.memory_space<hbm>> -> memref<640x16xf32, #tpu.memory_space<hbm>>
      tpu.enqueue_dma source(%dma_start3A_12 : memref<640x16xf32, #tpu.memory_space<hbm>>) target(%dma_start3A_10 : memref<640x16xf32, #tpu.memory_space<vmem_shared>>) target_semaphore(%run_scoped3A : memref<!tpu.dma_semaphore, #tpu.memory_space<semaphore_mem>>)
      %dma_wait3A = arith.constant 0 : i32
      %dma_wait3A_13 = tpu.memref_slice %arg8[%mul3A_2, %dma_wait3A] : memref<10240x16xf32, #tpu.memory_space<vmem_shared>> -> memref<640x16xf32, #tpu.memory_space<vmem_shared>>
      %dma_wait3A_14 = arith.constant 0 : i32
      %dma_wait3A_15 = tpu.memref_slice %arg4[%mul3A_2, %dma_wait3A_14] : memref<10240x16xf32, #tpu.memory_space<hbm>> -> memref<640x16xf32, #tpu.memory_space<hbm>>
      tpu.wait_dma2 semaphore(%run_scoped3A : memref<!tpu.dma_semaphore, #tpu.memory_space<semaphore_mem>>) src(%dma_wait3A_15 : memref<640x16xf32, #tpu.memory_space<hbm>>) dst(%dma_wait3A_13 : memref<640x16xf32, #tpu.memory_space<vmem_shared>>)
      tpu.yield
    }) : () -> ()
    "tpu.region"() ({
      %run_scoped3A = tpu.sem_alloc : memref<!tpu.dma_semaphore, #tpu.memory_space<semaphore_mem>>
      tpu.enqueue_dma source(%arg3 : memref<128x16xf32, #tpu.memory_space<hbm>>) target(%arg7 : memref<128x16xf32, #tpu.memory_space<vmem>>) target_semaphore(%run_scoped3A : memref<!tpu.dma_semaphore, #tpu.memory_space<semaphore_mem>>)
      tpu.wait_dma2 semaphore(%run_scoped3A : memref<!tpu.dma_semaphore, #tpu.memory_space<semaphore_mem>>) src(%arg3 : memref<128x16xf32, #tpu.memory_space<hbm>>) dst(%arg7 : memref<128x16xf32, #tpu.memory_space<vmem>>)
      tpu.yield
    }) : () -> ()
    %mul3A_3 = arith.constant 80 : i32
    %mul3A_4 = arith.muli %add3A, %mul3A_3 : i32
    "tpu.region"() ({
      %run_scoped3A = tpu.sem_alloc : memref<!tpu.dma_semaphore, #tpu.memory_space<semaphore_mem>>
      %dma_start3A = arith.constant 0 : i32
      %dma_start3A_10 = tpu.memref_slice %arg2[%mul3A_4, %dma_start3A] : memref<2560x128xi32, #tpu.memory_space<hbm>> -> memref<80x128xi32, #tpu.memory_space<hbm>>
      %dma_start3A_11 = arith.constant 0 : i32
      %dma_start3A_12 = tpu.memref_slice %arg2[%mul3A_4, %dma_start3A_11] : memref<2560x128xi32, #tpu.memory_space<hbm>> -> memref<80x128xi32, #tpu.memory_space<hbm>>
      tpu.enqueue_dma source(%dma_start3A_12 : memref<80x128xi32, #tpu.memory_space<hbm>>) target(%arg6 : memref<80x128xi32, #tpu.memory_space<vmem>>) target_semaphore(%run_scoped3A : memref<!tpu.dma_semaphore, #tpu.memory_space<semaphore_mem>>)
      %dma_wait3A = arith.constant 0 : i32
      %dma_wait3A_13 = tpu.memref_slice %arg2[%mul3A_4, %dma_wait3A] : memref<2560x128xi32, #tpu.memory_space<hbm>> -> memref<80x128xi32, #tpu.memory_space<hbm>>
      %dma_wait3A_14 = arith.constant 0 : i32
      %dma_wait3A_15 = tpu.memref_slice %arg2[%mul3A_4, %dma_wait3A_14] : memref<2560x128xi32, #tpu.memory_space<hbm>> -> memref<80x128xi32, #tpu.memory_space<hbm>>
      tpu.wait_dma2 semaphore(%run_scoped3A : memref<!tpu.dma_semaphore, #tpu.memory_space<semaphore_mem>>) src(%dma_wait3A_15 : memref<80x128xi32, #tpu.memory_space<hbm>>) dst(%arg6 : memref<80x128xi32, #tpu.memory_space<vmem>>)
      tpu.yield
    }) : () -> ()
    %barrier3A = arith.constant 0 : index
    tpu.barrier barrier_id(%barrier3A)
    %scan3A = arith.constant 0 : i32
    %scan3A_5 = arith.constant 80 : i32
    %scan3A_6 = arith.addi %scan3A, %scan3A_5 : i32
    %scan3A_7 = arith.constant 1 : i32
    scf.for %scan3A_10 = %scan3A to %scan3A_6 step %scan3A_7  : i32 {
      %mul3A_11 = arith.constant 1 : i32
      %mul3A_12 = arith.muli %scan3A_10, %mul3A_11 : i32
      %add3A_13 = arith.constant 0 : i32
      %add3A_14 = arith.addi %add3A_13, %mul3A_12 : i32
      "tpu.region"() ({
        %run_scoped3A = tpu.sem_alloc : memref<!tpu.dma_semaphore, #tpu.memory_space<semaphore_mem>>
        %dma_start3A = arith.constant 0 : i32
        %dma_start3A_15 = tpu.memref_slice %arg6[%add3A_14, %dma_start3A] : memref<80x128xi32, #tpu.memory_space<vmem>> -> memref<1x128xi32, #tpu.memory_space<vmem>>
        %dma_start3A_16 = tpu.memref_squeeze %dma_start3A_15 : memref<1x128xi32, #tpu.memory_space<vmem>> -> memref<128xi32, #tpu.memory_space<vmem>>
        %dma_start3A_17 = arith.constant 0 : i32
        %dma_start3A_18 = arith.constant 0 : i32
        %dma_start3A_19 = tpu.memref_slice %arg8[%dma_start3A_17, %dma_start3A_18] : memref<10240x16xf32, #tpu.memory_space<vmem_shared>> -> memref<10240x16xf32, #tpu.memory_space<vmem_shared>>
        tpu.enqueue_indirect_dma source(%arg7 : memref<128x16xf32, #tpu.memory_space<vmem>>) target(%dma_start3A_19 : memref<10240x16xf32, #tpu.memory_space<vmem_shared>>) offsets(%dma_start3A_16 : memref<128xi32, #tpu.memory_space<vmem>>) semaphore(%run_scoped3A : memref<!tpu.dma_semaphore, #tpu.memory_space<semaphore_mem>>) {add = true}
        %dma_wait3A = arith.constant 0 : i32
        %dma_wait3A_20 = tpu.memref_slice %arg6[%add3A_14, %dma_wait3A] : memref<80x128xi32, #tpu.memory_space<vmem>> -> memref<1x128xi32, #tpu.memory_space<vmem>>
        %dma_wait3A_21 = tpu.memref_squeeze %dma_wait3A_20 : memref<1x128xi32, #tpu.memory_space<vmem>> -> memref<128xi32, #tpu.memory_space<vmem>>
        %dma_wait3A_22 = arith.constant 0 : i32
        %dma_wait3A_23 = arith.constant 0 : i32
        %dma_wait3A_24 = tpu.memref_slice %arg8[%dma_wait3A_22, %dma_wait3A_23] : memref<10240x16xf32, #tpu.memory_space<vmem_shared>> -> memref<10240x16xf32, #tpu.memory_space<vmem_shared>>
        tpu.wait_indirect_dma semaphore(%run_scoped3A : memref<!tpu.dma_semaphore, #tpu.memory_space<semaphore_mem>>) src(%arg7 : memref<128x16xf32, #tpu.memory_space<vmem>>) dst(%dma_wait3A_24 : memref<10240x16xf32, #tpu.memory_space<vmem_shared>>)
        tpu.yield
      }) : () -> ()
    }
    %scan3A_8 = arith.constant 80 : i32
    %barrier3A_9 = arith.constant 0 : index
    tpu.barrier barrier_id(%barrier3A_9)
    "tpu.region"() ({
      %run_scoped3A = tpu.sem_alloc : memref<!tpu.dma_semaphore, #tpu.memory_space<semaphore_mem>>
      %dma_start3A = arith.constant 0 : i32
      %dma_start3A_10 = arith.constant 0 : i32
      %dma_start3A_11 = tpu.memref_slice %arg5[%arg0, %dma_start3A, %dma_start3A_10] : memref<2x10240x16xf32, #tpu.memory_space<hbm>> -> memref<1x10240x16xf32, #tpu.memory_space<hbm>>
      %dma_start3A_12 = tpu.memref_squeeze %dma_start3A_11 : memref<1x10240x16xf32, #tpu.memory_space<hbm>> -> memref<10240x16xf32, #tpu.memory_space<hbm>>
      %dma_start3A_13 = arith.constant 0 : i32
      %dma_start3A_14 = tpu.memref_slice %dma_start3A_12[%mul3A_2, %dma_start3A_13] : memref<10240x16xf32, #tpu.memory_space<hbm>> -> memref<640x16xf32, #tpu.memory_space<hbm>>
      %dma_start3A_15 = arith.constant 0 : i32
      %dma_start3A_16 = tpu.memref_slice %arg8[%mul3A_2, %dma_start3A_15] : memref<10240x16xf32, #tpu.memory_space<vmem_shared>> -> memref<640x16xf32, #tpu.memory_space<vmem_shared>>
      tpu.enqueue_dma source(%dma_start3A_16 : memref<640x16xf32, #tpu.memory_space<vmem_shared>>) target(%dma_start3A_14 : memref<640x16xf32, #tpu.memory_space<hbm>>) target_semaphore(%run_scoped3A : memref<!tpu.dma_semaphore, #tpu.memory_space<semaphore_mem>>)
      %dma_wait3A = arith.constant 0 : i32
      %dma_wait3A_17 = arith.constant 0 : i32
      %dma_wait3A_18 = tpu.memref_slice %arg5[%arg0, %dma_wait3A, %dma_wait3A_17] : memref<2x10240x16xf32, #tpu.memory_space<hbm>> -> memref<1x10240x16xf32, #tpu.memory_space<hbm>>
      %dma_wait3A_19 = tpu.memref_squeeze %dma_wait3A_18 : memref<1x10240x16xf32, #tpu.memory_space<hbm>> -> memref<10240x16xf32, #tpu.memory_space<hbm>>
      %dma_wait3A_20 = arith.constant 0 : i32
      %dma_wait3A_21 = tpu.memref_slice %dma_wait3A_19[%mul3A_2, %dma_wait3A_20] : memref<10240x16xf32, #tpu.memory_space<hbm>> -> memref<640x16xf32, #tpu.memory_space<hbm>>
      %dma_wait3A_22 = arith.constant 0 : i32
      %dma_wait3A_23 = tpu.memref_slice %arg8[%mul3A_2, %dma_wait3A_22] : memref<10240x16xf32, #tpu.memory_space<vmem_shared>> -> memref<640x16xf32, #tpu.memory_space<vmem_shared>>
      tpu.wait_dma2 semaphore(%run_scoped3A : memref<!tpu.dma_semaphore, #tpu.memory_space<semaphore_mem>>) src(%dma_wait3A_23 : memref<640x16xf32, #tpu.memory_space<vmem_shared>>) dst(%dma_wait3A_21 : memref<640x16xf32, #tpu.memory_space<hbm>>)
      tpu.yield
    }) : () -> ()
    return
  }
}

#map = affine_map<(d0, d1) -> (0, 0)>
#map1 = affine_map<(d0, d1) -> (0, 0, 0, 0)>
module attributes {stable_mosaic.version = 14 : i64} {
  func.func @k(%arg0: i32, %arg1: i32, %arg2: memref<10240x64xf32, #tpu.memory_space<hbm>>, %arg3: memref<2560x128xi32, #tpu.memory_space<hbm>>, %arg4: memref<2560x128xi32, #tpu.memory_space<hbm>>, %arg5: memref<10240x32xf32, #tpu.memory_space<hbm>>, %arg6: memref<2x2x10240x32xf32, #tpu.memory_space<hbm>>, %arg7: memref<80x128xi32, #tpu.memory_space<vmem>>, %arg8: memref<80x128xi32, #tpu.memory_space<vmem>>, %arg9: memref<128x32xf32, #tpu.memory_space<vmem>>, %arg10: memref<128x32xf32, #tpu.memory_space<vmem>>, %arg11: memref<128x32xf32, #tpu.memory_space<vmem>>, %arg12: memref<128x32xf32, #tpu.memory_space<vmem>>, %arg13: memref<10240x32xf32, #tpu.memory_space<vmem_shared>>, %arg14: memref<10240x32xf32, #tpu.memory_space<vmem_shared>>, %arg15: memref<!tpu.dma_semaphore, #tpu.memory_space<semaphore_mem>>, %arg16: memref<!tpu.dma_semaphore, #tpu.memory_space<semaphore_mem>>, %arg17: memref<!tpu.dma_semaphore, #tpu.memory_space<semaphore_mem>>, %arg18: memref<!tpu.dma_semaphore, #tpu.memory_space<semaphore_mem>>) attributes {dimension_semantics = [#tpu.dimension_semantics<core_parallel>, #tpu.dimension_semantics<subcore_parallel>], iteration_bounds = array<i64: 2, 16>, scalar_prefetch = 0 : i64, scratch_operands = 12 : i64, tpu.core_type = #tpu.core_type<sc_vector_subcore>, window_params = [{transform_indices = #map}, {transform_indices = #map}, {transform_indices = #map}, {transform_indices = #map}, {transform_indices = #map1}]} {
    %mul3A = arith.constant 640 : i32
    %mul3A_0 = arith.muli %arg1, %mul3A : i32
    %mul3A_1 = arith.constant 16 : i32
    %mul3A_2 = arith.muli %arg0, %mul3A_1 : i32
    %add3A = arith.addi %mul3A_2, %arg1 : i32
    %mul3A_3 = arith.constant 80 : i32
    %mul3A_4 = arith.muli %add3A, %mul3A_3 : i32
    "tpu.region"() ({
      %run_scoped3A_75 = tpu.sem_alloc : memref<!tpu.dma_semaphore, #tpu.memory_space<semaphore_mem>>
      %dma_start3A_76 = arith.constant 0 : i32
      %dma_start3A_77 = tpu.memref_slice %arg3[%mul3A_4, %dma_start3A_76] : memref<2560x128xi32, #tpu.memory_space<hbm>> -> memref<80x128xi32, #tpu.memory_space<hbm>>
      %dma_start3A_78 = arith.constant 0 : i32
      %dma_start3A_79 = tpu.memref_slice %arg3[%mul3A_4, %dma_start3A_78] : memref<2560x128xi32, #tpu.memory_space<hbm>> -> memref<80x128xi32, #tpu.memory_space<hbm>>
      tpu.enqueue_dma source(%dma_start3A_79 : memref<80x128xi32, #tpu.memory_space<hbm>>) target(%arg7 : memref<80x128xi32, #tpu.memory_space<vmem>>) target_semaphore(%run_scoped3A_75 : memref<!tpu.dma_semaphore, #tpu.memory_space<semaphore_mem>>)
      %dma_wait3A = arith.constant 0 : i32
      %dma_wait3A_80 = tpu.memref_slice %arg3[%mul3A_4, %dma_wait3A] : memref<2560x128xi32, #tpu.memory_space<hbm>> -> memref<80x128xi32, #tpu.memory_space<hbm>>
      %dma_wait3A_81 = arith.constant 0 : i32
      %dma_wait3A_82 = tpu.memref_slice %arg3[%mul3A_4, %dma_wait3A_81] : memref<2560x128xi32, #tpu.memory_space<hbm>> -> memref<80x128xi32, #tpu.memory_space<hbm>>
      tpu.wait_dma2 semaphore(%run_scoped3A_75 : memref<!tpu.dma_semaphore, #tpu.memory_space<semaphore_mem>>) src(%dma_wait3A_82 : memref<80x128xi32, #tpu.memory_space<hbm>>) dst(%arg7 : memref<80x128xi32, #tpu.memory_space<vmem>>)
      tpu.yield
    }) : () -> ()
    "tpu.region"() ({
      %run_scoped3A_75 = tpu.sem_alloc : memref<!tpu.dma_semaphore, #tpu.memory_space<semaphore_mem>>
      %dma_start3A_76 = arith.constant 0 : i32
      %dma_start3A_77 = tpu.memref_slice %arg4[%mul3A_4, %dma_start3A_76] : memref<2560x128xi32, #tpu.memory_space<hbm>> -> memref<80x128xi32, #tpu.memory_space<hbm>>
      %dma_start3A_78 = arith.constant 0 : i32
      %dma_start3A_79 = tpu.memref_slice %arg4[%mul3A_4, %dma_start3A_78] : memref<2560x128xi32, #tpu.memory_space<hbm>> -> memref<80x128xi32, #tpu.memory_space<hbm>>
      tpu.enqueue_dma source(%dma_start3A_79 : memref<80x128xi32, #tpu.memory_space<hbm>>) target(%arg8 : memref<80x128xi32, #tpu.memory_space<vmem>>) target_semaphore(%run_scoped3A_75 : memref<!tpu.dma_semaphore, #tpu.memory_space<semaphore_mem>>)
      %dma_wait3A = arith.constant 0 : i32
      %dma_wait3A_80 = tpu.memref_slice %arg4[%mul3A_4, %dma_wait3A] : memref<2560x128xi32, #tpu.memory_space<hbm>> -> memref<80x128xi32, #tpu.memory_space<hbm>>
      %dma_wait3A_81 = arith.constant 0 : i32
      %dma_wait3A_82 = tpu.memref_slice %arg4[%mul3A_4, %dma_wait3A_81] : memref<2560x128xi32, #tpu.memory_space<hbm>> -> memref<80x128xi32, #tpu.memory_space<hbm>>
      tpu.wait_dma2 semaphore(%run_scoped3A_75 : memref<!tpu.dma_semaphore, #tpu.memory_space<semaphore_mem>>) src(%dma_wait3A_82 : memref<80x128xi32, #tpu.memory_space<hbm>>) dst(%arg8 : memref<80x128xi32, #tpu.memory_space<vmem>>)
      tpu.yield
    }) : () -> ()
    "tpu.region"() ({
      %run_scoped3A_75 = tpu.sem_alloc : memref<!tpu.dma_semaphore, #tpu.memory_space<semaphore_mem>>
      %dma_start3A_76 = arith.constant 0 : i32
      %dma_start3A_77 = tpu.memref_slice %arg13[%mul3A_0, %dma_start3A_76] : memref<10240x32xf32, #tpu.memory_space<vmem_shared>> -> memref<640x32xf32, #tpu.memory_space<vmem_shared>>
      %dma_start3A_78 = arith.constant 0 : i32
      %dma_start3A_79 = tpu.memref_slice %arg5[%mul3A_0, %dma_start3A_78] : memref<10240x32xf32, #tpu.memory_space<hbm>> -> memref<640x32xf32, #tpu.memory_space<hbm>>
      tpu.enqueue_dma source(%dma_start3A_79 : memref<640x32xf32, #tpu.memory_space<hbm>>) target(%dma_start3A_77 : memref<640x32xf32, #tpu.memory_space<vmem_shared>>) target_semaphore(%run_scoped3A_75 : memref<!tpu.dma_semaphore, #tpu.memory_space<semaphore_mem>>)
      %dma_wait3A = arith.constant 0 : i32
      %dma_wait3A_80 = tpu.memref_slice %arg13[%mul3A_0, %dma_wait3A] : memref<10240x32xf32, #tpu.memory_space<vmem_shared>> -> memref<640x32xf32, #tpu.memory_space<vmem_shared>>
      %dma_wait3A_81 = arith.constant 0 : i32
      %dma_wait3A_82 = tpu.memref_slice %arg5[%mul3A_0, %dma_wait3A_81] : memref<10240x32xf32, #tpu.memory_space<hbm>> -> memref<640x32xf32, #tpu.memory_space<hbm>>
      tpu.wait_dma2 semaphore(%run_scoped3A_75 : memref<!tpu.dma_semaphore, #tpu.memory_space<semaphore_mem>>) src(%dma_wait3A_82 : memref<640x32xf32, #tpu.memory_space<hbm>>) dst(%dma_wait3A_80 : memref<640x32xf32, #tpu.memory_space<vmem_shared>>)
      tpu.yield
    }) : () -> ()
    "tpu.region"() ({
      %run_scoped3A_75 = tpu.sem_alloc : memref<!tpu.dma_semaphore, #tpu.memory_space<semaphore_mem>>
      %dma_start3A_76 = arith.constant 0 : i32
      %dma_start3A_77 = tpu.memref_slice %arg14[%mul3A_0, %dma_start3A_76] : memref<10240x32xf32, #tpu.memory_space<vmem_shared>> -> memref<640x32xf32, #tpu.memory_space<vmem_shared>>
      %dma_start3A_78 = arith.constant 0 : i32
      %dma_start3A_79 = tpu.memref_slice %arg2[%mul3A_0, %dma_start3A_78] : memref<10240x64xf32, #tpu.memory_space<hbm>> -> memref<640x32xf32, #tpu.memory_space<hbm>>
      tpu.enqueue_dma source(%dma_start3A_79 : memref<640x32xf32, #tpu.memory_space<hbm>>) target(%dma_start3A_77 : memref<640x32xf32, #tpu.memory_space<vmem_shared>>) target_semaphore(%run_scoped3A_75 : memref<!tpu.dma_semaphore, #tpu.memory_space<semaphore_mem>>)
      %dma_wait3A = arith.constant 0 : i32
      %dma_wait3A_80 = tpu.memref_slice %arg14[%mul3A_0, %dma_wait3A] : memref<10240x32xf32, #tpu.memory_space<vmem_shared>> -> memref<640x32xf32, #tpu.memory_space<vmem_shared>>
      %dma_wait3A_81 = arith.constant 0 : i32
      %dma_wait3A_82 = tpu.memref_slice %arg2[%mul3A_0, %dma_wait3A_81] : memref<10240x64xf32, #tpu.memory_space<hbm>> -> memref<640x32xf32, #tpu.memory_space<hbm>>
      tpu.wait_dma2 semaphore(%run_scoped3A_75 : memref<!tpu.dma_semaphore, #tpu.memory_space<semaphore_mem>>) src(%dma_wait3A_82 : memref<640x32xf32, #tpu.memory_space<hbm>>) dst(%dma_wait3A_80 : memref<640x32xf32, #tpu.memory_space<vmem_shared>>)
      tpu.yield
    }) : () -> ()
    %barrier3A = arith.constant 0 : index
    tpu.barrier barrier_id(%barrier3A)
    %dma_start3A = arith.constant 0 : i32
    %dma_start3A_5 = arith.constant 0 : i32
    %dma_start3A_6 = tpu.memref_slice %arg7[%dma_start3A, %dma_start3A_5] : memref<80x128xi32, #tpu.memory_space<vmem>> -> memref<1x128xi32, #tpu.memory_space<vmem>>
    %dma_start3A_7 = tpu.memref_squeeze %dma_start3A_6 : memref<1x128xi32, #tpu.memory_space<vmem>> -> memref<128xi32, #tpu.memory_space<vmem>>
    %dma_start3A_8 = arith.constant 0 : i32
    %dma_start3A_9 = arith.constant 0 : i32
    %dma_start3A_10 = tpu.memref_slice %arg14[%dma_start3A_8, %dma_start3A_9] : memref<10240x32xf32, #tpu.memory_space<vmem_shared>> -> memref<10240x32xf32, #tpu.memory_space<vmem_shared>>
    tpu.enqueue_indirect_dma source(%dma_start3A_10 : memref<10240x32xf32, #tpu.memory_space<vmem_shared>>) target(%arg9 : memref<128x32xf32, #tpu.memory_space<vmem>>) offsets(%dma_start3A_7 : memref<128xi32, #tpu.memory_space<vmem>>) semaphore(%arg15 : memref<!tpu.dma_semaphore, #tpu.memory_space<semaphore_mem>>)
    %dma_start3A_11 = arith.constant 1 : i32
    %dma_start3A_12 = arith.constant 0 : i32
    %dma_start3A_13 = tpu.memref_slice %arg7[%dma_start3A_11, %dma_start3A_12] : memref<80x128xi32, #tpu.memory_space<vmem>> -> memref<1x128xi32, #tpu.memory_space<vmem>>
    %dma_start3A_14 = tpu.memref_squeeze %dma_start3A_13 : memref<1x128xi32, #tpu.memory_space<vmem>> -> memref<128xi32, #tpu.memory_space<vmem>>
    %dma_start3A_15 = arith.constant 0 : i32
    %dma_start3A_16 = arith.constant 0 : i32
    %dma_start3A_17 = tpu.memref_slice %arg14[%dma_start3A_15, %dma_start3A_16] : memref<10240x32xf32, #tpu.memory_space<vmem_shared>> -> memref<10240x32xf32, #tpu.memory_space<vmem_shared>>
    tpu.enqueue_indirect_dma source(%dma_start3A_17 : memref<10240x32xf32, #tpu.memory_space<vmem_shared>>) target(%arg10 : memref<128x32xf32, #tpu.memory_space<vmem>>) offsets(%dma_start3A_14 : memref<128xi32, #tpu.memory_space<vmem>>) semaphore(%arg16 : memref<!tpu.dma_semaphore, #tpu.memory_space<semaphore_mem>>)
    %dma_start3A_18 = arith.constant 2 : i32
    %dma_start3A_19 = arith.constant 0 : i32
    %dma_start3A_20 = tpu.memref_slice %arg7[%dma_start3A_18, %dma_start3A_19] : memref<80x128xi32, #tpu.memory_space<vmem>> -> memref<1x128xi32, #tpu.memory_space<vmem>>
    %dma_start3A_21 = tpu.memref_squeeze %dma_start3A_20 : memref<1x128xi32, #tpu.memory_space<vmem>> -> memref<128xi32, #tpu.memory_space<vmem>>
    %dma_start3A_22 = arith.constant 0 : i32
    %dma_start3A_23 = arith.constant 0 : i32
    %dma_start3A_24 = tpu.memref_slice %arg14[%dma_start3A_22, %dma_start3A_23] : memref<10240x32xf32, #tpu.memory_space<vmem_shared>> -> memref<10240x32xf32, #tpu.memory_space<vmem_shared>>
    tpu.enqueue_indirect_dma source(%dma_start3A_24 : memref<10240x32xf32, #tpu.memory_space<vmem_shared>>) target(%arg11 : memref<128x32xf32, #tpu.memory_space<vmem>>) offsets(%dma_start3A_21 : memref<128xi32, #tpu.memory_space<vmem>>) semaphore(%arg17 : memref<!tpu.dma_semaphore, #tpu.memory_space<semaphore_mem>>)
    %dma_start3A_25 = arith.constant 3 : i32
    %dma_start3A_26 = arith.constant 0 : i32
    %dma_start3A_27 = tpu.memref_slice %arg7[%dma_start3A_25, %dma_start3A_26] : memref<80x128xi32, #tpu.memory_space<vmem>> -> memref<1x128xi32, #tpu.memory_space<vmem>>
    %dma_start3A_28 = tpu.memref_squeeze %dma_start3A_27 : memref<1x128xi32, #tpu.memory_space<vmem>> -> memref<128xi32, #tpu.memory_space<vmem>>
    %dma_start3A_29 = arith.constant 0 : i32
    %dma_start3A_30 = arith.constant 0 : i32
    %dma_start3A_31 = tpu.memref_slice %arg14[%dma_start3A_29, %dma_start3A_30] : memref<10240x32xf32, #tpu.memory_space<vmem_shared>> -> memref<10240x32xf32, #tpu.memory_space<vmem_shared>>
    tpu.enqueue_indirect_dma source(%dma_start3A_31 : memref<10240x32xf32, #tpu.memory_space<vmem_shared>>) target(%arg12 : memref<128x32xf32, #tpu.memory_space<vmem>>) offsets(%dma_start3A_28 : memref<128xi32, #tpu.memory_space<vmem>>) semaphore(%arg18 : memref<!tpu.dma_semaphore, #tpu.memory_space<semaphore_mem>>)
    %scan3A = arith.constant 0 : i32
    %scan3A_32 = arith.constant 20 : i32
    %scan3A_33 = arith.addi %scan3A, %scan3A_32 : i32
    %scan3A_34 = arith.constant 1 : i32
    scf.for %scan3A_75 = %scan3A to %scan3A_33 step %scan3A_34  : i32 {
      %mul3A_76 = arith.constant 4 : i32
      %mul3A_77 = arith.muli %scan3A_75, %mul3A_76 : i32
      %add3A_78 = arith.constant 0 : i32
      %add3A_79 = arith.addi %add3A_78, %mul3A_77 : i32
      %dma_wait3A = arith.constant 0 : i32
      %dma_wait3A_80 = arith.constant 0 : i32
      %dma_wait3A_81 = tpu.memref_slice %arg7[%dma_wait3A, %dma_wait3A_80] : memref<80x128xi32, #tpu.memory_space<vmem>> -> memref<1x128xi32, #tpu.memory_space<vmem>>
      %dma_wait3A_82 = tpu.memref_squeeze %dma_wait3A_81 : memref<1x128xi32, #tpu.memory_space<vmem>> -> memref<128xi32, #tpu.memory_space<vmem>>
      %dma_wait3A_83 = arith.constant 0 : i32
      %dma_wait3A_84 = arith.constant 0 : i32
      %dma_wait3A_85 = tpu.memref_slice %arg14[%dma_wait3A_83, %dma_wait3A_84] : memref<10240x32xf32, #tpu.memory_space<vmem_shared>> -> memref<10240x32xf32, #tpu.memory_space<vmem_shared>>
      tpu.wait_indirect_dma semaphore(%arg15 : memref<!tpu.dma_semaphore, #tpu.memory_space<semaphore_mem>>) src(%dma_wait3A_85 : memref<10240x32xf32, #tpu.memory_space<vmem_shared>>) dst(%arg9 : memref<128x32xf32, #tpu.memory_space<vmem>>)
      %add3A_86 = arith.constant 0 : i32
      %add3A_87 = arith.addi %add3A_79, %add3A_86 : i32
      "tpu.region"() ({
        %run_scoped3A_148 = tpu.sem_alloc : memref<!tpu.dma_semaphore, #tpu.memory_space<semaphore_mem>>
        %dma_start3A_149 = arith.constant 0 : i32
        %dma_start3A_150 = tpu.memref_slice %arg8[%add3A_87, %dma_start3A_149] : memref<80x128xi32, #tpu.memory_space<vmem>> -> memref<1x128xi32, #tpu.memory_space<vmem>>
        %dma_start3A_151 = tpu.memref_squeeze %dma_start3A_150 : memref<1x128xi32, #tpu.memory_space<vmem>> -> memref<128xi32, #tpu.memory_space<vmem>>
        %dma_start3A_152 = arith.constant 0 : i32
        %dma_start3A_153 = arith.constant 0 : i32
        %dma_start3A_154 = tpu.memref_slice %arg13[%dma_start3A_152, %dma_start3A_153] : memref<10240x32xf32, #tpu.memory_space<vmem_shared>> -> memref<10240x32xf32, #tpu.memory_space<vmem_shared>>
        tpu.enqueue_indirect_dma source(%arg9 : memref<128x32xf32, #tpu.memory_space<vmem>>) target(%dma_start3A_154 : memref<10240x32xf32, #tpu.memory_space<vmem_shared>>) offsets(%dma_start3A_151 : memref<128xi32, #tpu.memory_space<vmem>>) semaphore(%run_scoped3A_148 : memref<!tpu.dma_semaphore, #tpu.memory_space<semaphore_mem>>) {add = true}
        %dma_wait3A_155 = arith.constant 0 : i32
        %dma_wait3A_156 = tpu.memref_slice %arg8[%add3A_87, %dma_wait3A_155] : memref<80x128xi32, #tpu.memory_space<vmem>> -> memref<1x128xi32, #tpu.memory_space<vmem>>
        %dma_wait3A_157 = tpu.memref_squeeze %dma_wait3A_156 : memref<1x128xi32, #tpu.memory_space<vmem>> -> memref<128xi32, #tpu.memory_space<vmem>>
        %dma_wait3A_158 = arith.constant 0 : i32
        %dma_wait3A_159 = arith.constant 0 : i32
        %dma_wait3A_160 = tpu.memref_slice %arg13[%dma_wait3A_158, %dma_wait3A_159] : memref<10240x32xf32, #tpu.memory_space<vmem_shared>> -> memref<10240x32xf32, #tpu.memory_space<vmem_shared>>
        tpu.wait_indirect_dma semaphore(%run_scoped3A_148 : memref<!tpu.dma_semaphore, #tpu.memory_space<semaphore_mem>>) src(%arg9 : memref<128x32xf32, #tpu.memory_space<vmem>>) dst(%dma_wait3A_160 : memref<10240x32xf32, #tpu.memory_space<vmem_shared>>)
        tpu.yield
      }) : () -> ()
      %add3A_88 = arith.constant 0 : i32
      %add3A_89 = arith.addi %add3A_79, %add3A_88 : i32
      %add3A_90 = arith.constant 4 : i32
      %add3A_91 = arith.addi %add3A_89, %add3A_90 : i32
      %lt3A = arith.constant 80 : i32
      %lt3A_92 = arith.cmpi slt, %add3A_91, %lt3A : i32
      %convert_element_type3A = arith.extui %lt3A_92 : i1 to i32
      %cond3A = arith.constant 0 : i32
      %cond3A_93 = arith.cmpi ne, %convert_element_type3A, %cond3A : i32
      scf.if %cond3A_93 {
        %add3A_148 = arith.constant 0 : i32
        %add3A_149 = arith.addi %add3A_79, %add3A_148 : i32
        %add3A_150 = arith.constant 4 : i32
        %add3A_151 = arith.addi %add3A_149, %add3A_150 : i32
        %dma_start3A_152 = arith.constant 0 : i32
        %dma_start3A_153 = tpu.memref_slice %arg7[%add3A_151, %dma_start3A_152] : memref<80x128xi32, #tpu.memory_space<vmem>> -> memref<1x128xi32, #tpu.memory_space<vmem>>
        %dma_start3A_154 = tpu.memref_squeeze %dma_start3A_153 : memref<1x128xi32, #tpu.memory_space<vmem>> -> memref<128xi32, #tpu.memory_space<vmem>>
        %dma_start3A_155 = arith.constant 0 : i32
        %dma_start3A_156 = arith.constant 0 : i32
        %dma_start3A_157 = tpu.memref_slice %arg14[%dma_start3A_155, %dma_start3A_156] : memref<10240x32xf32, #tpu.memory_space<vmem_shared>> -> memref<10240x32xf32, #tpu.memory_space<vmem_shared>>
        tpu.enqueue_indirect_dma source(%dma_start3A_157 : memref<10240x32xf32, #tpu.memory_space<vmem_shared>>) target(%arg9 : memref<128x32xf32, #tpu.memory_space<vmem>>) offsets(%dma_start3A_154 : memref<128xi32, #tpu.memory_space<vmem>>) semaphore(%arg15 : memref<!tpu.dma_semaphore, #tpu.memory_space<semaphore_mem>>)
      } else {
      }
      %dma_wait3A_94 = arith.constant 0 : i32
      %dma_wait3A_95 = arith.constant 0 : i32
      %dma_wait3A_96 = tpu.memref_slice %arg7[%dma_wait3A_94, %dma_wait3A_95] : memref<80x128xi32, #tpu.memory_space<vmem>> -> memref<1x128xi32, #tpu.memory_space<vmem>>
      %dma_wait3A_97 = tpu.memref_squeeze %dma_wait3A_96 : memref<1x128xi32, #tpu.memory_space<vmem>> -> memref<128xi32, #tpu.memory_space<vmem>>
      %dma_wait3A_98 = arith.constant 0 : i32
      %dma_wait3A_99 = arith.constant 0 : i32
      %dma_wait3A_100 = tpu.memref_slice %arg14[%dma_wait3A_98, %dma_wait3A_99] : memref<10240x32xf32, #tpu.memory_space<vmem_shared>> -> memref<10240x32xf32, #tpu.memory_space<vmem_shared>>
      tpu.wait_indirect_dma semaphore(%arg16 : memref<!tpu.dma_semaphore, #tpu.memory_space<semaphore_mem>>) src(%dma_wait3A_100 : memref<10240x32xf32, #tpu.memory_space<vmem_shared>>) dst(%arg10 : memref<128x32xf32, #tpu.memory_space<vmem>>)
      %add3A_101 = arith.constant 1 : i32
      %add3A_102 = arith.addi %add3A_79, %add3A_101 : i32
      "tpu.region"() ({
        %run_scoped3A_148 = tpu.sem_alloc : memref<!tpu.dma_semaphore, #tpu.memory_space<semaphore_mem>>
        %dma_start3A_149 = arith.constant 0 : i32
        %dma_start3A_150 = tpu.memref_slice %arg8[%add3A_102, %dma_start3A_149] : memref<80x128xi32, #tpu.memory_space<vmem>> -> memref<1x128xi32, #tpu.memory_space<vmem>>
        %dma_start3A_151 = tpu.memref_squeeze %dma_start3A_150 : memref<1x128xi32, #tpu.memory_space<vmem>> -> memref<128xi32, #tpu.memory_space<vmem>>
        %dma_start3A_152 = arith.constant 0 : i32
        %dma_start3A_153 = arith.constant 0 : i32
        %dma_start3A_154 = tpu.memref_slice %arg13[%dma_start3A_152, %dma_start3A_153] : memref<10240x32xf32, #tpu.memory_space<vmem_shared>> -> memref<10240x32xf32, #tpu.memory_space<vmem_shared>>
        tpu.enqueue_indirect_dma source(%arg10 : memref<128x32xf32, #tpu.memory_space<vmem>>) target(%dma_start3A_154 : memref<10240x32xf32, #tpu.memory_space<vmem_shared>>) offsets(%dma_start3A_151 : memref<128xi32, #tpu.memory_space<vmem>>) semaphore(%run_scoped3A_148 : memref<!tpu.dma_semaphore, #tpu.memory_space<semaphore_mem>>) {add = true}
        %dma_wait3A_155 = arith.constant 0 : i32
        %dma_wait3A_156 = tpu.memref_slice %arg8[%add3A_102, %dma_wait3A_155] : memref<80x128xi32, #tpu.memory_space<vmem>> -> memref<1x128xi32, #tpu.memory_space<vmem>>
        %dma_wait3A_157 = tpu.memref_squeeze %dma_wait3A_156 : memref<1x128xi32, #tpu.memory_space<vmem>> -> memref<128xi32, #tpu.memory_space<vmem>>
        %dma_wait3A_158 = arith.constant 0 : i32
        %dma_wait3A_159 = arith.constant 0 : i32
        %dma_wait3A_160 = tpu.memref_slice %arg13[%dma_wait3A_158, %dma_wait3A_159] : memref<10240x32xf32, #tpu.memory_space<vmem_shared>> -> memref<10240x32xf32, #tpu.memory_space<vmem_shared>>
        tpu.wait_indirect_dma semaphore(%run_scoped3A_148 : memref<!tpu.dma_semaphore, #tpu.memory_space<semaphore_mem>>) src(%arg10 : memref<128x32xf32, #tpu.memory_space<vmem>>) dst(%dma_wait3A_160 : memref<10240x32xf32, #tpu.memory_space<vmem_shared>>)
        tpu.yield
      }) : () -> ()
      %add3A_103 = arith.constant 1 : i32
      %add3A_104 = arith.addi %add3A_79, %add3A_103 : i32
      %add3A_105 = arith.constant 4 : i32
      %add3A_106 = arith.addi %add3A_104, %add3A_105 : i32
      %lt3A_107 = arith.constant 80 : i32
      %lt3A_108 = arith.cmpi slt, %add3A_106, %lt3A_107 : i32
      %convert_element_type3A_109 = arith.extui %lt3A_108 : i1 to i32
      %cond3A_110 = arith.constant 0 : i32
      %cond3A_111 = arith.cmpi ne, %convert_element_type3A_109, %cond3A_110 : i32
      scf.if %cond3A_111 {
        %add3A_148 = arith.constant 1 : i32
        %add3A_149 = arith.addi %add3A_79, %add3A_148 : i32
        %add3A_150 = arith.constant 4 : i32
        %add3A_151 = arith.addi %add3A_149, %add3A_150 : i32
        %dma_start3A_152 = arith.constant 0 : i32
        %dma_start3A_153 = tpu.memref_slice %arg7[%add3A_151, %dma_start3A_152] : memref<80x128xi32, #tpu.memory_space<vmem>> -> memref<1x128xi32, #tpu.memory_space<vmem>>
        %dma_start3A_154 = tpu.memref_squeeze %dma_start3A_153 : memref<1x128xi32, #tpu.memory_space<vmem>> -> memref<128xi32, #tpu.memory_space<vmem>>
        %dma_start3A_155 = arith.constant 0 : i32
        %dma_start3A_156 = arith.constant 0 : i32
        %dma_start3A_157 = tpu.memref_slice %arg14[%dma_start3A_155, %dma_start3A_156] : memref<10240x32xf32, #tpu.memory_space<vmem_shared>> -> memref<10240x32xf32, #tpu.memory_space<vmem_shared>>
        tpu.enqueue_indirect_dma source(%dma_start3A_157 : memref<10240x32xf32, #tpu.memory_space<vmem_shared>>) target(%arg10 : memref<128x32xf32, #tpu.memory_space<vmem>>) offsets(%dma_start3A_154 : memref<128xi32, #tpu.memory_space<vmem>>) semaphore(%arg16 : memref<!tpu.dma_semaphore, #tpu.memory_space<semaphore_mem>>)
      } else {
      }
      %dma_wait3A_112 = arith.constant 0 : i32
      %dma_wait3A_113 = arith.constant 0 : i32
      %dma_wait3A_114 = tpu.memref_slice %arg7[%dma_wait3A_112, %dma_wait3A_113] : memref<80x128xi32, #tpu.memory_space<vmem>> -> memref<1x128xi32, #tpu.memory_space<vmem>>
      %dma_wait3A_115 = tpu.memref_squeeze %dma_wait3A_114 : memref<1x128xi32, #tpu.memory_space<vmem>> -> memref<128xi32, #tpu.memory_space<vmem>>
      %dma_wait3A_116 = arith.constant 0 : i32
      %dma_wait3A_117 = arith.constant 0 : i32
      %dma_wait3A_118 = tpu.memref_slice %arg14[%dma_wait3A_116, %dma_wait3A_117] : memref<10240x32xf32, #tpu.memory_space<vmem_shared>> -> memref<10240x32xf32, #tpu.memory_space<vmem_shared>>
      tpu.wait_indirect_dma semaphore(%arg17 : memref<!tpu.dma_semaphore, #tpu.memory_space<semaphore_mem>>) src(%dma_wait3A_118 : memref<10240x32xf32, #tpu.memory_space<vmem_shared>>) dst(%arg11 : memref<128x32xf32, #tpu.memory_space<vmem>>)
      %add3A_119 = arith.constant 2 : i32
      %add3A_120 = arith.addi %add3A_79, %add3A_119 : i32
      "tpu.region"() ({
        %run_scoped3A_148 = tpu.sem_alloc : memref<!tpu.dma_semaphore, #tpu.memory_space<semaphore_mem>>
        %dma_start3A_149 = arith.constant 0 : i32
        %dma_start3A_150 = tpu.memref_slice %arg8[%add3A_120, %dma_start3A_149] : memref<80x128xi32, #tpu.memory_space<vmem>> -> memref<1x128xi32, #tpu.memory_space<vmem>>
        %dma_start3A_151 = tpu.memref_squeeze %dma_start3A_150 : memref<1x128xi32, #tpu.memory_space<vmem>> -> memref<128xi32, #tpu.memory_space<vmem>>
        %dma_start3A_152 = arith.constant 0 : i32
        %dma_start3A_153 = arith.constant 0 : i32
        %dma_start3A_154 = tpu.memref_slice %arg13[%dma_start3A_152, %dma_start3A_153] : memref<10240x32xf32, #tpu.memory_space<vmem_shared>> -> memref<10240x32xf32, #tpu.memory_space<vmem_shared>>
        tpu.enqueue_indirect_dma source(%arg11 : memref<128x32xf32, #tpu.memory_space<vmem>>) target(%dma_start3A_154 : memref<10240x32xf32, #tpu.memory_space<vmem_shared>>) offsets(%dma_start3A_151 : memref<128xi32, #tpu.memory_space<vmem>>) semaphore(%run_scoped3A_148 : memref<!tpu.dma_semaphore, #tpu.memory_space<semaphore_mem>>) {add = true}
        %dma_wait3A_155 = arith.constant 0 : i32
        %dma_wait3A_156 = tpu.memref_slice %arg8[%add3A_120, %dma_wait3A_155] : memref<80x128xi32, #tpu.memory_space<vmem>> -> memref<1x128xi32, #tpu.memory_space<vmem>>
        %dma_wait3A_157 = tpu.memref_squeeze %dma_wait3A_156 : memref<1x128xi32, #tpu.memory_space<vmem>> -> memref<128xi32, #tpu.memory_space<vmem>>
        %dma_wait3A_158 = arith.constant 0 : i32
        %dma_wait3A_159 = arith.constant 0 : i32
        %dma_wait3A_160 = tpu.memref_slice %arg13[%dma_wait3A_158, %dma_wait3A_159] : memref<10240x32xf32, #tpu.memory_space<vmem_shared>> -> memref<10240x32xf32, #tpu.memory_space<vmem_shared>>
        tpu.wait_indirect_dma semaphore(%run_scoped3A_148 : memref<!tpu.dma_semaphore, #tpu.memory_space<semaphore_mem>>) src(%arg11 : memref<128x32xf32, #tpu.memory_space<vmem>>) dst(%dma_wait3A_160 : memref<10240x32xf32, #tpu.memory_space<vmem_shared>>)
        tpu.yield
      }) : () -> ()
      %add3A_121 = arith.constant 2 : i32
      %add3A_122 = arith.addi %add3A_79, %add3A_121 : i32
      %add3A_123 = arith.constant 4 : i32
      %add3A_124 = arith.addi %add3A_122, %add3A_123 : i32
      %lt3A_125 = arith.constant 80 : i32
      %lt3A_126 = arith.cmpi slt, %add3A_124, %lt3A_125 : i32
      %convert_element_type3A_127 = arith.extui %lt3A_126 : i1 to i32
      %cond3A_128 = arith.constant 0 : i32
      %cond3A_129 = arith.cmpi ne, %convert_element_type3A_127, %cond3A_128 : i32
      scf.if %cond3A_129 {
        %add3A_148 = arith.constant 2 : i32
        %add3A_149 = arith.addi %add3A_79, %add3A_148 : i32
        %add3A_150 = arith.constant 4 : i32
        %add3A_151 = arith.addi %add3A_149, %add3A_150 : i32
        %dma_start3A_152 = arith.constant 0 : i32
        %dma_start3A_153 = tpu.memref_slice %arg7[%add3A_151, %dma_start3A_152] : memref<80x128xi32, #tpu.memory_space<vmem>> -> memref<1x128xi32, #tpu.memory_space<vmem>>
        %dma_start3A_154 = tpu.memref_squeeze %dma_start3A_153 : memref<1x128xi32, #tpu.memory_space<vmem>> -> memref<128xi32, #tpu.memory_space<vmem>>
        %dma_start3A_155 = arith.constant 0 : i32
        %dma_start3A_156 = arith.constant 0 : i32
        %dma_start3A_157 = tpu.memref_slice %arg14[%dma_start3A_155, %dma_start3A_156] : memref<10240x32xf32, #tpu.memory_space<vmem_shared>> -> memref<10240x32xf32, #tpu.memory_space<vmem_shared>>
        tpu.enqueue_indirect_dma source(%dma_start3A_157 : memref<10240x32xf32, #tpu.memory_space<vmem_shared>>) target(%arg11 : memref<128x32xf32, #tpu.memory_space<vmem>>) offsets(%dma_start3A_154 : memref<128xi32, #tpu.memory_space<vmem>>) semaphore(%arg17 : memref<!tpu.dma_semaphore, #tpu.memory_space<semaphore_mem>>)
      } else {
      }
      %dma_wait3A_130 = arith.constant 0 : i32
      %dma_wait3A_131 = arith.constant 0 : i32
      %dma_wait3A_132 = tpu.memref_slice %arg7[%dma_wait3A_130, %dma_wait3A_131] : memref<80x128xi32, #tpu.memory_space<vmem>> -> memref<1x128xi32, #tpu.memory_space<vmem>>
      %dma_wait3A_133 = tpu.memref_squeeze %dma_wait3A_132 : memref<1x128xi32, #tpu.memory_space<vmem>> -> memref<128xi32, #tpu.memory_space<vmem>>
      %dma_wait3A_134 = arith.constant 0 : i32
      %dma_wait3A_135 = arith.constant 0 : i32
      %dma_wait3A_136 = tpu.memref_slice %arg14[%dma_wait3A_134, %dma_wait3A_135] : memref<10240x32xf32, #tpu.memory_space<vmem_shared>> -> memref<10240x32xf32, #tpu.memory_space<vmem_shared>>
      tpu.wait_indirect_dma semaphore(%arg18 : memref<!tpu.dma_semaphore, #tpu.memory_space<semaphore_mem>>) src(%dma_wait3A_136 : memref<10240x32xf32, #tpu.memory_space<vmem_shared>>) dst(%arg12 : memref<128x32xf32, #tpu.memory_space<vmem>>)
      %add3A_137 = arith.constant 3 : i32
      %add3A_138 = arith.addi %add3A_79, %add3A_137 : i32
      "tpu.region"() ({
        %run_scoped3A_148 = tpu.sem_alloc : memref<!tpu.dma_semaphore, #tpu.memory_space<semaphore_mem>>
        %dma_start3A_149 = arith.constant 0 : i32
        %dma_start3A_150 = tpu.memref_slice %arg8[%add3A_138, %dma_start3A_149] : memref<80x128xi32, #tpu.memory_space<vmem>> -> memref<1x128xi32, #tpu.memory_space<vmem>>
        %dma_start3A_151 = tpu.memref_squeeze %dma_start3A_150 : memref<1x128xi32, #tpu.memory_space<vmem>> -> memref<128xi32, #tpu.memory_space<vmem>>
        %dma_start3A_152 = arith.constant 0 : i32
        %dma_start3A_153 = arith.constant 0 : i32
        %dma_start3A_154 = tpu.memref_slice %arg13[%dma_start3A_152, %dma_start3A_153] : memref<10240x32xf32, #tpu.memory_space<vmem_shared>> -> memref<10240x32xf32, #tpu.memory_space<vmem_shared>>
        tpu.enqueue_indirect_dma source(%arg12 : memref<128x32xf32, #tpu.memory_space<vmem>>) target(%dma_start3A_154 : memref<10240x32xf32, #tpu.memory_space<vmem_shared>>) offsets(%dma_start3A_151 : memref<128xi32, #tpu.memory_space<vmem>>) semaphore(%run_scoped3A_148 : memref<!tpu.dma_semaphore, #tpu.memory_space<semaphore_mem>>) {add = true}
        %dma_wait3A_155 = arith.constant 0 : i32
        %dma_wait3A_156 = tpu.memref_slice %arg8[%add3A_138, %dma_wait3A_155] : memref<80x128xi32, #tpu.memory_space<vmem>> -> memref<1x128xi32, #tpu.memory_space<vmem>>
        %dma_wait3A_157 = tpu.memref_squeeze %dma_wait3A_156 : memref<1x128xi32, #tpu.memory_space<vmem>> -> memref<128xi32, #tpu.memory_space<vmem>>
        %dma_wait3A_158 = arith.constant 0 : i32
        %dma_wait3A_159 = arith.constant 0 : i32
        %dma_wait3A_160 = tpu.memref_slice %arg13[%dma_wait3A_158, %dma_wait3A_159] : memref<10240x32xf32, #tpu.memory_space<vmem_shared>> -> memref<10240x32xf32, #tpu.memory_space<vmem_shared>>
        tpu.wait_indirect_dma semaphore(%run_scoped3A_148 : memref<!tpu.dma_semaphore, #tpu.memory_space<semaphore_mem>>) src(%arg12 : memref<128x32xf32, #tpu.memory_space<vmem>>) dst(%dma_wait3A_160 : memref<10240x32xf32, #tpu.memory_space<vmem_shared>>)
        tpu.yield
      }) : () -> ()
      %add3A_139 = arith.constant 3 : i32
      %add3A_140 = arith.addi %add3A_79, %add3A_139 : i32
      %add3A_141 = arith.constant 4 : i32
      %add3A_142 = arith.addi %add3A_140, %add3A_141 : i32
      %lt3A_143 = arith.constant 80 : i32
      %lt3A_144 = arith.cmpi slt, %add3A_142, %lt3A_143 : i32
      %convert_element_type3A_145 = arith.extui %lt3A_144 : i1 to i32
      %cond3A_146 = arith.constant 0 : i32
      %cond3A_147 = arith.cmpi ne, %convert_element_type3A_145, %cond3A_146 : i32
      scf.if %cond3A_147 {
        %add3A_148 = arith.constant 3 : i32
        %add3A_149 = arith.addi %add3A_79, %add3A_148 : i32
        %add3A_150 = arith.constant 4 : i32
        %add3A_151 = arith.addi %add3A_149, %add3A_150 : i32
        %dma_start3A_152 = arith.constant 0 : i32
        %dma_start3A_153 = tpu.memref_slice %arg7[%add3A_151, %dma_start3A_152] : memref<80x128xi32, #tpu.memory_space<vmem>> -> memref<1x128xi32, #tpu.memory_space<vmem>>
        %dma_start3A_154 = tpu.memref_squeeze %dma_start3A_153 : memref<1x128xi32, #tpu.memory_space<vmem>> -> memref<128xi32, #tpu.memory_space<vmem>>
        %dma_start3A_155 = arith.constant 0 : i32
        %dma_start3A_156 = arith.constant 0 : i32
        %dma_start3A_157 = tpu.memref_slice %arg14[%dma_start3A_155, %dma_start3A_156] : memref<10240x32xf32, #tpu.memory_space<vmem_shared>> -> memref<10240x32xf32, #tpu.memory_space<vmem_shared>>
        tpu.enqueue_indirect_dma source(%dma_start3A_157 : memref<10240x32xf32, #tpu.memory_space<vmem_shared>>) target(%arg12 : memref<128x32xf32, #tpu.memory_space<vmem>>) offsets(%dma_start3A_154 : memref<128xi32, #tpu.memory_space<vmem>>) semaphore(%arg18 : memref<!tpu.dma_semaphore, #tpu.memory_space<semaphore_mem>>)
      } else {
      }
    }
    %scan3A_35 = arith.constant 20 : i32
    %barrier3A_36 = arith.constant 0 : index
    tpu.barrier barrier_id(%barrier3A_36)
    %run_scoped3A = arith.constant 0 : i32
    "tpu.region"() ({
      %run_scoped3A_75 = tpu.sem_alloc : memref<!tpu.dma_semaphore, #tpu.memory_space<semaphore_mem>>
      %dma_start3A_76 = arith.constant 0 : i32
      %dma_start3A_77 = arith.constant 0 : i32
      %dma_start3A_78 = arith.constant 0 : i32
      %dma_start3A_79 = tpu.memref_slice %arg6[%arg0, %dma_start3A_76, %dma_start3A_77, %dma_start3A_78] : memref<2x2x10240x32xf32, #tpu.memory_space<hbm>> -> memref<1x2x10240x32xf32, #tpu.memory_space<hbm>>
      %dma_start3A_80 = tpu.memref_squeeze %dma_start3A_79 : memref<1x2x10240x32xf32, #tpu.memory_space<hbm>> -> memref<2x10240x32xf32, #tpu.memory_space<hbm>>
      %dma_start3A_81 = arith.constant 0 : i32
      %dma_start3A_82 = arith.constant 0 : i32
      %dma_start3A_83 = tpu.memref_slice %dma_start3A_80[%run_scoped3A, %dma_start3A_81, %dma_start3A_82] : memref<2x10240x32xf32, #tpu.memory_space<hbm>> -> memref<1x10240x32xf32, #tpu.memory_space<hbm>>
      %dma_start3A_84 = tpu.memref_squeeze %dma_start3A_83 : memref<1x10240x32xf32, #tpu.memory_space<hbm>> -> memref<10240x32xf32, #tpu.memory_space<hbm>>
      %dma_start3A_85 = arith.constant 0 : i32
      %dma_start3A_86 = tpu.memref_slice %dma_start3A_84[%mul3A_0, %dma_start3A_85] : memref<10240x32xf32, #tpu.memory_space<hbm>> -> memref<640x32xf32, #tpu.memory_space<hbm>>
      %dma_start3A_87 = arith.constant 0 : i32
      %dma_start3A_88 = tpu.memref_slice %arg13[%mul3A_0, %dma_start3A_87] : memref<10240x32xf32, #tpu.memory_space<vmem_shared>> -> memref<640x32xf32, #tpu.memory_space<vmem_shared>>
      tpu.enqueue_dma source(%dma_start3A_88 : memref<640x32xf32, #tpu.memory_space<vmem_shared>>) target(%dma_start3A_86 : memref<640x32xf32, #tpu.memory_space<hbm>>) target_semaphore(%run_scoped3A_75 : memref<!tpu.dma_semaphore, #tpu.memory_space<semaphore_mem>>)
      %dma_wait3A = arith.constant 0 : i32
      %dma_wait3A_89 = arith.constant 0 : i32
      %dma_wait3A_90 = arith.constant 0 : i32
      %dma_wait3A_91 = tpu.memref_slice %arg6[%arg0, %dma_wait3A, %dma_wait3A_89, %dma_wait3A_90] : memref<2x2x10240x32xf32, #tpu.memory_space<hbm>> -> memref<1x2x10240x32xf32, #tpu.memory_space<hbm>>
      %dma_wait3A_92 = tpu.memref_squeeze %dma_wait3A_91 : memref<1x2x10240x32xf32, #tpu.memory_space<hbm>> -> memref<2x10240x32xf32, #tpu.memory_space<hbm>>
      %dma_wait3A_93 = arith.constant 0 : i32
      %dma_wait3A_94 = arith.constant 0 : i32
      %dma_wait3A_95 = tpu.memref_slice %dma_wait3A_92[%run_scoped3A, %dma_wait3A_93, %dma_wait3A_94] : memref<2x10240x32xf32, #tpu.memory_space<hbm>> -> memref<1x10240x32xf32, #tpu.memory_space<hbm>>
      %dma_wait3A_96 = tpu.memref_squeeze %dma_wait3A_95 : memref<1x10240x32xf32, #tpu.memory_space<hbm>> -> memref<10240x32xf32, #tpu.memory_space<hbm>>
      %dma_wait3A_97 = arith.constant 0 : i32
      %dma_wait3A_98 = tpu.memref_slice %dma_wait3A_96[%mul3A_0, %dma_wait3A_97] : memref<10240x32xf32, #tpu.memory_space<hbm>> -> memref<640x32xf32, #tpu.memory_space<hbm>>
      %dma_wait3A_99 = arith.constant 0 : i32
      %dma_wait3A_100 = tpu.memref_slice %arg13[%mul3A_0, %dma_wait3A_99] : memref<10240x32xf32, #tpu.memory_space<vmem_shared>> -> memref<640x32xf32, #tpu.memory_space<vmem_shared>>
      tpu.wait_dma2 semaphore(%run_scoped3A_75 : memref<!tpu.dma_semaphore, #tpu.memory_space<semaphore_mem>>) src(%dma_wait3A_100 : memref<640x32xf32, #tpu.memory_space<vmem_shared>>) dst(%dma_wait3A_98 : memref<640x32xf32, #tpu.memory_space<hbm>>)
      tpu.yield
    }) : () -> ()
    %barrier3A_37 = arith.constant 0 : index
    tpu.barrier barrier_id(%barrier3A_37)
    "tpu.region"() ({
      %run_scoped3A_75 = tpu.sem_alloc : memref<!tpu.dma_semaphore, #tpu.memory_space<semaphore_mem>>
      %dma_start3A_76 = arith.constant 0 : i32
      %dma_start3A_77 = tpu.memref_slice %arg13[%mul3A_0, %dma_start3A_76] : memref<10240x32xf32, #tpu.memory_space<vmem_shared>> -> memref<640x32xf32, #tpu.memory_space<vmem_shared>>
      %dma_start3A_78 = arith.constant 0 : i32
      %dma_start3A_79 = tpu.memref_slice %arg5[%mul3A_0, %dma_start3A_78] : memref<10240x32xf32, #tpu.memory_space<hbm>> -> memref<640x32xf32, #tpu.memory_space<hbm>>
      tpu.enqueue_dma source(%dma_start3A_79 : memref<640x32xf32, #tpu.memory_space<hbm>>) target(%dma_start3A_77 : memref<640x32xf32, #tpu.memory_space<vmem_shared>>) target_semaphore(%run_scoped3A_75 : memref<!tpu.dma_semaphore, #tpu.memory_space<semaphore_mem>>)
      %dma_wait3A = arith.constant 0 : i32
      %dma_wait3A_80 = tpu.memref_slice %arg13[%mul3A_0, %dma_wait3A] : memref<10240x32xf32, #tpu.memory_space<vmem_shared>> -> memref<640x32xf32, #tpu.memory_space<vmem_shared>>
      %dma_wait3A_81 = arith.constant 0 : i32
      %dma_wait3A_82 = tpu.memref_slice %arg5[%mul3A_0, %dma_wait3A_81] : memref<10240x32xf32, #tpu.memory_space<hbm>> -> memref<640x32xf32, #tpu.memory_space<hbm>>
      tpu.wait_dma2 semaphore(%run_scoped3A_75 : memref<!tpu.dma_semaphore, #tpu.memory_space<semaphore_mem>>) src(%dma_wait3A_82 : memref<640x32xf32, #tpu.memory_space<hbm>>) dst(%dma_wait3A_80 : memref<640x32xf32, #tpu.memory_space<vmem_shared>>)
      tpu.yield
    }) : () -> ()
    "tpu.region"() ({
      %run_scoped3A_75 = tpu.sem_alloc : memref<!tpu.dma_semaphore, #tpu.memory_space<semaphore_mem>>
      %dma_start3A_76 = arith.constant 0 : i32
      %dma_start3A_77 = tpu.memref_slice %arg14[%mul3A_0, %dma_start3A_76] : memref<10240x32xf32, #tpu.memory_space<vmem_shared>> -> memref<640x32xf32, #tpu.memory_space<vmem_shared>>
      %dma_start3A_78 = arith.constant 32 : i32
      %dma_start3A_79 = tpu.memref_slice %arg2[%mul3A_0, %dma_start3A_78] : memref<10240x64xf32, #tpu.memory_space<hbm>> -> memref<640x32xf32, #tpu.memory_space<hbm>>
      tpu.enqueue_dma source(%dma_start3A_79 : memref<640x32xf32, #tpu.memory_space<hbm>>) target(%dma_start3A_77 : memref<640x32xf32, #tpu.memory_space<vmem_shared>>) target_semaphore(%run_scoped3A_75 : memref<!tpu.dma_semaphore, #tpu.memory_space<semaphore_mem>>)
      %dma_wait3A = arith.constant 0 : i32
      %dma_wait3A_80 = tpu.memref_slice %arg14[%mul3A_0, %dma_wait3A] : memref<10240x32xf32, #tpu.memory_space<vmem_shared>> -> memref<640x32xf32, #tpu.memory_space<vmem_shared>>
      %dma_wait3A_81 = arith.constant 32 : i32
      %dma_wait3A_82 = tpu.memref_slice %arg2[%mul3A_0, %dma_wait3A_81] : memref<10240x64xf32, #tpu.memory_space<hbm>> -> memref<640x32xf32, #tpu.memory_space<hbm>>
      tpu.wait_dma2 semaphore(%run_scoped3A_75 : memref<!tpu.dma_semaphore, #tpu.memory_space<semaphore_mem>>) src(%dma_wait3A_82 : memref<640x32xf32, #tpu.memory_space<hbm>>) dst(%dma_wait3A_80 : memref<640x32xf32, #tpu.memory_space<vmem_shared>>)
      tpu.yield
    }) : () -> ()
    %barrier3A_38 = arith.constant 0 : index
    tpu.barrier barrier_id(%barrier3A_38)
    %dma_start3A_39 = arith.constant 0 : i32
    %dma_start3A_40 = arith.constant 0 : i32
    %dma_start3A_41 = tpu.memref_slice %arg7[%dma_start3A_39, %dma_start3A_40] : memref<80x128xi32, #tpu.memory_space<vmem>> -> memref<1x128xi32, #tpu.memory_space<vmem>>
    %dma_start3A_42 = tpu.memref_squeeze %dma_start3A_41 : memref<1x128xi32, #tpu.memory_space<vmem>> -> memref<128xi32, #tpu.memory_space<vmem>>
    %dma_start3A_43 = arith.constant 0 : i32
    %dma_start3A_44 = arith.constant 0 : i32
    %dma_start3A_45 = tpu.memref_slice %arg14[%dma_start3A_43, %dma_start3A_44] : memref<10240x32xf32, #tpu.memory_space<vmem_shared>> -> memref<10240x32xf32, #tpu.memory_space<vmem_shared>>
    tpu.enqueue_indirect_dma source(%dma_start3A_45 : memref<10240x32xf32, #tpu.memory_space<vmem_shared>>) target(%arg9 : memref<128x32xf32, #tpu.memory_space<vmem>>) offsets(%dma_start3A_42 : memref<128xi32, #tpu.memory_space<vmem>>) semaphore(%arg15 : memref<!tpu.dma_semaphore, #tpu.memory_space<semaphore_mem>>)
    %dma_start3A_46 = arith.constant 1 : i32
    %dma_start3A_47 = arith.constant 0 : i32
    %dma_start3A_48 = tpu.memref_slice %arg7[%dma_start3A_46, %dma_start3A_47] : memref<80x128xi32, #tpu.memory_space<vmem>> -> memref<1x128xi32, #tpu.memory_space<vmem>>
    %dma_start3A_49 = tpu.memref_squeeze %dma_start3A_48 : memref<1x128xi32, #tpu.memory_space<vmem>> -> memref<128xi32, #tpu.memory_space<vmem>>
    %dma_start3A_50 = arith.constant 0 : i32
    %dma_start3A_51 = arith.constant 0 : i32
    %dma_start3A_52 = tpu.memref_slice %arg14[%dma_start3A_50, %dma_start3A_51] : memref<10240x32xf32, #tpu.memory_space<vmem_shared>> -> memref<10240x32xf32, #tpu.memory_space<vmem_shared>>
    tpu.enqueue_indirect_dma source(%dma_start3A_52 : memref<10240x32xf32, #tpu.memory_space<vmem_shared>>) target(%arg10 : memref<128x32xf32, #tpu.memory_space<vmem>>) offsets(%dma_start3A_49 : memref<128xi32, #tpu.memory_space<vmem>>) semaphore(%arg16 : memref<!tpu.dma_semaphore, #tpu.memory_space<semaphore_mem>>)
    %dma_start3A_53 = arith.constant 2 : i32
    %dma_start3A_54 = arith.constant 0 : i32
    %dma_start3A_55 = tpu.memref_slice %arg7[%dma_start3A_53, %dma_start3A_54] : memref<80x128xi32, #tpu.memory_space<vmem>> -> memref<1x128xi32, #tpu.memory_space<vmem>>
    %dma_start3A_56 = tpu.memref_squeeze %dma_start3A_55 : memref<1x128xi32, #tpu.memory_space<vmem>> -> memref<128xi32, #tpu.memory_space<vmem>>
    %dma_start3A_57 = arith.constant 0 : i32
    %dma_start3A_58 = arith.constant 0 : i32
    %dma_start3A_59 = tpu.memref_slice %arg14[%dma_start3A_57, %dma_start3A_58] : memref<10240x32xf32, #tpu.memory_space<vmem_shared>> -> memref<10240x32xf32, #tpu.memory_space<vmem_shared>>
    tpu.enqueue_indirect_dma source(%dma_start3A_59 : memref<10240x32xf32, #tpu.memory_space<vmem_shared>>) target(%arg11 : memref<128x32xf32, #tpu.memory_space<vmem>>) offsets(%dma_start3A_56 : memref<128xi32, #tpu.memory_space<vmem>>) semaphore(%arg17 : memref<!tpu.dma_semaphore, #tpu.memory_space<semaphore_mem>>)
    %dma_start3A_60 = arith.constant 3 : i32
    %dma_start3A_61 = arith.constant 0 : i32
    %dma_start3A_62 = tpu.memref_slice %arg7[%dma_start3A_60, %dma_start3A_61] : memref<80x128xi32, #tpu.memory_space<vmem>> -> memref<1x128xi32, #tpu.memory_space<vmem>>
    %dma_start3A_63 = tpu.memref_squeeze %dma_start3A_62 : memref<1x128xi32, #tpu.memory_space<vmem>> -> memref<128xi32, #tpu.memory_space<vmem>>
    %dma_start3A_64 = arith.constant 0 : i32
    %dma_start3A_65 = arith.constant 0 : i32
    %dma_start3A_66 = tpu.memref_slice %arg14[%dma_start3A_64, %dma_start3A_65] : memref<10240x32xf32, #tpu.memory_space<vmem_shared>> -> memref<10240x32xf32, #tpu.memory_space<vmem_shared>>
    tpu.enqueue_indirect_dma source(%dma_start3A_66 : memref<10240x32xf32, #tpu.memory_space<vmem_shared>>) target(%arg12 : memref<128x32xf32, #tpu.memory_space<vmem>>) offsets(%dma_start3A_63 : memref<128xi32, #tpu.memory_space<vmem>>) semaphore(%arg18 : memref<!tpu.dma_semaphore, #tpu.memory_space<semaphore_mem>>)
    %scan3A_67 = arith.constant 0 : i32
    %scan3A_68 = arith.constant 20 : i32
    %scan3A_69 = arith.addi %scan3A_67, %scan3A_68 : i32
    %scan3A_70 = arith.constant 1 : i32
    scf.for %scan3A_75 = %scan3A_67 to %scan3A_69 step %scan3A_70  : i32 {
      %mul3A_76 = arith.constant 4 : i32
      %mul3A_77 = arith.muli %scan3A_75, %mul3A_76 : i32
      %add3A_78 = arith.constant 0 : i32
      %add3A_79 = arith.addi %add3A_78, %mul3A_77 : i32
      %dma_wait3A = arith.constant 0 : i32
      %dma_wait3A_80 = arith.constant 0 : i32
      %dma_wait3A_81 = tpu.memref_slice %arg7[%dma_wait3A, %dma_wait3A_80] : memref<80x128xi32, #tpu.memory_space<vmem>> -> memref<1x128xi32, #tpu.memory_space<vmem>>
      %dma_wait3A_82 = tpu.memref_squeeze %dma_wait3A_81 : memref<1x128xi32, #tpu.memory_space<vmem>> -> memref<128xi32, #tpu.memory_space<vmem>>
      %dma_wait3A_83 = arith.constant 0 : i32
      %dma_wait3A_84 = arith.constant 0 : i32
      %dma_wait3A_85 = tpu.memref_slice %arg14[%dma_wait3A_83, %dma_wait3A_84] : memref<10240x32xf32, #tpu.memory_space<vmem_shared>> -> memref<10240x32xf32, #tpu.memory_space<vmem_shared>>
      tpu.wait_indirect_dma semaphore(%arg15 : memref<!tpu.dma_semaphore, #tpu.memory_space<semaphore_mem>>) src(%dma_wait3A_85 : memref<10240x32xf32, #tpu.memory_space<vmem_shared>>) dst(%arg9 : memref<128x32xf32, #tpu.memory_space<vmem>>)
      %add3A_86 = arith.constant 0 : i32
      %add3A_87 = arith.addi %add3A_79, %add3A_86 : i32
      "tpu.region"() ({
        %run_scoped3A_148 = tpu.sem_alloc : memref<!tpu.dma_semaphore, #tpu.memory_space<semaphore_mem>>
        %dma_start3A_149 = arith.constant 0 : i32
        %dma_start3A_150 = tpu.memref_slice %arg8[%add3A_87, %dma_start3A_149] : memref<80x128xi32, #tpu.memory_space<vmem>> -> memref<1x128xi32, #tpu.memory_space<vmem>>
        %dma_start3A_151 = tpu.memref_squeeze %dma_start3A_150 : memref<1x128xi32, #tpu.memory_space<vmem>> -> memref<128xi32, #tpu.memory_space<vmem>>
        %dma_start3A_152 = arith.constant 0 : i32
        %dma_start3A_153 = arith.constant 0 : i32
        %dma_start3A_154 = tpu.memref_slice %arg13[%dma_start3A_152, %dma_start3A_153] : memref<10240x32xf32, #tpu.memory_space<vmem_shared>> -> memref<10240x32xf32, #tpu.memory_space<vmem_shared>>
        tpu.enqueue_indirect_dma source(%arg9 : memref<128x32xf32, #tpu.memory_space<vmem>>) target(%dma_start3A_154 : memref<10240x32xf32, #tpu.memory_space<vmem_shared>>) offsets(%dma_start3A_151 : memref<128xi32, #tpu.memory_space<vmem>>) semaphore(%run_scoped3A_148 : memref<!tpu.dma_semaphore, #tpu.memory_space<semaphore_mem>>) {add = true}
        %dma_wait3A_155 = arith.constant 0 : i32
        %dma_wait3A_156 = tpu.memref_slice %arg8[%add3A_87, %dma_wait3A_155] : memref<80x128xi32, #tpu.memory_space<vmem>> -> memref<1x128xi32, #tpu.memory_space<vmem>>
        %dma_wait3A_157 = tpu.memref_squeeze %dma_wait3A_156 : memref<1x128xi32, #tpu.memory_space<vmem>> -> memref<128xi32, #tpu.memory_space<vmem>>
        %dma_wait3A_158 = arith.constant 0 : i32
        %dma_wait3A_159 = arith.constant 0 : i32
        %dma_wait3A_160 = tpu.memref_slice %arg13[%dma_wait3A_158, %dma_wait3A_159] : memref<10240x32xf32, #tpu.memory_space<vmem_shared>> -> memref<10240x32xf32, #tpu.memory_space<vmem_shared>>
        tpu.wait_indirect_dma semaphore(%run_scoped3A_148 : memref<!tpu.dma_semaphore, #tpu.memory_space<semaphore_mem>>) src(%arg9 : memref<128x32xf32, #tpu.memory_space<vmem>>) dst(%dma_wait3A_160 : memref<10240x32xf32, #tpu.memory_space<vmem_shared>>)
        tpu.yield
      }) : () -> ()
      %add3A_88 = arith.constant 0 : i32
      %add3A_89 = arith.addi %add3A_79, %add3A_88 : i32
      %add3A_90 = arith.constant 4 : i32
      %add3A_91 = arith.addi %add3A_89, %add3A_90 : i32
      %lt3A = arith.constant 80 : i32
      %lt3A_92 = arith.cmpi slt, %add3A_91, %lt3A : i32
      %convert_element_type3A = arith.extui %lt3A_92 : i1 to i32
      %cond3A = arith.constant 0 : i32
      %cond3A_93 = arith.cmpi ne, %convert_element_type3A, %cond3A : i32
      scf.if %cond3A_93 {
        %add3A_148 = arith.constant 0 : i32
        %add3A_149 = arith.addi %add3A_79, %add3A_148 : i32
        %add3A_150 = arith.constant 4 : i32
        %add3A_151 = arith.addi %add3A_149, %add3A_150 : i32
        %dma_start3A_152 = arith.constant 0 : i32
        %dma_start3A_153 = tpu.memref_slice %arg7[%add3A_151, %dma_start3A_152] : memref<80x128xi32, #tpu.memory_space<vmem>> -> memref<1x128xi32, #tpu.memory_space<vmem>>
        %dma_start3A_154 = tpu.memref_squeeze %dma_start3A_153 : memref<1x128xi32, #tpu.memory_space<vmem>> -> memref<128xi32, #tpu.memory_space<vmem>>
        %dma_start3A_155 = arith.constant 0 : i32
        %dma_start3A_156 = arith.constant 0 : i32
        %dma_start3A_157 = tpu.memref_slice %arg14[%dma_start3A_155, %dma_start3A_156] : memref<10240x32xf32, #tpu.memory_space<vmem_shared>> -> memref<10240x32xf32, #tpu.memory_space<vmem_shared>>
        tpu.enqueue_indirect_dma source(%dma_start3A_157 : memref<10240x32xf32, #tpu.memory_space<vmem_shared>>) target(%arg9 : memref<128x32xf32, #tpu.memory_space<vmem>>) offsets(%dma_start3A_154 : memref<128xi32, #tpu.memory_space<vmem>>) semaphore(%arg15 : memref<!tpu.dma_semaphore, #tpu.memory_space<semaphore_mem>>)
      } else {
      }
      %dma_wait3A_94 = arith.constant 0 : i32
      %dma_wait3A_95 = arith.constant 0 : i32
      %dma_wait3A_96 = tpu.memref_slice %arg7[%dma_wait3A_94, %dma_wait3A_95] : memref<80x128xi32, #tpu.memory_space<vmem>> -> memref<1x128xi32, #tpu.memory_space<vmem>>
      %dma_wait3A_97 = tpu.memref_squeeze %dma_wait3A_96 : memref<1x128xi32, #tpu.memory_space<vmem>> -> memref<128xi32, #tpu.memory_space<vmem>>
      %dma_wait3A_98 = arith.constant 0 : i32
      %dma_wait3A_99 = arith.constant 0 : i32
      %dma_wait3A_100 = tpu.memref_slice %arg14[%dma_wait3A_98, %dma_wait3A_99] : memref<10240x32xf32, #tpu.memory_space<vmem_shared>> -> memref<10240x32xf32, #tpu.memory_space<vmem_shared>>
      tpu.wait_indirect_dma semaphore(%arg16 : memref<!tpu.dma_semaphore, #tpu.memory_space<semaphore_mem>>) src(%dma_wait3A_100 : memref<10240x32xf32, #tpu.memory_space<vmem_shared>>) dst(%arg10 : memref<128x32xf32, #tpu.memory_space<vmem>>)
      %add3A_101 = arith.constant 1 : i32
      %add3A_102 = arith.addi %add3A_79, %add3A_101 : i32
      "tpu.region"() ({
        %run_scoped3A_148 = tpu.sem_alloc : memref<!tpu.dma_semaphore, #tpu.memory_space<semaphore_mem>>
        %dma_start3A_149 = arith.constant 0 : i32
        %dma_start3A_150 = tpu.memref_slice %arg8[%add3A_102, %dma_start3A_149] : memref<80x128xi32, #tpu.memory_space<vmem>> -> memref<1x128xi32, #tpu.memory_space<vmem>>
        %dma_start3A_151 = tpu.memref_squeeze %dma_start3A_150 : memref<1x128xi32, #tpu.memory_space<vmem>> -> memref<128xi32, #tpu.memory_space<vmem>>
        %dma_start3A_152 = arith.constant 0 : i32
        %dma_start3A_153 = arith.constant 0 : i32
        %dma_start3A_154 = tpu.memref_slice %arg13[%dma_start3A_152, %dma_start3A_153] : memref<10240x32xf32, #tpu.memory_space<vmem_shared>> -> memref<10240x32xf32, #tpu.memory_space<vmem_shared>>
        tpu.enqueue_indirect_dma source(%arg10 : memref<128x32xf32, #tpu.memory_space<vmem>>) target(%dma_start3A_154 : memref<10240x32xf32, #tpu.memory_space<vmem_shared>>) offsets(%dma_start3A_151 : memref<128xi32, #tpu.memory_space<vmem>>) semaphore(%run_scoped3A_148 : memref<!tpu.dma_semaphore, #tpu.memory_space<semaphore_mem>>) {add = true}
        %dma_wait3A_155 = arith.constant 0 : i32
        %dma_wait3A_156 = tpu.memref_slice %arg8[%add3A_102, %dma_wait3A_155] : memref<80x128xi32, #tpu.memory_space<vmem>> -> memref<1x128xi32, #tpu.memory_space<vmem>>
        %dma_wait3A_157 = tpu.memref_squeeze %dma_wait3A_156 : memref<1x128xi32, #tpu.memory_space<vmem>> -> memref<128xi32, #tpu.memory_space<vmem>>
        %dma_wait3A_158 = arith.constant 0 : i32
        %dma_wait3A_159 = arith.constant 0 : i32
        %dma_wait3A_160 = tpu.memref_slice %arg13[%dma_wait3A_158, %dma_wait3A_159] : memref<10240x32xf32, #tpu.memory_space<vmem_shared>> -> memref<10240x32xf32, #tpu.memory_space<vmem_shared>>
        tpu.wait_indirect_dma semaphore(%run_scoped3A_148 : memref<!tpu.dma_semaphore, #tpu.memory_space<semaphore_mem>>) src(%arg10 : memref<128x32xf32, #tpu.memory_space<vmem>>) dst(%dma_wait3A_160 : memref<10240x32xf32, #tpu.memory_space<vmem_shared>>)
        tpu.yield
      }) : () -> ()
      %add3A_103 = arith.constant 1 : i32
      %add3A_104 = arith.addi %add3A_79, %add3A_103 : i32
      %add3A_105 = arith.constant 4 : i32
      %add3A_106 = arith.addi %add3A_104, %add3A_105 : i32
      %lt3A_107 = arith.constant 80 : i32
      %lt3A_108 = arith.cmpi slt, %add3A_106, %lt3A_107 : i32
      %convert_element_type3A_109 = arith.extui %lt3A_108 : i1 to i32
      %cond3A_110 = arith.constant 0 : i32
      %cond3A_111 = arith.cmpi ne, %convert_element_type3A_109, %cond3A_110 : i32
      scf.if %cond3A_111 {
        %add3A_148 = arith.constant 1 : i32
        %add3A_149 = arith.addi %add3A_79, %add3A_148 : i32
        %add3A_150 = arith.constant 4 : i32
        %add3A_151 = arith.addi %add3A_149, %add3A_150 : i32
        %dma_start3A_152 = arith.constant 0 : i32
        %dma_start3A_153 = tpu.memref_slice %arg7[%add3A_151, %dma_start3A_152] : memref<80x128xi32, #tpu.memory_space<vmem>> -> memref<1x128xi32, #tpu.memory_space<vmem>>
        %dma_start3A_154 = tpu.memref_squeeze %dma_start3A_153 : memref<1x128xi32, #tpu.memory_space<vmem>> -> memref<128xi32, #tpu.memory_space<vmem>>
        %dma_start3A_155 = arith.constant 0 : i32
        %dma_start3A_156 = arith.constant 0 : i32
        %dma_start3A_157 = tpu.memref_slice %arg14[%dma_start3A_155, %dma_start3A_156] : memref<10240x32xf32, #tpu.memory_space<vmem_shared>> -> memref<10240x32xf32, #tpu.memory_space<vmem_shared>>
        tpu.enqueue_indirect_dma source(%dma_start3A_157 : memref<10240x32xf32, #tpu.memory_space<vmem_shared>>) target(%arg10 : memref<128x32xf32, #tpu.memory_space<vmem>>) offsets(%dma_start3A_154 : memref<128xi32, #tpu.memory_space<vmem>>) semaphore(%arg16 : memref<!tpu.dma_semaphore, #tpu.memory_space<semaphore_mem>>)
      } else {
      }
      %dma_wait3A_112 = arith.constant 0 : i32
      %dma_wait3A_113 = arith.constant 0 : i32
      %dma_wait3A_114 = tpu.memref_slice %arg7[%dma_wait3A_112, %dma_wait3A_113] : memref<80x128xi32, #tpu.memory_space<vmem>> -> memref<1x128xi32, #tpu.memory_space<vmem>>
      %dma_wait3A_115 = tpu.memref_squeeze %dma_wait3A_114 : memref<1x128xi32, #tpu.memory_space<vmem>> -> memref<128xi32, #tpu.memory_space<vmem>>
      %dma_wait3A_116 = arith.constant 0 : i32
      %dma_wait3A_117 = arith.constant 0 : i32
      %dma_wait3A_118 = tpu.memref_slice %arg14[%dma_wait3A_116, %dma_wait3A_117] : memref<10240x32xf32, #tpu.memory_space<vmem_shared>> -> memref<10240x32xf32, #tpu.memory_space<vmem_shared>>
      tpu.wait_indirect_dma semaphore(%arg17 : memref<!tpu.dma_semaphore, #tpu.memory_space<semaphore_mem>>) src(%dma_wait3A_118 : memref<10240x32xf32, #tpu.memory_space<vmem_shared>>) dst(%arg11 : memref<128x32xf32, #tpu.memory_space<vmem>>)
      %add3A_119 = arith.constant 2 : i32
      %add3A_120 = arith.addi %add3A_79, %add3A_119 : i32
      "tpu.region"() ({
        %run_scoped3A_148 = tpu.sem_alloc : memref<!tpu.dma_semaphore, #tpu.memory_space<semaphore_mem>>
        %dma_start3A_149 = arith.constant 0 : i32
        %dma_start3A_150 = tpu.memref_slice %arg8[%add3A_120, %dma_start3A_149] : memref<80x128xi32, #tpu.memory_space<vmem>> -> memref<1x128xi32, #tpu.memory_space<vmem>>
        %dma_start3A_151 = tpu.memref_squeeze %dma_start3A_150 : memref<1x128xi32, #tpu.memory_space<vmem>> -> memref<128xi32, #tpu.memory_space<vmem>>
        %dma_start3A_152 = arith.constant 0 : i32
        %dma_start3A_153 = arith.constant 0 : i32
        %dma_start3A_154 = tpu.memref_slice %arg13[%dma_start3A_152, %dma_start3A_153] : memref<10240x32xf32, #tpu.memory_space<vmem_shared>> -> memref<10240x32xf32, #tpu.memory_space<vmem_shared>>
        tpu.enqueue_indirect_dma source(%arg11 : memref<128x32xf32, #tpu.memory_space<vmem>>) target(%dma_start3A_154 : memref<10240x32xf32, #tpu.memory_space<vmem_shared>>) offsets(%dma_start3A_151 : memref<128xi32, #tpu.memory_space<vmem>>) semaphore(%run_scoped3A_148 : memref<!tpu.dma_semaphore, #tpu.memory_space<semaphore_mem>>) {add = true}
        %dma_wait3A_155 = arith.constant 0 : i32
        %dma_wait3A_156 = tpu.memref_slice %arg8[%add3A_120, %dma_wait3A_155] : memref<80x128xi32, #tpu.memory_space<vmem>> -> memref<1x128xi32, #tpu.memory_space<vmem>>
        %dma_wait3A_157 = tpu.memref_squeeze %dma_wait3A_156 : memref<1x128xi32, #tpu.memory_space<vmem>> -> memref<128xi32, #tpu.memory_space<vmem>>
        %dma_wait3A_158 = arith.constant 0 : i32
        %dma_wait3A_159 = arith.constant 0 : i32
        %dma_wait3A_160 = tpu.memref_slice %arg13[%dma_wait3A_158, %dma_wait3A_159] : memref<10240x32xf32, #tpu.memory_space<vmem_shared>> -> memref<10240x32xf32, #tpu.memory_space<vmem_shared>>
        tpu.wait_indirect_dma semaphore(%run_scoped3A_148 : memref<!tpu.dma_semaphore, #tpu.memory_space<semaphore_mem>>) src(%arg11 : memref<128x32xf32, #tpu.memory_space<vmem>>) dst(%dma_wait3A_160 : memref<10240x32xf32, #tpu.memory_space<vmem_shared>>)
        tpu.yield
      }) : () -> ()
      %add3A_121 = arith.constant 2 : i32
      %add3A_122 = arith.addi %add3A_79, %add3A_121 : i32
      %add3A_123 = arith.constant 4 : i32
      %add3A_124 = arith.addi %add3A_122, %add3A_123 : i32
      %lt3A_125 = arith.constant 80 : i32
      %lt3A_126 = arith.cmpi slt, %add3A_124, %lt3A_125 : i32
      %convert_element_type3A_127 = arith.extui %lt3A_126 : i1 to i32
      %cond3A_128 = arith.constant 0 : i32
      %cond3A_129 = arith.cmpi ne, %convert_element_type3A_127, %cond3A_128 : i32
      scf.if %cond3A_129 {
        %add3A_148 = arith.constant 2 : i32
        %add3A_149 = arith.addi %add3A_79, %add3A_148 : i32
        %add3A_150 = arith.constant 4 : i32
        %add3A_151 = arith.addi %add3A_149, %add3A_150 : i32
        %dma_start3A_152 = arith.constant 0 : i32
        %dma_start3A_153 = tpu.memref_slice %arg7[%add3A_151, %dma_start3A_152] : memref<80x128xi32, #tpu.memory_space<vmem>> -> memref<1x128xi32, #tpu.memory_space<vmem>>
        %dma_start3A_154 = tpu.memref_squeeze %dma_start3A_153 : memref<1x128xi32, #tpu.memory_space<vmem>> -> memref<128xi32, #tpu.memory_space<vmem>>
        %dma_start3A_155 = arith.constant 0 : i32
        %dma_start3A_156 = arith.constant 0 : i32
        %dma_start3A_157 = tpu.memref_slice %arg14[%dma_start3A_155, %dma_start3A_156] : memref<10240x32xf32, #tpu.memory_space<vmem_shared>> -> memref<10240x32xf32, #tpu.memory_space<vmem_shared>>
        tpu.enqueue_indirect_dma source(%dma_start3A_157 : memref<10240x32xf32, #tpu.memory_space<vmem_shared>>) target(%arg11 : memref<128x32xf32, #tpu.memory_space<vmem>>) offsets(%dma_start3A_154 : memref<128xi32, #tpu.memory_space<vmem>>) semaphore(%arg17 : memref<!tpu.dma_semaphore, #tpu.memory_space<semaphore_mem>>)
      } else {
      }
      %dma_wait3A_130 = arith.constant 0 : i32
      %dma_wait3A_131 = arith.constant 0 : i32
      %dma_wait3A_132 = tpu.memref_slice %arg7[%dma_wait3A_130, %dma_wait3A_131] : memref<80x128xi32, #tpu.memory_space<vmem>> -> memref<1x128xi32, #tpu.memory_space<vmem>>
      %dma_wait3A_133 = tpu.memref_squeeze %dma_wait3A_132 : memref<1x128xi32, #tpu.memory_space<vmem>> -> memref<128xi32, #tpu.memory_space<vmem>>
      %dma_wait3A_134 = arith.constant 0 : i32
      %dma_wait3A_135 = arith.constant 0 : i32
      %dma_wait3A_136 = tpu.memref_slice %arg14[%dma_wait3A_134, %dma_wait3A_135] : memref<10240x32xf32, #tpu.memory_space<vmem_shared>> -> memref<10240x32xf32, #tpu.memory_space<vmem_shared>>
      tpu.wait_indirect_dma semaphore(%arg18 : memref<!tpu.dma_semaphore, #tpu.memory_space<semaphore_mem>>) src(%dma_wait3A_136 : memref<10240x32xf32, #tpu.memory_space<vmem_shared>>) dst(%arg12 : memref<128x32xf32, #tpu.memory_space<vmem>>)
      %add3A_137 = arith.constant 3 : i32
      %add3A_138 = arith.addi %add3A_79, %add3A_137 : i32
      "tpu.region"() ({
        %run_scoped3A_148 = tpu.sem_alloc : memref<!tpu.dma_semaphore, #tpu.memory_space<semaphore_mem>>
        %dma_start3A_149 = arith.constant 0 : i32
        %dma_start3A_150 = tpu.memref_slice %arg8[%add3A_138, %dma_start3A_149] : memref<80x128xi32, #tpu.memory_space<vmem>> -> memref<1x128xi32, #tpu.memory_space<vmem>>
        %dma_start3A_151 = tpu.memref_squeeze %dma_start3A_150 : memref<1x128xi32, #tpu.memory_space<vmem>> -> memref<128xi32, #tpu.memory_space<vmem>>
        %dma_start3A_152 = arith.constant 0 : i32
        %dma_start3A_153 = arith.constant 0 : i32
        %dma_start3A_154 = tpu.memref_slice %arg13[%dma_start3A_152, %dma_start3A_153] : memref<10240x32xf32, #tpu.memory_space<vmem_shared>> -> memref<10240x32xf32, #tpu.memory_space<vmem_shared>>
        tpu.enqueue_indirect_dma source(%arg12 : memref<128x32xf32, #tpu.memory_space<vmem>>) target(%dma_start3A_154 : memref<10240x32xf32, #tpu.memory_space<vmem_shared>>) offsets(%dma_start3A_151 : memref<128xi32, #tpu.memory_space<vmem>>) semaphore(%run_scoped3A_148 : memref<!tpu.dma_semaphore, #tpu.memory_space<semaphore_mem>>) {add = true}
        %dma_wait3A_155 = arith.constant 0 : i32
        %dma_wait3A_156 = tpu.memref_slice %arg8[%add3A_138, %dma_wait3A_155] : memref<80x128xi32, #tpu.memory_space<vmem>> -> memref<1x128xi32, #tpu.memory_space<vmem>>
        %dma_wait3A_157 = tpu.memref_squeeze %dma_wait3A_156 : memref<1x128xi32, #tpu.memory_space<vmem>> -> memref<128xi32, #tpu.memory_space<vmem>>
        %dma_wait3A_158 = arith.constant 0 : i32
        %dma_wait3A_159 = arith.constant 0 : i32
        %dma_wait3A_160 = tpu.memref_slice %arg13[%dma_wait3A_158, %dma_wait3A_159] : memref<10240x32xf32, #tpu.memory_space<vmem_shared>> -> memref<10240x32xf32, #tpu.memory_space<vmem_shared>>
        tpu.wait_indirect_dma semaphore(%run_scoped3A_148 : memref<!tpu.dma_semaphore, #tpu.memory_space<semaphore_mem>>) src(%arg12 : memref<128x32xf32, #tpu.memory_space<vmem>>) dst(%dma_wait3A_160 : memref<10240x32xf32, #tpu.memory_space<vmem_shared>>)
        tpu.yield
      }) : () -> ()
      %add3A_139 = arith.constant 3 : i32
      %add3A_140 = arith.addi %add3A_79, %add3A_139 : i32
      %add3A_141 = arith.constant 4 : i32
      %add3A_142 = arith.addi %add3A_140, %add3A_141 : i32
      %lt3A_143 = arith.constant 80 : i32
      %lt3A_144 = arith.cmpi slt, %add3A_142, %lt3A_143 : i32
      %convert_element_type3A_145 = arith.extui %lt3A_144 : i1 to i32
      %cond3A_146 = arith.constant 0 : i32
      %cond3A_147 = arith.cmpi ne, %convert_element_type3A_145, %cond3A_146 : i32
      scf.if %cond3A_147 {
        %add3A_148 = arith.constant 3 : i32
        %add3A_149 = arith.addi %add3A_79, %add3A_148 : i32
        %add3A_150 = arith.constant 4 : i32
        %add3A_151 = arith.addi %add3A_149, %add3A_150 : i32
        %dma_start3A_152 = arith.constant 0 : i32
        %dma_start3A_153 = tpu.memref_slice %arg7[%add3A_151, %dma_start3A_152] : memref<80x128xi32, #tpu.memory_space<vmem>> -> memref<1x128xi32, #tpu.memory_space<vmem>>
        %dma_start3A_154 = tpu.memref_squeeze %dma_start3A_153 : memref<1x128xi32, #tpu.memory_space<vmem>> -> memref<128xi32, #tpu.memory_space<vmem>>
        %dma_start3A_155 = arith.constant 0 : i32
        %dma_start3A_156 = arith.constant 0 : i32
        %dma_start3A_157 = tpu.memref_slice %arg14[%dma_start3A_155, %dma_start3A_156] : memref<10240x32xf32, #tpu.memory_space<vmem_shared>> -> memref<10240x32xf32, #tpu.memory_space<vmem_shared>>
        tpu.enqueue_indirect_dma source(%dma_start3A_157 : memref<10240x32xf32, #tpu.memory_space<vmem_shared>>) target(%arg12 : memref<128x32xf32, #tpu.memory_space<vmem>>) offsets(%dma_start3A_154 : memref<128xi32, #tpu.memory_space<vmem>>) semaphore(%arg18 : memref<!tpu.dma_semaphore, #tpu.memory_space<semaphore_mem>>)
      } else {
      }
    }
    %scan3A_71 = arith.constant 20 : i32
    %barrier3A_72 = arith.constant 0 : index
    tpu.barrier barrier_id(%barrier3A_72)
    %run_scoped3A_73 = arith.constant 1 : i32
    "tpu.region"() ({
      %run_scoped3A_75 = tpu.sem_alloc : memref<!tpu.dma_semaphore, #tpu.memory_space<semaphore_mem>>
      %dma_start3A_76 = arith.constant 0 : i32
      %dma_start3A_77 = arith.constant 0 : i32
      %dma_start3A_78 = arith.constant 0 : i32
      %dma_start3A_79 = tpu.memref_slice %arg6[%arg0, %dma_start3A_76, %dma_start3A_77, %dma_start3A_78] : memref<2x2x10240x32xf32, #tpu.memory_space<hbm>> -> memref<1x2x10240x32xf32, #tpu.memory_space<hbm>>
      %dma_start3A_80 = tpu.memref_squeeze %dma_start3A_79 : memref<1x2x10240x32xf32, #tpu.memory_space<hbm>> -> memref<2x10240x32xf32, #tpu.memory_space<hbm>>
      %dma_start3A_81 = arith.constant 0 : i32
      %dma_start3A_82 = arith.constant 0 : i32
      %dma_start3A_83 = tpu.memref_slice %dma_start3A_80[%run_scoped3A_73, %dma_start3A_81, %dma_start3A_82] : memref<2x10240x32xf32, #tpu.memory_space<hbm>> -> memref<1x10240x32xf32, #tpu.memory_space<hbm>>
      %dma_start3A_84 = tpu.memref_squeeze %dma_start3A_83 : memref<1x10240x32xf32, #tpu.memory_space<hbm>> -> memref<10240x32xf32, #tpu.memory_space<hbm>>
      %dma_start3A_85 = arith.constant 0 : i32
      %dma_start3A_86 = tpu.memref_slice %dma_start3A_84[%mul3A_0, %dma_start3A_85] : memref<10240x32xf32, #tpu.memory_space<hbm>> -> memref<640x32xf32, #tpu.memory_space<hbm>>
      %dma_start3A_87 = arith.constant 0 : i32
      %dma_start3A_88 = tpu.memref_slice %arg13[%mul3A_0, %dma_start3A_87] : memref<10240x32xf32, #tpu.memory_space<vmem_shared>> -> memref<640x32xf32, #tpu.memory_space<vmem_shared>>
      tpu.enqueue_dma source(%dma_start3A_88 : memref<640x32xf32, #tpu.memory_space<vmem_shared>>) target(%dma_start3A_86 : memref<640x32xf32, #tpu.memory_space<hbm>>) target_semaphore(%run_scoped3A_75 : memref<!tpu.dma_semaphore, #tpu.memory_space<semaphore_mem>>)
      %dma_wait3A = arith.constant 0 : i32
      %dma_wait3A_89 = arith.constant 0 : i32
      %dma_wait3A_90 = arith.constant 0 : i32
      %dma_wait3A_91 = tpu.memref_slice %arg6[%arg0, %dma_wait3A, %dma_wait3A_89, %dma_wait3A_90] : memref<2x2x10240x32xf32, #tpu.memory_space<hbm>> -> memref<1x2x10240x32xf32, #tpu.memory_space<hbm>>
      %dma_wait3A_92 = tpu.memref_squeeze %dma_wait3A_91 : memref<1x2x10240x32xf32, #tpu.memory_space<hbm>> -> memref<2x10240x32xf32, #tpu.memory_space<hbm>>
      %dma_wait3A_93 = arith.constant 0 : i32
      %dma_wait3A_94 = arith.constant 0 : i32
      %dma_wait3A_95 = tpu.memref_slice %dma_wait3A_92[%run_scoped3A_73, %dma_wait3A_93, %dma_wait3A_94] : memref<2x10240x32xf32, #tpu.memory_space<hbm>> -> memref<1x10240x32xf32, #tpu.memory_space<hbm>>
      %dma_wait3A_96 = tpu.memref_squeeze %dma_wait3A_95 : memref<1x10240x32xf32, #tpu.memory_space<hbm>> -> memref<10240x32xf32, #tpu.memory_space<hbm>>
      %dma_wait3A_97 = arith.constant 0 : i32
      %dma_wait3A_98 = tpu.memref_slice %dma_wait3A_96[%mul3A_0, %dma_wait3A_97] : memref<10240x32xf32, #tpu.memory_space<hbm>> -> memref<640x32xf32, #tpu.memory_space<hbm>>
      %dma_wait3A_99 = arith.constant 0 : i32
      %dma_wait3A_100 = tpu.memref_slice %arg13[%mul3A_0, %dma_wait3A_99] : memref<10240x32xf32, #tpu.memory_space<vmem_shared>> -> memref<640x32xf32, #tpu.memory_space<vmem_shared>>
      tpu.wait_dma2 semaphore(%run_scoped3A_75 : memref<!tpu.dma_semaphore, #tpu.memory_space<semaphore_mem>>) src(%dma_wait3A_100 : memref<640x32xf32, #tpu.memory_space<vmem_shared>>) dst(%dma_wait3A_98 : memref<640x32xf32, #tpu.memory_space<hbm>>)
      tpu.yield
    }) : () -> ()
    %barrier3A_74 = arith.constant 0 : index
    tpu.barrier barrier_id(%barrier3A_74)
    return
  }
}

#map = affine_map<(d0, d1) -> (0, 0)>
#map1 = affine_map<(d0, d1) -> (0, 0, 0, 0)>
module attributes {stable_mosaic.version = 14 : i64} {
  func.func @k(%arg0: i32, %arg1: i32, %arg2: memref<10240x64xf32, #tpu.memory_space<hbm>>, %arg3: memref<2560x128xi32, #tpu.memory_space<hbm>>, %arg4: memref<2560x128xi32, #tpu.memory_space<hbm>>, %arg5: memref<10240x32xf32, #tpu.memory_space<hbm>>, %arg6: memref<2x2x10240x32xf32, #tpu.memory_space<hbm>>, %arg7: memref<80x128xi32, #tpu.memory_space<vmem>>, %arg8: memref<80x128xi32, #tpu.memory_space<vmem>>, %arg9: memref<128x32xf32, #tpu.memory_space<vmem>>, %arg10: memref<128x32xf32, #tpu.memory_space<vmem>>, %arg11: memref<128x32xf32, #tpu.memory_space<vmem>>, %arg12: memref<128x32xf32, #tpu.memory_space<vmem>>, %arg13: memref<10240x32xf32, #tpu.memory_space<vmem_shared>>, %arg14: memref<10240x32xf32, #tpu.memory_space<vmem_shared>>, %arg15: memref<!tpu.dma_semaphore, #tpu.memory_space<semaphore_mem>>, %arg16: memref<!tpu.dma_semaphore, #tpu.memory_space<semaphore_mem>>, %arg17: memref<!tpu.dma_semaphore, #tpu.memory_space<semaphore_mem>>, %arg18: memref<!tpu.dma_semaphore, #tpu.memory_space<semaphore_mem>>) attributes {dimension_semantics = [#tpu.dimension_semantics<core_parallel>, #tpu.dimension_semantics<subcore_parallel>], iteration_bounds = array<i64: 2, 16>, scalar_prefetch = 0 : i64, scratch_operands = 12 : i64, tpu.core_type = #tpu.core_type<sc_vector_subcore>, window_params = [{transform_indices = #map}, {transform_indices = #map}, {transform_indices = #map}, {transform_indices = #map}, {transform_indices = #map1}]} {
    %mul3A = arith.constant 640 : i32
    %mul3A_0 = arith.muli %arg1, %mul3A : i32
    %mul3A_1 = arith.constant 16 : i32
    %mul3A_2 = arith.muli %arg0, %mul3A_1 : i32
    %add3A = arith.addi %mul3A_2, %arg1 : i32
    %mul3A_3 = arith.constant 80 : i32
    %mul3A_4 = arith.muli %add3A, %mul3A_3 : i32
    "tpu.region"() ({
      %run_scoped3A_75 = tpu.sem_alloc : memref<!tpu.dma_semaphore, #tpu.memory_space<semaphore_mem>>
      %dma_start3A_76 = arith.constant 0 : i32
      %dma_start3A_77 = tpu.memref_slice %arg3[%mul3A_4, %dma_start3A_76] : memref<2560x128xi32, #tpu.memory_space<hbm>> -> memref<80x128xi32, #tpu.memory_space<hbm>>
      %dma_start3A_78 = arith.constant 0 : i32
      %dma_start3A_79 = tpu.memref_slice %arg3[%mul3A_4, %dma_start3A_78] : memref<2560x128xi32, #tpu.memory_space<hbm>> -> memref<80x128xi32, #tpu.memory_space<hbm>>
      tpu.enqueue_dma source(%dma_start3A_79 : memref<80x128xi32, #tpu.memory_space<hbm>>) target(%arg7 : memref<80x128xi32, #tpu.memory_space<vmem>>) target_semaphore(%run_scoped3A_75 : memref<!tpu.dma_semaphore, #tpu.memory_space<semaphore_mem>>)
      %dma_wait3A = arith.constant 0 : i32
      %dma_wait3A_80 = tpu.memref_slice %arg3[%mul3A_4, %dma_wait3A] : memref<2560x128xi32, #tpu.memory_space<hbm>> -> memref<80x128xi32, #tpu.memory_space<hbm>>
      %dma_wait3A_81 = arith.constant 0 : i32
      %dma_wait3A_82 = tpu.memref_slice %arg3[%mul3A_4, %dma_wait3A_81] : memref<2560x128xi32, #tpu.memory_space<hbm>> -> memref<80x128xi32, #tpu.memory_space<hbm>>
      tpu.wait_dma2 semaphore(%run_scoped3A_75 : memref<!tpu.dma_semaphore, #tpu.memory_space<semaphore_mem>>) src(%dma_wait3A_82 : memref<80x128xi32, #tpu.memory_space<hbm>>) dst(%arg7 : memref<80x128xi32, #tpu.memory_space<vmem>>)
      tpu.yield
    }) : () -> ()
    "tpu.region"() ({
      %run_scoped3A_75 = tpu.sem_alloc : memref<!tpu.dma_semaphore, #tpu.memory_space<semaphore_mem>>
      %dma_start3A_76 = arith.constant 0 : i32
      %dma_start3A_77 = tpu.memref_slice %arg4[%mul3A_4, %dma_start3A_76] : memref<2560x128xi32, #tpu.memory_space<hbm>> -> memref<80x128xi32, #tpu.memory_space<hbm>>
      %dma_start3A_78 = arith.constant 0 : i32
      %dma_start3A_79 = tpu.memref_slice %arg4[%mul3A_4, %dma_start3A_78] : memref<2560x128xi32, #tpu.memory_space<hbm>> -> memref<80x128xi32, #tpu.memory_space<hbm>>
      tpu.enqueue_dma source(%dma_start3A_79 : memref<80x128xi32, #tpu.memory_space<hbm>>) target(%arg8 : memref<80x128xi32, #tpu.memory_space<vmem>>) target_semaphore(%run_scoped3A_75 : memref<!tpu.dma_semaphore, #tpu.memory_space<semaphore_mem>>)
      %dma_wait3A = arith.constant 0 : i32
      %dma_wait3A_80 = tpu.memref_slice %arg4[%mul3A_4, %dma_wait3A] : memref<2560x128xi32, #tpu.memory_space<hbm>> -> memref<80x128xi32, #tpu.memory_space<hbm>>
      %dma_wait3A_81 = arith.constant 0 : i32
      %dma_wait3A_82 = tpu.memref_slice %arg4[%mul3A_4, %dma_wait3A_81] : memref<2560x128xi32, #tpu.memory_space<hbm>> -> memref<80x128xi32, #tpu.memory_space<hbm>>
      tpu.wait_dma2 semaphore(%run_scoped3A_75 : memref<!tpu.dma_semaphore, #tpu.memory_space<semaphore_mem>>) src(%dma_wait3A_82 : memref<80x128xi32, #tpu.memory_space<hbm>>) dst(%arg8 : memref<80x128xi32, #tpu.memory_space<vmem>>)
      tpu.yield
    }) : () -> ()
    "tpu.region"() ({
      %run_scoped3A_75 = tpu.sem_alloc : memref<!tpu.dma_semaphore, #tpu.memory_space<semaphore_mem>>
      %dma_start3A_76 = arith.constant 0 : i32
      %dma_start3A_77 = tpu.memref_slice %arg13[%mul3A_0, %dma_start3A_76] : memref<10240x32xf32, #tpu.memory_space<vmem_shared>> -> memref<640x32xf32, #tpu.memory_space<vmem_shared>>
      %dma_start3A_78 = arith.constant 0 : i32
      %dma_start3A_79 = tpu.memref_slice %arg5[%mul3A_0, %dma_start3A_78] : memref<10240x32xf32, #tpu.memory_space<hbm>> -> memref<640x32xf32, #tpu.memory_space<hbm>>
      tpu.enqueue_dma source(%dma_start3A_79 : memref<640x32xf32, #tpu.memory_space<hbm>>) target(%dma_start3A_77 : memref<640x32xf32, #tpu.memory_space<vmem_shared>>) target_semaphore(%run_scoped3A_75 : memref<!tpu.dma_semaphore, #tpu.memory_space<semaphore_mem>>)
      %dma_wait3A = arith.constant 0 : i32
      %dma_wait3A_80 = tpu.memref_slice %arg13[%mul3A_0, %dma_wait3A] : memref<10240x32xf32, #tpu.memory_space<vmem_shared>> -> memref<640x32xf32, #tpu.memory_space<vmem_shared>>
      %dma_wait3A_81 = arith.constant 0 : i32
      %dma_wait3A_82 = tpu.memref_slice %arg5[%mul3A_0, %dma_wait3A_81] : memref<10240x32xf32, #tpu.memory_space<hbm>> -> memref<640x32xf32, #tpu.memory_space<hbm>>
      tpu.wait_dma2 semaphore(%run_scoped3A_75 : memref<!tpu.dma_semaphore, #tpu.memory_space<semaphore_mem>>) src(%dma_wait3A_82 : memref<640x32xf32, #tpu.memory_space<hbm>>) dst(%dma_wait3A_80 : memref<640x32xf32, #tpu.memory_space<vmem_shared>>)
      tpu.yield
    }) : () -> ()
    "tpu.region"() ({
      %run_scoped3A_75 = tpu.sem_alloc : memref<!tpu.dma_semaphore, #tpu.memory_space<semaphore_mem>>
      %dma_start3A_76 = arith.constant 0 : i32
      %dma_start3A_77 = tpu.memref_slice %arg14[%mul3A_0, %dma_start3A_76] : memref<10240x32xf32, #tpu.memory_space<vmem_shared>> -> memref<640x32xf32, #tpu.memory_space<vmem_shared>>
      %dma_start3A_78 = arith.constant 0 : i32
      %dma_start3A_79 = tpu.memref_slice %arg2[%mul3A_0, %dma_start3A_78] : memref<10240x64xf32, #tpu.memory_space<hbm>> -> memref<640x32xf32, #tpu.memory_space<hbm>>
      tpu.enqueue_dma source(%dma_start3A_79 : memref<640x32xf32, #tpu.memory_space<hbm>>) target(%dma_start3A_77 : memref<640x32xf32, #tpu.memory_space<vmem_shared>>) target_semaphore(%run_scoped3A_75 : memref<!tpu.dma_semaphore, #tpu.memory_space<semaphore_mem>>)
      %dma_wait3A = arith.constant 0 : i32
      %dma_wait3A_80 = tpu.memref_slice %arg14[%mul3A_0, %dma_wait3A] : memref<10240x32xf32, #tpu.memory_space<vmem_shared>> -> memref<640x32xf32, #tpu.memory_space<vmem_shared>>
      %dma_wait3A_81 = arith.constant 0 : i32
      %dma_wait3A_82 = tpu.memref_slice %arg2[%mul3A_0, %dma_wait3A_81] : memref<10240x64xf32, #tpu.memory_space<hbm>> -> memref<640x32xf32, #tpu.memory_space<hbm>>
      tpu.wait_dma2 semaphore(%run_scoped3A_75 : memref<!tpu.dma_semaphore, #tpu.memory_space<semaphore_mem>>) src(%dma_wait3A_82 : memref<640x32xf32, #tpu.memory_space<hbm>>) dst(%dma_wait3A_80 : memref<640x32xf32, #tpu.memory_space<vmem_shared>>)
      tpu.yield
    }) : () -> ()
    %barrier3A = arith.constant 0 : index
    tpu.barrier barrier_id(%barrier3A)
    %dma_start3A = arith.constant 0 : i32
    %dma_start3A_5 = arith.constant 0 : i32
    %dma_start3A_6 = tpu.memref_slice %arg7[%dma_start3A, %dma_start3A_5] : memref<80x128xi32, #tpu.memory_space<vmem>> -> memref<1x128xi32, #tpu.memory_space<vmem>>
    %dma_start3A_7 = tpu.memref_squeeze %dma_start3A_6 : memref<1x128xi32, #tpu.memory_space<vmem>> -> memref<128xi32, #tpu.memory_space<vmem>>
    %dma_start3A_8 = arith.constant 0 : i32
    %dma_start3A_9 = arith.constant 0 : i32
    %dma_start3A_10 = tpu.memref_slice %arg14[%dma_start3A_8, %dma_start3A_9] : memref<10240x32xf32, #tpu.memory_space<vmem_shared>> -> memref<10240x32xf32, #tpu.memory_space<vmem_shared>>
    tpu.enqueue_indirect_dma source(%dma_start3A_10 : memref<10240x32xf32, #tpu.memory_space<vmem_shared>>) target(%arg9 : memref<128x32xf32, #tpu.memory_space<vmem>>) offsets(%dma_start3A_7 : memref<128xi32, #tpu.memory_space<vmem>>) semaphore(%arg15 : memref<!tpu.dma_semaphore, #tpu.memory_space<semaphore_mem>>)
    %dma_start3A_11 = arith.constant 1 : i32
    %dma_start3A_12 = arith.constant 0 : i32
    %dma_start3A_13 = tpu.memref_slice %arg7[%dma_start3A_11, %dma_start3A_12] : memref<80x128xi32, #tpu.memory_space<vmem>> -> memref<1x128xi32, #tpu.memory_space<vmem>>
    %dma_start3A_14 = tpu.memref_squeeze %dma_start3A_13 : memref<1x128xi32, #tpu.memory_space<vmem>> -> memref<128xi32, #tpu.memory_space<vmem>>
    %dma_start3A_15 = arith.constant 0 : i32
    %dma_start3A_16 = arith.constant 0 : i32
    %dma_start3A_17 = tpu.memref_slice %arg14[%dma_start3A_15, %dma_start3A_16] : memref<10240x32xf32, #tpu.memory_space<vmem_shared>> -> memref<10240x32xf32, #tpu.memory_space<vmem_shared>>
    tpu.enqueue_indirect_dma source(%dma_start3A_17 : memref<10240x32xf32, #tpu.memory_space<vmem_shared>>) target(%arg10 : memref<128x32xf32, #tpu.memory_space<vmem>>) offsets(%dma_start3A_14 : memref<128xi32, #tpu.memory_space<vmem>>) semaphore(%arg16 : memref<!tpu.dma_semaphore, #tpu.memory_space<semaphore_mem>>)
    %dma_start3A_18 = arith.constant 2 : i32
    %dma_start3A_19 = arith.constant 0 : i32
    %dma_start3A_20 = tpu.memref_slice %arg7[%dma_start3A_18, %dma_start3A_19] : memref<80x128xi32, #tpu.memory_space<vmem>> -> memref<1x128xi32, #tpu.memory_space<vmem>>
    %dma_start3A_21 = tpu.memref_squeeze %dma_start3A_20 : memref<1x128xi32, #tpu.memory_space<vmem>> -> memref<128xi32, #tpu.memory_space<vmem>>
    %dma_start3A_22 = arith.constant 0 : i32
    %dma_start3A_23 = arith.constant 0 : i32
    %dma_start3A_24 = tpu.memref_slice %arg14[%dma_start3A_22, %dma_start3A_23] : memref<10240x32xf32, #tpu.memory_space<vmem_shared>> -> memref<10240x32xf32, #tpu.memory_space<vmem_shared>>
    tpu.enqueue_indirect_dma source(%dma_start3A_24 : memref<10240x32xf32, #tpu.memory_space<vmem_shared>>) target(%arg11 : memref<128x32xf32, #tpu.memory_space<vmem>>) offsets(%dma_start3A_21 : memref<128xi32, #tpu.memory_space<vmem>>) semaphore(%arg17 : memref<!tpu.dma_semaphore, #tpu.memory_space<semaphore_mem>>)
    %dma_start3A_25 = arith.constant 3 : i32
    %dma_start3A_26 = arith.constant 0 : i32
    %dma_start3A_27 = tpu.memref_slice %arg7[%dma_start3A_25, %dma_start3A_26] : memref<80x128xi32, #tpu.memory_space<vmem>> -> memref<1x128xi32, #tpu.memory_space<vmem>>
    %dma_start3A_28 = tpu.memref_squeeze %dma_start3A_27 : memref<1x128xi32, #tpu.memory_space<vmem>> -> memref<128xi32, #tpu.memory_space<vmem>>
    %dma_start3A_29 = arith.constant 0 : i32
    %dma_start3A_30 = arith.constant 0 : i32
    %dma_start3A_31 = tpu.memref_slice %arg14[%dma_start3A_29, %dma_start3A_30] : memref<10240x32xf32, #tpu.memory_space<vmem_shared>> -> memref<10240x32xf32, #tpu.memory_space<vmem_shared>>
    tpu.enqueue_indirect_dma source(%dma_start3A_31 : memref<10240x32xf32, #tpu.memory_space<vmem_shared>>) target(%arg12 : memref<128x32xf32, #tpu.memory_space<vmem>>) offsets(%dma_start3A_28 : memref<128xi32, #tpu.memory_space<vmem>>) semaphore(%arg18 : memref<!tpu.dma_semaphore, #tpu.memory_space<semaphore_mem>>)
    %scan3A = arith.constant 0 : i32
    %scan3A_32 = arith.constant 20 : i32
    %scan3A_33 = arith.addi %scan3A, %scan3A_32 : i32
    %scan3A_34 = arith.constant 1 : i32
    scf.for %scan3A_75 = %scan3A to %scan3A_33 step %scan3A_34  : i32 {
      %mul3A_76 = arith.constant 4 : i32
      %mul3A_77 = arith.muli %scan3A_75, %mul3A_76 : i32
      %add3A_78 = arith.constant 0 : i32
      %add3A_79 = arith.addi %add3A_78, %mul3A_77 : i32
      %dma_wait3A = arith.constant 0 : i32
      %dma_wait3A_80 = arith.constant 0 : i32
      %dma_wait3A_81 = tpu.memref_slice %arg7[%dma_wait3A, %dma_wait3A_80] : memref<80x128xi32, #tpu.memory_space<vmem>> -> memref<1x128xi32, #tpu.memory_space<vmem>>
      %dma_wait3A_82 = tpu.memref_squeeze %dma_wait3A_81 : memref<1x128xi32, #tpu.memory_space<vmem>> -> memref<128xi32, #tpu.memory_space<vmem>>
      %dma_wait3A_83 = arith.constant 0 : i32
      %dma_wait3A_84 = arith.constant 0 : i32
      %dma_wait3A_85 = tpu.memref_slice %arg14[%dma_wait3A_83, %dma_wait3A_84] : memref<10240x32xf32, #tpu.memory_space<vmem_shared>> -> memref<10240x32xf32, #tpu.memory_space<vmem_shared>>
      tpu.wait_indirect_dma semaphore(%arg15 : memref<!tpu.dma_semaphore, #tpu.memory_space<semaphore_mem>>) src(%dma_wait3A_85 : memref<10240x32xf32, #tpu.memory_space<vmem_shared>>) dst(%arg9 : memref<128x32xf32, #tpu.memory_space<vmem>>)
      %add3A_86 = arith.constant 0 : i32
      %add3A_87 = arith.addi %add3A_79, %add3A_86 : i32
      "tpu.region"() ({
        %run_scoped3A_148 = tpu.sem_alloc : memref<!tpu.dma_semaphore, #tpu.memory_space<semaphore_mem>>
        %dma_start3A_149 = arith.constant 0 : i32
        %dma_start3A_150 = tpu.memref_slice %arg8[%add3A_87, %dma_start3A_149] : memref<80x128xi32, #tpu.memory_space<vmem>> -> memref<1x128xi32, #tpu.memory_space<vmem>>
        %dma_start3A_151 = tpu.memref_squeeze %dma_start3A_150 : memref<1x128xi32, #tpu.memory_space<vmem>> -> memref<128xi32, #tpu.memory_space<vmem>>
        %dma_start3A_152 = arith.constant 0 : i32
        %dma_start3A_153 = arith.constant 0 : i32
        %dma_start3A_154 = tpu.memref_slice %arg13[%dma_start3A_152, %dma_start3A_153] : memref<10240x32xf32, #tpu.memory_space<vmem_shared>> -> memref<10240x32xf32, #tpu.memory_space<vmem_shared>>
        tpu.enqueue_indirect_dma source(%arg9 : memref<128x32xf32, #tpu.memory_space<vmem>>) target(%dma_start3A_154 : memref<10240x32xf32, #tpu.memory_space<vmem_shared>>) offsets(%dma_start3A_151 : memref<128xi32, #tpu.memory_space<vmem>>) semaphore(%run_scoped3A_148 : memref<!tpu.dma_semaphore, #tpu.memory_space<semaphore_mem>>) {add = true}
        %dma_wait3A_155 = arith.constant 0 : i32
        %dma_wait3A_156 = tpu.memref_slice %arg8[%add3A_87, %dma_wait3A_155] : memref<80x128xi32, #tpu.memory_space<vmem>> -> memref<1x128xi32, #tpu.memory_space<vmem>>
        %dma_wait3A_157 = tpu.memref_squeeze %dma_wait3A_156 : memref<1x128xi32, #tpu.memory_space<vmem>> -> memref<128xi32, #tpu.memory_space<vmem>>
        %dma_wait3A_158 = arith.constant 0 : i32
        %dma_wait3A_159 = arith.constant 0 : i32
        %dma_wait3A_160 = tpu.memref_slice %arg13[%dma_wait3A_158, %dma_wait3A_159] : memref<10240x32xf32, #tpu.memory_space<vmem_shared>> -> memref<10240x32xf32, #tpu.memory_space<vmem_shared>>
        tpu.wait_indirect_dma semaphore(%run_scoped3A_148 : memref<!tpu.dma_semaphore, #tpu.memory_space<semaphore_mem>>) src(%arg9 : memref<128x32xf32, #tpu.memory_space<vmem>>) dst(%dma_wait3A_160 : memref<10240x32xf32, #tpu.memory_space<vmem_shared>>)
        tpu.yield
      }) : () -> ()
      %add3A_88 = arith.constant 0 : i32
      %add3A_89 = arith.addi %add3A_79, %add3A_88 : i32
      %add3A_90 = arith.constant 4 : i32
      %add3A_91 = arith.addi %add3A_89, %add3A_90 : i32
      %lt3A = arith.constant 80 : i32
      %lt3A_92 = arith.cmpi slt, %add3A_91, %lt3A : i32
      %convert_element_type3A = arith.extui %lt3A_92 : i1 to i32
      %cond3A = arith.constant 0 : i32
      %cond3A_93 = arith.cmpi ne, %convert_element_type3A, %cond3A : i32
      scf.if %cond3A_93 {
        %add3A_148 = arith.constant 0 : i32
        %add3A_149 = arith.addi %add3A_79, %add3A_148 : i32
        %add3A_150 = arith.constant 4 : i32
        %add3A_151 = arith.addi %add3A_149, %add3A_150 : i32
        %dma_start3A_152 = arith.constant 0 : i32
        %dma_start3A_153 = tpu.memref_slice %arg7[%add3A_151, %dma_start3A_152] : memref<80x128xi32, #tpu.memory_space<vmem>> -> memref<1x128xi32, #tpu.memory_space<vmem>>
        %dma_start3A_154 = tpu.memref_squeeze %dma_start3A_153 : memref<1x128xi32, #tpu.memory_space<vmem>> -> memref<128xi32, #tpu.memory_space<vmem>>
        %dma_start3A_155 = arith.constant 0 : i32
        %dma_start3A_156 = arith.constant 0 : i32
        %dma_start3A_157 = tpu.memref_slice %arg14[%dma_start3A_155, %dma_start3A_156] : memref<10240x32xf32, #tpu.memory_space<vmem_shared>> -> memref<10240x32xf32, #tpu.memory_space<vmem_shared>>
        tpu.enqueue_indirect_dma source(%dma_start3A_157 : memref<10240x32xf32, #tpu.memory_space<vmem_shared>>) target(%arg9 : memref<128x32xf32, #tpu.memory_space<vmem>>) offsets(%dma_start3A_154 : memref<128xi32, #tpu.memory_space<vmem>>) semaphore(%arg15 : memref<!tpu.dma_semaphore, #tpu.memory_space<semaphore_mem>>)
      } else {
      }
      %dma_wait3A_94 = arith.constant 0 : i32
      %dma_wait3A_95 = arith.constant 0 : i32
      %dma_wait3A_96 = tpu.memref_slice %arg7[%dma_wait3A_94, %dma_wait3A_95] : memref<80x128xi32, #tpu.memory_space<vmem>> -> memref<1x128xi32, #tpu.memory_space<vmem>>
      %dma_wait3A_97 = tpu.memref_squeeze %dma_wait3A_96 : memref<1x128xi32, #tpu.memory_space<vmem>> -> memref<128xi32, #tpu.memory_space<vmem>>
      %dma_wait3A_98 = arith.constant 0 : i32
      %dma_wait3A_99 = arith.constant 0 : i32
      %dma_wait3A_100 = tpu.memref_slice %arg14[%dma_wait3A_98, %dma_wait3A_99] : memref<10240x32xf32, #tpu.memory_space<vmem_shared>> -> memref<10240x32xf32, #tpu.memory_space<vmem_shared>>
      tpu.wait_indirect_dma semaphore(%arg16 : memref<!tpu.dma_semaphore, #tpu.memory_space<semaphore_mem>>) src(%dma_wait3A_100 : memref<10240x32xf32, #tpu.memory_space<vmem_shared>>) dst(%arg10 : memref<128x32xf32, #tpu.memory_space<vmem>>)
      %add3A_101 = arith.constant 1 : i32
      %add3A_102 = arith.addi %add3A_79, %add3A_101 : i32
      "tpu.region"() ({
        %run_scoped3A_148 = tpu.sem_alloc : memref<!tpu.dma_semaphore, #tpu.memory_space<semaphore_mem>>
        %dma_start3A_149 = arith.constant 0 : i32
        %dma_start3A_150 = tpu.memref_slice %arg8[%add3A_102, %dma_start3A_149] : memref<80x128xi32, #tpu.memory_space<vmem>> -> memref<1x128xi32, #tpu.memory_space<vmem>>
        %dma_start3A_151 = tpu.memref_squeeze %dma_start3A_150 : memref<1x128xi32, #tpu.memory_space<vmem>> -> memref<128xi32, #tpu.memory_space<vmem>>
        %dma_start3A_152 = arith.constant 0 : i32
        %dma_start3A_153 = arith.constant 0 : i32
        %dma_start3A_154 = tpu.memref_slice %arg13[%dma_start3A_152, %dma_start3A_153] : memref<10240x32xf32, #tpu.memory_space<vmem_shared>> -> memref<10240x32xf32, #tpu.memory_space<vmem_shared>>
        tpu.enqueue_indirect_dma source(%arg10 : memref<128x32xf32, #tpu.memory_space<vmem>>) target(%dma_start3A_154 : memref<10240x32xf32, #tpu.memory_space<vmem_shared>>) offsets(%dma_start3A_151 : memref<128xi32, #tpu.memory_space<vmem>>) semaphore(%run_scoped3A_148 : memref<!tpu.dma_semaphore, #tpu.memory_space<semaphore_mem>>) {add = true}
        %dma_wait3A_155 = arith.constant 0 : i32
        %dma_wait3A_156 = tpu.memref_slice %arg8[%add3A_102, %dma_wait3A_155] : memref<80x128xi32, #tpu.memory_space<vmem>> -> memref<1x128xi32, #tpu.memory_space<vmem>>
        %dma_wait3A_157 = tpu.memref_squeeze %dma_wait3A_156 : memref<1x128xi32, #tpu.memory_space<vmem>> -> memref<128xi32, #tpu.memory_space<vmem>>
        %dma_wait3A_158 = arith.constant 0 : i32
        %dma_wait3A_159 = arith.constant 0 : i32
        %dma_wait3A_160 = tpu.memref_slice %arg13[%dma_wait3A_158, %dma_wait3A_159] : memref<10240x32xf32, #tpu.memory_space<vmem_shared>> -> memref<10240x32xf32, #tpu.memory_space<vmem_shared>>
        tpu.wait_indirect_dma semaphore(%run_scoped3A_148 : memref<!tpu.dma_semaphore, #tpu.memory_space<semaphore_mem>>) src(%arg10 : memref<128x32xf32, #tpu.memory_space<vmem>>) dst(%dma_wait3A_160 : memref<10240x32xf32, #tpu.memory_space<vmem_shared>>)
        tpu.yield
      }) : () -> ()
      %add3A_103 = arith.constant 1 : i32
      %add3A_104 = arith.addi %add3A_79, %add3A_103 : i32
      %add3A_105 = arith.constant 4 : i32
      %add3A_106 = arith.addi %add3A_104, %add3A_105 : i32
      %lt3A_107 = arith.constant 80 : i32
      %lt3A_108 = arith.cmpi slt, %add3A_106, %lt3A_107 : i32
      %convert_element_type3A_109 = arith.extui %lt3A_108 : i1 to i32
      %cond3A_110 = arith.constant 0 : i32
      %cond3A_111 = arith.cmpi ne, %convert_element_type3A_109, %cond3A_110 : i32
      scf.if %cond3A_111 {
        %add3A_148 = arith.constant 1 : i32
        %add3A_149 = arith.addi %add3A_79, %add3A_148 : i32
        %add3A_150 = arith.constant 4 : i32
        %add3A_151 = arith.addi %add3A_149, %add3A_150 : i32
        %dma_start3A_152 = arith.constant 0 : i32
        %dma_start3A_153 = tpu.memref_slice %arg7[%add3A_151, %dma_start3A_152] : memref<80x128xi32, #tpu.memory_space<vmem>> -> memref<1x128xi32, #tpu.memory_space<vmem>>
        %dma_start3A_154 = tpu.memref_squeeze %dma_start3A_153 : memref<1x128xi32, #tpu.memory_space<vmem>> -> memref<128xi32, #tpu.memory_space<vmem>>
        %dma_start3A_155 = arith.constant 0 : i32
        %dma_start3A_156 = arith.constant 0 : i32
        %dma_start3A_157 = tpu.memref_slice %arg14[%dma_start3A_155, %dma_start3A_156] : memref<10240x32xf32, #tpu.memory_space<vmem_shared>> -> memref<10240x32xf32, #tpu.memory_space<vmem_shared>>
        tpu.enqueue_indirect_dma source(%dma_start3A_157 : memref<10240x32xf32, #tpu.memory_space<vmem_shared>>) target(%arg10 : memref<128x32xf32, #tpu.memory_space<vmem>>) offsets(%dma_start3A_154 : memref<128xi32, #tpu.memory_space<vmem>>) semaphore(%arg16 : memref<!tpu.dma_semaphore, #tpu.memory_space<semaphore_mem>>)
      } else {
      }
      %dma_wait3A_112 = arith.constant 0 : i32
      %dma_wait3A_113 = arith.constant 0 : i32
      %dma_wait3A_114 = tpu.memref_slice %arg7[%dma_wait3A_112, %dma_wait3A_113] : memref<80x128xi32, #tpu.memory_space<vmem>> -> memref<1x128xi32, #tpu.memory_space<vmem>>
      %dma_wait3A_115 = tpu.memref_squeeze %dma_wait3A_114 : memref<1x128xi32, #tpu.memory_space<vmem>> -> memref<128xi32, #tpu.memory_space<vmem>>
      %dma_wait3A_116 = arith.constant 0 : i32
      %dma_wait3A_117 = arith.constant 0 : i32
      %dma_wait3A_118 = tpu.memref_slice %arg14[%dma_wait3A_116, %dma_wait3A_117] : memref<10240x32xf32, #tpu.memory_space<vmem_shared>> -> memref<10240x32xf32, #tpu.memory_space<vmem_shared>>
      tpu.wait_indirect_dma semaphore(%arg17 : memref<!tpu.dma_semaphore, #tpu.memory_space<semaphore_mem>>) src(%dma_wait3A_118 : memref<10240x32xf32, #tpu.memory_space<vmem_shared>>) dst(%arg11 : memref<128x32xf32, #tpu.memory_space<vmem>>)
      %add3A_119 = arith.constant 2 : i32
      %add3A_120 = arith.addi %add3A_79, %add3A_119 : i32
      "tpu.region"() ({
        %run_scoped3A_148 = tpu.sem_alloc : memref<!tpu.dma_semaphore, #tpu.memory_space<semaphore_mem>>
        %dma_start3A_149 = arith.constant 0 : i32
        %dma_start3A_150 = tpu.memref_slice %arg8[%add3A_120, %dma_start3A_149] : memref<80x128xi32, #tpu.memory_space<vmem>> -> memref<1x128xi32, #tpu.memory_space<vmem>>
        %dma_start3A_151 = tpu.memref_squeeze %dma_start3A_150 : memref<1x128xi32, #tpu.memory_space<vmem>> -> memref<128xi32, #tpu.memory_space<vmem>>
        %dma_start3A_152 = arith.constant 0 : i32
        %dma_start3A_153 = arith.constant 0 : i32
        %dma_start3A_154 = tpu.memref_slice %arg13[%dma_start3A_152, %dma_start3A_153] : memref<10240x32xf32, #tpu.memory_space<vmem_shared>> -> memref<10240x32xf32, #tpu.memory_space<vmem_shared>>
        tpu.enqueue_indirect_dma source(%arg11 : memref<128x32xf32, #tpu.memory_space<vmem>>) target(%dma_start3A_154 : memref<10240x32xf32, #tpu.memory_space<vmem_shared>>) offsets(%dma_start3A_151 : memref<128xi32, #tpu.memory_space<vmem>>) semaphore(%run_scoped3A_148 : memref<!tpu.dma_semaphore, #tpu.memory_space<semaphore_mem>>) {add = true}
        %dma_wait3A_155 = arith.constant 0 : i32
        %dma_wait3A_156 = tpu.memref_slice %arg8[%add3A_120, %dma_wait3A_155] : memref<80x128xi32, #tpu.memory_space<vmem>> -> memref<1x128xi32, #tpu.memory_space<vmem>>
        %dma_wait3A_157 = tpu.memref_squeeze %dma_wait3A_156 : memref<1x128xi32, #tpu.memory_space<vmem>> -> memref<128xi32, #tpu.memory_space<vmem>>
        %dma_wait3A_158 = arith.constant 0 : i32
        %dma_wait3A_159 = arith.constant 0 : i32
        %dma_wait3A_160 = tpu.memref_slice %arg13[%dma_wait3A_158, %dma_wait3A_159] : memref<10240x32xf32, #tpu.memory_space<vmem_shared>> -> memref<10240x32xf32, #tpu.memory_space<vmem_shared>>
        tpu.wait_indirect_dma semaphore(%run_scoped3A_148 : memref<!tpu.dma_semaphore, #tpu.memory_space<semaphore_mem>>) src(%arg11 : memref<128x32xf32, #tpu.memory_space<vmem>>) dst(%dma_wait3A_160 : memref<10240x32xf32, #tpu.memory_space<vmem_shared>>)
        tpu.yield
      }) : () -> ()
      %add3A_121 = arith.constant 2 : i32
      %add3A_122 = arith.addi %add3A_79, %add3A_121 : i32
      %add3A_123 = arith.constant 4 : i32
      %add3A_124 = arith.addi %add3A_122, %add3A_123 : i32
      %lt3A_125 = arith.constant 80 : i32
      %lt3A_126 = arith.cmpi slt, %add3A_124, %lt3A_125 : i32
      %convert_element_type3A_127 = arith.extui %lt3A_126 : i1 to i32
      %cond3A_128 = arith.constant 0 : i32
      %cond3A_129 = arith.cmpi ne, %convert_element_type3A_127, %cond3A_128 : i32
      scf.if %cond3A_129 {
        %add3A_148 = arith.constant 2 : i32
        %add3A_149 = arith.addi %add3A_79, %add3A_148 : i32
        %add3A_150 = arith.constant 4 : i32
        %add3A_151 = arith.addi %add3A_149, %add3A_150 : i32
        %dma_start3A_152 = arith.constant 0 : i32
        %dma_start3A_153 = tpu.memref_slice %arg7[%add3A_151, %dma_start3A_152] : memref<80x128xi32, #tpu.memory_space<vmem>> -> memref<1x128xi32, #tpu.memory_space<vmem>>
        %dma_start3A_154 = tpu.memref_squeeze %dma_start3A_153 : memref<1x128xi32, #tpu.memory_space<vmem>> -> memref<128xi32, #tpu.memory_space<vmem>>
        %dma_start3A_155 = arith.constant 0 : i32
        %dma_start3A_156 = arith.constant 0 : i32
        %dma_start3A_157 = tpu.memref_slice %arg14[%dma_start3A_155, %dma_start3A_156] : memref<10240x32xf32, #tpu.memory_space<vmem_shared>> -> memref<10240x32xf32, #tpu.memory_space<vmem_shared>>
        tpu.enqueue_indirect_dma source(%dma_start3A_157 : memref<10240x32xf32, #tpu.memory_space<vmem_shared>>) target(%arg11 : memref<128x32xf32, #tpu.memory_space<vmem>>) offsets(%dma_start3A_154 : memref<128xi32, #tpu.memory_space<vmem>>) semaphore(%arg17 : memref<!tpu.dma_semaphore, #tpu.memory_space<semaphore_mem>>)
      } else {
      }
      %dma_wait3A_130 = arith.constant 0 : i32
      %dma_wait3A_131 = arith.constant 0 : i32
      %dma_wait3A_132 = tpu.memref_slice %arg7[%dma_wait3A_130, %dma_wait3A_131] : memref<80x128xi32, #tpu.memory_space<vmem>> -> memref<1x128xi32, #tpu.memory_space<vmem>>
      %dma_wait3A_133 = tpu.memref_squeeze %dma_wait3A_132 : memref<1x128xi32, #tpu.memory_space<vmem>> -> memref<128xi32, #tpu.memory_space<vmem>>
      %dma_wait3A_134 = arith.constant 0 : i32
      %dma_wait3A_135 = arith.constant 0 : i32
      %dma_wait3A_136 = tpu.memref_slice %arg14[%dma_wait3A_134, %dma_wait3A_135] : memref<10240x32xf32, #tpu.memory_space<vmem_shared>> -> memref<10240x32xf32, #tpu.memory_space<vmem_shared>>
      tpu.wait_indirect_dma semaphore(%arg18 : memref<!tpu.dma_semaphore, #tpu.memory_space<semaphore_mem>>) src(%dma_wait3A_136 : memref<10240x32xf32, #tpu.memory_space<vmem_shared>>) dst(%arg12 : memref<128x32xf32, #tpu.memory_space<vmem>>)
      %add3A_137 = arith.constant 3 : i32
      %add3A_138 = arith.addi %add3A_79, %add3A_137 : i32
      "tpu.region"() ({
        %run_scoped3A_148 = tpu.sem_alloc : memref<!tpu.dma_semaphore, #tpu.memory_space<semaphore_mem>>
        %dma_start3A_149 = arith.constant 0 : i32
        %dma_start3A_150 = tpu.memref_slice %arg8[%add3A_138, %dma_start3A_149] : memref<80x128xi32, #tpu.memory_space<vmem>> -> memref<1x128xi32, #tpu.memory_space<vmem>>
        %dma_start3A_151 = tpu.memref_squeeze %dma_start3A_150 : memref<1x128xi32, #tpu.memory_space<vmem>> -> memref<128xi32, #tpu.memory_space<vmem>>
        %dma_start3A_152 = arith.constant 0 : i32
        %dma_start3A_153 = arith.constant 0 : i32
        %dma_start3A_154 = tpu.memref_slice %arg13[%dma_start3A_152, %dma_start3A_153] : memref<10240x32xf32, #tpu.memory_space<vmem_shared>> -> memref<10240x32xf32, #tpu.memory_space<vmem_shared>>
        tpu.enqueue_indirect_dma source(%arg12 : memref<128x32xf32, #tpu.memory_space<vmem>>) target(%dma_start3A_154 : memref<10240x32xf32, #tpu.memory_space<vmem_shared>>) offsets(%dma_start3A_151 : memref<128xi32, #tpu.memory_space<vmem>>) semaphore(%run_scoped3A_148 : memref<!tpu.dma_semaphore, #tpu.memory_space<semaphore_mem>>) {add = true}
        %dma_wait3A_155 = arith.constant 0 : i32
        %dma_wait3A_156 = tpu.memref_slice %arg8[%add3A_138, %dma_wait3A_155] : memref<80x128xi32, #tpu.memory_space<vmem>> -> memref<1x128xi32, #tpu.memory_space<vmem>>
        %dma_wait3A_157 = tpu.memref_squeeze %dma_wait3A_156 : memref<1x128xi32, #tpu.memory_space<vmem>> -> memref<128xi32, #tpu.memory_space<vmem>>
        %dma_wait3A_158 = arith.constant 0 : i32
        %dma_wait3A_159 = arith.constant 0 : i32
        %dma_wait3A_160 = tpu.memref_slice %arg13[%dma_wait3A_158, %dma_wait3A_159] : memref<10240x32xf32, #tpu.memory_space<vmem_shared>> -> memref<10240x32xf32, #tpu.memory_space<vmem_shared>>
        tpu.wait_indirect_dma semaphore(%run_scoped3A_148 : memref<!tpu.dma_semaphore, #tpu.memory_space<semaphore_mem>>) src(%arg12 : memref<128x32xf32, #tpu.memory_space<vmem>>) dst(%dma_wait3A_160 : memref<10240x32xf32, #tpu.memory_space<vmem_shared>>)
        tpu.yield
      }) : () -> ()
      %add3A_139 = arith.constant 3 : i32
      %add3A_140 = arith.addi %add3A_79, %add3A_139 : i32
      %add3A_141 = arith.constant 4 : i32
      %add3A_142 = arith.addi %add3A_140, %add3A_141 : i32
      %lt3A_143 = arith.constant 80 : i32
      %lt3A_144 = arith.cmpi slt, %add3A_142, %lt3A_143 : i32
      %convert_element_type3A_145 = arith.extui %lt3A_144 : i1 to i32
      %cond3A_146 = arith.constant 0 : i32
      %cond3A_147 = arith.cmpi ne, %convert_element_type3A_145, %cond3A_146 : i32
      scf.if %cond3A_147 {
        %add3A_148 = arith.constant 3 : i32
        %add3A_149 = arith.addi %add3A_79, %add3A_148 : i32
        %add3A_150 = arith.constant 4 : i32
        %add3A_151 = arith.addi %add3A_149, %add3A_150 : i32
        %dma_start3A_152 = arith.constant 0 : i32
        %dma_start3A_153 = tpu.memref_slice %arg7[%add3A_151, %dma_start3A_152] : memref<80x128xi32, #tpu.memory_space<vmem>> -> memref<1x128xi32, #tpu.memory_space<vmem>>
        %dma_start3A_154 = tpu.memref_squeeze %dma_start3A_153 : memref<1x128xi32, #tpu.memory_space<vmem>> -> memref<128xi32, #tpu.memory_space<vmem>>
        %dma_start3A_155 = arith.constant 0 : i32
        %dma_start3A_156 = arith.constant 0 : i32
        %dma_start3A_157 = tpu.memref_slice %arg14[%dma_start3A_155, %dma_start3A_156] : memref<10240x32xf32, #tpu.memory_space<vmem_shared>> -> memref<10240x32xf32, #tpu.memory_space<vmem_shared>>
        tpu.enqueue_indirect_dma source(%dma_start3A_157 : memref<10240x32xf32, #tpu.memory_space<vmem_shared>>) target(%arg12 : memref<128x32xf32, #tpu.memory_space<vmem>>) offsets(%dma_start3A_154 : memref<128xi32, #tpu.memory_space<vmem>>) semaphore(%arg18 : memref<!tpu.dma_semaphore, #tpu.memory_space<semaphore_mem>>)
      } else {
      }
    }
    %scan3A_35 = arith.constant 20 : i32
    %barrier3A_36 = arith.constant 0 : index
    tpu.barrier barrier_id(%barrier3A_36)
    %run_scoped3A = arith.constant 0 : i32
    "tpu.region"() ({
      %run_scoped3A_75 = tpu.sem_alloc : memref<!tpu.dma_semaphore, #tpu.memory_space<semaphore_mem>>
      %dma_start3A_76 = arith.constant 0 : i32
      %dma_start3A_77 = arith.constant 0 : i32
      %dma_start3A_78 = arith.constant 0 : i32
      %dma_start3A_79 = tpu.memref_slice %arg6[%arg0, %dma_start3A_76, %dma_start3A_77, %dma_start3A_78] : memref<2x2x10240x32xf32, #tpu.memory_space<hbm>> -> memref<1x2x10240x32xf32, #tpu.memory_space<hbm>>
      %dma_start3A_80 = tpu.memref_squeeze %dma_start3A_79 : memref<1x2x10240x32xf32, #tpu.memory_space<hbm>> -> memref<2x10240x32xf32, #tpu.memory_space<hbm>>
      %dma_start3A_81 = arith.constant 0 : i32
      %dma_start3A_82 = arith.constant 0 : i32
      %dma_start3A_83 = tpu.memref_slice %dma_start3A_80[%run_scoped3A, %dma_start3A_81, %dma_start3A_82] : memref<2x10240x32xf32, #tpu.memory_space<hbm>> -> memref<1x10240x32xf32, #tpu.memory_space<hbm>>
      %dma_start3A_84 = tpu.memref_squeeze %dma_start3A_83 : memref<1x10240x32xf32, #tpu.memory_space<hbm>> -> memref<10240x32xf32, #tpu.memory_space<hbm>>
      %dma_start3A_85 = arith.constant 0 : i32
      %dma_start3A_86 = tpu.memref_slice %dma_start3A_84[%mul3A_0, %dma_start3A_85] : memref<10240x32xf32, #tpu.memory_space<hbm>> -> memref<640x32xf32, #tpu.memory_space<hbm>>
      %dma_start3A_87 = arith.constant 0 : i32
      %dma_start3A_88 = tpu.memref_slice %arg13[%mul3A_0, %dma_start3A_87] : memref<10240x32xf32, #tpu.memory_space<vmem_shared>> -> memref<640x32xf32, #tpu.memory_space<vmem_shared>>
      tpu.enqueue_dma source(%dma_start3A_88 : memref<640x32xf32, #tpu.memory_space<vmem_shared>>) target(%dma_start3A_86 : memref<640x32xf32, #tpu.memory_space<hbm>>) target_semaphore(%run_scoped3A_75 : memref<!tpu.dma_semaphore, #tpu.memory_space<semaphore_mem>>)
      %dma_wait3A = arith.constant 0 : i32
      %dma_wait3A_89 = arith.constant 0 : i32
      %dma_wait3A_90 = arith.constant 0 : i32
      %dma_wait3A_91 = tpu.memref_slice %arg6[%arg0, %dma_wait3A, %dma_wait3A_89, %dma_wait3A_90] : memref<2x2x10240x32xf32, #tpu.memory_space<hbm>> -> memref<1x2x10240x32xf32, #tpu.memory_space<hbm>>
      %dma_wait3A_92 = tpu.memref_squeeze %dma_wait3A_91 : memref<1x2x10240x32xf32, #tpu.memory_space<hbm>> -> memref<2x10240x32xf32, #tpu.memory_space<hbm>>
      %dma_wait3A_93 = arith.constant 0 : i32
      %dma_wait3A_94 = arith.constant 0 : i32
      %dma_wait3A_95 = tpu.memref_slice %dma_wait3A_92[%run_scoped3A, %dma_wait3A_93, %dma_wait3A_94] : memref<2x10240x32xf32, #tpu.memory_space<hbm>> -> memref<1x10240x32xf32, #tpu.memory_space<hbm>>
      %dma_wait3A_96 = tpu.memref_squeeze %dma_wait3A_95 : memref<1x10240x32xf32, #tpu.memory_space<hbm>> -> memref<10240x32xf32, #tpu.memory_space<hbm>>
      %dma_wait3A_97 = arith.constant 0 : i32
      %dma_wait3A_98 = tpu.memref_slice %dma_wait3A_96[%mul3A_0, %dma_wait3A_97] : memref<10240x32xf32, #tpu.memory_space<hbm>> -> memref<640x32xf32, #tpu.memory_space<hbm>>
      %dma_wait3A_99 = arith.constant 0 : i32
      %dma_wait3A_100 = tpu.memref_slice %arg13[%mul3A_0, %dma_wait3A_99] : memref<10240x32xf32, #tpu.memory_space<vmem_shared>> -> memref<640x32xf32, #tpu.memory_space<vmem_shared>>
      tpu.wait_dma2 semaphore(%run_scoped3A_75 : memref<!tpu.dma_semaphore, #tpu.memory_space<semaphore_mem>>) src(%dma_wait3A_100 : memref<640x32xf32, #tpu.memory_space<vmem_shared>>) dst(%dma_wait3A_98 : memref<640x32xf32, #tpu.memory_space<hbm>>)
      tpu.yield
    }) : () -> ()
    %barrier3A_37 = arith.constant 0 : index
    tpu.barrier barrier_id(%barrier3A_37)
    "tpu.region"() ({
      %run_scoped3A_75 = tpu.sem_alloc : memref<!tpu.dma_semaphore, #tpu.memory_space<semaphore_mem>>
      %dma_start3A_76 = arith.constant 0 : i32
      %dma_start3A_77 = tpu.memref_slice %arg13[%mul3A_0, %dma_start3A_76] : memref<10240x32xf32, #tpu.memory_space<vmem_shared>> -> memref<640x32xf32, #tpu.memory_space<vmem_shared>>
      %dma_start3A_78 = arith.constant 0 : i32
      %dma_start3A_79 = tpu.memref_slice %arg5[%mul3A_0, %dma_start3A_78] : memref<10240x32xf32, #tpu.memory_space<hbm>> -> memref<640x32xf32, #tpu.memory_space<hbm>>
      tpu.enqueue_dma source(%dma_start3A_79 : memref<640x32xf32, #tpu.memory_space<hbm>>) target(%dma_start3A_77 : memref<640x32xf32, #tpu.memory_space<vmem_shared>>) target_semaphore(%run_scoped3A_75 : memref<!tpu.dma_semaphore, #tpu.memory_space<semaphore_mem>>)
      %dma_wait3A = arith.constant 0 : i32
      %dma_wait3A_80 = tpu.memref_slice %arg13[%mul3A_0, %dma_wait3A] : memref<10240x32xf32, #tpu.memory_space<vmem_shared>> -> memref<640x32xf32, #tpu.memory_space<vmem_shared>>
      %dma_wait3A_81 = arith.constant 0 : i32
      %dma_wait3A_82 = tpu.memref_slice %arg5[%mul3A_0, %dma_wait3A_81] : memref<10240x32xf32, #tpu.memory_space<hbm>> -> memref<640x32xf32, #tpu.memory_space<hbm>>
      tpu.wait_dma2 semaphore(%run_scoped3A_75 : memref<!tpu.dma_semaphore, #tpu.memory_space<semaphore_mem>>) src(%dma_wait3A_82 : memref<640x32xf32, #tpu.memory_space<hbm>>) dst(%dma_wait3A_80 : memref<640x32xf32, #tpu.memory_space<vmem_shared>>)
      tpu.yield
    }) : () -> ()
    "tpu.region"() ({
      %run_scoped3A_75 = tpu.sem_alloc : memref<!tpu.dma_semaphore, #tpu.memory_space<semaphore_mem>>
      %dma_start3A_76 = arith.constant 0 : i32
      %dma_start3A_77 = tpu.memref_slice %arg14[%mul3A_0, %dma_start3A_76] : memref<10240x32xf32, #tpu.memory_space<vmem_shared>> -> memref<640x32xf32, #tpu.memory_space<vmem_shared>>
      %dma_start3A_78 = arith.constant 32 : i32
      %dma_start3A_79 = tpu.memref_slice %arg2[%mul3A_0, %dma_start3A_78] : memref<10240x64xf32, #tpu.memory_space<hbm>> -> memref<640x32xf32, #tpu.memory_space<hbm>>
      tpu.enqueue_dma source(%dma_start3A_79 : memref<640x32xf32, #tpu.memory_space<hbm>>) target(%dma_start3A_77 : memref<640x32xf32, #tpu.memory_space<vmem_shared>>) target_semaphore(%run_scoped3A_75 : memref<!tpu.dma_semaphore, #tpu.memory_space<semaphore_mem>>)
      %dma_wait3A = arith.constant 0 : i32
      %dma_wait3A_80 = tpu.memref_slice %arg14[%mul3A_0, %dma_wait3A] : memref<10240x32xf32, #tpu.memory_space<vmem_shared>> -> memref<640x32xf32, #tpu.memory_space<vmem_shared>>
      %dma_wait3A_81 = arith.constant 32 : i32
      %dma_wait3A_82 = tpu.memref_slice %arg2[%mul3A_0, %dma_wait3A_81] : memref<10240x64xf32, #tpu.memory_space<hbm>> -> memref<640x32xf32, #tpu.memory_space<hbm>>
      tpu.wait_dma2 semaphore(%run_scoped3A_75 : memref<!tpu.dma_semaphore, #tpu.memory_space<semaphore_mem>>) src(%dma_wait3A_82 : memref<640x32xf32, #tpu.memory_space<hbm>>) dst(%dma_wait3A_80 : memref<640x32xf32, #tpu.memory_space<vmem_shared>>)
      tpu.yield
    }) : () -> ()
    %barrier3A_38 = arith.constant 0 : index
    tpu.barrier barrier_id(%barrier3A_38)
    %dma_start3A_39 = arith.constant 0 : i32
    %dma_start3A_40 = arith.constant 0 : i32
    %dma_start3A_41 = tpu.memref_slice %arg7[%dma_start3A_39, %dma_start3A_40] : memref<80x128xi32, #tpu.memory_space<vmem>> -> memref<1x128xi32, #tpu.memory_space<vmem>>
    %dma_start3A_42 = tpu.memref_squeeze %dma_start3A_41 : memref<1x128xi32, #tpu.memory_space<vmem>> -> memref<128xi32, #tpu.memory_space<vmem>>
    %dma_start3A_43 = arith.constant 0 : i32
    %dma_start3A_44 = arith.constant 0 : i32
    %dma_start3A_45 = tpu.memref_slice %arg14[%dma_start3A_43, %dma_start3A_44] : memref<10240x32xf32, #tpu.memory_space<vmem_shared>> -> memref<10240x32xf32, #tpu.memory_space<vmem_shared>>
    tpu.enqueue_indirect_dma source(%dma_start3A_45 : memref<10240x32xf32, #tpu.memory_space<vmem_shared>>) target(%arg9 : memref<128x32xf32, #tpu.memory_space<vmem>>) offsets(%dma_start3A_42 : memref<128xi32, #tpu.memory_space<vmem>>) semaphore(%arg15 : memref<!tpu.dma_semaphore, #tpu.memory_space<semaphore_mem>>)
    %dma_start3A_46 = arith.constant 1 : i32
    %dma_start3A_47 = arith.constant 0 : i32
    %dma_start3A_48 = tpu.memref_slice %arg7[%dma_start3A_46, %dma_start3A_47] : memref<80x128xi32, #tpu.memory_space<vmem>> -> memref<1x128xi32, #tpu.memory_space<vmem>>
    %dma_start3A_49 = tpu.memref_squeeze %dma_start3A_48 : memref<1x128xi32, #tpu.memory_space<vmem>> -> memref<128xi32, #tpu.memory_space<vmem>>
    %dma_start3A_50 = arith.constant 0 : i32
    %dma_start3A_51 = arith.constant 0 : i32
    %dma_start3A_52 = tpu.memref_slice %arg14[%dma_start3A_50, %dma_start3A_51] : memref<10240x32xf32, #tpu.memory_space<vmem_shared>> -> memref<10240x32xf32, #tpu.memory_space<vmem_shared>>
    tpu.enqueue_indirect_dma source(%dma_start3A_52 : memref<10240x32xf32, #tpu.memory_space<vmem_shared>>) target(%arg10 : memref<128x32xf32, #tpu.memory_space<vmem>>) offsets(%dma_start3A_49 : memref<128xi32, #tpu.memory_space<vmem>>) semaphore(%arg16 : memref<!tpu.dma_semaphore, #tpu.memory_space<semaphore_mem>>)
    %dma_start3A_53 = arith.constant 2 : i32
    %dma_start3A_54 = arith.constant 0 : i32
    %dma_start3A_55 = tpu.memref_slice %arg7[%dma_start3A_53, %dma_start3A_54] : memref<80x128xi32, #tpu.memory_space<vmem>> -> memref<1x128xi32, #tpu.memory_space<vmem>>
    %dma_start3A_56 = tpu.memref_squeeze %dma_start3A_55 : memref<1x128xi32, #tpu.memory_space<vmem>> -> memref<128xi32, #tpu.memory_space<vmem>>
    %dma_start3A_57 = arith.constant 0 : i32
    %dma_start3A_58 = arith.constant 0 : i32
    %dma_start3A_59 = tpu.memref_slice %arg14[%dma_start3A_57, %dma_start3A_58] : memref<10240x32xf32, #tpu.memory_space<vmem_shared>> -> memref<10240x32xf32, #tpu.memory_space<vmem_shared>>
    tpu.enqueue_indirect_dma source(%dma_start3A_59 : memref<10240x32xf32, #tpu.memory_space<vmem_shared>>) target(%arg11 : memref<128x32xf32, #tpu.memory_space<vmem>>) offsets(%dma_start3A_56 : memref<128xi32, #tpu.memory_space<vmem>>) semaphore(%arg17 : memref<!tpu.dma_semaphore, #tpu.memory_space<semaphore_mem>>)
    %dma_start3A_60 = arith.constant 3 : i32
    %dma_start3A_61 = arith.constant 0 : i32
    %dma_start3A_62 = tpu.memref_slice %arg7[%dma_start3A_60, %dma_start3A_61] : memref<80x128xi32, #tpu.memory_space<vmem>> -> memref<1x128xi32, #tpu.memory_space<vmem>>
    %dma_start3A_63 = tpu.memref_squeeze %dma_start3A_62 : memref<1x128xi32, #tpu.memory_space<vmem>> -> memref<128xi32, #tpu.memory_space<vmem>>
    %dma_start3A_64 = arith.constant 0 : i32
    %dma_start3A_65 = arith.constant 0 : i32
    %dma_start3A_66 = tpu.memref_slice %arg14[%dma_start3A_64, %dma_start3A_65] : memref<10240x32xf32, #tpu.memory_space<vmem_shared>> -> memref<10240x32xf32, #tpu.memory_space<vmem_shared>>
    tpu.enqueue_indirect_dma source(%dma_start3A_66 : memref<10240x32xf32, #tpu.memory_space<vmem_shared>>) target(%arg12 : memref<128x32xf32, #tpu.memory_space<vmem>>) offsets(%dma_start3A_63 : memref<128xi32, #tpu.memory_space<vmem>>) semaphore(%arg18 : memref<!tpu.dma_semaphore, #tpu.memory_space<semaphore_mem>>)
    %scan3A_67 = arith.constant 0 : i32
    %scan3A_68 = arith.constant 20 : i32
    %scan3A_69 = arith.addi %scan3A_67, %scan3A_68 : i32
    %scan3A_70 = arith.constant 1 : i32
    scf.for %scan3A_75 = %scan3A_67 to %scan3A_69 step %scan3A_70  : i32 {
      %mul3A_76 = arith.constant 4 : i32
      %mul3A_77 = arith.muli %scan3A_75, %mul3A_76 : i32
      %add3A_78 = arith.constant 0 : i32
      %add3A_79 = arith.addi %add3A_78, %mul3A_77 : i32
      %dma_wait3A = arith.constant 0 : i32
      %dma_wait3A_80 = arith.constant 0 : i32
      %dma_wait3A_81 = tpu.memref_slice %arg7[%dma_wait3A, %dma_wait3A_80] : memref<80x128xi32, #tpu.memory_space<vmem>> -> memref<1x128xi32, #tpu.memory_space<vmem>>
      %dma_wait3A_82 = tpu.memref_squeeze %dma_wait3A_81 : memref<1x128xi32, #tpu.memory_space<vmem>> -> memref<128xi32, #tpu.memory_space<vmem>>
      %dma_wait3A_83 = arith.constant 0 : i32
      %dma_wait3A_84 = arith.constant 0 : i32
      %dma_wait3A_85 = tpu.memref_slice %arg14[%dma_wait3A_83, %dma_wait3A_84] : memref<10240x32xf32, #tpu.memory_space<vmem_shared>> -> memref<10240x32xf32, #tpu.memory_space<vmem_shared>>
      tpu.wait_indirect_dma semaphore(%arg15 : memref<!tpu.dma_semaphore, #tpu.memory_space<semaphore_mem>>) src(%dma_wait3A_85 : memref<10240x32xf32, #tpu.memory_space<vmem_shared>>) dst(%arg9 : memref<128x32xf32, #tpu.memory_space<vmem>>)
      %add3A_86 = arith.constant 0 : i32
      %add3A_87 = arith.addi %add3A_79, %add3A_86 : i32
      "tpu.region"() ({
        %run_scoped3A_148 = tpu.sem_alloc : memref<!tpu.dma_semaphore, #tpu.memory_space<semaphore_mem>>
        %dma_start3A_149 = arith.constant 0 : i32
        %dma_start3A_150 = tpu.memref_slice %arg8[%add3A_87, %dma_start3A_149] : memref<80x128xi32, #tpu.memory_space<vmem>> -> memref<1x128xi32, #tpu.memory_space<vmem>>
        %dma_start3A_151 = tpu.memref_squeeze %dma_start3A_150 : memref<1x128xi32, #tpu.memory_space<vmem>> -> memref<128xi32, #tpu.memory_space<vmem>>
        %dma_start3A_152 = arith.constant 0 : i32
        %dma_start3A_153 = arith.constant 0 : i32
        %dma_start3A_154 = tpu.memref_slice %arg13[%dma_start3A_152, %dma_start3A_153] : memref<10240x32xf32, #tpu.memory_space<vmem_shared>> -> memref<10240x32xf32, #tpu.memory_space<vmem_shared>>
        tpu.enqueue_indirect_dma source(%arg9 : memref<128x32xf32, #tpu.memory_space<vmem>>) target(%dma_start3A_154 : memref<10240x32xf32, #tpu.memory_space<vmem_shared>>) offsets(%dma_start3A_151 : memref<128xi32, #tpu.memory_space<vmem>>) semaphore(%run_scoped3A_148 : memref<!tpu.dma_semaphore, #tpu.memory_space<semaphore_mem>>) {add = true}
        %dma_wait3A_155 = arith.constant 0 : i32
        %dma_wait3A_156 = tpu.memref_slice %arg8[%add3A_87, %dma_wait3A_155] : memref<80x128xi32, #tpu.memory_space<vmem>> -> memref<1x128xi32, #tpu.memory_space<vmem>>
        %dma_wait3A_157 = tpu.memref_squeeze %dma_wait3A_156 : memref<1x128xi32, #tpu.memory_space<vmem>> -> memref<128xi32, #tpu.memory_space<vmem>>
        %dma_wait3A_158 = arith.constant 0 : i32
        %dma_wait3A_159 = arith.constant 0 : i32
        %dma_wait3A_160 = tpu.memref_slice %arg13[%dma_wait3A_158, %dma_wait3A_159] : memref<10240x32xf32, #tpu.memory_space<vmem_shared>> -> memref<10240x32xf32, #tpu.memory_space<vmem_shared>>
        tpu.wait_indirect_dma semaphore(%run_scoped3A_148 : memref<!tpu.dma_semaphore, #tpu.memory_space<semaphore_mem>>) src(%arg9 : memref<128x32xf32, #tpu.memory_space<vmem>>) dst(%dma_wait3A_160 : memref<10240x32xf32, #tpu.memory_space<vmem_shared>>)
        tpu.yield
      }) : () -> ()
      %add3A_88 = arith.constant 0 : i32
      %add3A_89 = arith.addi %add3A_79, %add3A_88 : i32
      %add3A_90 = arith.constant 4 : i32
      %add3A_91 = arith.addi %add3A_89, %add3A_90 : i32
      %lt3A = arith.constant 80 : i32
      %lt3A_92 = arith.cmpi slt, %add3A_91, %lt3A : i32
      %convert_element_type3A = arith.extui %lt3A_92 : i1 to i32
      %cond3A = arith.constant 0 : i32
      %cond3A_93 = arith.cmpi ne, %convert_element_type3A, %cond3A : i32
      scf.if %cond3A_93 {
        %add3A_148 = arith.constant 0 : i32
        %add3A_149 = arith.addi %add3A_79, %add3A_148 : i32
        %add3A_150 = arith.constant 4 : i32
        %add3A_151 = arith.addi %add3A_149, %add3A_150 : i32
        %dma_start3A_152 = arith.constant 0 : i32
        %dma_start3A_153 = tpu.memref_slice %arg7[%add3A_151, %dma_start3A_152] : memref<80x128xi32, #tpu.memory_space<vmem>> -> memref<1x128xi32, #tpu.memory_space<vmem>>
        %dma_start3A_154 = tpu.memref_squeeze %dma_start3A_153 : memref<1x128xi32, #tpu.memory_space<vmem>> -> memref<128xi32, #tpu.memory_space<vmem>>
        %dma_start3A_155 = arith.constant 0 : i32
        %dma_start3A_156 = arith.constant 0 : i32
        %dma_start3A_157 = tpu.memref_slice %arg14[%dma_start3A_155, %dma_start3A_156] : memref<10240x32xf32, #tpu.memory_space<vmem_shared>> -> memref<10240x32xf32, #tpu.memory_space<vmem_shared>>
        tpu.enqueue_indirect_dma source(%dma_start3A_157 : memref<10240x32xf32, #tpu.memory_space<vmem_shared>>) target(%arg9 : memref<128x32xf32, #tpu.memory_space<vmem>>) offsets(%dma_start3A_154 : memref<128xi32, #tpu.memory_space<vmem>>) semaphore(%arg15 : memref<!tpu.dma_semaphore, #tpu.memory_space<semaphore_mem>>)
      } else {
      }
      %dma_wait3A_94 = arith.constant 0 : i32
      %dma_wait3A_95 = arith.constant 0 : i32
      %dma_wait3A_96 = tpu.memref_slice %arg7[%dma_wait3A_94, %dma_wait3A_95] : memref<80x128xi32, #tpu.memory_space<vmem>> -> memref<1x128xi32, #tpu.memory_space<vmem>>
      %dma_wait3A_97 = tpu.memref_squeeze %dma_wait3A_96 : memref<1x128xi32, #tpu.memory_space<vmem>> -> memref<128xi32, #tpu.memory_space<vmem>>
      %dma_wait3A_98 = arith.constant 0 : i32
      %dma_wait3A_99 = arith.constant 0 : i32
      %dma_wait3A_100 = tpu.memref_slice %arg14[%dma_wait3A_98, %dma_wait3A_99] : memref<10240x32xf32, #tpu.memory_space<vmem_shared>> -> memref<10240x32xf32, #tpu.memory_space<vmem_shared>>
      tpu.wait_indirect_dma semaphore(%arg16 : memref<!tpu.dma_semaphore, #tpu.memory_space<semaphore_mem>>) src(%dma_wait3A_100 : memref<10240x32xf32, #tpu.memory_space<vmem_shared>>) dst(%arg10 : memref<128x32xf32, #tpu.memory_space<vmem>>)
      %add3A_101 = arith.constant 1 : i32
      %add3A_102 = arith.addi %add3A_79, %add3A_101 : i32
      "tpu.region"() ({
        %run_scoped3A_148 = tpu.sem_alloc : memref<!tpu.dma_semaphore, #tpu.memory_space<semaphore_mem>>
        %dma_start3A_149 = arith.constant 0 : i32
        %dma_start3A_150 = tpu.memref_slice %arg8[%add3A_102, %dma_start3A_149] : memref<80x128xi32, #tpu.memory_space<vmem>> -> memref<1x128xi32, #tpu.memory_space<vmem>>
        %dma_start3A_151 = tpu.memref_squeeze %dma_start3A_150 : memref<1x128xi32, #tpu.memory_space<vmem>> -> memref<128xi32, #tpu.memory_space<vmem>>
        %dma_start3A_152 = arith.constant 0 : i32
        %dma_start3A_153 = arith.constant 0 : i32
        %dma_start3A_154 = tpu.memref_slice %arg13[%dma_start3A_152, %dma_start3A_153] : memref<10240x32xf32, #tpu.memory_space<vmem_shared>> -> memref<10240x32xf32, #tpu.memory_space<vmem_shared>>
        tpu.enqueue_indirect_dma source(%arg10 : memref<128x32xf32, #tpu.memory_space<vmem>>) target(%dma_start3A_154 : memref<10240x32xf32, #tpu.memory_space<vmem_shared>>) offsets(%dma_start3A_151 : memref<128xi32, #tpu.memory_space<vmem>>) semaphore(%run_scoped3A_148 : memref<!tpu.dma_semaphore, #tpu.memory_space<semaphore_mem>>) {add = true}
        %dma_wait3A_155 = arith.constant 0 : i32
        %dma_wait3A_156 = tpu.memref_slice %arg8[%add3A_102, %dma_wait3A_155] : memref<80x128xi32, #tpu.memory_space<vmem>> -> memref<1x128xi32, #tpu.memory_space<vmem>>
        %dma_wait3A_157 = tpu.memref_squeeze %dma_wait3A_156 : memref<1x128xi32, #tpu.memory_space<vmem>> -> memref<128xi32, #tpu.memory_space<vmem>>
        %dma_wait3A_158 = arith.constant 0 : i32
        %dma_wait3A_159 = arith.constant 0 : i32
        %dma_wait3A_160 = tpu.memref_slice %arg13[%dma_wait3A_158, %dma_wait3A_159] : memref<10240x32xf32, #tpu.memory_space<vmem_shared>> -> memref<10240x32xf32, #tpu.memory_space<vmem_shared>>
        tpu.wait_indirect_dma semaphore(%run_scoped3A_148 : memref<!tpu.dma_semaphore, #tpu.memory_space<semaphore_mem>>) src(%arg10 : memref<128x32xf32, #tpu.memory_space<vmem>>) dst(%dma_wait3A_160 : memref<10240x32xf32, #tpu.memory_space<vmem_shared>>)
        tpu.yield
      }) : () -> ()
      %add3A_103 = arith.constant 1 : i32
      %add3A_104 = arith.addi %add3A_79, %add3A_103 : i32
      %add3A_105 = arith.constant 4 : i32
      %add3A_106 = arith.addi %add3A_104, %add3A_105 : i32
      %lt3A_107 = arith.constant 80 : i32
      %lt3A_108 = arith.cmpi slt, %add3A_106, %lt3A_107 : i32
      %convert_element_type3A_109 = arith.extui %lt3A_108 : i1 to i32
      %cond3A_110 = arith.constant 0 : i32
      %cond3A_111 = arith.cmpi ne, %convert_element_type3A_109, %cond3A_110 : i32
      scf.if %cond3A_111 {
        %add3A_148 = arith.constant 1 : i32
        %add3A_149 = arith.addi %add3A_79, %add3A_148 : i32
        %add3A_150 = arith.constant 4 : i32
        %add3A_151 = arith.addi %add3A_149, %add3A_150 : i32
        %dma_start3A_152 = arith.constant 0 : i32
        %dma_start3A_153 = tpu.memref_slice %arg7[%add3A_151, %dma_start3A_152] : memref<80x128xi32, #tpu.memory_space<vmem>> -> memref<1x128xi32, #tpu.memory_space<vmem>>
        %dma_start3A_154 = tpu.memref_squeeze %dma_start3A_153 : memref<1x128xi32, #tpu.memory_space<vmem>> -> memref<128xi32, #tpu.memory_space<vmem>>
        %dma_start3A_155 = arith.constant 0 : i32
        %dma_start3A_156 = arith.constant 0 : i32
        %dma_start3A_157 = tpu.memref_slice %arg14[%dma_start3A_155, %dma_start3A_156] : memref<10240x32xf32, #tpu.memory_space<vmem_shared>> -> memref<10240x32xf32, #tpu.memory_space<vmem_shared>>
        tpu.enqueue_indirect_dma source(%dma_start3A_157 : memref<10240x32xf32, #tpu.memory_space<vmem_shared>>) target(%arg10 : memref<128x32xf32, #tpu.memory_space<vmem>>) offsets(%dma_start3A_154 : memref<128xi32, #tpu.memory_space<vmem>>) semaphore(%arg16 : memref<!tpu.dma_semaphore, #tpu.memory_space<semaphore_mem>>)
      } else {
      }
      %dma_wait3A_112 = arith.constant 0 : i32
      %dma_wait3A_113 = arith.constant 0 : i32
      %dma_wait3A_114 = tpu.memref_slice %arg7[%dma_wait3A_112, %dma_wait3A_113] : memref<80x128xi32, #tpu.memory_space<vmem>> -> memref<1x128xi32, #tpu.memory_space<vmem>>
      %dma_wait3A_115 = tpu.memref_squeeze %dma_wait3A_114 : memref<1x128xi32, #tpu.memory_space<vmem>> -> memref<128xi32, #tpu.memory_space<vmem>>
      %dma_wait3A_116 = arith.constant 0 : i32
      %dma_wait3A_117 = arith.constant 0 : i32
      %dma_wait3A_118 = tpu.memref_slice %arg14[%dma_wait3A_116, %dma_wait3A_117] : memref<10240x32xf32, #tpu.memory_space<vmem_shared>> -> memref<10240x32xf32, #tpu.memory_space<vmem_shared>>
      tpu.wait_indirect_dma semaphore(%arg17 : memref<!tpu.dma_semaphore, #tpu.memory_space<semaphore_mem>>) src(%dma_wait3A_118 : memref<10240x32xf32, #tpu.memory_space<vmem_shared>>) dst(%arg11 : memref<128x32xf32, #tpu.memory_space<vmem>>)
      %add3A_119 = arith.constant 2 : i32
      %add3A_120 = arith.addi %add3A_79, %add3A_119 : i32
      "tpu.region"() ({
        %run_scoped3A_148 = tpu.sem_alloc : memref<!tpu.dma_semaphore, #tpu.memory_space<semaphore_mem>>
        %dma_start3A_149 = arith.constant 0 : i32
        %dma_start3A_150 = tpu.memref_slice %arg8[%add3A_120, %dma_start3A_149] : memref<80x128xi32, #tpu.memory_space<vmem>> -> memref<1x128xi32, #tpu.memory_space<vmem>>
        %dma_start3A_151 = tpu.memref_squeeze %dma_start3A_150 : memref<1x128xi32, #tpu.memory_space<vmem>> -> memref<128xi32, #tpu.memory_space<vmem>>
        %dma_start3A_152 = arith.constant 0 : i32
        %dma_start3A_153 = arith.constant 0 : i32
        %dma_start3A_154 = tpu.memref_slice %arg13[%dma_start3A_152, %dma_start3A_153] : memref<10240x32xf32, #tpu.memory_space<vmem_shared>> -> memref<10240x32xf32, #tpu.memory_space<vmem_shared>>
        tpu.enqueue_indirect_dma source(%arg11 : memref<128x32xf32, #tpu.memory_space<vmem>>) target(%dma_start3A_154 : memref<10240x32xf32, #tpu.memory_space<vmem_shared>>) offsets(%dma_start3A_151 : memref<128xi32, #tpu.memory_space<vmem>>) semaphore(%run_scoped3A_148 : memref<!tpu.dma_semaphore, #tpu.memory_space<semaphore_mem>>) {add = true}
        %dma_wait3A_155 = arith.constant 0 : i32
        %dma_wait3A_156 = tpu.memref_slice %arg8[%add3A_120, %dma_wait3A_155] : memref<80x128xi32, #tpu.memory_space<vmem>> -> memref<1x128xi32, #tpu.memory_space<vmem>>
        %dma_wait3A_157 = tpu.memref_squeeze %dma_wait3A_156 : memref<1x128xi32, #tpu.memory_space<vmem>> -> memref<128xi32, #tpu.memory_space<vmem>>
        %dma_wait3A_158 = arith.constant 0 : i32
        %dma_wait3A_159 = arith.constant 0 : i32
        %dma_wait3A_160 = tpu.memref_slice %arg13[%dma_wait3A_158, %dma_wait3A_159] : memref<10240x32xf32, #tpu.memory_space<vmem_shared>> -> memref<10240x32xf32, #tpu.memory_space<vmem_shared>>
        tpu.wait_indirect_dma semaphore(%run_scoped3A_148 : memref<!tpu.dma_semaphore, #tpu.memory_space<semaphore_mem>>) src(%arg11 : memref<128x32xf32, #tpu.memory_space<vmem>>) dst(%dma_wait3A_160 : memref<10240x32xf32, #tpu.memory_space<vmem_shared>>)
        tpu.yield
      }) : () -> ()
      %add3A_121 = arith.constant 2 : i32
      %add3A_122 = arith.addi %add3A_79, %add3A_121 : i32
      %add3A_123 = arith.constant 4 : i32
      %add3A_124 = arith.addi %add3A_122, %add3A_123 : i32
      %lt3A_125 = arith.constant 80 : i32
      %lt3A_126 = arith.cmpi slt, %add3A_124, %lt3A_125 : i32
      %convert_element_type3A_127 = arith.extui %lt3A_126 : i1 to i32
      %cond3A_128 = arith.constant 0 : i32
      %cond3A_129 = arith.cmpi ne, %convert_element_type3A_127, %cond3A_128 : i32
      scf.if %cond3A_129 {
        %add3A_148 = arith.constant 2 : i32
        %add3A_149 = arith.addi %add3A_79, %add3A_148 : i32
        %add3A_150 = arith.constant 4 : i32
        %add3A_151 = arith.addi %add3A_149, %add3A_150 : i32
        %dma_start3A_152 = arith.constant 0 : i32
        %dma_start3A_153 = tpu.memref_slice %arg7[%add3A_151, %dma_start3A_152] : memref<80x128xi32, #tpu.memory_space<vmem>> -> memref<1x128xi32, #tpu.memory_space<vmem>>
        %dma_start3A_154 = tpu.memref_squeeze %dma_start3A_153 : memref<1x128xi32, #tpu.memory_space<vmem>> -> memref<128xi32, #tpu.memory_space<vmem>>
        %dma_start3A_155 = arith.constant 0 : i32
        %dma_start3A_156 = arith.constant 0 : i32
        %dma_start3A_157 = tpu.memref_slice %arg14[%dma_start3A_155, %dma_start3A_156] : memref<10240x32xf32, #tpu.memory_space<vmem_shared>> -> memref<10240x32xf32, #tpu.memory_space<vmem_shared>>
        tpu.enqueue_indirect_dma source(%dma_start3A_157 : memref<10240x32xf32, #tpu.memory_space<vmem_shared>>) target(%arg11 : memref<128x32xf32, #tpu.memory_space<vmem>>) offsets(%dma_start3A_154 : memref<128xi32, #tpu.memory_space<vmem>>) semaphore(%arg17 : memref<!tpu.dma_semaphore, #tpu.memory_space<semaphore_mem>>)
      } else {
      }
      %dma_wait3A_130 = arith.constant 0 : i32
      %dma_wait3A_131 = arith.constant 0 : i32
      %dma_wait3A_132 = tpu.memref_slice %arg7[%dma_wait3A_130, %dma_wait3A_131] : memref<80x128xi32, #tpu.memory_space<vmem>> -> memref<1x128xi32, #tpu.memory_space<vmem>>
      %dma_wait3A_133 = tpu.memref_squeeze %dma_wait3A_132 : memref<1x128xi32, #tpu.memory_space<vmem>> -> memref<128xi32, #tpu.memory_space<vmem>>
      %dma_wait3A_134 = arith.constant 0 : i32
      %dma_wait3A_135 = arith.constant 0 : i32
      %dma_wait3A_136 = tpu.memref_slice %arg14[%dma_wait3A_134, %dma_wait3A_135] : memref<10240x32xf32, #tpu.memory_space<vmem_shared>> -> memref<10240x32xf32, #tpu.memory_space<vmem_shared>>
      tpu.wait_indirect_dma semaphore(%arg18 : memref<!tpu.dma_semaphore, #tpu.memory_space<semaphore_mem>>) src(%dma_wait3A_136 : memref<10240x32xf32, #tpu.memory_space<vmem_shared>>) dst(%arg12 : memref<128x32xf32, #tpu.memory_space<vmem>>)
      %add3A_137 = arith.constant 3 : i32
      %add3A_138 = arith.addi %add3A_79, %add3A_137 : i32
      "tpu.region"() ({
        %run_scoped3A_148 = tpu.sem_alloc : memref<!tpu.dma_semaphore, #tpu.memory_space<semaphore_mem>>
        %dma_start3A_149 = arith.constant 0 : i32
        %dma_start3A_150 = tpu.memref_slice %arg8[%add3A_138, %dma_start3A_149] : memref<80x128xi32, #tpu.memory_space<vmem>> -> memref<1x128xi32, #tpu.memory_space<vmem>>
        %dma_start3A_151 = tpu.memref_squeeze %dma_start3A_150 : memref<1x128xi32, #tpu.memory_space<vmem>> -> memref<128xi32, #tpu.memory_space<vmem>>
        %dma_start3A_152 = arith.constant 0 : i32
        %dma_start3A_153 = arith.constant 0 : i32
        %dma_start3A_154 = tpu.memref_slice %arg13[%dma_start3A_152, %dma_start3A_153] : memref<10240x32xf32, #tpu.memory_space<vmem_shared>> -> memref<10240x32xf32, #tpu.memory_space<vmem_shared>>
        tpu.enqueue_indirect_dma source(%arg12 : memref<128x32xf32, #tpu.memory_space<vmem>>) target(%dma_start3A_154 : memref<10240x32xf32, #tpu.memory_space<vmem_shared>>) offsets(%dma_start3A_151 : memref<128xi32, #tpu.memory_space<vmem>>) semaphore(%run_scoped3A_148 : memref<!tpu.dma_semaphore, #tpu.memory_space<semaphore_mem>>) {add = true}
        %dma_wait3A_155 = arith.constant 0 : i32
        %dma_wait3A_156 = tpu.memref_slice %arg8[%add3A_138, %dma_wait3A_155] : memref<80x128xi32, #tpu.memory_space<vmem>> -> memref<1x128xi32, #tpu.memory_space<vmem>>
        %dma_wait3A_157 = tpu.memref_squeeze %dma_wait3A_156 : memref<1x128xi32, #tpu.memory_space<vmem>> -> memref<128xi32, #tpu.memory_space<vmem>>
        %dma_wait3A_158 = arith.constant 0 : i32
        %dma_wait3A_159 = arith.constant 0 : i32
        %dma_wait3A_160 = tpu.memref_slice %arg13[%dma_wait3A_158, %dma_wait3A_159] : memref<10240x32xf32, #tpu.memory_space<vmem_shared>> -> memref<10240x32xf32, #tpu.memory_space<vmem_shared>>
        tpu.wait_indirect_dma semaphore(%run_scoped3A_148 : memref<!tpu.dma_semaphore, #tpu.memory_space<semaphore_mem>>) src(%arg12 : memref<128x32xf32, #tpu.memory_space<vmem>>) dst(%dma_wait3A_160 : memref<10240x32xf32, #tpu.memory_space<vmem_shared>>)
        tpu.yield
      }) : () -> ()
      %add3A_139 = arith.constant 3 : i32
      %add3A_140 = arith.addi %add3A_79, %add3A_139 : i32
      %add3A_141 = arith.constant 4 : i32
      %add3A_142 = arith.addi %add3A_140, %add3A_141 : i32
      %lt3A_143 = arith.constant 80 : i32
      %lt3A_144 = arith.cmpi slt, %add3A_142, %lt3A_143 : i32
      %convert_element_type3A_145 = arith.extui %lt3A_144 : i1 to i32
      %cond3A_146 = arith.constant 0 : i32
      %cond3A_147 = arith.cmpi ne, %convert_element_type3A_145, %cond3A_146 : i32
      scf.if %cond3A_147 {
        %add3A_148 = arith.constant 3 : i32
        %add3A_149 = arith.addi %add3A_79, %add3A_148 : i32
        %add3A_150 = arith.constant 4 : i32
        %add3A_151 = arith.addi %add3A_149, %add3A_150 : i32
        %dma_start3A_152 = arith.constant 0 : i32
        %dma_start3A_153 = tpu.memref_slice %arg7[%add3A_151, %dma_start3A_152] : memref<80x128xi32, #tpu.memory_space<vmem>> -> memref<1x128xi32, #tpu.memory_space<vmem>>
        %dma_start3A_154 = tpu.memref_squeeze %dma_start3A_153 : memref<1x128xi32, #tpu.memory_space<vmem>> -> memref<128xi32, #tpu.memory_space<vmem>>
        %dma_start3A_155 = arith.constant 0 : i32
        %dma_start3A_156 = arith.constant 0 : i32
        %dma_start3A_157 = tpu.memref_slice %arg14[%dma_start3A_155, %dma_start3A_156] : memref<10240x32xf32, #tpu.memory_space<vmem_shared>> -> memref<10240x32xf32, #tpu.memory_space<vmem_shared>>
        tpu.enqueue_indirect_dma source(%dma_start3A_157 : memref<10240x32xf32, #tpu.memory_space<vmem_shared>>) target(%arg12 : memref<128x32xf32, #tpu.memory_space<vmem>>) offsets(%dma_start3A_154 : memref<128xi32, #tpu.memory_space<vmem>>) semaphore(%arg18 : memref<!tpu.dma_semaphore, #tpu.memory_space<semaphore_mem>>)
      } else {
      }
    }
    %scan3A_71 = arith.constant 20 : i32
    %barrier3A_72 = arith.constant 0 : index
    tpu.barrier barrier_id(%barrier3A_72)
    %run_scoped3A_73 = arith.constant 1 : i32
    "tpu.region"() ({
      %run_scoped3A_75 = tpu.sem_alloc : memref<!tpu.dma_semaphore, #tpu.memory_space<semaphore_mem>>
      %dma_start3A_76 = arith.constant 0 : i32
      %dma_start3A_77 = arith.constant 0 : i32
      %dma_start3A_78 = arith.constant 0 : i32
      %dma_start3A_79 = tpu.memref_slice %arg6[%arg0, %dma_start3A_76, %dma_start3A_77, %dma_start3A_78] : memref<2x2x10240x32xf32, #tpu.memory_space<hbm>> -> memref<1x2x10240x32xf32, #tpu.memory_space<hbm>>
      %dma_start3A_80 = tpu.memref_squeeze %dma_start3A_79 : memref<1x2x10240x32xf32, #tpu.memory_space<hbm>> -> memref<2x10240x32xf32, #tpu.memory_space<hbm>>
      %dma_start3A_81 = arith.constant 0 : i32
      %dma_start3A_82 = arith.constant 0 : i32
      %dma_start3A_83 = tpu.memref_slice %dma_start3A_80[%run_scoped3A_73, %dma_start3A_81, %dma_start3A_82] : memref<2x10240x32xf32, #tpu.memory_space<hbm>> -> memref<1x10240x32xf32, #tpu.memory_space<hbm>>
      %dma_start3A_84 = tpu.memref_squeeze %dma_start3A_83 : memref<1x10240x32xf32, #tpu.memory_space<hbm>> -> memref<10240x32xf32, #tpu.memory_space<hbm>>
      %dma_start3A_85 = arith.constant 0 : i32
      %dma_start3A_86 = tpu.memref_slice %dma_start3A_84[%mul3A_0, %dma_start3A_85] : memref<10240x32xf32, #tpu.memory_space<hbm>> -> memref<640x32xf32, #tpu.memory_space<hbm>>
      %dma_start3A_87 = arith.constant 0 : i32
      %dma_start3A_88 = tpu.memref_slice %arg13[%mul3A_0, %dma_start3A_87] : memref<10240x32xf32, #tpu.memory_space<vmem_shared>> -> memref<640x32xf32, #tpu.memory_space<vmem_shared>>
      tpu.enqueue_dma source(%dma_start3A_88 : memref<640x32xf32, #tpu.memory_space<vmem_shared>>) target(%dma_start3A_86 : memref<640x32xf32, #tpu.memory_space<hbm>>) target_semaphore(%run_scoped3A_75 : memref<!tpu.dma_semaphore, #tpu.memory_space<semaphore_mem>>)
      %dma_wait3A = arith.constant 0 : i32
      %dma_wait3A_89 = arith.constant 0 : i32
      %dma_wait3A_90 = arith.constant 0 : i32
      %dma_wait3A_91 = tpu.memref_slice %arg6[%arg0, %dma_wait3A, %dma_wait3A_89, %dma_wait3A_90] : memref<2x2x10240x32xf32, #tpu.memory_space<hbm>> -> memref<1x2x10240x32xf32, #tpu.memory_space<hbm>>
      %dma_wait3A_92 = tpu.memref_squeeze %dma_wait3A_91 : memref<1x2x10240x32xf32, #tpu.memory_space<hbm>> -> memref<2x10240x32xf32, #tpu.memory_space<hbm>>
      %dma_wait3A_93 = arith.constant 0 : i32
      %dma_wait3A_94 = arith.constant 0 : i32
      %dma_wait3A_95 = tpu.memref_slice %dma_wait3A_92[%run_scoped3A_73, %dma_wait3A_93, %dma_wait3A_94] : memref<2x10240x32xf32, #tpu.memory_space<hbm>> -> memref<1x10240x32xf32, #tpu.memory_space<hbm>>
      %dma_wait3A_96 = tpu.memref_squeeze %dma_wait3A_95 : memref<1x10240x32xf32, #tpu.memory_space<hbm>> -> memref<10240x32xf32, #tpu.memory_space<hbm>>
      %dma_wait3A_97 = arith.constant 0 : i32
      %dma_wait3A_98 = tpu.memref_slice %dma_wait3A_96[%mul3A_0, %dma_wait3A_97] : memref<10240x32xf32, #tpu.memory_space<hbm>> -> memref<640x32xf32, #tpu.memory_space<hbm>>
      %dma_wait3A_99 = arith.constant 0 : i32
      %dma_wait3A_100 = tpu.memref_slice %arg13[%mul3A_0, %dma_wait3A_99] : memref<10240x32xf32, #tpu.memory_space<vmem_shared>> -> memref<640x32xf32, #tpu.memory_space<vmem_shared>>
      tpu.wait_dma2 semaphore(%run_scoped3A_75 : memref<!tpu.dma_semaphore, #tpu.memory_space<semaphore_mem>>) src(%dma_wait3A_100 : memref<640x32xf32, #tpu.memory_space<vmem_shared>>) dst(%dma_wait3A_98 : memref<640x32xf32, #tpu.memory_space<hbm>>)
      tpu.yield
    }) : () -> ()
    %barrier3A_74 = arith.constant 0 : index
    tpu.barrier barrier_id(%barrier3A_74)
    return
  }
}

module attributes {stable_mosaic.version = 14 : i64} {
  func.func @body(%arg0: i32, %arg1: memref<512x128xf32, #tpu.memory_space<vmem>>, %arg2: memref<128x64xf32, #tpu.memory_space<vmem>>, %arg3: memref<2x512x16xf32, #tpu.memory_space<vmem>>, %arg4: memref<512x64xf32, #tpu.memory_space<vmem>>) attributes {dimension_semantics = [#tpu.dimension_semantics<arbitrary>], iteration_bounds = array<i64: 20>, scalar_prefetch = 0 : i64, scratch_operands = 0 : i64, tpu.core_type = #tpu.core_type<tc>, window_params = [{transform_indices = @transform_0, window_bounds = array<i64: 512, 128>}, {pipeline_mode = #tpu.pipeline_mode<synchronous>, transform_indices = @transform_1, window_bounds = array<i64: 128, 64>}, {transform_indices = @transform_2, window_bounds = array<i64: 2, 512, 16>}, {transform_indices = @transform_3, window_bounds = array<i64: 512, 64>}]} {
    %get3A = arith.constant 0 : index
    %get3A_0 = arith.constant 0 : index
    %get3A_1 = arith.constant 0 : index
    %get3A_2 = vector.load %arg3[%get3A, %get3A_0, %get3A_1] : memref<2x512x16xf32, #tpu.memory_space<vmem>>, vector<1x512x16xf32>
    %get3A_3 = vector.shape_cast %get3A_2 : vector<1x512x16xf32> to vector<512x16xf32>
    %get3A_4 = arith.constant 1 : index
    %get3A_5 = arith.constant 0 : index
    %get3A_6 = arith.constant 0 : index
    %get3A_7 = vector.load %arg3[%get3A_4, %get3A_5, %get3A_6] : memref<2x512x16xf32, #tpu.memory_space<vmem>>, vector<1x512x16xf32>
    %get3A_8 = vector.shape_cast %get3A_7 : vector<1x512x16xf32> to vector<512x16xf32>
    %add3A = arith.addf %get3A_3, %get3A_8 : vector<512x16xf32>
    %reduce_sum3A = arith.constant dense<0.000000e+00> : vector<512xf32>
    %reduce_sum3A_9 = vector.multi_reduction <add>, %add3A, %reduce_sum3A [1] : vector<512x16xf32> to vector<512xf32>
    %broadcast_in_dim3A = vector.shape_cast %reduce_sum3A_9 : vector<512xf32> to vector<512x1xf32>
    %mul3A = arith.constant 6.250000e-02 : f32
    %mul3A_10 = vector.broadcast %mul3A : f32 to vector<512x1xf32>
    %mul3A_11 = arith.mulf %broadcast_in_dim3A, %mul3A_10 : vector<512x1xf32>
    %add3A_12 = arith.constant 1.000000e+00 : f32
    %add3A_13 = vector.broadcast %add3A_12 : f32 to vector<512x1xf32>
    %add3A_14 = arith.addf %mul3A_11, %add3A_13 : vector<512x1xf32>
    %rsqrt3A = math.rsqrt %add3A_14 : vector<512x1xf32>
    %get3A_15 = arith.constant 0 : index
    %get3A_16 = arith.constant 0 : index
    %get3A_17 = vector.load %arg1[%get3A_15, %get3A_16] : memref<512x128xf32, #tpu.memory_space<vmem>>, vector<512x128xf32>
    %get3A_18 = arith.constant 0 : index
    %get3A_19 = arith.constant 0 : index
    %get3A_20 = vector.load %arg2[%get3A_18, %get3A_19] : memref<128x64xf32, #tpu.memory_space<vmem>>, vector<128x64xf32>
    %dot_general3A = arith.constant dense<0.000000e+00> : vector<512x64xf32>
    %dot_general3A_21 = tpu.matmul %get3A_17, %get3A_20, %dot_general3A {dimension_numbers = #tpu.dot_dimension_numbers<[1], [0], [0], [1], [0, 0, 1, 1], [], []>, transpose_lhs_hint = false} : vector<512x128xf32>, vector<128x64xf32>, vector<512x64xf32> -> vector<512x64xf32>
    %mul3A_22 = vector.broadcast %rsqrt3A : vector<512x1xf32> to vector<512x64xf32>
    %mul3A_23 = arith.mulf %dot_general3A_21, %mul3A_22 : vector<512x64xf32>
    %swap3A = arith.constant 0 : index
    %swap3A_24 = arith.constant 0 : index
    %swap3A_25 = vector.load %arg4[%swap3A, %swap3A_24] : memref<512x64xf32, #tpu.memory_space<vmem>>, vector<512x64xf32>
    tpu.vector_store %arg4[%swap3A, %swap3A_24], %mul3A_23 {strides = array<i32>} : memref<512x64xf32, #tpu.memory_space<vmem>>, vector<512x64xf32>,
    return
  }
  func.func @transform_0(%arg0: i32) -> (i32, i32) {
    %c0_i32 = arith.constant 0 : i32
    %c0_i32_0 = arith.constant 0 : i32
    return %arg0, %c0_i32 : i32, i32
  }
  func.func @transform_1(%arg0: i32) -> (i32, i32) {
    %c0_i32 = arith.constant 0 : i32
    %c0_i32_0 = arith.constant 0 : i32
    %c0_i32_1 = arith.constant 0 : i32
    return %c0_i32, %c0_i32_0 : i32, i32
  }
  func.func @transform_2(%arg0: i32) -> (i32, i32, i32) {
    %c0_i32 = arith.constant 0 : i32
    %c0_i32_0 = arith.constant 0 : i32
    %c0_i32_1 = arith.constant 0 : i32
    return %c0_i32, %arg0, %c0_i32_0 : i32, i32, i32
  }
  func.func @transform_3(%arg0: i32) -> (i32, i32) {
    %c0_i32 = arith.constant 0 : i32
    %c0_i32_0 = arith.constant 0 : i32
    return %arg0, %c0_i32 : i32, i32
  }
}

module attributes {stable_mosaic.version = 14 : i64} {
  func.func @body(%arg0: i32, %arg1: memref<2x2x512x32xf32, #tpu.memory_space<vmem>>, %arg2: memref<512x64xf32, #tpu.memory_space<vmem>>, %arg3: memref<2x512x16xf32, #tpu.memory_space<vmem>>, %arg4: memref<1x64xf32, #tpu.memory_space<vmem>>, %arg5: memref<2xf32, #tpu.memory_space<smem>>, %arg6: memref<2xf32, #tpu.memory_space<smem>>) attributes {dimension_semantics = [#tpu.dimension_semantics<arbitrary>], iteration_bounds = array<i64: 20>, scalar_prefetch = 0 : i64, scratch_operands = 1 : i64, tpu.core_type = #tpu.core_type<tc>, window_params = [{transform_indices = @transform_0, window_bounds = array<i64: 2, 2, 512, 32>}, {transform_indices = @transform_1, window_bounds = array<i64: 512, 64>}, {transform_indices = @transform_2, window_bounds = array<i64: 2, 512, 16>}, {pipeline_mode = #tpu.pipeline_mode<synchronous>, transform_indices = @transform_3, window_bounds = array<i64: 1, 64>}, {transform_indices = @transform_4, window_bounds = array<i64: 2>}]} {
    %eq3A = arith.constant 0 : i32
    %eq3A_0 = arith.cmpi eq, %arg0, %eq3A : i32
    %convert_element_type3A = arith.extui %eq3A_0 : i1 to i32
    %cond3A = arith.constant 0 : i32
    %cond3A_1 = arith.cmpi ne, %convert_element_type3A, %cond3A : i32
    scf.if %cond3A_1 {
      %swap3A_86 = arith.constant 0.000000e+00 : f32
      %swap3A_87 = arith.constant 0 : index
      %swap3A_88 = memref.load %arg6[%swap3A_87] : memref<2xf32, #tpu.memory_space<smem>>
      memref.store %swap3A_86, %arg6[%swap3A_87] : memref<2xf32, #tpu.memory_space<smem>>
      %swap3A_89 = arith.constant 0.000000e+00 : f32
      %swap3A_90 = arith.constant 1 : index
      %swap3A_91 = memref.load %arg6[%swap3A_90] : memref<2xf32, #tpu.memory_space<smem>>
      memref.store %swap3A_89, %arg6[%swap3A_90] : memref<2xf32, #tpu.memory_space<smem>>
    } else {
    }
    %get3A = arith.constant 0 : index
    %get3A_2 = arith.constant 0 : index
    %get3A_3 = arith.constant 0 : index
    %get3A_4 = vector.load %arg3[%get3A, %get3A_2, %get3A_3] : memref<2x512x16xf32, #tpu.memory_space<vmem>>, vector<1x512x16xf32>
    %get3A_5 = vector.shape_cast %get3A_4 : vector<1x512x16xf32> to vector<512x16xf32>
    %get3A_6 = arith.constant 1 : index
    %get3A_7 = arith.constant 0 : index
    %get3A_8 = arith.constant 0 : index
    %get3A_9 = vector.load %arg3[%get3A_6, %get3A_7, %get3A_8] : memref<2x512x16xf32, #tpu.memory_space<vmem>>, vector<1x512x16xf32>
    %get3A_10 = vector.shape_cast %get3A_9 : vector<1x512x16xf32> to vector<512x16xf32>
    %add3A = arith.addf %get3A_5, %get3A_10 : vector<512x16xf32>
    %reduce_sum3A = arith.constant dense<0.000000e+00> : vector<512xf32>
    %reduce_sum3A_11 = vector.multi_reduction <add>, %add3A, %reduce_sum3A [1] : vector<512x16xf32> to vector<512xf32>
    %broadcast_in_dim3A = vector.shape_cast %reduce_sum3A_11 : vector<512xf32> to vector<512x1xf32>
    %mul3A = arith.constant 6.250000e-02 : f32
    %mul3A_12 = vector.broadcast %mul3A : f32 to vector<512x1xf32>
    %mul3A_13 = arith.mulf %broadcast_in_dim3A, %mul3A_12 : vector<512x1xf32>
    %add3A_14 = arith.constant 1.000000e+00 : f32
    %add3A_15 = vector.broadcast %add3A_14 : f32 to vector<512x1xf32>
    %add3A_16 = arith.addf %mul3A_13, %add3A_15 : vector<512x1xf32>
    %rsqrt3A = math.rsqrt %add3A_16 : vector<512x1xf32>
    %get3A_17 = arith.constant 0 : index
    %get3A_18 = arith.constant 0 : index
    %get3A_19 = arith.constant 0 : index
    %get3A_20 = arith.constant 0 : index
    %get3A_21 = vector.load %arg1[%get3A_17, %get3A_18, %get3A_19, %get3A_20] : memref<2x2x512x32xf32, #tpu.memory_space<vmem>>, vector<1x1x512x32xf32>
    %get3A_22 = vector.shape_cast %get3A_21 : vector<1x1x512x32xf32> to vector<512x32xf32>
    %get3A_23 = arith.constant 1 : index
    %get3A_24 = arith.constant 0 : index
    %get3A_25 = arith.constant 0 : index
    %get3A_26 = arith.constant 0 : index
    %get3A_27 = vector.load %arg1[%get3A_23, %get3A_24, %get3A_25, %get3A_26] : memref<2x2x512x32xf32, #tpu.memory_space<vmem>>, vector<1x1x512x32xf32>
    %get3A_28 = vector.shape_cast %get3A_27 : vector<1x1x512x32xf32> to vector<512x32xf32>
    %add3A_29 = arith.addf %get3A_22, %get3A_28 : vector<512x32xf32>
    %get3A_30 = arith.constant 0 : index
    %get3A_31 = arith.constant 1 : index
    %get3A_32 = arith.constant 0 : index
    %get3A_33 = arith.constant 0 : index
    %get3A_34 = vector.load %arg1[%get3A_30, %get3A_31, %get3A_32, %get3A_33] : memref<2x2x512x32xf32, #tpu.memory_space<vmem>>, vector<1x1x512x32xf32>
    %get3A_35 = vector.shape_cast %get3A_34 : vector<1x1x512x32xf32> to vector<512x32xf32>
    %get3A_36 = arith.constant 1 : index
    %get3A_37 = arith.constant 1 : index
    %get3A_38 = arith.constant 0 : index
    %get3A_39 = arith.constant 0 : index
    %get3A_40 = vector.load %arg1[%get3A_36, %get3A_37, %get3A_38, %get3A_39] : memref<2x2x512x32xf32, #tpu.memory_space<vmem>>, vector<1x1x512x32xf32>
    %get3A_41 = vector.shape_cast %get3A_40 : vector<1x1x512x32xf32> to vector<512x32xf32>
    %add3A_42 = arith.addf %get3A_35, %get3A_41 : vector<512x32xf32>
    %concatenate3A = tpu.concatenate %add3A_29, %add3A_42 in 1 : vector<512x32xf32>, vector<512x32xf32> -> vector<512x64xf32>
    %get3A_43 = arith.constant 0 : index
    %get3A_44 = arith.constant 0 : index
    %get3A_45 = vector.load %arg2[%get3A_43, %get3A_44] : memref<512x64xf32, #tpu.memory_space<vmem>>, vector<512x64xf32>
    %add3A_46 = arith.addf %concatenate3A, %get3A_45 : vector<512x64xf32>
    %mul3A_47 = vector.broadcast %rsqrt3A : vector<512x1xf32> to vector<512x64xf32>
    %mul3A_48 = arith.mulf %mul3A_47, %add3A_46 : vector<512x64xf32>
    %get3A_49 = arith.constant 0 : index
    %get3A_50 = arith.constant 0 : index
    %get3A_51 = vector.load %arg4[%get3A_49, %get3A_50] : memref<1x64xf32, #tpu.memory_space<vmem>>, vector<1x64xf32>
    %add3A_52 = vector.broadcast %get3A_51 : vector<1x64xf32> to vector<512x64xf32>
    %add3A_53 = arith.addf %mul3A_48, %add3A_52 : vector<512x64xf32>
    %iota3A = tpu.iota {dimensions = array<i32: 0>} : vector<512x64xi32>
    %mul3A_54 = arith.constant 512 : i32
    %mul3A_55 = arith.muli %arg0, %mul3A_54 : i32
    %add3A_56 = vector.broadcast %mul3A_55 : i32 to vector<512x64xi32>
    %add3A_57 = arith.addi %iota3A, %add3A_56 : vector<512x64xi32>
    %lt3A = arith.constant 10000 : i32
    %lt3A_58 = vector.broadcast %lt3A : i32 to vector<512x64xi32>
    %lt3A_59 = arith.cmpi slt, %add3A_57, %lt3A_58 : vector<512x64xi32>
    %jit3A = arith.constant 0.000000e+00 : f32
    %broadcast_in_dim3A_60 = vector.broadcast %jit3A : f32 to vector<512x64xf32>
    %select_n3A = arith.select %lt3A_59, %add3A_53, %broadcast_in_dim3A_60 : vector<512x64xi1>, vector<512x64xf32>
    %get3A_61 = arith.constant 0 : index
    %get3A_62 = memref.load %arg6[%get3A_61] : memref<2xf32, #tpu.memory_space<smem>>
    %reduce_sum3A_63 = vector.shape_cast %select_n3A : vector<512x64xf32> to vector<1x512x64xf32>
    %reduce_sum3A_64 = arith.constant dense<0.000000e+00> : vector<1xf32>
    %reduce_sum3A_65 = vector.multi_reduction <add>, %reduce_sum3A_63, %reduce_sum3A_64 [1, 2] : vector<1x512x64xf32> to vector<1xf32>
    %reduce_sum3A_66 = vector.shape_cast %reduce_sum3A_65 : vector<1xf32> to vector<1x1x1xf32>
    %reduce_sum3A_67 = vector.extract %reduce_sum3A_66[0, 0, 0] : f32 from vector<1x1x1xf32>
    %add3A_68 = arith.addf %get3A_62, %reduce_sum3A_67 : f32
    %swap3A = arith.constant 0 : index
    %swap3A_69 = memref.load %arg6[%swap3A] : memref<2xf32, #tpu.memory_space<smem>>
    memref.store %add3A_68, %arg6[%swap3A] : memref<2xf32, #tpu.memory_space<smem>>
    %get3A_70 = arith.constant 1 : index
    %get3A_71 = memref.load %arg6[%get3A_70] : memref<2xf32, #tpu.memory_space<smem>>
    %mul3A_72 = arith.mulf %select_n3A, %select_n3A : vector<512x64xf32>
    %reduce_sum3A_73 = vector.shape_cast %mul3A_72 : vector<512x64xf32> to vector<1x512x64xf32>
    %reduce_sum3A_74 = arith.constant dense<0.000000e+00> : vector<1xf32>
    %reduce_sum3A_75 = vector.multi_reduction <add>, %reduce_sum3A_73, %reduce_sum3A_74 [1, 2] : vector<1x512x64xf32> to vector<1xf32>
    %reduce_sum3A_76 = vector.shape_cast %reduce_sum3A_75 : vector<1xf32> to vector<1x1x1xf32>
    %reduce_sum3A_77 = vector.extract %reduce_sum3A_76[0, 0, 0] : f32 from vector<1x1x1xf32>
    %add3A_78 = arith.addf %get3A_71, %reduce_sum3A_77 : f32
    %swap3A_79 = arith.constant 1 : index
    %swap3A_80 = memref.load %arg6[%swap3A_79] : memref<2xf32, #tpu.memory_space<smem>>
    memref.store %add3A_78, %arg6[%swap3A_79] : memref<2xf32, #tpu.memory_space<smem>>
    %eq3A_81 = arith.constant 19 : i32
    %eq3A_82 = arith.cmpi eq, %arg0, %eq3A_81 : i32
    %convert_element_type3A_83 = arith.extui %eq3A_82 : i1 to i32
    %cond3A_84 = arith.constant 0 : i32
    %cond3A_85 = arith.cmpi ne, %convert_element_type3A_83, %cond3A_84 : i32
    scf.if %cond3A_85 {
      %get3A_86 = arith.constant 0 : index
      %get3A_87 = memref.load %arg6[%get3A_86] : memref<2xf32, #tpu.memory_space<smem>>
      %div3A = arith.constant 6.400000e+05 : f32
      %div3A_88 = arith.divf %get3A_87, %div3A : f32
      %get3A_89 = arith.constant 1 : index
      %get3A_90 = memref.load %arg6[%get3A_89] : memref<2xf32, #tpu.memory_space<smem>>
      %div3A_91 = arith.constant 6.400000e+05 : f32
      %div3A_92 = arith.divf %get3A_90, %div3A_91 : f32
      %mul3A_93 = arith.mulf %div3A_88, %div3A_88 : f32
      %sub3A = arith.subf %div3A_92, %mul3A_93 : f32
      %swap3A_94 = arith.constant 0 : index
      %swap3A_95 = memref.load %arg5[%swap3A_94] : memref<2xf32, #tpu.memory_space<smem>>
      memref.store %div3A_88, %arg5[%swap3A_94] : memref<2xf32, #tpu.memory_space<smem>>
      %add3A_96 = arith.constant 9.99999974E-6 : f32
      %add3A_97 = arith.addf %sub3A, %add3A_96 : f32
      %rsqrt3A_98 = math.rsqrt %add3A_97 : f32
      %swap3A_99 = arith.constant 1 : index
      %swap3A_100 = memref.load %arg5[%swap3A_99] : memref<2xf32, #tpu.memory_space<smem>>
      memref.store %rsqrt3A_98, %arg5[%swap3A_99] : memref<2xf32, #tpu.memory_space<smem>>
    } else {
    }
    return
  }
  func.func @transform_0(%arg0: i32) -> (i32, i32, i32, i32) {
    %c0_i32 = arith.constant 0 : i32
    %c0_i32_0 = arith.constant 0 : i32
    %c0_i32_1 = arith.constant 0 : i32
    %c0_i32_2 = arith.constant 0 : i32
    return %c0_i32, %c0_i32_0, %arg0, %c0_i32_1 : i32, i32, i32, i32
  }
  func.func @transform_1(%arg0: i32) -> (i32, i32) {
    %c0_i32 = arith.constant 0 : i32
    %c0_i32_0 = arith.constant 0 : i32
    return %arg0, %c0_i32 : i32, i32
  }
  func.func @transform_2(%arg0: i32) -> (i32, i32, i32) {
    %c0_i32 = arith.constant 0 : i32
    %c0_i32_0 = arith.constant 0 : i32
    %c0_i32_1 = arith.constant 0 : i32
    return %c0_i32, %arg0, %c0_i32_0 : i32, i32, i32
  }
  func.func @transform_3(%arg0: i32) -> (i32, i32) {
    %c0_i32 = arith.constant 0 : i32
    %c0_i32_0 = arith.constant 0 : i32
    %c0_i32_1 = arith.constant 0 : i32
    return %c0_i32, %c0_i32_0 : i32, i32
  }
  func.func @transform_4(%arg0: i32) -> i32 {
    %c0_i32 = arith.constant 0 : i32
    %c0_i32_0 = arith.constant 0 : i32
    return %c0_i32 : i32
  }
}

module attributes {stable_mosaic.version = 14 : i64} {
  func.func @body(%arg0: i32, %arg1: memref<2x2x512x32xf32, #tpu.memory_space<vmem>>, %arg2: memref<512x64xf32, #tpu.memory_space<vmem>>, %arg3: memref<2x512x16xf32, #tpu.memory_space<vmem>>, %arg4: memref<1x64xf32, #tpu.memory_space<vmem>>, %arg5: memref<1x64xf32, #tpu.memory_space<vmem>>, %arg6: memref<1x64xf32, #tpu.memory_space<vmem>>, %arg7: memref<64x64xf32, #tpu.memory_space<vmem>>, %arg8: memref<2xf32, #tpu.memory_space<smem>>, %arg9: memref<512x64xf32, #tpu.memory_space<vmem>>, %arg10: memref<512x64xf32, #tpu.memory_space<vmem>>) attributes {dimension_semantics = [#tpu.dimension_semantics<arbitrary>], iteration_bounds = array<i64: 20>, scalar_prefetch = 0 : i64, scratch_operands = 0 : i64, tpu.core_type = #tpu.core_type<tc>, window_params = [{transform_indices = @transform_0, window_bounds = array<i64: 2, 2, 512, 32>}, {transform_indices = @transform_1, window_bounds = array<i64: 512, 64>}, {transform_indices = @transform_2, window_bounds = array<i64: 2, 512, 16>}, {pipeline_mode = #tpu.pipeline_mode<synchronous>, transform_indices = @transform_3, window_bounds = array<i64: 1, 64>}, {pipeline_mode = #tpu.pipeline_mode<synchronous>, transform_indices = @transform_4, window_bounds = array<i64: 1, 64>}, {pipeline_mode = #tpu.pipeline_mode<synchronous>, transform_indices = @transform_5, window_bounds = array<i64: 1, 64>}, {pipeline_mode = #tpu.pipeline_mode<synchronous>, transform_indices = @transform_6, window_bounds = array<i64: 64, 64>}, {transform_indices = @transform_7, window_bounds = array<i64: 2>}, {transform_indices = @transform_8, window_bounds = array<i64: 512, 64>}, {transform_indices = @transform_9, window_bounds = array<i64: 512, 64>}]} {
    %get3A = arith.constant 0 : index
    %get3A_0 = arith.constant 0 : index
    %get3A_1 = arith.constant 0 : index
    %get3A_2 = vector.load %arg3[%get3A, %get3A_0, %get3A_1] : memref<2x512x16xf32, #tpu.memory_space<vmem>>, vector<1x512x16xf32>
    %get3A_3 = vector.shape_cast %get3A_2 : vector<1x512x16xf32> to vector<512x16xf32>
    %get3A_4 = arith.constant 1 : index
    %get3A_5 = arith.constant 0 : index
    %get3A_6 = arith.constant 0 : index
    %get3A_7 = vector.load %arg3[%get3A_4, %get3A_5, %get3A_6] : memref<2x512x16xf32, #tpu.memory_space<vmem>>, vector<1x512x16xf32>
    %get3A_8 = vector.shape_cast %get3A_7 : vector<1x512x16xf32> to vector<512x16xf32>
    %add3A = arith.addf %get3A_3, %get3A_8 : vector<512x16xf32>
    %reduce_sum3A = arith.constant dense<0.000000e+00> : vector<512xf32>
    %reduce_sum3A_9 = vector.multi_reduction <add>, %add3A, %reduce_sum3A [1] : vector<512x16xf32> to vector<512xf32>
    %broadcast_in_dim3A = vector.shape_cast %reduce_sum3A_9 : vector<512xf32> to vector<512x1xf32>
    %mul3A = arith.constant 6.250000e-02 : f32
    %mul3A_10 = vector.broadcast %mul3A : f32 to vector<512x1xf32>
    %mul3A_11 = arith.mulf %broadcast_in_dim3A, %mul3A_10 : vector<512x1xf32>
    %add3A_12 = arith.constant 1.000000e+00 : f32
    %add3A_13 = vector.broadcast %add3A_12 : f32 to vector<512x1xf32>
    %add3A_14 = arith.addf %mul3A_11, %add3A_13 : vector<512x1xf32>
    %rsqrt3A = math.rsqrt %add3A_14 : vector<512x1xf32>
    %get3A_15 = arith.constant 0 : index
    %get3A_16 = arith.constant 0 : index
    %get3A_17 = arith.constant 0 : index
    %get3A_18 = arith.constant 0 : index
    %get3A_19 = vector.load %arg1[%get3A_15, %get3A_16, %get3A_17, %get3A_18] : memref<2x2x512x32xf32, #tpu.memory_space<vmem>>, vector<1x1x512x32xf32>
    %get3A_20 = vector.shape_cast %get3A_19 : vector<1x1x512x32xf32> to vector<512x32xf32>
    %get3A_21 = arith.constant 1 : index
    %get3A_22 = arith.constant 0 : index
    %get3A_23 = arith.constant 0 : index
    %get3A_24 = arith.constant 0 : index
    %get3A_25 = vector.load %arg1[%get3A_21, %get3A_22, %get3A_23, %get3A_24] : memref<2x2x512x32xf32, #tpu.memory_space<vmem>>, vector<1x1x512x32xf32>
    %get3A_26 = vector.shape_cast %get3A_25 : vector<1x1x512x32xf32> to vector<512x32xf32>
    %add3A_27 = arith.addf %get3A_20, %get3A_26 : vector<512x32xf32>
    %get3A_28 = arith.constant 0 : index
    %get3A_29 = arith.constant 1 : index
    %get3A_30 = arith.constant 0 : index
    %get3A_31 = arith.constant 0 : index
    %get3A_32 = vector.load %arg1[%get3A_28, %get3A_29, %get3A_30, %get3A_31] : memref<2x2x512x32xf32, #tpu.memory_space<vmem>>, vector<1x1x512x32xf32>
    %get3A_33 = vector.shape_cast %get3A_32 : vector<1x1x512x32xf32> to vector<512x32xf32>
    %get3A_34 = arith.constant 1 : index
    %get3A_35 = arith.constant 1 : index
    %get3A_36 = arith.constant 0 : index
    %get3A_37 = arith.constant 0 : index
    %get3A_38 = vector.load %arg1[%get3A_34, %get3A_35, %get3A_36, %get3A_37] : memref<2x2x512x32xf32, #tpu.memory_space<vmem>>, vector<1x1x512x32xf32>
    %get3A_39 = vector.shape_cast %get3A_38 : vector<1x1x512x32xf32> to vector<512x32xf32>
    %add3A_40 = arith.addf %get3A_33, %get3A_39 : vector<512x32xf32>
    %concatenate3A = tpu.concatenate %add3A_27, %add3A_40 in 1 : vector<512x32xf32>, vector<512x32xf32> -> vector<512x64xf32>
    %get3A_41 = arith.constant 0 : index
    %get3A_42 = arith.constant 0 : index
    %get3A_43 = vector.load %arg2[%get3A_41, %get3A_42] : memref<512x64xf32, #tpu.memory_space<vmem>>, vector<512x64xf32>
    %add3A_44 = arith.addf %concatenate3A, %get3A_43 : vector<512x64xf32>
    %mul3A_45 = vector.broadcast %rsqrt3A : vector<512x1xf32> to vector<512x64xf32>
    %mul3A_46 = arith.mulf %mul3A_45, %add3A_44 : vector<512x64xf32>
    %get3A_47 = arith.constant 0 : index
    %get3A_48 = arith.constant 0 : index
    %get3A_49 = vector.load %arg4[%get3A_47, %get3A_48] : memref<1x64xf32, #tpu.memory_space<vmem>>, vector<1x64xf32>
    %add3A_50 = vector.broadcast %get3A_49 : vector<1x64xf32> to vector<512x64xf32>
    %add3A_51 = arith.addf %mul3A_46, %add3A_50 : vector<512x64xf32>
    %get3A_52 = arith.constant 0 : index
    %get3A_53 = memref.load %arg8[%get3A_52] : memref<2xf32, #tpu.memory_space<smem>>
    %sub3A = vector.broadcast %get3A_53 : f32 to vector<512x64xf32>
    %sub3A_54 = arith.subf %add3A_51, %sub3A : vector<512x64xf32>
    %get3A_55 = arith.constant 1 : index
    %get3A_56 = memref.load %arg8[%get3A_55] : memref<2xf32, #tpu.memory_space<smem>>
    %mul3A_57 = vector.broadcast %get3A_56 : f32 to vector<512x64xf32>
    %mul3A_58 = arith.mulf %sub3A_54, %mul3A_57 : vector<512x64xf32>
    %get3A_59 = arith.constant 0 : index
    %get3A_60 = arith.constant 0 : index
    %get3A_61 = vector.load %arg5[%get3A_59, %get3A_60] : memref<1x64xf32, #tpu.memory_space<vmem>>, vector<1x64xf32>
    %mul3A_62 = vector.broadcast %get3A_61 : vector<1x64xf32> to vector<512x64xf32>
    %mul3A_63 = arith.mulf %mul3A_58, %mul3A_62 : vector<512x64xf32>
    %get3A_64 = arith.constant 0 : index
    %get3A_65 = arith.constant 0 : index
    %get3A_66 = vector.load %arg6[%get3A_64, %get3A_65] : memref<1x64xf32, #tpu.memory_space<vmem>>, vector<1x64xf32>
    %add3A_67 = vector.broadcast %get3A_66 : vector<1x64xf32> to vector<512x64xf32>
    %add3A_68 = arith.addf %mul3A_63, %add3A_67 : vector<512x64xf32>
    %max3A = arith.constant 0.000000e+00 : f32
    %max3A_69 = vector.broadcast %max3A : f32 to vector<512x64xf32>
    %max3A_70 = arith.maximumf %add3A_68, %max3A_69 : vector<512x64xf32>
    %swap3A = arith.constant 0 : index
    %swap3A_71 = arith.constant 0 : index
    %swap3A_72 = vector.load %arg9[%swap3A, %swap3A_71] : memref<512x64xf32, #tpu.memory_space<vmem>>, vector<512x64xf32>
    tpu.vector_store %arg9[%swap3A, %swap3A_71], %max3A_70 {strides = array<i32>} : memref<512x64xf32, #tpu.memory_space<vmem>>, vector<512x64xf32>,
    %get3A_73 = arith.constant 0 : index
    %get3A_74 = arith.constant 0 : index
    %get3A_75 = vector.load %arg7[%get3A_73, %get3A_74] : memref<64x64xf32, #tpu.memory_space<vmem>>, vector<64x64xf32>
    %dot_general3A = arith.constant dense<0.000000e+00> : vector<512x64xf32>
    %dot_general3A_76 = tpu.matmul %max3A_70, %get3A_75, %dot_general3A {dimension_numbers = #tpu.dot_dimension_numbers<[1], [0], [0], [1], [0, 0, 1, 1], [], []>, transpose_lhs_hint = false} : vector<512x64xf32>, vector<64x64xf32>, vector<512x64xf32> -> vector<512x64xf32>
    %mul3A_77 = vector.broadcast %rsqrt3A : vector<512x1xf32> to vector<512x64xf32>
    %mul3A_78 = arith.mulf %dot_general3A_76, %mul3A_77 : vector<512x64xf32>
    %swap3A_79 = arith.constant 0 : index
    %swap3A_80 = arith.constant 0 : index
    %swap3A_81 = vector.load %arg10[%swap3A_79, %swap3A_80] : memref<512x64xf32, #tpu.memory_space<vmem>>, vector<512x64xf32>
    tpu.vector_store %arg10[%swap3A_79, %swap3A_80], %mul3A_78 {strides = array<i32>} : memref<512x64xf32, #tpu.memory_space<vmem>>, vector<512x64xf32>,
    return
  }
  func.func @transform_0(%arg0: i32) -> (i32, i32, i32, i32) {
    %c0_i32 = arith.constant 0 : i32
    %c0_i32_0 = arith.constant 0 : i32
    %c0_i32_1 = arith.constant 0 : i32
    %c0_i32_2 = arith.constant 0 : i32
    return %c0_i32, %c0_i32_0, %arg0, %c0_i32_1 : i32, i32, i32, i32
  }
  func.func @transform_1(%arg0: i32) -> (i32, i32) {
    %c0_i32 = arith.constant 0 : i32
    %c0_i32_0 = arith.constant 0 : i32
    return %arg0, %c0_i32 : i32, i32
  }
  func.func @transform_2(%arg0: i32) -> (i32, i32, i32) {
    %c0_i32 = arith.constant 0 : i32
    %c0_i32_0 = arith.constant 0 : i32
    %c0_i32_1 = arith.constant 0 : i32
    return %c0_i32, %arg0, %c0_i32_0 : i32, i32, i32
  }
  func.func @transform_3(%arg0: i32) -> (i32, i32) {
    %c0_i32 = arith.constant 0 : i32
    %c0_i32_0 = arith.constant 0 : i32
    %c0_i32_1 = arith.constant 0 : i32
    return %c0_i32, %c0_i32_0 : i32, i32
  }
  func.func @transform_4(%arg0: i32) -> (i32, i32) {
    %c0_i32 = arith.constant 0 : i32
    %c0_i32_0 = arith.constant 0 : i32
    %c0_i32_1 = arith.constant 0 : i32
    return %c0_i32, %c0_i32_0 : i32, i32
  }
  func.func @transform_5(%arg0: i32) -> (i32, i32) {
    %c0_i32 = arith.constant 0 : i32
    %c0_i32_0 = arith.constant 0 : i32
    %c0_i32_1 = arith.constant 0 : i32
    return %c0_i32, %c0_i32_0 : i32, i32
  }
  func.func @transform_6(%arg0: i32) -> (i32, i32) {
    %c0_i32 = arith.constant 0 : i32
    %c0_i32_0 = arith.constant 0 : i32
    %c0_i32_1 = arith.constant 0 : i32
    return %c0_i32, %c0_i32_0 : i32, i32
  }
  func.func @transform_7(%arg0: i32) -> i32 {
    %c0_i32 = arith.constant 0 : i32
    %c0_i32_0 = arith.constant 0 : i32
    return %c0_i32 : i32
  }
  func.func @transform_8(%arg0: i32) -> (i32, i32) {
    %c0_i32 = arith.constant 0 : i32
    %c0_i32_0 = arith.constant 0 : i32
    return %arg0, %c0_i32 : i32, i32
  }
  func.func @transform_9(%arg0: i32) -> (i32, i32) {
    %c0_i32 = arith.constant 0 : i32
    %c0_i32_0 = arith.constant 0 : i32
    return %arg0, %c0_i32 : i32, i32
  }
}

module attributes {stable_mosaic.version = 14 : i64} {
  func.func @body(%arg0: i32, %arg1: memref<2x2x512x32xf32, #tpu.memory_space<vmem>>, %arg2: memref<512x64xf32, #tpu.memory_space<vmem>>, %arg3: memref<2x512x16xf32, #tpu.memory_space<vmem>>, %arg4: memref<1x64xf32, #tpu.memory_space<vmem>>, %arg5: memref<1x64xf32, #tpu.memory_space<vmem>>, %arg6: memref<1x64xf32, #tpu.memory_space<vmem>>, %arg7: memref<512x64xf32, #tpu.memory_space<vmem>>, %arg8: memref<64x64xf32, #tpu.memory_space<vmem>>, %arg9: memref<2xf32, #tpu.memory_space<smem>>, %arg10: memref<512x64xf32, #tpu.memory_space<vmem>>, %arg11: memref<512x64xf32, #tpu.memory_space<vmem>>) attributes {dimension_semantics = [#tpu.dimension_semantics<arbitrary>], iteration_bounds = array<i64: 20>, scalar_prefetch = 0 : i64, scratch_operands = 0 : i64, tpu.core_type = #tpu.core_type<tc>, window_params = [{transform_indices = @transform_0, window_bounds = array<i64: 2, 2, 512, 32>}, {transform_indices = @transform_1, window_bounds = array<i64: 512, 64>}, {transform_indices = @transform_2, window_bounds = array<i64: 2, 512, 16>}, {pipeline_mode = #tpu.pipeline_mode<synchronous>, transform_indices = @transform_3, window_bounds = array<i64: 1, 64>}, {pipeline_mode = #tpu.pipeline_mode<synchronous>, transform_indices = @transform_4, window_bounds = array<i64: 1, 64>}, {pipeline_mode = #tpu.pipeline_mode<synchronous>, transform_indices = @transform_5, window_bounds = array<i64: 1, 64>}, {transform_indices = @transform_6, window_bounds = array<i64: 512, 64>}, {pipeline_mode = #tpu.pipeline_mode<synchronous>, transform_indices = @transform_7, window_bounds = array<i64: 64, 64>}, {transform_indices = @transform_8, window_bounds = array<i64: 2>}, {transform_indices = @transform_9, window_bounds = array<i64: 512, 64>}, {transform_indices = @transform_10, window_bounds = array<i64: 512, 64>}]} {
    %get3A = arith.constant 0 : index
    %get3A_0 = arith.constant 0 : index
    %get3A_1 = arith.constant 0 : index
    %get3A_2 = vector.load %arg3[%get3A, %get3A_0, %get3A_1] : memref<2x512x16xf32, #tpu.memory_space<vmem>>, vector<1x512x16xf32>
    %get3A_3 = vector.shape_cast %get3A_2 : vector<1x512x16xf32> to vector<512x16xf32>
    %get3A_4 = arith.constant 1 : index
    %get3A_5 = arith.constant 0 : index
    %get3A_6 = arith.constant 0 : index
    %get3A_7 = vector.load %arg3[%get3A_4, %get3A_5, %get3A_6] : memref<2x512x16xf32, #tpu.memory_space<vmem>>, vector<1x512x16xf32>
    %get3A_8 = vector.shape_cast %get3A_7 : vector<1x512x16xf32> to vector<512x16xf32>
    %add3A = arith.addf %get3A_3, %get3A_8 : vector<512x16xf32>
    %reduce_sum3A = arith.constant dense<0.000000e+00> : vector<512xf32>
    %reduce_sum3A_9 = vector.multi_reduction <add>, %add3A, %reduce_sum3A [1] : vector<512x16xf32> to vector<512xf32>
    %broadcast_in_dim3A = vector.shape_cast %reduce_sum3A_9 : vector<512xf32> to vector<512x1xf32>
    %mul3A = arith.constant 6.250000e-02 : f32
    %mul3A_10 = vector.broadcast %mul3A : f32 to vector<512x1xf32>
    %mul3A_11 = arith.mulf %broadcast_in_dim3A, %mul3A_10 : vector<512x1xf32>
    %add3A_12 = arith.constant 1.000000e+00 : f32
    %add3A_13 = vector.broadcast %add3A_12 : f32 to vector<512x1xf32>
    %add3A_14 = arith.addf %mul3A_11, %add3A_13 : vector<512x1xf32>
    %rsqrt3A = math.rsqrt %add3A_14 : vector<512x1xf32>
    %get3A_15 = arith.constant 0 : index
    %get3A_16 = arith.constant 0 : index
    %get3A_17 = arith.constant 0 : index
    %get3A_18 = arith.constant 0 : index
    %get3A_19 = vector.load %arg1[%get3A_15, %get3A_16, %get3A_17, %get3A_18] : memref<2x2x512x32xf32, #tpu.memory_space<vmem>>, vector<1x1x512x32xf32>
    %get3A_20 = vector.shape_cast %get3A_19 : vector<1x1x512x32xf32> to vector<512x32xf32>
    %get3A_21 = arith.constant 1 : index
    %get3A_22 = arith.constant 0 : index
    %get3A_23 = arith.constant 0 : index
    %get3A_24 = arith.constant 0 : index
    %get3A_25 = vector.load %arg1[%get3A_21, %get3A_22, %get3A_23, %get3A_24] : memref<2x2x512x32xf32, #tpu.memory_space<vmem>>, vector<1x1x512x32xf32>
    %get3A_26 = vector.shape_cast %get3A_25 : vector<1x1x512x32xf32> to vector<512x32xf32>
    %add3A_27 = arith.addf %get3A_20, %get3A_26 : vector<512x32xf32>
    %get3A_28 = arith.constant 0 : index
    %get3A_29 = arith.constant 1 : index
    %get3A_30 = arith.constant 0 : index
    %get3A_31 = arith.constant 0 : index
    %get3A_32 = vector.load %arg1[%get3A_28, %get3A_29, %get3A_30, %get3A_31] : memref<2x2x512x32xf32, #tpu.memory_space<vmem>>, vector<1x1x512x32xf32>
    %get3A_33 = vector.shape_cast %get3A_32 : vector<1x1x512x32xf32> to vector<512x32xf32>
    %get3A_34 = arith.constant 1 : index
    %get3A_35 = arith.constant 1 : index
    %get3A_36 = arith.constant 0 : index
    %get3A_37 = arith.constant 0 : index
    %get3A_38 = vector.load %arg1[%get3A_34, %get3A_35, %get3A_36, %get3A_37] : memref<2x2x512x32xf32, #tpu.memory_space<vmem>>, vector<1x1x512x32xf32>
    %get3A_39 = vector.shape_cast %get3A_38 : vector<1x1x512x32xf32> to vector<512x32xf32>
    %add3A_40 = arith.addf %get3A_33, %get3A_39 : vector<512x32xf32>
    %concatenate3A = tpu.concatenate %add3A_27, %add3A_40 in 1 : vector<512x32xf32>, vector<512x32xf32> -> vector<512x64xf32>
    %get3A_41 = arith.constant 0 : index
    %get3A_42 = arith.constant 0 : index
    %get3A_43 = vector.load %arg2[%get3A_41, %get3A_42] : memref<512x64xf32, #tpu.memory_space<vmem>>, vector<512x64xf32>
    %add3A_44 = arith.addf %concatenate3A, %get3A_43 : vector<512x64xf32>
    %mul3A_45 = vector.broadcast %rsqrt3A : vector<512x1xf32> to vector<512x64xf32>
    %mul3A_46 = arith.mulf %mul3A_45, %add3A_44 : vector<512x64xf32>
    %get3A_47 = arith.constant 0 : index
    %get3A_48 = arith.constant 0 : index
    %get3A_49 = vector.load %arg4[%get3A_47, %get3A_48] : memref<1x64xf32, #tpu.memory_space<vmem>>, vector<1x64xf32>
    %add3A_50 = vector.broadcast %get3A_49 : vector<1x64xf32> to vector<512x64xf32>
    %add3A_51 = arith.addf %mul3A_46, %add3A_50 : vector<512x64xf32>
    %get3A_52 = arith.constant 0 : index
    %get3A_53 = memref.load %arg9[%get3A_52] : memref<2xf32, #tpu.memory_space<smem>>
    %sub3A = vector.broadcast %get3A_53 : f32 to vector<512x64xf32>
    %sub3A_54 = arith.subf %add3A_51, %sub3A : vector<512x64xf32>
    %get3A_55 = arith.constant 1 : index
    %get3A_56 = memref.load %arg9[%get3A_55] : memref<2xf32, #tpu.memory_space<smem>>
    %mul3A_57 = vector.broadcast %get3A_56 : f32 to vector<512x64xf32>
    %mul3A_58 = arith.mulf %sub3A_54, %mul3A_57 : vector<512x64xf32>
    %get3A_59 = arith.constant 0 : index
    %get3A_60 = arith.constant 0 : index
    %get3A_61 = vector.load %arg5[%get3A_59, %get3A_60] : memref<1x64xf32, #tpu.memory_space<vmem>>, vector<1x64xf32>
    %mul3A_62 = vector.broadcast %get3A_61 : vector<1x64xf32> to vector<512x64xf32>
    %mul3A_63 = arith.mulf %mul3A_58, %mul3A_62 : vector<512x64xf32>
    %get3A_64 = arith.constant 0 : index
    %get3A_65 = arith.constant 0 : index
    %get3A_66 = vector.load %arg6[%get3A_64, %get3A_65] : memref<1x64xf32, #tpu.memory_space<vmem>>, vector<1x64xf32>
    %add3A_67 = vector.broadcast %get3A_66 : vector<1x64xf32> to vector<512x64xf32>
    %add3A_68 = arith.addf %mul3A_63, %add3A_67 : vector<512x64xf32>
    %max3A = arith.constant 0.000000e+00 : f32
    %max3A_69 = vector.broadcast %max3A : f32 to vector<512x64xf32>
    %max3A_70 = arith.maximumf %add3A_68, %max3A_69 : vector<512x64xf32>
    %get3A_71 = arith.constant 0 : index
    %get3A_72 = arith.constant 0 : index
    %get3A_73 = vector.load %arg7[%get3A_71, %get3A_72] : memref<512x64xf32, #tpu.memory_space<vmem>>, vector<512x64xf32>
    %add3A_74 = arith.addf %max3A_70, %get3A_73 : vector<512x64xf32>
    %swap3A = arith.constant 0 : index
    %swap3A_75 = arith.constant 0 : index
    %swap3A_76 = vector.load %arg10[%swap3A, %swap3A_75] : memref<512x64xf32, #tpu.memory_space<vmem>>, vector<512x64xf32>
    tpu.vector_store %arg10[%swap3A, %swap3A_75], %add3A_74 {strides = array<i32>} : memref<512x64xf32, #tpu.memory_space<vmem>>, vector<512x64xf32>,
    %get3A_77 = arith.constant 0 : index
    %get3A_78 = arith.constant 0 : index
    %get3A_79 = vector.load %arg8[%get3A_77, %get3A_78] : memref<64x64xf32, #tpu.memory_space<vmem>>, vector<64x64xf32>
    %dot_general3A = arith.constant dense<0.000000e+00> : vector<512x64xf32>
    %dot_general3A_80 = tpu.matmul %add3A_74, %get3A_79, %dot_general3A {dimension_numbers = #tpu.dot_dimension_numbers<[1], [0], [0], [1], [0, 0, 1, 1], [], []>, transpose_lhs_hint = false} : vector<512x64xf32>, vector<64x64xf32>, vector<512x64xf32> -> vector<512x64xf32>
    %mul3A_81 = vector.broadcast %rsqrt3A : vector<512x1xf32> to vector<512x64xf32>
    %mul3A_82 = arith.mulf %dot_general3A_80, %mul3A_81 : vector<512x64xf32>
    %swap3A_83 = arith.constant 0 : index
    %swap3A_84 = arith.constant 0 : index
    %swap3A_85 = vector.load %arg11[%swap3A_83, %swap3A_84] : memref<512x64xf32, #tpu.memory_space<vmem>>, vector<512x64xf32>
    tpu.vector_store %arg11[%swap3A_83, %swap3A_84], %mul3A_82 {strides = array<i32>} : memref<512x64xf32, #tpu.memory_space<vmem>>, vector<512x64xf32>,
    return
  }
  func.func @transform_0(%arg0: i32) -> (i32, i32, i32, i32) {
    %c0_i32 = arith.constant 0 : i32
    %c0_i32_0 = arith.constant 0 : i32
    %c0_i32_1 = arith.constant 0 : i32
    %c0_i32_2 = arith.constant 0 : i32
    return %c0_i32, %c0_i32_0, %arg0, %c0_i32_1 : i32, i32, i32, i32
  }
  func.func @transform_1(%arg0: i32) -> (i32, i32) {
    %c0_i32 = arith.constant 0 : i32
    %c0_i32_0 = arith.constant 0 : i32
    return %arg0, %c0_i32 : i32, i32
  }
  func.func @transform_2(%arg0: i32) -> (i32, i32, i32) {
    %c0_i32 = arith.constant 0 : i32
    %c0_i32_0 = arith.constant 0 : i32
    %c0_i32_1 = arith.constant 0 : i32
    return %c0_i32, %arg0, %c0_i32_0 : i32, i32, i32
  }
  func.func @transform_3(%arg0: i32) -> (i32, i32) {
    %c0_i32 = arith.constant 0 : i32
    %c0_i32_0 = arith.constant 0 : i32
    %c0_i32_1 = arith.constant 0 : i32
    return %c0_i32, %c0_i32_0 : i32, i32
  }
  func.func @transform_4(%arg0: i32) -> (i32, i32) {
    %c0_i32 = arith.constant 0 : i32
    %c0_i32_0 = arith.constant 0 : i32
    %c0_i32_1 = arith.constant 0 : i32
    return %c0_i32, %c0_i32_0 : i32, i32
  }
  func.func @transform_5(%arg0: i32) -> (i32, i32) {
    %c0_i32 = arith.constant 0 : i32
    %c0_i32_0 = arith.constant 0 : i32
    %c0_i32_1 = arith.constant 0 : i32
    return %c0_i32, %c0_i32_0 : i32, i32
  }
  func.func @transform_6(%arg0: i32) -> (i32, i32) {
    %c0_i32 = arith.constant 0 : i32
    %c0_i32_0 = arith.constant 0 : i32
    return %arg0, %c0_i32 : i32, i32
  }
  func.func @transform_7(%arg0: i32) -> (i32, i32) {
    %c0_i32 = arith.constant 0 : i32
    %c0_i32_0 = arith.constant 0 : i32
    %c0_i32_1 = arith.constant 0 : i32
    return %c0_i32, %c0_i32_0 : i32, i32
  }
  func.func @transform_8(%arg0: i32) -> i32 {
    %c0_i32 = arith.constant 0 : i32
    %c0_i32_0 = arith.constant 0 : i32
    return %c0_i32 : i32
  }
  func.func @transform_9(%arg0: i32) -> (i32, i32) {
    %c0_i32 = arith.constant 0 : i32
    %c0_i32_0 = arith.constant 0 : i32
    return %arg0, %c0_i32 : i32, i32
  }
  func.func @transform_10(%arg0: i32) -> (i32, i32) {
    %c0_i32 = arith.constant 0 : i32
    %c0_i32_0 = arith.constant 0 : i32
    return %arg0, %c0_i32 : i32, i32
  }
}

module attributes {stable_mosaic.version = 14 : i64} {
  func.func @body(%arg0: i32, %arg1: memref<2x2x512x32xf32, #tpu.memory_space<vmem>>, %arg2: memref<512x64xf32, #tpu.memory_space<vmem>>, %arg3: memref<2x512x16xf32, #tpu.memory_space<vmem>>, %arg4: memref<1x64xf32, #tpu.memory_space<vmem>>, %arg5: memref<1x64xf32, #tpu.memory_space<vmem>>, %arg6: memref<1x64xf32, #tpu.memory_space<vmem>>, %arg7: memref<512x64xf32, #tpu.memory_space<vmem>>, %arg8: memref<64x32xf32, #tpu.memory_space<vmem>>, %arg9: memref<1x32xf32, #tpu.memory_space<vmem>>, %arg10: memref<1x32xf32, #tpu.memory_space<vmem>>, %arg11: memref<2xf32, #tpu.memory_space<smem>>, %arg12: memref<1xf32, #tpu.memory_space<smem>>, %arg13: memref<512x64xf32, #tpu.memory_space<vmem>>, %arg14: memref<512xf32, #tpu.memory_space<vmem>>) attributes {dimension_semantics = [#tpu.dimension_semantics<arbitrary>], iteration_bounds = array<i64: 20>, scalar_prefetch = 0 : i64, scratch_operands = 0 : i64, tpu.core_type = #tpu.core_type<tc>, window_params = [{transform_indices = @transform_0, window_bounds = array<i64: 2, 2, 512, 32>}, {transform_indices = @transform_1, window_bounds = array<i64: 512, 64>}, {transform_indices = @transform_2, window_bounds = array<i64: 2, 512, 16>}, {pipeline_mode = #tpu.pipeline_mode<synchronous>, transform_indices = @transform_3, window_bounds = array<i64: 1, 64>}, {pipeline_mode = #tpu.pipeline_mode<synchronous>, transform_indices = @transform_4, window_bounds = array<i64: 1, 64>}, {pipeline_mode = #tpu.pipeline_mode<synchronous>, transform_indices = @transform_5, window_bounds = array<i64: 1, 64>}, {transform_indices = @transform_6, window_bounds = array<i64: 512, 64>}, {pipeline_mode = #tpu.pipeline_mode<synchronous>, transform_indices = @transform_7, window_bounds = array<i64: 64, 32>}, {pipeline_mode = #tpu.pipeline_mode<synchronous>, transform_indices = @transform_8, window_bounds = array<i64: 1, 32>}, {pipeline_mode = #tpu.pipeline_mode<synchronous>, transform_indices = @transform_9, window_bounds = array<i64: 1, 32>}, {transform_indices = @transform_10, window_bounds = array<i64: 2>}, {transform_indices = @transform_11, window_bounds = array<i64: 1>}, {transform_indices = @transform_12, window_bounds = array<i64: 512, 64>}, {transform_indices = @transform_13, window_bounds = array<i64: 512>}]} {
    %get3A = arith.constant 0 : index
    %get3A_0 = arith.constant 0 : index
    %get3A_1 = arith.constant 0 : index
    %get3A_2 = vector.load %arg3[%get3A, %get3A_0, %get3A_1] : memref<2x512x16xf32, #tpu.memory_space<vmem>>, vector<1x512x16xf32>
    %get3A_3 = vector.shape_cast %get3A_2 : vector<1x512x16xf32> to vector<512x16xf32>
    %get3A_4 = arith.constant 1 : index
    %get3A_5 = arith.constant 0 : index
    %get3A_6 = arith.constant 0 : index
    %get3A_7 = vector.load %arg3[%get3A_4, %get3A_5, %get3A_6] : memref<2x512x16xf32, #tpu.memory_space<vmem>>, vector<1x512x16xf32>
    %get3A_8 = vector.shape_cast %get3A_7 : vector<1x512x16xf32> to vector<512x16xf32>
    %add3A = arith.addf %get3A_3, %get3A_8 : vector<512x16xf32>
    %reduce_sum3A = arith.constant dense<0.000000e+00> : vector<512xf32>
    %reduce_sum3A_9 = vector.multi_reduction <add>, %add3A, %reduce_sum3A [1] : vector<512x16xf32> to vector<512xf32>
    %broadcast_in_dim3A = vector.shape_cast %reduce_sum3A_9 : vector<512xf32> to vector<512x1xf32>
    %mul3A = arith.constant 6.250000e-02 : f32
    %mul3A_10 = vector.broadcast %mul3A : f32 to vector<512x1xf32>
    %mul3A_11 = arith.mulf %broadcast_in_dim3A, %mul3A_10 : vector<512x1xf32>
    %add3A_12 = arith.constant 1.000000e+00 : f32
    %add3A_13 = vector.broadcast %add3A_12 : f32 to vector<512x1xf32>
    %add3A_14 = arith.addf %mul3A_11, %add3A_13 : vector<512x1xf32>
    %rsqrt3A = math.rsqrt %add3A_14 : vector<512x1xf32>
    %get3A_15 = arith.constant 0 : index
    %get3A_16 = arith.constant 0 : index
    %get3A_17 = arith.constant 0 : index
    %get3A_18 = arith.constant 0 : index
    %get3A_19 = vector.load %arg1[%get3A_15, %get3A_16, %get3A_17, %get3A_18] : memref<2x2x512x32xf32, #tpu.memory_space<vmem>>, vector<1x1x512x32xf32>
    %get3A_20 = vector.shape_cast %get3A_19 : vector<1x1x512x32xf32> to vector<512x32xf32>
    %get3A_21 = arith.constant 1 : index
    %get3A_22 = arith.constant 0 : index
    %get3A_23 = arith.constant 0 : index
    %get3A_24 = arith.constant 0 : index
    %get3A_25 = vector.load %arg1[%get3A_21, %get3A_22, %get3A_23, %get3A_24] : memref<2x2x512x32xf32, #tpu.memory_space<vmem>>, vector<1x1x512x32xf32>
    %get3A_26 = vector.shape_cast %get3A_25 : vector<1x1x512x32xf32> to vector<512x32xf32>
    %add3A_27 = arith.addf %get3A_20, %get3A_26 : vector<512x32xf32>
    %get3A_28 = arith.constant 0 : index
    %get3A_29 = arith.constant 1 : index
    %get3A_30 = arith.constant 0 : index
    %get3A_31 = arith.constant 0 : index
    %get3A_32 = vector.load %arg1[%get3A_28, %get3A_29, %get3A_30, %get3A_31] : memref<2x2x512x32xf32, #tpu.memory_space<vmem>>, vector<1x1x512x32xf32>
    %get3A_33 = vector.shape_cast %get3A_32 : vector<1x1x512x32xf32> to vector<512x32xf32>
    %get3A_34 = arith.constant 1 : index
    %get3A_35 = arith.constant 1 : index
    %get3A_36 = arith.constant 0 : index
    %get3A_37 = arith.constant 0 : index
    %get3A_38 = vector.load %arg1[%get3A_34, %get3A_35, %get3A_36, %get3A_37] : memref<2x2x512x32xf32, #tpu.memory_space<vmem>>, vector<1x1x512x32xf32>
    %get3A_39 = vector.shape_cast %get3A_38 : vector<1x1x512x32xf32> to vector<512x32xf32>
    %add3A_40 = arith.addf %get3A_33, %get3A_39 : vector<512x32xf32>
    %concatenate3A = tpu.concatenate %add3A_27, %add3A_40 in 1 : vector<512x32xf32>, vector<512x32xf32> -> vector<512x64xf32>
    %get3A_41 = arith.constant 0 : index
    %get3A_42 = arith.constant 0 : index
    %get3A_43 = vector.load %arg2[%get3A_41, %get3A_42] : memref<512x64xf32, #tpu.memory_space<vmem>>, vector<512x64xf32>
    %add3A_44 = arith.addf %concatenate3A, %get3A_43 : vector<512x64xf32>
    %mul3A_45 = vector.broadcast %rsqrt3A : vector<512x1xf32> to vector<512x64xf32>
    %mul3A_46 = arith.mulf %mul3A_45, %add3A_44 : vector<512x64xf32>
    %get3A_47 = arith.constant 0 : index
    %get3A_48 = arith.constant 0 : index
    %get3A_49 = vector.load %arg4[%get3A_47, %get3A_48] : memref<1x64xf32, #tpu.memory_space<vmem>>, vector<1x64xf32>
    %add3A_50 = vector.broadcast %get3A_49 : vector<1x64xf32> to vector<512x64xf32>
    %add3A_51 = arith.addf %mul3A_46, %add3A_50 : vector<512x64xf32>
    %get3A_52 = arith.constant 0 : index
    %get3A_53 = memref.load %arg11[%get3A_52] : memref<2xf32, #tpu.memory_space<smem>>
    %sub3A = vector.broadcast %get3A_53 : f32 to vector<512x64xf32>
    %sub3A_54 = arith.subf %add3A_51, %sub3A : vector<512x64xf32>
    %get3A_55 = arith.constant 1 : index
    %get3A_56 = memref.load %arg11[%get3A_55] : memref<2xf32, #tpu.memory_space<smem>>
    %mul3A_57 = vector.broadcast %get3A_56 : f32 to vector<512x64xf32>
    %mul3A_58 = arith.mulf %sub3A_54, %mul3A_57 : vector<512x64xf32>
    %get3A_59 = arith.constant 0 : index
    %get3A_60 = arith.constant 0 : index
    %get3A_61 = vector.load %arg5[%get3A_59, %get3A_60] : memref<1x64xf32, #tpu.memory_space<vmem>>, vector<1x64xf32>
    %mul3A_62 = vector.broadcast %get3A_61 : vector<1x64xf32> to vector<512x64xf32>
    %mul3A_63 = arith.mulf %mul3A_58, %mul3A_62 : vector<512x64xf32>
    %get3A_64 = arith.constant 0 : index
    %get3A_65 = arith.constant 0 : index
    %get3A_66 = vector.load %arg6[%get3A_64, %get3A_65] : memref<1x64xf32, #tpu.memory_space<vmem>>, vector<1x64xf32>
    %add3A_67 = vector.broadcast %get3A_66 : vector<1x64xf32> to vector<512x64xf32>
    %add3A_68 = arith.addf %mul3A_63, %add3A_67 : vector<512x64xf32>
    %max3A = arith.constant 0.000000e+00 : f32
    %max3A_69 = vector.broadcast %max3A : f32 to vector<512x64xf32>
    %max3A_70 = arith.maximumf %add3A_68, %max3A_69 : vector<512x64xf32>
    %get3A_71 = arith.constant 0 : index
    %get3A_72 = arith.constant 0 : index
    %get3A_73 = vector.load %arg7[%get3A_71, %get3A_72] : memref<512x64xf32, #tpu.memory_space<vmem>>, vector<512x64xf32>
    %add3A_74 = arith.addf %max3A_70, %get3A_73 : vector<512x64xf32>
    %swap3A = arith.constant 0 : index
    %swap3A_75 = arith.constant 0 : index
    %swap3A_76 = vector.load %arg13[%swap3A, %swap3A_75] : memref<512x64xf32, #tpu.memory_space<vmem>>, vector<512x64xf32>
    tpu.vector_store %arg13[%swap3A, %swap3A_75], %add3A_74 {strides = array<i32>} : memref<512x64xf32, #tpu.memory_space<vmem>>, vector<512x64xf32>,
    %get3A_77 = arith.constant 0 : index
    %get3A_78 = arith.constant 0 : index
    %get3A_79 = vector.load %arg8[%get3A_77, %get3A_78] : memref<64x32xf32, #tpu.memory_space<vmem>>, vector<64x32xf32>
    %dot_general3A = arith.constant dense<0.000000e+00> : vector<512x32xf32>
    %dot_general3A_80 = tpu.matmul %add3A_74, %get3A_79, %dot_general3A {dimension_numbers = #tpu.dot_dimension_numbers<[1], [0], [0], [1], [0, 0, 1, 1], [], []>, transpose_lhs_hint = false} : vector<512x64xf32>, vector<64x32xf32>, vector<512x32xf32> -> vector<512x32xf32>
    %get3A_81 = arith.constant 0 : index
    %get3A_82 = arith.constant 0 : index
    %get3A_83 = vector.load %arg9[%get3A_81, %get3A_82] : memref<1x32xf32, #tpu.memory_space<vmem>>, vector<1x32xf32>
    %add3A_84 = vector.broadcast %get3A_83 : vector<1x32xf32> to vector<512x32xf32>
    %add3A_85 = arith.addf %dot_general3A_80, %add3A_84 : vector<512x32xf32>
    %max3A_86 = arith.constant 0.000000e+00 : f32
    %max3A_87 = vector.broadcast %max3A_86 : f32 to vector<512x32xf32>
    %max3A_88 = arith.maximumf %add3A_85, %max3A_87 : vector<512x32xf32>
    %get3A_89 = arith.constant 0 : index
    %get3A_90 = arith.constant 0 : index
    %get3A_91 = vector.load %arg10[%get3A_89, %get3A_90] : memref<1x32xf32, #tpu.memory_space<vmem>>, vector<1x32xf32>
    %mul3A_92 = vector.broadcast %get3A_91 : vector<1x32xf32> to vector<512x32xf32>
    %mul3A_93 = arith.mulf %max3A_88, %mul3A_92 : vector<512x32xf32>
    %reduce_sum3A_94 = arith.constant dense<0.000000e+00> : vector<512xf32>
    %reduce_sum3A_95 = vector.multi_reduction <add>, %mul3A_93, %reduce_sum3A_94 [1] : vector<512x32xf32> to vector<512xf32>
    %get3A_96 = arith.constant 0 : index
    %get3A_97 = memref.load %arg12[%get3A_96] : memref<1xf32, #tpu.memory_space<smem>>
    %add3A_98 = vector.broadcast %get3A_97 : f32 to vector<512xf32>
    %add3A_99 = arith.addf %reduce_sum3A_95, %add3A_98 : vector<512xf32>
    %swap3A_100 = arith.constant 0 : index
    %swap3A_101 = vector.load %arg14[%swap3A_100] : memref<512xf32, #tpu.memory_space<vmem>>, vector<512xf32>
    tpu.vector_store %arg14[%swap3A_100], %add3A_99 {strides = array<i32>} : memref<512xf32, #tpu.memory_space<vmem>>, vector<512xf32>,
    return
  }
  func.func @transform_0(%arg0: i32) -> (i32, i32, i32, i32) {
    %c0_i32 = arith.constant 0 : i32
    %c0_i32_0 = arith.constant 0 : i32
    %c0_i32_1 = arith.constant 0 : i32
    %c0_i32_2 = arith.constant 0 : i32
    return %c0_i32, %c0_i32_0, %arg0, %c0_i32_1 : i32, i32, i32, i32
  }
  func.func @transform_1(%arg0: i32) -> (i32, i32) {
    %c0_i32 = arith.constant 0 : i32
    %c0_i32_0 = arith.constant 0 : i32
    return %arg0, %c0_i32 : i32, i32
  }
  func.func @transform_2(%arg0: i32) -> (i32, i32, i32) {
    %c0_i32 = arith.constant 0 : i32
    %c0_i32_0 = arith.constant 0 : i32
    %c0_i32_1 = arith.constant 0 : i32
    return %c0_i32, %arg0, %c0_i32_0 : i32, i32, i32
  }
  func.func @transform_3(%arg0: i32) -> (i32, i32) {
    %c0_i32 = arith.constant 0 : i32
    %c0_i32_0 = arith.constant 0 : i32
    %c0_i32_1 = arith.constant 0 : i32
    return %c0_i32, %c0_i32_0 : i32, i32
  }
  func.func @transform_4(%arg0: i32) -> (i32, i32) {
    %c0_i32 = arith.constant 0 : i32
    %c0_i32_0 = arith.constant 0 : i32
    %c0_i32_1 = arith.constant 0 : i32
    return %c0_i32, %c0_i32_0 : i32, i32
  }
  func.func @transform_5(%arg0: i32) -> (i32, i32) {
    %c0_i32 = arith.constant 0 : i32
    %c0_i32_0 = arith.constant 0 : i32
    %c0_i32_1 = arith.constant 0 : i32
    return %c0_i32, %c0_i32_0 : i32, i32
  }
  func.func @transform_6(%arg0: i32) -> (i32, i32) {
    %c0_i32 = arith.constant 0 : i32
    %c0_i32_0 = arith.constant 0 : i32
    return %arg0, %c0_i32 : i32, i32
  }
  func.func @transform_7(%arg0: i32) -> (i32, i32) {
    %c0_i32 = arith.constant 0 : i32
    %c0_i32_0 = arith.constant 0 : i32
    %c0_i32_1 = arith.constant 0 : i32
    return %c0_i32, %c0_i32_0 : i32, i32
  }
  func.func @transform_8(%arg0: i32) -> (i32, i32) {
    %c0_i32 = arith.constant 0 : i32
    %c0_i32_0 = arith.constant 0 : i32
    %c0_i32_1 = arith.constant 0 : i32
    return %c0_i32, %c0_i32_0 : i32, i32
  }
  func.func @transform_9(%arg0: i32) -> (i32, i32) {
    %c0_i32 = arith.constant 0 : i32
    %c0_i32_0 = arith.constant 0 : i32
    %c0_i32_1 = arith.constant 0 : i32
    return %c0_i32, %c0_i32_0 : i32, i32
  }
  func.func @transform_10(%arg0: i32) -> i32 {
    %c0_i32 = arith.constant 0 : i32
    %c0_i32_0 = arith.constant 0 : i32
    return %c0_i32 : i32
  }
  func.func @transform_11(%arg0: i32) -> i32 {
    %c0_i32 = arith.constant 0 : i32
    %c0_i32_0 = arith.constant 0 : i32
    return %c0_i32 : i32
  }
  func.func @transform_12(%arg0: i32) -> (i32, i32) {
    %c0_i32 = arith.constant 0 : i32
    %c0_i32_0 = arith.constant 0 : i32
    return %arg0, %c0_i32 : i32, i32
  }
  func.func @transform_13(%arg0: i32) -> i32 {
    %c0_i32 = arith.constant 0 : i32
    return %arg0 : i32
  }
}

</mosaic_0001>

<sc_bundles>
// kernel: kernel.13.cloned.1.call-start
scs
__scs_entry_jumppad:
0x0: {  	(pc) =	sbr.rel $0x88, $3  }
0x1: {  	(tag) =	ssettag $0x0;
	lr =	simm.s32 $0x1  }
0x2: {  	[smem:$0x3F8F] =	sst lr;
	_ =	strace $0xD0000000  }
0x3: {  	_ = 	snop  }
0x4: {  	_ = 	snop  }
0x5: {  	_ = 	snop  }
0x6: {  	_ = 	snop  }
0x7: {  	_ = 	snop  }
__scs_overlays_trampoline_lowered:
0x8: {  	[smem:$0x3F9E] =	sst s0  }
0x9: {  	[smem:$0x3F9F] =	sst s1  }
0xa: {  	[smem:$0x3FA0] =	sst s2  }
0xb: {  	[smem:$0x3FA1] =	sst s3  }
0xc: {  	[smem:$0x3FA2] =	sst s4  }
0xd: {  	[smem:$0x3FA3] =	sst s5  }
0xe: {  	[smem:$0x3FA4] =	sst s6  }
0xf: {  	[smem:$0x3FA5] =	sst s7  }
0x10: {  	[smem:$0x3FA6] =	sst s8  }
0x11: {  	[smem:$0x3FA7] =	sst s9;
	s0 =	simm.s32 @!p0 $0x0  }
0x12: {  	s1 =	sld [smem:$0x3F8D];
	s0 =	simm.s32 @p0 $0x1  }
0x13: {  	[smem:$0x3FA8] =	sst s0;
	s0 =	simm.s32 @!p1 $0x0  }
0x14: {  	s2 =	sld [smem:$0x3F8C];
	s0 =	simm.s32 @p1 $0x1  }
0x15: {  	[smem:$0x3FA9] =	sst s0;
	s0 =	simm.s32 @!p2 $0x0  }
0x16: {  	s3 =	sld [smem:$0x3FDB];
	s0 =	simm.s32 @p2 $0x1  }
0x17: {  	s4 =	simm.s32 $0x1BF5;
	[smem:$0x3FAB] =	sst s0  }
0x18: {  	s0 =	sld [smem:$0x3F8E];
	_ =	swait.ge [sflag:s4], $0x0  }
0x19: {  	s7 =	sld [smem:$0x3F8F]  }
0x1a: {  	s8 =	sadd.s32 $0xFFFFE003, lr  }
0x1b: {  	s9 =	sadd.s32 $0xFFFFFEF7, lr;
	s5 =	simm.s32 $0xFFFFFFFF;
	p2 =	slt.u32 s8, $0xFFFFF086  }
0x1c: {  	p1 =	slt.u32 s9, $0xF7A;
	s5 =	simm.s32 @!p2 $0x0  }
0x1d: {  	s5 =	simm.s32 @p1 $0x1;
	p0 =	seq.s32 s7, s2  }
0x1e: {  	s7 =	smul.u32 @!p0 $0xF7A, s2;
	p2 =	seq.s32 @!p0 s5, $0x0  }
0x1f: {  	s9 =	smul.u32 $0xF7A, s1;
	s8 =	simm.s32 @!p0 $0x1BF5;
	p2 =	por !p2, p0  }
0x20: {  	[sflag:s8] =	ssyncset.s32 @!p0 $0xFFFFF086;
	s6 =	sadd.s32 @!p0 s3, s7;
	s7 =	simm.s32 @!p0 $0x108  }
0x21: {  	s3 =	sadd.s32 s3, s9;
	s6 =	sadd.s32 @!p0 $0x88, s6;
	s7 =	simm.s32 @p2 $0x1082  }
0x22: {  	[simem:s7], [sflag:s8] =	dma.local @!p0 [hbm:s6], $0xF7A  }
0x23: {  	s9 =	sor.u32 $0xD0000000, s2;
	s6 =	simm.s32 $0x108;
	_ =	swait.ge @!p0 [sflag:s8], $0x0  }
0x24: {  	s3 =	sadd.s32 $0x88, s3;
	s6 =	simm.s32 @!p1 $0x1082;
	[sflag:s4] =	ssyncset.s32 $0xFFFFF086  }
0x25: {  	[simem:s6], [sflag:s4] =	dma.local [hbm:s3], $0xF7A  }
0x26: {  	[smem:$0x3F8F] =	sst s1;
	(tag) =	ssettag s2;
	_ =	strace s9  }
0x27: {  	s1 =	sld [smem:$0x3F9F]  }
0x28: {  	s2 =	sld [smem:$0x3FA0]  }
0x29: {  	s4 =	sld [smem:$0x3FA2]  }
0x2a: {  	p0 =	seq.s32 s5, $0x0;
	s5 =	sld [smem:$0x3FA3]  }
0x2b: {  	s6 =	sld [smem:$0x3FA4]  }
0x2c: {  	s7 =	sld [smem:$0x3FA5]  }
0x2d: {  	s3 =	simm.s32 $0x108;
	s8 =	sld [smem:$0x3FA6]  }
0x2e: {  	s3 =	simm.s32 @!p0 $0x1082;
	s9 =	sld [smem:$0x3FA7]  }
0x2f: {  	lr =	sadd.s32 s0, s3;
	s0 =	sld [smem:$0x3F9E]  }
0x30: {  	s3 =	sld [smem:$0x3FA1]  }
0x31: {  	[smem:$0x3FAA] =	sst s10  }
0x32: {  	s10 =	sld [smem:$0x3FA8];
	_ =	sdelay $0x3  }
0x33: {  	p0 =	seq.s32 s10, $0x1;
	s10 =	sld [smem:$0x3FAA];
	_ =	sdelay $0x3  }
0x34: {  	[smem:$0x3FAA] =	sst s10  }
0x35: {  	s10 =	sld [smem:$0x3FA9];
	_ =	sdelay $0x3  }
0x36: {  	p1 =	seq.s32 s10, $0x1;
	s10 =	sld [smem:$0x3FAA];
	_ =	sdelay $0x3  }
0x37: {  	[smem:$0x3FAA] =	sst s10  }
0x38: {  	s10 =	sld [smem:$0x3FAB]  }
0x39: {  	_ = 	snop;
	(pc) =	sbr.ind lr, $3  }
0x3a: {  	_ = 	snop  }
0x3b: {  	_ = 	snop  }
0x3c: {  	p2 =	seq.s32 s10, $0x1;
	s10 =	sld [smem:$0x3FAA]  }
0x3d: {  	_ =	shalt  }
0x3e: {  	_ =	shalt  }
0x3f: {  	_ =	shalt  }
0x40: {  	_ =	shalt  }
0x41: {  	_ =	shalt  }
0x42: {  	_ =	shalt  }
0x43: {  	_ =	shalt  }
0x44: {  	_ =	shalt  }
0x45: {  	_ =	shalt  }
0x46: {  	_ =	shalt  }
0x47: {  	_ =	shalt  }
0x48: {  	_ =	shalt  }
0x49: {  	_ =	shalt  }
0x4a: {  	_ =	shalt  }
0x4b: {  	_ =	shalt  }
0x4c: {  	_ =	shalt  }
0x4d: {  	_ =	shalt  }
0x4e: {  	_ =	shalt  }
0x4f: {  	_ =	shalt  }
0x50: {  	_ =	shalt  }
0x51: {  	_ =	shalt  }
0x52: {  	_ =	shalt  }
0x53: {  	_ =	shalt  }
0x54: {  	_ =	shalt  }
0x55: {  	_ =	shalt  }
0x56: {  	_ =	shalt  }
0x57: {  	_ =	shalt  }
0x58: {  	_ =	shalt  }
0x59: {  	_ =	shalt  }
0x5a: {  	_ =	shalt  }
0x5b: {  	_ =	shalt  }
0x5c: {  	_ =	shalt  }
0x5d: {  	_ =	shalt  }
0x5e: {  	_ =	shalt  }
0x5f: {  	_ =	shalt  }
0x60: {  	_ =	shalt  }
0x61: {  	_ =	shalt  }
0x62: {  	_ =	shalt  }
0x63: {  	_ =	shalt  }
0x64: {  	_ =	shalt  }
0x65: {  	_ =	shalt  }
0x66: {  	_ =	shalt  }
0x67: {  	_ =	shalt  }
0x68: {  	_ =	shalt  }
0x69: {  	_ =	shalt  }
0x6a: {  	_ =	shalt  }
0x6b: {  	_ =	shalt  }
0x6c: {  	_ =	shalt  }
0x6d: {  	_ =	shalt  }
0x6e: {  	_ =	shalt  }
0x6f: {  	_ =	shalt  }
0x70: {  	_ =	shalt  }
0x71: {  	_ =	shalt  }
0x72: {  	_ =	shalt  }
0x73: {  	_ =	shalt  }
0x74: {  	_ =	shalt  }
0x75: {  	_ =	shalt  }
0x76: {  	_ =	shalt  }
0x77: {  	_ =	shalt  }
0x78: {  	_ =	shalt  }
0x79: {  	_ =	shalt  }
0x7a: {  	_ =	shalt  }
0x7b: {  	_ =	shalt  }
0x7c: {  	_ =	shalt  }
0x7d: {  	_ =	shalt  }
0x7e: {  	_ =	shalt  }
0x7f: {  	_ =	shalt  }
0x80: {  	_ =	shalt  }
0x81: {  	_ =	shalt  }
0x82: {  	_ =	shalt  }
0x83: {  	_ =	shalt  }
0x84: {  	_ =	shalt  }
0x85: {  	_ =	shalt  }
0x86: {  	_ =	shalt  }
0x87: {  	_ =	shalt  }
.Lfunc_end0:
.L_simem_size_0:
called_computation_lowered:
.L_overlay_start_0:
0x88: {  	s2 =	sld [smem:$0x3FD9]  }
0x89: {  	s3 =	sld [smem:$0x3FFE];
	_ =	sdelay $0x1  }
0x8a: {  	s1 =	srdreg.scid  }
0x8b: {  	s0 =	sand.u32 $0x1, s1  }
0x8c: {  	s14 =	sshll.u32 s0, $0xA;
	s2 =	sadd.s32 s3, s2  }
0x8d: {  	s2 =	sadd.s32 s2, s14  }
0x8e: {  	[smem:$0x3FB6] =	sst s2  }
0x8f: {  	_ = 	snop  }
0x90: {  	s2 =	sld [smem:$0x3FD0];
	_ =	sdelay $0x2  }
0x91: {  	s15 =	simm.s32 $0xA;
	s4 =	simm.s32 $0x10  }
0x92: {  	[smem:s4], [sflag:s15] =	dma.local [hbm:s2], $0x1  }
0x93: {  	_ =	swait.eq [sflag:s15], $0x1  }
0x94: {  	[sflag:s15] =	ssyncset.done $0x0  }
0x95: {  	s16 =	sld [smem:$0x10];
	[sflag:s15] =	ssyncadd.s32 $0xFFFFFFFF  }
0x96: {  	s17 =	sld [smem:$0x11];
	(tm) =	ssettm $0x1  }
0x97: {  	s18 =	sld [smem:$0x3FFB];
	_ =	sdelay $0x3  }
0x98: {  	_ =	strace s18  }
0x99: {  	s4 =	sld [smem:$0x3FFC];
	_ =	sdelay $0x3  }
0x9a: {  	_ =	strace s4  }
0x9b: {  	s4 =	sld [smem:$0x3FFD];
	_ =	sdelay $0x3  }
0x9c: {  	_ =	strace s4  }
0x9d: {  	_ =	strace $0x8FFFFFFF  }
0x9e: {  	s19 =	sld [smem:$0x3FDB];
	_ =	sdelay $0x1  }
0x9f: {  	s5 =	simm.s32 $_scs_section_size  }
0xa0: {  	s6 =	simm.s32 $_size__tile_overlayer_lowered;
	s7 =	simm.s32 $_tile_overlayer_lowered  }
0xa1: {  	s22 =	simm.s32 $0x1BFF;
	s21 =	sshll.u32 s7, $0x1;
	s4 =	sadd.s32 s5, s19  }
0xa2: {  	s8 =	simm.s32 $0x0;
	s20 =	sshll.u32 s6, $0x1;
	s6 =	sadd.s32 s21, s4  }
0xa3: {  	[timem:s8], [sflag:s22] =	dma.local [hbm:s6], s20  }
0xa4: {  	_ =	swait.ge [sflag:s22], s20  }
0xa5: {  	s5 =	ssub.s32 $0x0, s20;
	[sflag:s22] =	ssyncset.done $0x0  }
0xa6: {  	[sflag:s22] =	ssyncadd.s32 s5;
	_ =	sdelay $0x1  }
0xa7: {  	s23 =	simm.s32 $0x1B8B  }
0xa8: {  	_ =	swait.ge [sflag:s23], $0x1  }
0xa9: {  	[sflag:s23] =	ssyncset.done $0x0  }
0xaa: {  	s25 =	simm.s32 $0x1B8E;
	s24 =	sld [smem:$0x3FFE];
	[sflag:s23] =	ssyncadd.s32 $0xFFFFFFFF  }
0xab: {  	s26 =	simm.s32 $execute0_lowered;
	[smem:$0x3FD2] =	sst s25  }
0xac: {  	s6 =	sshll.u32 s26, $0x1;
	_ =	strace $0x80000046;
	[dreg:$0x1] =	wrdreg $0xFFFFFFFF  }
0xad: {  	s28 =	simm.s32 $_size_execute0_lowered;
	s4 =	sadd.s32 s4, s6;
	[dreg:$0x0] =	wrdreg $0x0  }
0xae: {  	s6 =	sshll.u32 s28, $0x1;
	[dreg:$0x2] =	wrdreg s4  }
0xaf: {  	[dreg:$0x3] =	wrdreg s6  }
0xb0: {  	[dreg:$0x4] =	wrdreg $0xC0  }
0xb1: {  	_ =	task [dreg:s8], $0x5FFFF  }
0xb2: {  	[dreg:$0x1] =	wrdreg $0xFFFFFFFF  }
0xb3: {  	[dreg:$0x0] =	wrdreg $0x60  }
0xb4: {  	[dreg:$0x2] =	wrdreg s16  }
0xb5: {  	[dreg:$0x3] =	wrdreg s17  }
0xb6: {  	[dreg:$0x4] =	wrdreg s24  }
0xb7: {  	[dreg:$0x5] =	wrdreg $0x30000  }
0xb8: {  	[dreg:$0x6] =	wrdreg $0x9  }
0xb9: {  	_ =	task.clear_ibuf [dreg:s8], $0x7FFFF;
	_ =	strace $0x90000046  }
0xba: {  	s29 =	simm.s32 $0x9;
	_ =	strace $0x80000048  }
0xbb: {  	_ =	swait.ge [sflag:s29], $0x1  }
0xbc: {  	[sflag:s29] =	ssyncadd.s32 $0xFFFFFFFF  }
0xbd: {  	_ =	strace $0x90000048  }
0xbe: {  	_ =	sfence  }
0xbf: {  	s30 =	sld [smem:$0x0];
	_ =	sdelay $0x2  }
0xc0: {  	s31 =	sshll.u32 s1, $0xD;
	s1 =	sshrl.u32 s1, $0x2  }
0xc1: {  	s3 =	sand.u32 $0x4000, s31;
	s1 =	sadd.s32 s1, s30  }
0xc2: {  	s0 =	sor.u32 s3, s0;
	s1 =	sshll.u32 s1, $0x11  }
0xc3: {  	s0 =	sor.u32 s1, s0  }
0xc4: {  	s0 =	sadd.s32 $0x8F2B, s0  }
0xc5: {  	[sflag:s0] =	ssyncadd.remote.s32 $0x1  }
0xc6: {  	_ =	sfence.sel $0xFFFF  }
0xc7: {  	[dreg:$0x0] =	wrdreg $0xFFFFFFFF;
	(pc) =	sbr.abs _section_cstart, $3  }
0xc8: {  	[dreg:$0x1] =	wrdreg $0xFFFFFFFF  }
0xc9: {  	_ =	task.clear_ibuf [dreg:s8], $0x2FFFF;
	_ =	strace $0x9FFFFFFF  }
0xca: {  	(tm) =	ssettm $0x7FFFFFFF  }
0xcb: {  	_ =	shalt  }
tec
execute0_lowered:
.L_overlay_start_1:
0x0: {  	(tag) =	ssettag $0x1  }
0x1: {  	s7 =	rddreg [dreg:$0x0]  }
0x2: {  	s2 =	rddreg [dreg:$0x1]  }
0x3: {  	s5 =	rddreg [dreg:$0x2]  }
0x4: {  	s3 =	rddreg [dreg:$0x3]  }
0x5: {  	s0 =	rddreg [dreg:$0x4]  }
0x6: {  	s1 =	stileid.u32;
	s4 =	simm.s32 $0x0;
	s8 =	srdreg.scid  }
0x7: {  	s6 =	smul.u32 $0x2800, s1;
	[smem:$0x7FF] =	sst s4;
	s8 =	sand.u32 $0x1, s8  }
0x8: {  	s12 =	sshll.u32 s1, $0x1;
	s31 =	sshll.u32 s1, $0x6;
	_ =	strace $0x80000047  }
0x9: {  	s9 =	smul.u32 $0x5000, s8;
	s11 =	ssub.s32 $0x2, s8;
	s8 =	sor.u32 s8, s12  }
0xa: {  	s12 =	simm.s32 $0x80;
	s13 =	sshrl.u32 s6, $0x3;
	s30 =	sshrl.u32 s11, $0x1  }
0xb: {  	s8 =	smul.u32 $0x500, s8;
	s14 =	sadd.s32 s6, s3;
	s6 =	sor.u32 $0x1C01, s31  }
0xc: {  	s10 =	sadd.s32 s13, s5;
	s9 =	sadd.s32 s9, s5;
	s11 =	ssub.s32 s11, s30  }
0xd: {  	s5 =	sadd.s32 $0x5C00, s10;
	s7 =	sadd.s32 s7, s8;
	s15 =	sadd.s32 $0xAC00, s9  }
0xe: {  	s8 =	smax.u32 s11, $0x1;
	s9 =	sshrl.u32 s14, $0x3;
	s10 =	simm.s32 $0x1  }
0xf: {  	s11 =	simm.s32 $0x2800;
	s14 =	simm.s32 $0x0;
	s13 =	sadd.s32 s13, s15  }
.LBB2_1:
0x10: {  	[spmem:s9], [sflag:s6] =	dma.local [hbm:s5], $0x500  }
0x11: {  	_ =	swait.ge [sflag:s10], $0x500  }
0x12: {  	[sflag:s10] =	ssyncset.done $0x0  }
0x13: {  	[sflag:s10] =	ssyncadd.s32 $0xFFFFFB00  }
0x14: {  	[tilespmem:s11], [sflag:$0x1] =	stream.linear.gather [hbm4b:s2+s4], $0x800, $0x38;
	[tilespmem:$0x5800] =	vst v63  }
0x15: {  	_ =	swait.ge [sflag:s10], $0x800  }
0x16: {  	[sflag:s10] =	ssyncset.done $0x0  }
0x17: {  	[sflag:s10] =	ssyncadd.s32 $0xFFFFF800  }
0x18: {  	[tilespmem:s4], [sflag:$0x1] =	stream.linear.gather [hbm4b:s7+s4], $0x2800, $0x38;
	[tilespmem:$0x5800] =	vst v63  }
0x19: {  	_ =	swait.ge [sflag:s10], $0x2800  }
0x1a: {  	[sflag:s10] =	ssyncset.done $0x0  }
0x1b: {  	[sflag:s10] =	ssyncadd.s32 $0xFFFFD800  }
0x1c: {  	s15 =	simm.s32 $0x0;
	[bflag:$0x0] =	sbarrier.arrive $0xFFFF  }
0x1d: {  	[spmem:s3] =	stream.indirect.scatter.add.f32 [tilespmem:s11], [sflag:$0x1], $0x10, s15, s12, $0xb8;
	[tilespmem:$0x5800] =	vst v63  }
0x1e: {  	_ =	swait.ge [sflag:s10], $0x800  }
0x1f: {  	s15 =	simm.s32 $0x200;
	[sflag:s10] =	ssyncset.done $0x0  }
.LBB2_2:
0x20: {  	s16 =	sshra.s32 s15, $0x2;
	[sflag:s10] =	ssyncadd.s32 $0xFFFFF800;
	p0 =	sne.s32 s15, $0x9E00  }
0x21: {  	[spmem:s3] =	stream.indirect.scatter.add.f32 [tilespmem:s11], [sflag:$0x1], $0x10, s16, s12, $0xb8;
	[tilespmem:$0x5800] =	vst v63  }
.Ltmp0:
0x22: {  	_ = 	snop;
	(pc) =	sbr.rel @p0 .LBB2_2-.Ltmp0, $4  }
0x23: {  	_ = 	snop  }
0x24: {  	s15 =	sadd.s32 $0x200, s15  }
0x25: {  	_ =	swait.ge [sflag:s10], $0x800  }
0x26: {  	[sflag:s10] =	ssyncset.done $0x0  }
0x27: {  	s14 =	sadd.s32 $0x1, s14  }
0x28: {  	[sflag:s10] =	ssyncadd.s32 $0xFFFFF800;
	p0 =	sne.s32 s14, s8  }
.Ltmp1:
0x29: {  	[bflag:$0x0] =	sbarrier.arrive $0xFFFF;
	(pc) =	sbr.rel @p0 .LBB2_1-.Ltmp1, $4  }
0x2a: {  	[hbm:s13], [sflag:s6] =	dma.local [spmem:s9], $0x500  }
0x2b: {  	_ =	swait.ge [sflag:s10], $0x500  }
0x2c: {  	[sflag:s10] =	ssyncset.done $0x0  }
0x2d: {  	[sflag:s10] =	ssyncadd.s32 $0xFFFFFB00  }
0x2e: {  	_ =	sfence.sel $0x180000  }
0x2f: {  	[bflag:$0x0] =	sbarrier.arrive $0xFFFF  }
0x30: {  	p0 =	sne.s32 s1, $0x0;
	_ =	strace $0x90000047  }
0x31: {  	s0 =	sadd.s32 @!p0 $0x100000, s0;
	[bflag:$0x2] =	sbarrier.arrive $0xFFFF  }
0x32: {  	[sflag:s0] =	ssyncadd.tile.s32 @!p0 $0x1;
	_ =	shalt  }
.Lfunc_end2:
_tile_overlayer_lowered:
.L_overlay_start_2:
0x33: {  	(tag) =	ssettag $0x2  }
0x34: {  	s0 =	rddreg [dreg:$0x0];
	s2 =	stileid.u32  }
0x35: {  	s1 =	rddreg [dreg:$0x1];
	p0 =	sne.s32 s2, $0x0  }
0x36: {  	s3 =	rddreg [dreg:$0x2];
	[bflag:$0x3] =	sbarrier.arrive $0xFFFF;
	s2 =	simm.s32 @!p0 $0x1C01  }
0x37: {  	[timem:s3], [sflag:s2] =	dma.local @!p0 [hbm:s0], s1  }
0x38: {  	s0 =	simm.s32 @!p0 $0x1  }
0x39: {  	_ =	swait.ge @!p0 [sflag:s0], s1  }
0x3a: {  	s1 =	ssub.s32 @!p0 $0x0, s1;
	[sflag:s0] =	ssyncset.done @!p0 $0x0  }
0x3b: {  	[sflag:s0] =	ssyncadd.s32 @!p0 s1  }
0x3c: {  	[bflag:$0x3] =	sbarrier.arrive $0xFFFF  }
0x3d: {  	_ =	shalt  }

// kernel: kernel.16.cloned.1.call-start
scs
__scs_entry_jumppad:
0x0: {  	(pc) =	sbr.rel $0x88, $3  }
0x1: {  	(tag) =	ssettag $0x0;
	lr =	simm.s32 $0x1  }
0x2: {  	[smem:$0x3F8F] =	sst lr;
	_ =	strace $0xD0000000  }
0x3: {  	_ = 	snop  }
0x4: {  	_ = 	snop  }
0x5: {  	_ = 	snop  }
0x6: {  	_ = 	snop  }
0x7: {  	_ = 	snop  }
__scs_overlays_trampoline_lowered:
0x8: {  	[smem:$0x3F9E] =	sst s0  }
0x9: {  	[smem:$0x3F9F] =	sst s1  }
0xa: {  	[smem:$0x3FA0] =	sst s2  }
0xb: {  	[smem:$0x3FA1] =	sst s3  }
0xc: {  	[smem:$0x3FA2] =	sst s4  }
0xd: {  	[smem:$0x3FA3] =	sst s5  }
0xe: {  	[smem:$0x3FA4] =	sst s6  }
0xf: {  	[smem:$0x3FA5] =	sst s7  }
0x10: {  	[smem:$0x3FA6] =	sst s8  }
0x11: {  	[smem:$0x3FA7] =	sst s9;
	s0 =	simm.s32 @!p0 $0x0  }
0x12: {  	s1 =	sld [smem:$0x3F8D];
	s0 =	simm.s32 @p0 $0x1  }
0x13: {  	[smem:$0x3FA8] =	sst s0;
	s0 =	simm.s32 @!p1 $0x0  }
0x14: {  	s2 =	sld [smem:$0x3F8C];
	s0 =	simm.s32 @p1 $0x1  }
0x15: {  	[smem:$0x3FA9] =	sst s0;
	s0 =	simm.s32 @!p2 $0x0  }
0x16: {  	s3 =	sld [smem:$0x3FDB];
	s0 =	simm.s32 @p2 $0x1  }
0x17: {  	s4 =	simm.s32 $0x1BF5;
	[smem:$0x3FAB] =	sst s0  }
0x18: {  	s0 =	sld [smem:$0x3F8E];
	_ =	swait.ge [sflag:s4], $0x0  }
0x19: {  	s7 =	sld [smem:$0x3F8F]  }
0x1a: {  	s8 =	sadd.s32 $0xFFFFE003, lr  }
0x1b: {  	s9 =	sadd.s32 $0xFFFFFEF7, lr;
	s5 =	simm.s32 $0xFFFFFFFF;
	p2 =	slt.u32 s8, $0xFFFFF086  }
0x1c: {  	p1 =	slt.u32 s9, $0xF7A;
	s5 =	simm.s32 @!p2 $0x0  }
0x1d: {  	s5 =	simm.s32 @p1 $0x1;
	p0 =	seq.s32 s7, s2  }
0x1e: {  	s7 =	smul.u32 @!p0 $0xF7A, s2;
	p2 =	seq.s32 @!p0 s5, $0x0  }
0x1f: {  	s9 =	smul.u32 $0xF7A, s1;
	s8 =	simm.s32 @!p0 $0x1BF5;
	p2 =	por !p2, p0  }
0x20: {  	[sflag:s8] =	ssyncset.s32 @!p0 $0xFFFFF086;
	s6 =	sadd.s32 @!p0 s3, s7;
	s7 =	simm.s32 @!p0 $0x108  }
0x21: {  	s3 =	sadd.s32 s3, s9;
	s6 =	sadd.s32 @!p0 $0x88, s6;
	s7 =	simm.s32 @p2 $0x1082  }
0x22: {  	[simem:s7], [sflag:s8] =	dma.local @!p0 [hbm:s6], $0xF7A  }
0x23: {  	s9 =	sor.u32 $0xD0000000, s2;
	s6 =	simm.s32 $0x108;
	_ =	swait.ge @!p0 [sflag:s8], $0x0  }
0x24: {  	s3 =	sadd.s32 $0x88, s3;
	s6 =	simm.s32 @!p1 $0x1082;
	[sflag:s4] =	ssyncset.s32 $0xFFFFF086  }
0x25: {  	[simem:s6], [sflag:s4] =	dma.local [hbm:s3], $0xF7A  }
0x26: {  	[smem:$0x3F8F] =	sst s1;
	(tag) =	ssettag s2;
	_ =	strace s9  }
0x27: {  	s1 =	sld [smem:$0x3F9F]  }
0x28: {  	s2 =	sld [smem:$0x3FA0]  }
0x29: {  	s4 =	sld [smem:$0x3FA2]  }
0x2a: {  	p0 =	seq.s32 s5, $0x0;
	s5 =	sld [smem:$0x3FA3]  }
0x2b: {  	s6 =	sld [smem:$0x3FA4]  }
0x2c: {  	s7 =	sld [smem:$0x3FA5]  }
0x2d: {  	s3 =	simm.s32 $0x108;
	s8 =	sld [smem:$0x3FA6]  }
0x2e: {  	s3 =	simm.s32 @!p0 $0x1082;
	s9 =	sld [smem:$0x3FA7]  }
0x2f: {  	lr =	sadd.s32 s0, s3;
	s0 =	sld [smem:$0x3F9E]  }
0x30: {  	s3 =	sld [smem:$0x3FA1]  }
0x31: {  	[smem:$0x3FAA] =	sst s10  }
0x32: {  	s10 =	sld [smem:$0x3FA8];
	_ =	sdelay $0x3  }
0x33: {  	p0 =	seq.s32 s10, $0x1;
	s10 =	sld [smem:$0x3FAA];
	_ =	sdelay $0x3  }
0x34: {  	[smem:$0x3FAA] =	sst s10  }
0x35: {  	s10 =	sld [smem:$0x3FA9];
	_ =	sdelay $0x3  }
0x36: {  	p1 =	seq.s32 s10, $0x1;
	s10 =	sld [smem:$0x3FAA];
	_ =	sdelay $0x3  }
0x37: {  	[smem:$0x3FAA] =	sst s10  }
0x38: {  	s10 =	sld [smem:$0x3FAB]  }
0x39: {  	_ = 	snop;
	(pc) =	sbr.ind lr, $3  }
0x3a: {  	_ = 	snop  }
0x3b: {  	_ = 	snop  }
0x3c: {  	p2 =	seq.s32 s10, $0x1;
	s10 =	sld [smem:$0x3FAA]  }
0x3d: {  	_ =	shalt  }
0x3e: {  	_ =	shalt  }
0x3f: {  	_ =	shalt  }
0x40: {  	_ =	shalt  }
0x41: {  	_ =	shalt  }
0x42: {  	_ =	shalt  }
0x43: {  	_ =	shalt  }
0x44: {  	_ =	shalt  }
0x45: {  	_ =	shalt  }
0x46: {  	_ =	shalt  }
0x47: {  	_ =	shalt  }
0x48: {  	_ =	shalt  }
0x49: {  	_ =	shalt  }
0x4a: {  	_ =	shalt  }
0x4b: {  	_ =	shalt  }
0x4c: {  	_ =	shalt  }
0x4d: {  	_ =	shalt  }
0x4e: {  	_ =	shalt  }
0x4f: {  	_ =	shalt  }
0x50: {  	_ =	shalt  }
0x51: {  	_ =	shalt  }
0x52: {  	_ =	shalt  }
0x53: {  	_ =	shalt  }
0x54: {  	_ =	shalt  }
0x55: {  	_ =	shalt  }
0x56: {  	_ =	shalt  }
0x57: {  	_ =	shalt  }
0x58: {  	_ =	shalt  }
0x59: {  	_ =	shalt  }
0x5a: {  	_ =	shalt  }
0x5b: {  	_ =	shalt  }
0x5c: {  	_ =	shalt  }
0x5d: {  	_ =	shalt  }
0x5e: {  	_ =	shalt  }
0x5f: {  	_ =	shalt  }
0x60: {  	_ =	shalt  }
0x61: {  	_ =	shalt  }
0x62: {  	_ =	shalt  }
0x63: {  	_ =	shalt  }
0x64: {  	_ =	shalt  }
0x65: {  	_ =	shalt  }
0x66: {  	_ =	shalt  }
0x67: {  	_ =	shalt  }
0x68: {  	_ =	shalt  }
0x69: {  	_ =	shalt  }
0x6a: {  	_ =	shalt  }
0x6b: {  	_ =	shalt  }
0x6c: {  	_ =	shalt  }
0x6d: {  	_ =	shalt  }
0x6e: {  	_ =	shalt  }
0x6f: {  	_ =	shalt  }
0x70: {  	_ =	shalt  }
0x71: {  	_ =	shalt  }
0x72: {  	_ =	shalt  }
0x73: {  	_ =	shalt  }
0x74: {  	_ =	shalt  }
0x75: {  	_ =	shalt  }
0x76: {  	_ =	shalt  }
0x77: {  	_ =	shalt  }
0x78: {  	_ =	shalt  }
0x79: {  	_ =	shalt  }
0x7a: {  	_ =	shalt  }
0x7b: {  	_ =	shalt  }
0x7c: {  	_ =	shalt  }
0x7d: {  	_ =	shalt  }
0x7e: {  	_ =	shalt  }
0x7f: {  	_ =	shalt  }
0x80: {  	_ =	shalt  }
0x81: {  	_ =	shalt  }
0x82: {  	_ =	shalt  }
0x83: {  	_ =	shalt  }
0x84: {  	_ =	shalt  }
0x85: {  	_ =	shalt  }
0x86: {  	_ =	shalt  }
0x87: {  	_ =	shalt  }
.Lfunc_end0:
.L_simem_size_0:
called_computation.1_lowered:
.L_overlay_start_0:
0x88: {  	s2 =	sld [smem:$0x3FD9]  }
0x89: {  	s3 =	sld [smem:$0x3FFE];
	_ =	sdelay $0x1  }
0x8a: {  	s1 =	srdreg.scid  }
0x8b: {  	s0 =	sand.u32 $0x1, s1  }
0x8c: {  	s14 =	sshll.u32 s0, $0xA;
	s2 =	sadd.s32 s3, s2  }
0x8d: {  	s2 =	sadd.s32 s2, s14  }
0x8e: {  	[smem:$0x3FB6] =	sst s2  }
0x8f: {  	_ = 	snop  }
0x90: {  	s2 =	sld [smem:$0x3FD0];
	_ =	sdelay $0x2  }
0x91: {  	s15 =	simm.s32 $0xA;
	s4 =	simm.s32 $0x10  }
0x92: {  	[smem:s4], [sflag:s15] =	dma.local [hbm:s2], $0x1  }
0x93: {  	_ =	swait.eq [sflag:s15], $0x1  }
0x94: {  	[sflag:s15] =	ssyncset.done $0x0  }
0x95: {  	[sflag:s15] =	ssyncadd.s32 $0xFFFFFFFF  }
0x96: {  	s16 =	sld [smem:$0x10];
	(tm) =	ssettm $0x1  }
0x97: {  	s17 =	sld [smem:$0x3FFB];
	_ =	sdelay $0x3  }
0x98: {  	_ =	strace s17  }
0x99: {  	s3 =	sld [smem:$0x3FFC];
	_ =	sdelay $0x3  }
0x9a: {  	_ =	strace s3  }
0x9b: {  	s3 =	sld [smem:$0x3FFD];
	_ =	sdelay $0x3  }
0x9c: {  	_ =	strace s3  }
0x9d: {  	_ =	strace $0x8FFFFFFF  }
0x9e: {  	s18 =	sld [smem:$0x3FDB];
	_ =	sdelay $0x1  }
0x9f: {  	s19 =	simm.s32 $_scs_section_size  }
0xa0: {  	s5 =	simm.s32 $_size__tile_overlayer_lowered;
	s6 =	simm.s32 $_tile_overlayer_lowered  }
0xa1: {  	s22 =	simm.s32 $0x1BFF;
	s21 =	sshll.u32 s6, $0x1;
	s3 =	sadd.s32 s19, s18  }
0xa2: {  	s7 =	simm.s32 $0x0;
	s20 =	sshll.u32 s5, $0x1;
	s5 =	sadd.s32 s21, s3  }
0xa3: {  	[timem:s7], [sflag:s22] =	dma.local [hbm:s5], s20  }
0xa4: {  	_ =	swait.ge [sflag:s22], s20  }
0xa5: {  	s4 =	ssub.s32 $0x0, s20;
	[sflag:s22] =	ssyncset.done $0x0  }
0xa6: {  	[sflag:s22] =	ssyncadd.s32 s4;
	_ =	sdelay $0x1  }
0xa7: {  	s23 =	simm.s32 $0x1B8B  }
0xa8: {  	_ =	swait.ge [sflag:s23], $0x1  }
0xa9: {  	[sflag:s23] =	ssyncset.done $0x0  }
0xaa: {  	s25 =	simm.s32 $0x1B8E;
	s24 =	sld [smem:$0x3FFE];
	[sflag:s23] =	ssyncadd.s32 $0xFFFFFFFF  }
0xab: {  	s26 =	simm.s32 $execute0_lowered;
	[smem:$0x3FD2] =	sst s25  }
0xac: {  	s5 =	sshll.u32 s26, $0x1;
	_ =	strace $0x80000049;
	[dreg:$0x1] =	wrdreg $0xFFFFFFFF  }
0xad: {  	s28 =	simm.s32 $_size_execute0_lowered;
	s3 =	sadd.s32 s3, s5;
	[dreg:$0x0] =	wrdreg $0x0  }
0xae: {  	s5 =	sshll.u32 s28, $0x1;
	[dreg:$0x2] =	wrdreg s3  }
0xaf: {  	[dreg:$0x3] =	wrdreg s5  }
0xb0: {  	[dreg:$0x4] =	wrdreg $0xC0  }
0xb1: {  	_ =	task [dreg:s7], $0x5FFFF  }
0xb2: {  	[dreg:$0x1] =	wrdreg $0xFFFFFFFF  }
0xb3: {  	[dreg:$0x0] =	wrdreg $0x60  }
0xb4: {  	[dreg:$0x2] =	wrdreg s24  }
0xb5: {  	[dreg:$0x3] =	wrdreg s16  }
0xb6: {  	[dreg:$0x4] =	wrdreg $0x90000  }
0xb7: {  	[dreg:$0x5] =	wrdreg $0xE0000  }
0xb8: {  	[dreg:$0x6] =	wrdreg $0x9  }
0xb9: {  	_ =	task.clear_ibuf [dreg:s7], $0x7FFFF;
	_ =	strace $0x90000049  }
0xba: {  	s29 =	simm.s32 $0x9;
	_ =	strace $0x8000004B  }
0xbb: {  	_ =	swait.ge [sflag:s29], $0x1  }
0xbc: {  	[sflag:s29] =	ssyncadd.s32 $0xFFFFFFFF  }
0xbd: {  	_ =	strace $0x9000004B  }
0xbe: {  	_ =	sfence  }
0xbf: {  	s30 =	sld [smem:$0x0];
	_ =	sdelay $0x2  }
0xc0: {  	s31 =	sshll.u32 s1, $0xD;
	s1 =	sshrl.u32 s1, $0x2  }
0xc1: {  	s3 =	sand.u32 $0x4000, s31;
	s1 =	sadd.s32 s1, s30  }
0xc2: {  	s0 =	sor.u32 s3, s0;
	s1 =	sshll.u32 s1, $0x11  }
0xc3: {  	s0 =	sor.u32 s1, s0  }
0xc4: {  	s0 =	sadd.s32 $0x8F2B, s0  }
0xc5: {  	[sflag:s0] =	ssyncadd.remote.s32 $0x1  }
0xc6: {  	_ =	sfence.sel $0xFFFF  }
0xc7: {  	[dreg:$0x0] =	wrdreg $0xFFFFFFFF;
	(pc) =	sbr.abs _section_cstart, $3  }
0xc8: {  	[dreg:$0x1] =	wrdreg $0xFFFFFFFF  }
0xc9: {  	_ =	task.clear_ibuf [dreg:s7], $0x2FFFF;
	_ =	strace $0x9FFFFFFF  }
0xca: {  	(tm) =	ssettm $0x7FFFFFFF  }
0xcb: {  	_ =	shalt  }
tec
execute0_lowered:
.L_overlay_start_1:
0x0: {  	(tag) =	ssettag $0x1  }
0x1: {  	s0 =	rddreg [dreg:$0x0]  }
0x2: {  	s6 =	rddreg [dreg:$0x1]  }
0x3: {  	s1 =	srdreg.scid;
	s2 =	rddreg [dreg:$0x2]  }
0x4: {  	s14 =	stileid.u32;
	s3 =	rddreg [dreg:$0x3]  }
0x5: {  	s13 =	simm.s32 $0x5;
	s18 =	simm.s32 $0x1;
	s28 =	simm.s32 $0x8000  }
0x6: {  	s29 =	simm.s32 $0x2;
	s30 =	simm.s32 $0x3;
	s5 =	smul.u32 $0x1400, s14  }
0x7: {  	s31 =	simm.s32 $0x4E00;
	s1 =	sand.u32 $0x1, s1;
	s9 =	smul.u32 $0x5000, s14  }
0x8: {  	s26 =	sshll.u32 s14, $0x6;
	s4 =	sshll.u32 s1, $0x4;
	s8 =	smul.u32 $0x14000, s1  }
0x9: {  	s1 =	ssub.s32 $0x2, s1;
	s15 =	sor.u32 $0x1C05, s26;
	s26 =	simm.s32 $0x180  }
0xa: {  	s7 =	sor.u32 s14, s4;
	s4 =	simm.s32 $0x0;
	s10 =	sadd.s32 s5, s0  }
0xb: {  	s19 =	sshrl.u32 s9, $0x3;
	s20 =	sshrl.u32 s1, $0x1;
	s23 =	sadd.s32 s9, s2  }
0xc: {  	s24 =	sadd.s32 s9, s3;
	s14 =	simm.s32 $0x4F80;
	s7 =	smul.u32 $0x500, s7  }
0xd: {  	[smem:$0x7FF] =	sst s4;
	s12 =	sadd.s32 s19, s0;
	s1 =	ssub.s32 s1, s20  }
0xe: {  	s25 =	sadd.s32 $0x6EC00, s10;
	s16 =	sshrl.u32 s23, $0x3;
	s17 =	sshrl.u32 s24, $0x3  }
0xf: {  	s20 =	simm.s32 $0x8;
	_ =	strace $0x8000004A;
	[dreg:$0x5] =	wrdreg s19  }
0x10: {  	s23 =	simm.s32 $0x6000;
	s24 =	simm.s32 $0x100;
	[dreg:$0x8] =	wrdreg s25  }
0x11: {  	s19 =	simm.s32 $0x4;
	s25 =	simm.s32 $0x7000;
	s11 =	sadd.s32 s7, s0  }
0x12: {  	s0 =	sadd.s32 s8, s0;
	s22 =	sadd.s32 s6, s7;
	s8 =	sadd.s32 $0x5C00, s12  }
0x13: {  	s12 =	smax.u32 s1, $0x1;
	s1 =	simm.s32 $0x4E80;
	s6 =	simm.s32 $0x0  }
0x14: {  	s21 =	sadd.s32 $0x14C00, s11;
	[dreg:$0x7] =	wrdreg s22;
	s0 =	sadd.s32 $0x82C00, s0  }
0x15: {  	s11 =	sadd.s32 $0x6EC04, s10;
	s22 =	simm.s32 $0x5000;
	[dreg:$0x6] =	wrdreg s21  }
0x16: {  	[dreg:$0x9] =	wrdreg s0;
	s21 =	simm.s32 $0x80;
	s0 =	simm.s32 $0x4F00  }
.LBB2_1:
0x17: {  	s5 =	rddreg [dreg:$0x6]  }
0x18: {  	[tilespmem:s4], [sflag:$0x5] =	stream.linear.gather [hbm4b:s5+s4], $0x2800, $0x38;
	[tilespmem:$0x13000] =	vst v63  }
0x19: {  	_ =	swait.ge [sflag:s13], $0x2800  }
0x1a: {  	[sflag:s13] =	ssyncset.done $0x0  }
0x1b: {  	s7 =	simm.s32 $0x2800;
	s10 =	rddreg [dreg:$0x7];
	[sflag:s13] =	ssyncadd.s32 $0xFFFFD800  }
0x1c: {  	[tilespmem:s7], [sflag:$0x5] =	stream.linear.gather [hbm4b:s10+s4], $0x2800, $0x38;
	[tilespmem:$0x13000] =	vst v63  }
0x1d: {  	_ =	swait.ge [sflag:s13], $0x2800  }
0x1e: {  	[sflag:s13] =	ssyncset.done $0x0  }
0x1f: {  	[sflag:s13] =	ssyncadd.s32 $0xFFFFD800  }
0x20: {  	[spmem:s16], [sflag:s15] =	dma.local [hbm:s8], $0xA00  }
0x21: {  	_ =	swait.ge [sflag:s13], $0xA00  }
0x22: {  	[sflag:s13] =	ssyncset.done $0x0  }
0x23: {  	s9 =	rddreg [dreg:$0x8];
	[sflag:s13] =	ssyncadd.s32 $0xFFFFF600  }
0x24: {  	[spmem:s17@s19], [sflag:s15] =	dma.strided [hbm:s9@s20], $0xA00, s18, $0x4   }
0x25: {  	_ =	swait.ge [sflag:s13], $0xA00  }
0x26: {  	[sflag:s13] =	ssyncset.done $0x0  }
0x27: {  	[sflag:s13] =	ssyncadd.s32 $0xFFFFF600  }
0x28: {  	[bflag:$0x0] =	sbarrier.arrive $0xFFFF  }
0x29: {  	[tilespmem:s22], [sflag:$0x1] =	stream.indirect.gather [spmem:s3], $0x20, s4, s21, $0xb8;
	[tilespmem:$0x13000] =	vst v63  }
0x2a: {  	_ = 	snop  }
0x2b: {  	[tilespmem:s23], [sflag:$0x2] =	stream.indirect.gather [spmem:s3], $0x20, s21, s21, $0xb8;
	[tilespmem:$0x13000] =	vst v63  }
0x2c: {  	_ = 	snop  }
0x2d: {  	[tilespmem:s25], [sflag:$0x3] =	stream.indirect.gather [spmem:s3], $0x20, s24, s21, $0xb8;
	[tilespmem:$0x13000] =	vst v63  }
0x2e: {  	_ = 	snop  }
0x2f: {  	[tilespmem:s28], [sflag:$0x4] =	stream.indirect.gather [spmem:s3], $0x20, s26, s21, $0xb8;
	[tilespmem:$0x13000] =	vst v63  }
0x30: {  	_ =	swait.ge [sflag:s18], $0x1000  }
0x31: {  	[sflag:s18] =	ssyncset.done $0x0  }
0x32: {  	s10 =	simm.s32 $0x2800;
	[sflag:s18] =	ssyncadd.s32 $0xFFFFF000  }
0x33: {  	[spmem:s2] =	stream.indirect.scatter.add.f32 [tilespmem:s22], [sflag:$0x5], $0x20, s10, s21, $0xb8;
	[tilespmem:$0x13000] =	vst v63  }
0x34: {  	_ =	swait.ge [sflag:s13], $0x1000  }
0x35: {  	[sflag:s13] =	ssyncset.done $0x0  }
0x36: {  	s5 =	simm.s32 $0x200;
	[sflag:s13] =	ssyncadd.s32 $0xFFFFF000  }
0x37: {  	[tilespmem:s22], [sflag:$0x1] =	stream.indirect.gather [spmem:s3], $0x20, s5, s21, $0xb8;
	[tilespmem:$0x13000] =	vst v63  }
0x38: {  	_ =	swait.ge [sflag:s29], $0x1000  }
0x39: {  	[sflag:s29] =	ssyncset.done $0x0  }
0x3a: {  	s9 =	simm.s32 $0x2880;
	[sflag:s29] =	ssyncadd.s32 $0xFFFFF000  }
0x3b: {  	[spmem:s2] =	stream.indirect.scatter.add.f32 [tilespmem:s23], [sflag:$0x5], $0x20, s9, s21, $0xb8;
	[tilespmem:$0x13000] =	vst v63  }
0x3c: {  	_ =	swait.ge [sflag:s13], $0x1000  }
0x3d: {  	[sflag:s13] =	ssyncset.done $0x0  }
0x3e: {  	s10 =	simm.s32 $0x280;
	[sflag:s13] =	ssyncadd.s32 $0xFFFFF000  }
0x3f: {  	[tilespmem:s23], [sflag:$0x2] =	stream.indirect.gather [spmem:s3], $0x20, s10, s21, $0xb8;
	[tilespmem:$0x13000] =	vst v63  }
0x40: {  	_ =	swait.ge [sflag:s30], $0x1000  }
0x41: {  	[sflag:s30] =	ssyncset.done $0x0  }
0x42: {  	s5 =	simm.s32 $0x2900;
	[sflag:s30] =	ssyncadd.s32 $0xFFFFF000  }
0x43: {  	[spmem:s2] =	stream.indirect.scatter.add.f32 [tilespmem:s25], [sflag:$0x5], $0x20, s5, s21, $0xb8;
	[tilespmem:$0x13000] =	vst v63  }
0x44: {  	_ =	swait.ge [sflag:s13], $0x1000  }
0x45: {  	[sflag:s13] =	ssyncset.done $0x0  }
0x46: {  	s9 =	simm.s32 $0x300;
	[sflag:s13] =	ssyncadd.s32 $0xFFFFF000  }
0x47: {  	[tilespmem:s25], [sflag:$0x3] =	stream.indirect.gather [spmem:s3], $0x20, s9, s21, $0xb8;
	[tilespmem:$0x13000] =	vst v63  }
0x48: {  	_ =	swait.ge [sflag:s19], $0x1000  }
0x49: {  	[sflag:s19] =	ssyncset.done $0x0  }
0x4a: {  	s10 =	simm.s32 $0x2980;
	[sflag:s19] =	ssyncadd.s32 $0xFFFFF000  }
0x4b: {  	[spmem:s2] =	stream.indirect.scatter.add.f32 [tilespmem:s28], [sflag:$0x5], $0x20, s10, s21, $0xb8;
	[tilespmem:$0x13000] =	vst v63  }
0x4c: {  	_ =	swait.ge [sflag:s13], $0x1000  }
0x4d: {  	[sflag:s13] =	ssyncset.done $0x0  }
0x4e: {  	s7 =	simm.s32 $0x800;
	s9 =	simm.s32 $0x380;
	[sflag:s13] =	ssyncadd.s32 $0xFFFFF000  }
.LBB2_2:
0x4f: {  	[tilespmem:s28], [sflag:$0x4] =	stream.indirect.gather [spmem:s3], $0x20, s9, s21, $0xb8;
	[tilespmem:$0x13000] =	vst v63  }
0x50: {  	s9 =	smov.u32 s7  }
0x51: {  	p0 =	sne.s32 s7, $0x9000;
	s7 =	sadd.s32 $0x800, s7;
	_ =	swait.ge [sflag:s18], $0x1000  }
0x52: {  	s9 =	sshra.s32 s9, $0x2;
	[sflag:s18] =	ssyncset.done $0x0  }
0x53: {  	s10 =	sadd.s32 $0x2800, s9;
	[sflag:s18] =	ssyncadd.s32 $0xFFFFF000  }
0x54: {  	[spmem:s2] =	stream.indirect.scatter.add.f32 [tilespmem:s22], [sflag:$0x5], $0x20, s10, s21, $0xb8;
	[tilespmem:$0x13000] =	vst v63  }
0x55: {  	_ =	swait.ge [sflag:s13], $0x1000  }
0x56: {  	[sflag:s13] =	ssyncset.done $0x0  }
0x57: {  	s10 =	sadd.s32 $0x200, s9;
	[sflag:s13] =	ssyncadd.s32 $0xFFFFF000  }
0x58: {  	[tilespmem:s22], [sflag:$0x1] =	stream.indirect.gather [spmem:s3], $0x20, s10, s21, $0xb8;
	[tilespmem:$0x13000] =	vst v63  }
0x59: {  	_ =	swait.ge [sflag:s29], $0x1000  }
0x5a: {  	[sflag:s29] =	ssyncset.done $0x0  }
0x5b: {  	s10 =	sadd.s32 $0x2880, s9;
	[sflag:s29] =	ssyncadd.s32 $0xFFFFF000  }
0x5c: {  	[spmem:s2] =	stream.indirect.scatter.add.f32 [tilespmem:s23], [sflag:$0x5], $0x20, s10, s21, $0xb8;
	[tilespmem:$0x13000] =	vst v63  }
0x5d: {  	_ =	swait.ge [sflag:s13], $0x1000  }
0x5e: {  	[sflag:s13] =	ssyncset.done $0x0  }
0x5f: {  	s10 =	sadd.s32 $0x280, s9;
	[sflag:s13] =	ssyncadd.s32 $0xFFFFF000  }
0x60: {  	[tilespmem:s23], [sflag:$0x2] =	stream.indirect.gather [spmem:s3], $0x20, s10, s21, $0xb8;
	[tilespmem:$0x13000] =	vst v63  }
0x61: {  	_ =	swait.ge [sflag:s30], $0x1000  }
0x62: {  	[sflag:s30] =	ssyncset.done $0x0  }
0x63: {  	s10 =	sadd.s32 $0x2900, s9;
	[sflag:s30] =	ssyncadd.s32 $0xFFFFF000  }
0x64: {  	[spmem:s2] =	stream.indirect.scatter.add.f32 [tilespmem:s25], [sflag:$0x5], $0x20, s10, s21, $0xb8;
	[tilespmem:$0x13000] =	vst v63  }
0x65: {  	_ =	swait.ge [sflag:s13], $0x1000  }
0x66: {  	[sflag:s13] =	ssyncset.done $0x0  }
0x67: {  	s10 =	sadd.s32 $0x300, s9;
	[sflag:s13] =	ssyncadd.s32 $0xFFFFF000  }
0x68: {  	[tilespmem:s25], [sflag:$0x3] =	stream.indirect.gather [spmem:s3], $0x20, s10, s21, $0xb8;
	[tilespmem:$0x13000] =	vst v63  }
0x69: {  	_ =	swait.ge [sflag:s19], $0x1000  }
0x6a: {  	[sflag:s19] =	ssyncset.done $0x0  }
.Ltmp0:
0x6b: {  	s10 =	sadd.s32 $0x2980, s9;
	[sflag:s19] =	ssyncadd.s32 $0xFFFFF000;
	(pc) =	sbr.rel @p0 .LBB2_2-.Ltmp0, $4  }
0x6c: {  	[spmem:s2] =	stream.indirect.scatter.add.f32 [tilespmem:s28], [sflag:$0x5], $0x20, s10, s21, $0xb8;
	[tilespmem:$0x13000] =	vst v63  }
0x6d: {  	_ =	swait.ge [sflag:s13], $0x1000  }
0x6e: {  	[sflag:s13] =	ssyncset.done $0x0  }
0x6f: {  	s9 =	sadd.s32 $0x380, s9;
	[sflag:s13] =	ssyncadd.s32 $0xFFFFF000  }
0x70: {  	[tilespmem:s28], [sflag:$0x4] =	stream.indirect.gather [spmem:s3], $0x20, s9, s21, $0xb8;
	[tilespmem:$0x13000] =	vst v63  }
0x71: {  	_ =	swait.ge [sflag:s18], $0x1000  }
0x72: {  	[sflag:s18] =	ssyncset.done $0x0  }
0x73: {  	[sflag:s18] =	ssyncadd.s32 $0xFFFFF000  }
0x74: {  	[spmem:s2] =	stream.indirect.scatter.add.f32 [tilespmem:s22], [sflag:$0x5], $0x20, s31, s21, $0xb8;
	[tilespmem:$0x13000] =	vst v63  }
0x75: {  	_ =	swait.ge [sflag:s13], $0x1000  }
0x76: {  	[sflag:s13] =	ssyncset.done $0x0  }
0x77: {  	[sflag:s13] =	ssyncadd.s32 $0xFFFFF000  }
0x78: {  	_ =	swait.ge [sflag:s29], $0x1000  }
0x79: {  	[sflag:s29] =	ssyncset.done $0x0  }
0x7a: {  	[sflag:s29] =	ssyncadd.s32 $0xFFFFF000  }
0x7b: {  	[spmem:s2] =	stream.indirect.scatter.add.f32 [tilespmem:s23], [sflag:$0x5], $0x20, s1, s21, $0xb8;
	[tilespmem:$0x13000] =	vst v63  }
0x7c: {  	_ =	swait.ge [sflag:s13], $0x1000  }
0x7d: {  	[sflag:s13] =	ssyncset.done $0x0  }
0x7e: {  	[sflag:s13] =	ssyncadd.s32 $0xFFFFF000  }
0x7f: {  	_ =	swait.ge [sflag:s30], $0x1000  }
0x80: {  	[sflag:s30] =	ssyncset.done $0x0  }
0x81: {  	[sflag:s30] =	ssyncadd.s32 $0xFFFFF000  }
0x82: {  	[spmem:s2] =	stream.indirect.scatter.add.f32 [tilespmem:s25], [sflag:$0x5], $0x20, s0, s21, $0xb8;
	[tilespmem:$0x13000] =	vst v63  }
0x83: {  	_ =	swait.ge [sflag:s13], $0x1000  }
0x84: {  	[sflag:s13] =	ssyncset.done $0x0  }
0x85: {  	[sflag:s13] =	ssyncadd.s32 $0xFFFFF000  }
0x86: {  	_ =	swait.ge [sflag:s19], $0x1000  }
0x87: {  	[sflag:s19] =	ssyncset.done $0x0  }
0x88: {  	[sflag:s19] =	ssyncadd.s32 $0xFFFFF000  }
0x89: {  	[spmem:s2] =	stream.indirect.scatter.add.f32 [tilespmem:s28], [sflag:$0x5], $0x20, s14, s21, $0xb8;
	[tilespmem:$0x13000] =	vst v63  }
0x8a: {  	_ =	swait.ge [sflag:s13], $0x1000  }
0x8b: {  	[sflag:s13] =	ssyncset.done $0x0  }
0x8c: {  	[sflag:s13] =	ssyncadd.s32 $0xFFFFF000  }
0x8d: {  	[bflag:$0x0] =	sbarrier.arrive $0xFFFF  }
0x8e: {  	s5 =	rddreg [dreg:$0x5]  }
0x8f: {  	s7 =	rddreg [dreg:$0x9]  }
0x90: {  	s7 =	sadd.s32 s5, s7  }
0x91: {  	[hbm:s7], [sflag:s15] =	dma.local [spmem:s16], $0xA00  }
0x92: {  	_ =	swait.ge [sflag:s13], $0xA00  }
0x93: {  	[sflag:s13] =	ssyncset.done $0x0  }
0x94: {  	[sflag:s13] =	ssyncadd.s32 $0xFFFFF600  }
0x95: {  	[bflag:$0x0] =	sbarrier.arrive $0xFFFF  }
0x96: {  	[spmem:s16], [sflag:s15] =	dma.local [hbm:s8], $0xA00  }
0x97: {  	_ =	swait.ge [sflag:s13], $0xA00  }
0x98: {  	[sflag:s13] =	ssyncset.done $0x0  }
0x99: {  	[sflag:s13] =	ssyncadd.s32 $0xFFFFF600  }
0x9a: {  	[spmem:s17@s19], [sflag:s15] =	dma.strided [hbm:s11@s20], $0xA00, s18, $0x4   }
0x9b: {  	_ =	swait.ge [sflag:s13], $0xA00  }
0x9c: {  	[sflag:s13] =	ssyncset.done $0x0  }
0x9d: {  	[sflag:s13] =	ssyncadd.s32 $0xFFFFF600  }
0x9e: {  	s5 =	simm.s32 $0x0;
	[bflag:$0x0] =	sbarrier.arrive $0xFFFF  }
0x9f: {  	[tilespmem:s22], [sflag:$0x1] =	stream.indirect.gather [spmem:s3], $0x20, s5, s21, $0xb8;
	[tilespmem:$0x13000] =	vst v63  }
0xa0: {  	_ = 	snop  }
0xa1: {  	[tilespmem:s23], [sflag:$0x2] =	stream.indirect.gather [spmem:s3], $0x20, s21, s21, $0xb8;
	[tilespmem:$0x13000] =	vst v63  }
0xa2: {  	_ = 	snop  }
0xa3: {  	[tilespmem:s25], [sflag:$0x3] =	stream.indirect.gather [spmem:s3], $0x20, s24, s21, $0xb8;
	[tilespmem:$0x13000] =	vst v63  }
0xa4: {  	_ = 	snop  }
0xa5: {  	[tilespmem:s28], [sflag:$0x4] =	stream.indirect.gather [spmem:s3], $0x20, s26, s21, $0xb8;
	[tilespmem:$0x13000] =	vst v63  }
0xa6: {  	_ =	swait.ge [sflag:s18], $0x1000  }
0xa7: {  	[sflag:s18] =	ssyncset.done $0x0  }
0xa8: {  	s10 =	simm.s32 $0x2800;
	[sflag:s18] =	ssyncadd.s32 $0xFFFFF000  }
0xa9: {  	[spmem:s2] =	stream.indirect.scatter.add.f32 [tilespmem:s22], [sflag:$0x5], $0x20, s10, s21, $0xb8;
	[tilespmem:$0x13000] =	vst v63  }
0xaa: {  	_ =	swait.ge [sflag:s13], $0x1000  }
0xab: {  	[sflag:s13] =	ssyncset.done $0x0  }
0xac: {  	s5 =	simm.s32 $0x200;
	[sflag:s13] =	ssyncadd.s32 $0xFFFFF000  }
0xad: {  	[tilespmem:s22], [sflag:$0x1] =	stream.indirect.gather [spmem:s3], $0x20, s5, s21, $0xb8;
	[tilespmem:$0x13000] =	vst v63  }
0xae: {  	_ =	swait.ge [sflag:s29], $0x1000  }
0xaf: {  	[sflag:s29] =	ssyncset.done $0x0  }
0xb0: {  	s10 =	simm.s32 $0x2880;
	[sflag:s29] =	ssyncadd.s32 $0xFFFFF000  }
0xb1: {  	[spmem:s2] =	stream.indirect.scatter.add.f32 [tilespmem:s23], [sflag:$0x5], $0x20, s10, s21, $0xb8;
	[tilespmem:$0x13000] =	vst v63  }
0xb2: {  	_ =	swait.ge [sflag:s13], $0x1000  }
0xb3: {  	[sflag:s13] =	ssyncset.done $0x0  }
0xb4: {  	s5 =	simm.s32 $0x280;
	[sflag:s13] =	ssyncadd.s32 $0xFFFFF000  }
0xb5: {  	[tilespmem:s23], [sflag:$0x2] =	stream.indirect.gather [spmem:s3], $0x20, s5, s21, $0xb8;
	[tilespmem:$0x13000] =	vst v63  }
0xb6: {  	_ =	swait.ge [sflag:s30], $0x1000  }
0xb7: {  	[sflag:s30] =	ssyncset.done $0x0  }
0xb8: {  	s10 =	simm.s32 $0x2900;
	[sflag:s30] =	ssyncadd.s32 $0xFFFFF000  }
0xb9: {  	[spmem:s2] =	stream.indirect.scatter.add.f32 [tilespmem:s25], [sflag:$0x5], $0x20, s10, s21, $0xb8;
	[tilespmem:$0x13000] =	vst v63  }
0xba: {  	_ =	swait.ge [sflag:s13], $0x1000  }
0xbb: {  	[sflag:s13] =	ssyncset.done $0x0  }
0xbc: {  	s5 =	simm.s32 $0x300;
	[sflag:s13] =	ssyncadd.s32 $0xFFFFF000  }
0xbd: {  	[tilespmem:s25], [sflag:$0x3] =	stream.indirect.gather [spmem:s3], $0x20, s5, s21, $0xb8;
	[tilespmem:$0x13000] =	vst v63  }
0xbe: {  	_ =	swait.ge [sflag:s19], $0x1000  }
0xbf: {  	[sflag:s19] =	ssyncset.done $0x0  }
0xc0: {  	s10 =	simm.s32 $0x2980;
	[sflag:s19] =	ssyncadd.s32 $0xFFFFF000  }
0xc1: {  	[spmem:s2] =	stream.indirect.scatter.add.f32 [tilespmem:s28], [sflag:$0x5], $0x20, s10, s21, $0xb8;
	[tilespmem:$0x13000] =	vst v63  }
0xc2: {  	_ =	swait.ge [sflag:s13], $0x1000  }
0xc3: {  	[sflag:s13] =	ssyncset.done $0x0  }
0xc4: {  	s9 =	simm.s32 $0x800;
	s10 =	simm.s32 $0x380;
	[sflag:s13] =	ssyncadd.s32 $0xFFFFF000  }
.LBB2_4:
0xc5: {  	[tilespmem:s28], [sflag:$0x4] =	stream.indirect.gather [spmem:s3], $0x20, s10, s21, $0xb8;
	[tilespmem:$0x13000] =	vst v63  }
0xc6: {  	s10 =	smov.u32 s9  }
0xc7: {  	p0 =	sne.s32 s9, $0x9000;
	s9 =	sadd.s32 $0x800, s9;
	_ =	swait.ge [sflag:s18], $0x1000  }
0xc8: {  	s10 =	sshra.s32 s10, $0x2;
	[sflag:s18] =	ssyncset.done $0x0  }
0xc9: {  	s5 =	sadd.s32 $0x2800, s10;
	[sflag:s18] =	ssyncadd.s32 $0xFFFFF000  }
0xca: {  	[spmem:s2] =	stream.indirect.scatter.add.f32 [tilespmem:s22], [sflag:$0x5], $0x20, s5, s21, $0xb8;
	[tilespmem:$0x13000] =	vst v63  }
0xcb: {  	_ =	swait.ge [sflag:s13], $0x1000  }
0xcc: {  	[sflag:s13] =	ssyncset.done $0x0  }
0xcd: {  	s5 =	sadd.s32 $0x200, s10;
	[sflag:s13] =	ssyncadd.s32 $0xFFFFF000  }
0xce: {  	[tilespmem:s22], [sflag:$0x1] =	stream.indirect.gather [spmem:s3], $0x20, s5, s21, $0xb8;
	[tilespmem:$0x13000] =	vst v63  }
0xcf: {  	_ =	swait.ge [sflag:s29], $0x1000  }
0xd0: {  	[sflag:s29] =	ssyncset.done $0x0  }
0xd1: {  	s5 =	sadd.s32 $0x2880, s10;
	[sflag:s29] =	ssyncadd.s32 $0xFFFFF000  }
0xd2: {  	[spmem:s2] =	stream.indirect.scatter.add.f32 [tilespmem:s23], [sflag:$0x5], $0x20, s5, s21, $0xb8;
	[tilespmem:$0x13000] =	vst v63  }
0xd3: {  	_ =	swait.ge [sflag:s13], $0x1000  }
0xd4: {  	[sflag:s13] =	ssyncset.done $0x0  }
0xd5: {  	s5 =	sadd.s32 $0x280, s10;
	[sflag:s13] =	ssyncadd.s32 $0xFFFFF000  }
0xd6: {  	[tilespmem:s23], [sflag:$0x2] =	stream.indirect.gather [spmem:s3], $0x20, s5, s21, $0xb8;
	[tilespmem:$0x13000] =	vst v63  }
0xd7: {  	_ =	swait.ge [sflag:s30], $0x1000  }
0xd8: {  	[sflag:s30] =	ssyncset.done $0x0  }
0xd9: {  	s5 =	sadd.s32 $0x2900, s10;
	[sflag:s30] =	ssyncadd.s32 $0xFFFFF000  }
0xda: {  	[spmem:s2] =	stream.indirect.scatter.add.f32 [tilespmem:s25], [sflag:$0x5], $0x20, s5, s21, $0xb8;
	[tilespmem:$0x13000] =	vst v63  }
0xdb: {  	_ =	swait.ge [sflag:s13], $0x1000  }
0xdc: {  	[sflag:s13] =	ssyncset.done $0x0  }
0xdd: {  	s5 =	sadd.s32 $0x300, s10;
	[sflag:s13] =	ssyncadd.s32 $0xFFFFF000  }
0xde: {  	[tilespmem:s25], [sflag:$0x3] =	stream.indirect.gather [spmem:s3], $0x20, s5, s21, $0xb8;
	[tilespmem:$0x13000] =	vst v63  }
0xdf: {  	_ =	swait.ge [sflag:s19], $0x1000  }
0xe0: {  	[sflag:s19] =	ssyncset.done $0x0  }
.Ltmp1:
0xe1: {  	s5 =	sadd.s32 $0x2980, s10;
	[sflag:s19] =	ssyncadd.s32 $0xFFFFF000;
	(pc) =	sbr.rel @p0 .LBB2_4-.Ltmp1, $4  }
0xe2: {  	[spmem:s2] =	stream.indirect.scatter.add.f32 [tilespmem:s28], [sflag:$0x5], $0x20, s5, s21, $0xb8;
	[tilespmem:$0x13000] =	vst v63  }
0xe3: {  	_ =	swait.ge [sflag:s13], $0x1000  }
0xe4: {  	[sflag:s13] =	ssyncset.done $0x0  }
0xe5: {  	s10 =	sadd.s32 $0x380, s10;
	[sflag:s13] =	ssyncadd.s32 $0xFFFFF000  }
0xe6: {  	[tilespmem:s28], [sflag:$0x4] =	stream.indirect.gather [spmem:s3], $0x20, s10, s21, $0xb8;
	[tilespmem:$0x13000] =	vst v63  }
0xe7: {  	_ =	swait.ge [sflag:s18], $0x1000  }
0xe8: {  	[sflag:s18] =	ssyncset.done $0x0  }
0xe9: {  	[sflag:s18] =	ssyncadd.s32 $0xFFFFF000  }
0xea: {  	[spmem:s2] =	stream.indirect.scatter.add.f32 [tilespmem:s22], [sflag:$0x5], $0x20, s31, s21, $0xb8;
	[tilespmem:$0x13000] =	vst v63  }
0xeb: {  	_ =	swait.ge [sflag:s13], $0x1000  }
0xec: {  	[sflag:s13] =	ssyncset.done $0x0  }
0xed: {  	[sflag:s13] =	ssyncadd.s32 $0xFFFFF000  }
0xee: {  	_ =	swait.ge [sflag:s29], $0x1000  }
0xef: {  	[sflag:s29] =	ssyncset.done $0x0  }
0xf0: {  	[sflag:s29] =	ssyncadd.s32 $0xFFFFF000  }
0xf1: {  	[spmem:s2] =	stream.indirect.scatter.add.f32 [tilespmem:s23], [sflag:$0x5], $0x20, s1, s21, $0xb8;
	[tilespmem:$0x13000] =	vst v63  }
0xf2: {  	_ =	swait.ge [sflag:s13], $0x1000  }
0xf3: {  	[sflag:s13] =	ssyncset.done $0x0  }
0xf4: {  	[sflag:s13] =	ssyncadd.s32 $0xFFFFF000  }
0xf5: {  	_ =	swait.ge [sflag:s30], $0x1000  }
0xf6: {  	[sflag:s30] =	ssyncset.done $0x0  }
0xf7: {  	[sflag:s30] =	ssyncadd.s32 $0xFFFFF000  }
0xf8: {  	[spmem:s2] =	stream.indirect.scatter.add.f32 [tilespmem:s25], [sflag:$0x5], $0x20, s0, s21, $0xb8;
	[tilespmem:$0x13000] =	vst v63  }
0xf9: {  	_ =	swait.ge [sflag:s13], $0x1000  }
0xfa: {  	[sflag:s13] =	ssyncset.done $0x0  }
0xfb: {  	[sflag:s13] =	ssyncadd.s32 $0xFFFFF000  }
0xfc: {  	_ =	swait.ge [sflag:s19], $0x1000  }
0xfd: {  	[sflag:s19] =	ssyncset.done $0x0  }
0xfe: {  	[sflag:s19] =	ssyncadd.s32 $0xFFFFF000  }
0xff: {  	[spmem:s2] =	stream.indirect.scatter.add.f32 [tilespmem:s28], [sflag:$0x5], $0x20, s14, s21, $0xb8;
	[tilespmem:$0x13000] =	vst v63  }
0x100: {  	_ =	swait.ge [sflag:s13], $0x1000  }
0x101: {  	[sflag:s13] =	ssyncset.done $0x0  }
0x102: {  	s6 =	sadd.s32 $0x1, s6;
	[sflag:s13] =	ssyncadd.s32 $0xFFFFF000  }
0x103: {  	s5 =	sadd.s32 $0xA000, s7;
	p0 =	sne.s32 s6, s12;
	[bflag:$0x0] =	sbarrier.arrive $0xFFFF  }
0x104: {  	[hbm:s5], [sflag:s15] =	dma.local [spmem:s16], $0xA00  }
.Ltmp2:
0x105: {  	_ =	swait.ge [sflag:s13], $0xA00;
	(pc) =	sbr.rel @p0 .LBB2_1-.Ltmp2, $3  }
0x106: {  	[sflag:s13] =	ssyncset.done $0x0  }
0x107: {  	[sflag:s13] =	ssyncadd.s32 $0xFFFFF600  }
0x108: {  	[bflag:$0x0] =	sbarrier.arrive $0xFFFF;
	_ =	sdelay $0x1  }
0x109: {  	_ =	sfence.sel $0x180000  }
0x10a: {  	[bflag:$0x0] =	sbarrier.arrive $0xFFFF  }
0x10b: {  	_ =	strace $0x9000004A  }
0x10c: {  	s0 =	stileid.u32;
	[bflag:$0x2] =	sbarrier.arrive $0xFFFF  }
0x10d: {  	p0 =	sne.s32 s0, $0x0;
	s0 =	rddreg [dreg:$0x4]  }
0x10e: {  	s0 =	sadd.s32 @!p0 $0x100000, s0  }
0x10f: {  	[sflag:s0] =	ssyncadd.tile.s32 @!p0 $0x1;
	_ =	shalt  }
.Lfunc_end2:
_tile_overlayer_lowered:
.L_overlay_start_2:
0x110: {  	(tag) =	ssettag $0x2  }
0x111: {  	s0 =	rddreg [dreg:$0x0];
	s2 =	stileid.u32  }
0x112: {  	s1 =	rddreg [dreg:$0x1];
	p0 =	sne.s32 s2, $0x0  }
0x113: {  	s3 =	rddreg [dreg:$0x2];
	[bflag:$0x3] =	sbarrier.arrive $0xFFFF;
	s2 =	simm.s32 @!p0 $0x1C05  }
0x114: {  	[timem:s3], [sflag:s2] =	dma.local @!p0 [hbm:s0], s1  }
0x115: {  	s0 =	simm.s32 @!p0 $0x5  }
0x116: {  	_ =	swait.ge @!p0 [sflag:s0], s1  }
0x117: {  	s1 =	ssub.s32 @!p0 $0x0, s1;
	[sflag:s0] =	ssyncset.done @!p0 $0x0  }
0x118: {  	[sflag:s0] =	ssyncadd.s32 @!p0 s1  }
0x119: {  	[bflag:$0x3] =	sbarrier.arrive $0xFFFF  }
0x11a: {  	_ =	shalt  }

// kernel: kernel.19.cloned.1.call-start
scs
__scs_entry_jumppad:
0x0: {  	(pc) =	sbr.rel $0x88, $3  }
0x1: {  	(tag) =	ssettag $0x0;
	lr =	simm.s32 $0x1  }
0x2: {  	[smem:$0x3F8F] =	sst lr;
	_ =	strace $0xD0000000  }
0x3: {  	_ = 	snop  }
0x4: {  	_ = 	snop  }
0x5: {  	_ = 	snop  }
0x6: {  	_ = 	snop  }
0x7: {  	_ = 	snop  }
__scs_overlays_trampoline_lowered:
0x8: {  	[smem:$0x3F9E] =	sst s0  }
0x9: {  	[smem:$0x3F9F] =	sst s1  }
0xa: {  	[smem:$0x3FA0] =	sst s2  }
0xb: {  	[smem:$0x3FA1] =	sst s3  }
0xc: {  	[smem:$0x3FA2] =	sst s4  }
0xd: {  	[smem:$0x3FA3] =	sst s5  }
0xe: {  	[smem:$0x3FA4] =	sst s6  }
0xf: {  	[smem:$0x3FA5] =	sst s7  }
0x10: {  	[smem:$0x3FA6] =	sst s8  }
0x11: {  	[smem:$0x3FA7] =	sst s9;
	s0 =	simm.s32 @!p0 $0x0  }
0x12: {  	s1 =	sld [smem:$0x3F8D];
	s0 =	simm.s32 @p0 $0x1  }
0x13: {  	[smem:$0x3FA8] =	sst s0;
	s0 =	simm.s32 @!p1 $0x0  }
0x14: {  	s2 =	sld [smem:$0x3F8C];
	s0 =	simm.s32 @p1 $0x1  }
0x15: {  	[smem:$0x3FA9] =	sst s0;
	s0 =	simm.s32 @!p2 $0x0  }
0x16: {  	s3 =	sld [smem:$0x3FDB];
	s0 =	simm.s32 @p2 $0x1  }
0x17: {  	s4 =	simm.s32 $0x1BF5;
	[smem:$0x3FAB] =	sst s0  }
0x18: {  	s0 =	sld [smem:$0x3F8E];
	_ =	swait.ge [sflag:s4], $0x0  }
0x19: {  	s7 =	sld [smem:$0x3F8F]  }
0x1a: {  	s8 =	sadd.s32 $0xFFFFE003, lr  }
0x1b: {  	s9 =	sadd.s32 $0xFFFFFEF7, lr;
	s5 =	simm.s32 $0xFFFFFFFF;
	p2 =	slt.u32 s8, $0xFFFFF086  }
0x1c: {  	p1 =	slt.u32 s9, $0xF7A;
	s5 =	simm.s32 @!p2 $0x0  }
0x1d: {  	s5 =	simm.s32 @p1 $0x1;
	p0 =	seq.s32 s7, s2  }
0x1e: {  	s7 =	smul.u32 @!p0 $0xF7A, s2;
	p2 =	seq.s32 @!p0 s5, $0x0  }
0x1f: {  	s9 =	smul.u32 $0xF7A, s1;
	s8 =	simm.s32 @!p0 $0x1BF5;
	p2 =	por !p2, p0  }
0x20: {  	[sflag:s8] =	ssyncset.s32 @!p0 $0xFFFFF086;
	s6 =	sadd.s32 @!p0 s3, s7;
	s7 =	simm.s32 @!p0 $0x108  }
0x21: {  	s3 =	sadd.s32 s3, s9;
	s6 =	sadd.s32 @!p0 $0x88, s6;
	s7 =	simm.s32 @p2 $0x1082  }
0x22: {  	[simem:s7], [sflag:s8] =	dma.local @!p0 [hbm:s6], $0xF7A  }
0x23: {  	s9 =	sor.u32 $0xD0000000, s2;
	s6 =	simm.s32 $0x108;
	_ =	swait.ge @!p0 [sflag:s8], $0x0  }
0x24: {  	s3 =	sadd.s32 $0x88, s3;
	s6 =	simm.s32 @!p1 $0x1082;
	[sflag:s4] =	ssyncset.s32 $0xFFFFF086  }
0x25: {  	[simem:s6], [sflag:s4] =	dma.local [hbm:s3], $0xF7A  }
0x26: {  	[smem:$0x3F8F] =	sst s1;
	(tag) =	ssettag s2;
	_ =	strace s9  }
0x27: {  	s1 =	sld [smem:$0x3F9F]  }
0x28: {  	s2 =	sld [smem:$0x3FA0]  }
0x29: {  	s4 =	sld [smem:$0x3FA2]  }
0x2a: {  	p0 =	seq.s32 s5, $0x0;
	s5 =	sld [smem:$0x3FA3]  }
0x2b: {  	s6 =	sld [smem:$0x3FA4]  }
0x2c: {  	s7 =	sld [smem:$0x3FA5]  }
0x2d: {  	s3 =	simm.s32 $0x108;
	s8 =	sld [smem:$0x3FA6]  }
0x2e: {  	s3 =	simm.s32 @!p0 $0x1082;
	s9 =	sld [smem:$0x3FA7]  }
0x2f: {  	lr =	sadd.s32 s0, s3;
	s0 =	sld [smem:$0x3F9E]  }
0x30: {  	s3 =	sld [smem:$0x3FA1]  }
0x31: {  	[smem:$0x3FAA] =	sst s10  }
0x32: {  	s10 =	sld [smem:$0x3FA8];
	_ =	sdelay $0x3  }
0x33: {  	p0 =	seq.s32 s10, $0x1;
	s10 =	sld [smem:$0x3FAA];
	_ =	sdelay $0x3  }
0x34: {  	[smem:$0x3FAA] =	sst s10  }
0x35: {  	s10 =	sld [smem:$0x3FA9];
	_ =	sdelay $0x3  }
0x36: {  	p1 =	seq.s32 s10, $0x1;
	s10 =	sld [smem:$0x3FAA];
	_ =	sdelay $0x3  }
0x37: {  	[smem:$0x3FAA] =	sst s10  }
0x38: {  	s10 =	sld [smem:$0x3FAB]  }
0x39: {  	_ = 	snop;
	(pc) =	sbr.ind lr, $3  }
0x3a: {  	_ = 	snop  }
0x3b: {  	_ = 	snop  }
0x3c: {  	p2 =	seq.s32 s10, $0x1;
	s10 =	sld [smem:$0x3FAA]  }
0x3d: {  	_ =	shalt  }
0x3e: {  	_ =	shalt  }
0x3f: {  	_ =	shalt  }
0x40: {  	_ =	shalt  }
0x41: {  	_ =	shalt  }
0x42: {  	_ =	shalt  }
0x43: {  	_ =	shalt  }
0x44: {  	_ =	shalt  }
0x45: {  	_ =	shalt  }
0x46: {  	_ =	shalt  }
0x47: {  	_ =	shalt  }
0x48: {  	_ =	shalt  }
0x49: {  	_ =	shalt  }
0x4a: {  	_ =	shalt  }
0x4b: {  	_ =	shalt  }
0x4c: {  	_ =	shalt  }
0x4d: {  	_ =	shalt  }
0x4e: {  	_ =	shalt  }
0x4f: {  	_ =	shalt  }
0x50: {  	_ =	shalt  }
0x51: {  	_ =	shalt  }
0x52: {  	_ =	shalt  }
0x53: {  	_ =	shalt  }
0x54: {  	_ =	shalt  }
0x55: {  	_ =	shalt  }
0x56: {  	_ =	shalt  }
0x57: {  	_ =	shalt  }
0x58: {  	_ =	shalt  }
0x59: {  	_ =	shalt  }
0x5a: {  	_ =	shalt  }
0x5b: {  	_ =	shalt  }
0x5c: {  	_ =	shalt  }
0x5d: {  	_ =	shalt  }
0x5e: {  	_ =	shalt  }
0x5f: {  	_ =	shalt  }
0x60: {  	_ =	shalt  }
0x61: {  	_ =	shalt  }
0x62: {  	_ =	shalt  }
0x63: {  	_ =	shalt  }
0x64: {  	_ =	shalt  }
0x65: {  	_ =	shalt  }
0x66: {  	_ =	shalt  }
0x67: {  	_ =	shalt  }
0x68: {  	_ =	shalt  }
0x69: {  	_ =	shalt  }
0x6a: {  	_ =	shalt  }
0x6b: {  	_ =	shalt  }
0x6c: {  	_ =	shalt  }
0x6d: {  	_ =	shalt  }
0x6e: {  	_ =	shalt  }
0x6f: {  	_ =	shalt  }
0x70: {  	_ =	shalt  }
0x71: {  	_ =	shalt  }
0x72: {  	_ =	shalt  }
0x73: {  	_ =	shalt  }
0x74: {  	_ =	shalt  }
0x75: {  	_ =	shalt  }
0x76: {  	_ =	shalt  }
0x77: {  	_ =	shalt  }
0x78: {  	_ =	shalt  }
0x79: {  	_ =	shalt  }
0x7a: {  	_ =	shalt  }
0x7b: {  	_ =	shalt  }
0x7c: {  	_ =	shalt  }
0x7d: {  	_ =	shalt  }
0x7e: {  	_ =	shalt  }
0x7f: {  	_ =	shalt  }
0x80: {  	_ =	shalt  }
0x81: {  	_ =	shalt  }
0x82: {  	_ =	shalt  }
0x83: {  	_ =	shalt  }
0x84: {  	_ =	shalt  }
0x85: {  	_ =	shalt  }
0x86: {  	_ =	shalt  }
0x87: {  	_ =	shalt  }
.Lfunc_end0:
.L_simem_size_0:
called_computation.2_lowered:
.L_overlay_start_0:
0x88: {  	s2 =	sld [smem:$0x3FD9]  }
0x89: {  	s3 =	sld [smem:$0x3FFE];
	_ =	sdelay $0x1  }
0x8a: {  	s1 =	srdreg.scid  }
0x8b: {  	s0 =	sand.u32 $0x1, s1  }
0x8c: {  	s14 =	sshll.u32 s0, $0xA;
	s2 =	sadd.s32 s3, s2  }
0x8d: {  	s2 =	sadd.s32 s2, s14  }
0x8e: {  	[smem:$0x3FB6] =	sst s2  }
0x8f: {  	_ = 	snop  }
0x90: {  	s2 =	sld [smem:$0x3FD0];
	_ =	sdelay $0x2  }
0x91: {  	s15 =	simm.s32 $0xA;
	s4 =	simm.s32 $0x10  }
0x92: {  	[smem:s4], [sflag:s15] =	dma.local [hbm:s2], $0x1  }
0x93: {  	_ =	swait.eq [sflag:s15], $0x1  }
0x94: {  	[sflag:s15] =	ssyncset.done $0x0  }
0x95: {  	[sflag:s15] =	ssyncadd.s32 $0xFFFFFFFF  }
0x96: {  	s16 =	sld [smem:$0x10];
	(tm) =	ssettm $0x1  }
0x97: {  	s17 =	sld [smem:$0x3FFB];
	_ =	sdelay $0x3  }
0x98: {  	_ =	strace s17  }
0x99: {  	s3 =	sld [smem:$0x3FFC];
	_ =	sdelay $0x3  }
0x9a: {  	_ =	strace s3  }
0x9b: {  	s3 =	sld [smem:$0x3FFD];
	_ =	sdelay $0x3  }
0x9c: {  	_ =	strace s3  }
0x9d: {  	_ =	strace $0x8FFFFFFF  }
0x9e: {  	s18 =	sld [smem:$0x3FDB];
	_ =	sdelay $0x1  }
0x9f: {  	s19 =	simm.s32 $_scs_section_size  }
0xa0: {  	s5 =	simm.s32 $_size__tile_overlayer_lowered;
	s6 =	simm.s32 $_tile_overlayer_lowered  }
0xa1: {  	s22 =	simm.s32 $0x1BFF;
	s21 =	sshll.u32 s6, $0x1;
	s3 =	sadd.s32 s19, s18  }
0xa2: {  	s7 =	simm.s32 $0x0;
	s20 =	sshll.u32 s5, $0x1;
	s5 =	sadd.s32 s21, s3  }
0xa3: {  	[timem:s7], [sflag:s22] =	dma.local [hbm:s5], s20  }
0xa4: {  	_ =	swait.ge [sflag:s22], s20  }
0xa5: {  	s4 =	ssub.s32 $0x0, s20;
	[sflag:s22] =	ssyncset.done $0x0  }
0xa6: {  	[sflag:s22] =	ssyncadd.s32 s4;
	_ =	sdelay $0x1  }
0xa7: {  	s23 =	simm.s32 $0x1B8B  }
0xa8: {  	_ =	swait.ge [sflag:s23], $0x1  }
0xa9: {  	[sflag:s23] =	ssyncset.done $0x0  }
0xaa: {  	s25 =	simm.s32 $0x1B8E;
	s24 =	sld [smem:$0x3FFE];
	[sflag:s23] =	ssyncadd.s32 $0xFFFFFFFF  }
0xab: {  	s26 =	simm.s32 $execute0_lowered;
	[smem:$0x3FD2] =	sst s25  }
0xac: {  	s5 =	sshll.u32 s26, $0x1;
	_ =	strace $0x8000004C;
	[dreg:$0x1] =	wrdreg $0xFFFFFFFF  }
0xad: {  	s28 =	simm.s32 $_size_execute0_lowered;
	s3 =	sadd.s32 s3, s5;
	[dreg:$0x0] =	wrdreg $0x0  }
0xae: {  	s5 =	sshll.u32 s28, $0x1;
	[dreg:$0x2] =	wrdreg s3  }
0xaf: {  	[dreg:$0x3] =	wrdreg s5  }
0xb0: {  	[dreg:$0x4] =	wrdreg $0xC0  }
0xb1: {  	_ =	task [dreg:s7], $0x5FFFF  }
0xb2: {  	[dreg:$0x1] =	wrdreg $0xFFFFFFFF  }
0xb3: {  	[dreg:$0x0] =	wrdreg $0x60  }
0xb4: {  	[dreg:$0x2] =	wrdreg s24  }
0xb5: {  	[dreg:$0x3] =	wrdreg s16  }
0xb6: {  	[dreg:$0x4] =	wrdreg $0x90000  }
0xb7: {  	[dreg:$0x5] =	wrdreg $0xE0000  }
0xb8: {  	[dreg:$0x6] =	wrdreg $0x9  }
0xb9: {  	_ =	task.clear_ibuf [dreg:s7], $0x7FFFF;
	_ =	strace $0x9000004C  }
0xba: {  	s29 =	simm.s32 $0x9;
	_ =	strace $0x8000004E  }
0xbb: {  	_ =	swait.ge [sflag:s29], $0x1  }
0xbc: {  	[sflag:s29] =	ssyncadd.s32 $0xFFFFFFFF  }
0xbd: {  	_ =	strace $0x9000004E  }
0xbe: {  	_ =	sfence  }
0xbf: {  	s30 =	sld [smem:$0x0];
	_ =	sdelay $0x2  }
0xc0: {  	s31 =	sshll.u32 s1, $0xD;
	s1 =	sshrl.u32 s1, $0x2  }
0xc1: {  	s3 =	sand.u32 $0x4000, s31;
	s1 =	sadd.s32 s1, s30  }
0xc2: {  	s0 =	sor.u32 s3, s0;
	s1 =	sshll.u32 s1, $0x11  }
0xc3: {  	s0 =	sor.u32 s1, s0  }
0xc4: {  	s0 =	sadd.s32 $0x8F2B, s0  }
0xc5: {  	[sflag:s0] =	ssyncadd.remote.s32 $0x1  }
0xc6: {  	_ =	sfence.sel $0xFFFF  }
0xc7: {  	[dreg:$0x0] =	wrdreg $0xFFFFFFFF;
	(pc) =	sbr.abs _section_cstart, $3  }
0xc8: {  	[dreg:$0x1] =	wrdreg $0xFFFFFFFF  }
0xc9: {  	_ =	task.clear_ibuf [dreg:s7], $0x2FFFF;
	_ =	strace $0x9FFFFFFF  }
0xca: {  	(tm) =	ssettm $0x7FFFFFFF  }
0xcb: {  	_ =	shalt  }
tec
execute0_lowered:
.L_overlay_start_1:
0x0: {  	(tag) =	ssettag $0x1  }
0x1: {  	s0 =	rddreg [dreg:$0x0]  }
0x2: {  	s6 =	rddreg [dreg:$0x1]  }
0x3: {  	s1 =	srdreg.scid;
	s2 =	rddreg [dreg:$0x2]  }
0x4: {  	s14 =	stileid.u32;
	s3 =	rddreg [dreg:$0x3]  }
0x5: {  	s13 =	simm.s32 $0x5;
	s18 =	simm.s32 $0x1;
	s28 =	simm.s32 $0x8000  }
0x6: {  	s29 =	simm.s32 $0x2;
	s30 =	simm.s32 $0x3;
	s5 =	smul.u32 $0x1400, s14  }
0x7: {  	s31 =	simm.s32 $0x4E00;
	s1 =	sand.u32 $0x1, s1;
	s9 =	smul.u32 $0x5000, s14  }
0x8: {  	s26 =	sshll.u32 s14, $0x6;
	s4 =	sshll.u32 s1, $0x4;
	s8 =	smul.u32 $0x14000, s1  }
0x9: {  	s1 =	ssub.s32 $0x2, s1;
	s15 =	sor.u32 $0x1C05, s26;
	s26 =	simm.s32 $0x180  }
0xa: {  	s7 =	sor.u32 s14, s4;
	s4 =	simm.s32 $0x0;
	s10 =	sadd.s32 s5, s0  }
0xb: {  	s19 =	sshrl.u32 s9, $0x3;
	s20 =	sshrl.u32 s1, $0x1;
	s23 =	sadd.s32 s9, s2  }
0xc: {  	s24 =	sadd.s32 s9, s3;
	s14 =	simm.s32 $0x4F80;
	s7 =	smul.u32 $0x500, s7  }
0xd: {  	[smem:$0x7FF] =	sst s4;
	s12 =	sadd.s32 s19, s0;
	s1 =	ssub.s32 s1, s20  }
0xe: {  	s25 =	sadd.s32 $0xBEC00, s10;
	s16 =	sshrl.u32 s23, $0x3;
	s17 =	sshrl.u32 s24, $0x3  }
0xf: {  	s20 =	simm.s32 $0x8;
	_ =	strace $0x8000004D;
	[dreg:$0x5] =	wrdreg s19  }
0x10: {  	s23 =	simm.s32 $0x6000;
	s24 =	simm.s32 $0x100;
	[dreg:$0x8] =	wrdreg s25  }
0x11: {  	s19 =	simm.s32 $0x4;
	s25 =	simm.s32 $0x7000;
	s11 =	sadd.s32 s7, s0  }
0x12: {  	s0 =	sadd.s32 s8, s0;
	s22 =	sadd.s32 s6, s7;
	s8 =	sadd.s32 $0x5C00, s12  }
0x13: {  	s12 =	smax.u32 s1, $0x1;
	s1 =	simm.s32 $0x4E80;
	s6 =	simm.s32 $0x0  }
0x14: {  	s21 =	sadd.s32 $0x14C00, s11;
	[dreg:$0x7] =	wrdreg s22;
	s0 =	sadd.s32 $0xD2C00, s0  }
0x15: {  	s11 =	sadd.s32 $0xBEC04, s10;
	s22 =	simm.s32 $0x5000;
	[dreg:$0x6] =	wrdreg s21  }
0x16: {  	[dreg:$0x9] =	wrdreg s0;
	s21 =	simm.s32 $0x80;
	s0 =	simm.s32 $0x4F00  }
.LBB2_1:
0x17: {  	s5 =	rddreg [dreg:$0x6]  }
0x18: {  	[tilespmem:s4], [sflag:$0x5] =	stream.linear.gather [hbm4b:s5+s4], $0x2800, $0x38;
	[tilespmem:$0x13000] =	vst v63  }
0x19: {  	_ =	swait.ge [sflag:s13], $0x2800  }
0x1a: {  	[sflag:s13] =	ssyncset.done $0x0  }
0x1b: {  	s7 =	simm.s32 $0x2800;
	s10 =	rddreg [dreg:$0x7];
	[sflag:s13] =	ssyncadd.s32 $0xFFFFD800  }
0x1c: {  	[tilespmem:s7], [sflag:$0x5] =	stream.linear.gather [hbm4b:s10+s4], $0x2800, $0x38;
	[tilespmem:$0x13000] =	vst v63  }
0x1d: {  	_ =	swait.ge [sflag:s13], $0x2800  }
0x1e: {  	[sflag:s13] =	ssyncset.done $0x0  }
0x1f: {  	[sflag:s13] =	ssyncadd.s32 $0xFFFFD800  }
0x20: {  	[spmem:s16], [sflag:s15] =	dma.local [hbm:s8], $0xA00  }
0x21: {  	_ =	swait.ge [sflag:s13], $0xA00  }
0x22: {  	[sflag:s13] =	ssyncset.done $0x0  }
0x23: {  	s9 =	rddreg [dreg:$0x8];
	[sflag:s13] =	ssyncadd.s32 $0xFFFFF600  }
0x24: {  	[spmem:s17@s19], [sflag:s15] =	dma.strided [hbm:s9@s20], $0xA00, s18, $0x4   }
0x25: {  	_ =	swait.ge [sflag:s13], $0xA00  }
0x26: {  	[sflag:s13] =	ssyncset.done $0x0  }
0x27: {  	[sflag:s13] =	ssyncadd.s32 $0xFFFFF600  }
0x28: {  	[bflag:$0x0] =	sbarrier.arrive $0xFFFF  }
0x29: {  	[tilespmem:s22], [sflag:$0x1] =	stream.indirect.gather [spmem:s3], $0x20, s4, s21, $0xb8;
	[tilespmem:$0x13000] =	vst v63  }
0x2a: {  	_ = 	snop  }
0x2b: {  	[tilespmem:s23], [sflag:$0x2] =	stream.indirect.gather [spmem:s3], $0x20, s21, s21, $0xb8;
	[tilespmem:$0x13000] =	vst v63  }
0x2c: {  	_ = 	snop  }
0x2d: {  	[tilespmem:s25], [sflag:$0x3] =	stream.indirect.gather [spmem:s3], $0x20, s24, s21, $0xb8;
	[tilespmem:$0x13000] =	vst v63  }
0x2e: {  	_ = 	snop  }
0x2f: {  	[tilespmem:s28], [sflag:$0x4] =	stream.indirect.gather [spmem:s3], $0x20, s26, s21, $0xb8;
	[tilespmem:$0x13000] =	vst v63  }
0x30: {  	_ =	swait.ge [sflag:s18], $0x1000  }
0x31: {  	[sflag:s18] =	ssyncset.done $0x0  }
0x32: {  	s10 =	simm.s32 $0x2800;
	[sflag:s18] =	ssyncadd.s32 $0xFFFFF000  }
0x33: {  	[spmem:s2] =	stream.indirect.scatter.add.f32 [tilespmem:s22], [sflag:$0x5], $0x20, s10, s21, $0xb8;
	[tilespmem:$0x13000] =	vst v63  }
0x34: {  	_ =	swait.ge [sflag:s13], $0x1000  }
0x35: {  	[sflag:s13] =	ssyncset.done $0x0  }
0x36: {  	s5 =	simm.s32 $0x200;
	[sflag:s13] =	ssyncadd.s32 $0xFFFFF000  }
0x37: {  	[tilespmem:s22], [sflag:$0x1] =	stream.indirect.gather [spmem:s3], $0x20, s5, s21, $0xb8;
	[tilespmem:$0x13000] =	vst v63  }
0x38: {  	_ =	swait.ge [sflag:s29], $0x1000  }
0x39: {  	[sflag:s29] =	ssyncset.done $0x0  }
0x3a: {  	s9 =	simm.s32 $0x2880;
	[sflag:s29] =	ssyncadd.s32 $0xFFFFF000  }
0x3b: {  	[spmem:s2] =	stream.indirect.scatter.add.f32 [tilespmem:s23], [sflag:$0x5], $0x20, s9, s21, $0xb8;
	[tilespmem:$0x13000] =	vst v63  }
0x3c: {  	_ =	swait.ge [sflag:s13], $0x1000  }
0x3d: {  	[sflag:s13] =	ssyncset.done $0x0  }
0x3e: {  	s10 =	simm.s32 $0x280;
	[sflag:s13] =	ssyncadd.s32 $0xFFFFF000  }
0x3f: {  	[tilespmem:s23], [sflag:$0x2] =	stream.indirect.gather [spmem:s3], $0x20, s10, s21, $0xb8;
	[tilespmem:$0x13000] =	vst v63  }
0x40: {  	_ =	swait.ge [sflag:s30], $0x1000  }
0x41: {  	[sflag:s30] =	ssyncset.done $0x0  }
0x42: {  	s5 =	simm.s32 $0x2900;
	[sflag:s30] =	ssyncadd.s32 $0xFFFFF000  }
0x43: {  	[spmem:s2] =	stream.indirect.scatter.add.f32 [tilespmem:s25], [sflag:$0x5], $0x20, s5, s21, $0xb8;
	[tilespmem:$0x13000] =	vst v63  }
0x44: {  	_ =	swait.ge [sflag:s13], $0x1000  }
0x45: {  	[sflag:s13] =	ssyncset.done $0x0  }
0x46: {  	s9 =	simm.s32 $0x300;
	[sflag:s13] =	ssyncadd.s32 $0xFFFFF000  }
0x47: {  	[tilespmem:s25], [sflag:$0x3] =	stream.indirect.gather [spmem:s3], $0x20, s9, s21, $0xb8;
	[tilespmem:$0x13000] =	vst v63  }
0x48: {  	_ =	swait.ge [sflag:s19], $0x1000  }
0x49: {  	[sflag:s19] =	ssyncset.done $0x0  }
0x4a: {  	s10 =	simm.s32 $0x2980;
	[sflag:s19] =	ssyncadd.s32 $0xFFFFF000  }
0x4b: {  	[spmem:s2] =	stream.indirect.scatter.add.f32 [tilespmem:s28], [sflag:$0x5], $0x20, s10, s21, $0xb8;
	[tilespmem:$0x13000] =	vst v63  }
0x4c: {  	_ =	swait.ge [sflag:s13], $0x1000  }
0x4d: {  	[sflag:s13] =	ssyncset.done $0x0  }
0x4e: {  	s7 =	simm.s32 $0x800;
	s9 =	simm.s32 $0x380;
	[sflag:s13] =	ssyncadd.s32 $0xFFFFF000  }
.LBB2_2:
0x4f: {  	[tilespmem:s28], [sflag:$0x4] =	stream.indirect.gather [spmem:s3], $0x20, s9, s21, $0xb8;
	[tilespmem:$0x13000] =	vst v63  }
0x50: {  	s9 =	smov.u32 s7  }
0x51: {  	p0 =	sne.s32 s7, $0x9000;
	s7 =	sadd.s32 $0x800, s7;
	_ =	swait.ge [sflag:s18], $0x1000  }
0x52: {  	s9 =	sshra.s32 s9, $0x2;
	[sflag:s18] =	ssyncset.done $0x0  }
0x53: {  	s10 =	sadd.s32 $0x2800, s9;
	[sflag:s18] =	ssyncadd.s32 $0xFFFFF000  }
0x54: {  	[spmem:s2] =	stream.indirect.scatter.add.f32 [tilespmem:s22], [sflag:$0x5], $0x20, s10, s21, $0xb8;
	[tilespmem:$0x13000] =	vst v63  }
0x55: {  	_ =	swait.ge [sflag:s13], $0x1000  }
0x56: {  	[sflag:s13] =	ssyncset.done $0x0  }
0x57: {  	s10 =	sadd.s32 $0x200, s9;
	[sflag:s13] =	ssyncadd.s32 $0xFFFFF000  }
0x58: {  	[tilespmem:s22], [sflag:$0x1] =	stream.indirect.gather [spmem:s3], $0x20, s10, s21, $0xb8;
	[tilespmem:$0x13000] =	vst v63  }
0x59: {  	_ =	swait.ge [sflag:s29], $0x1000  }
0x5a: {  	[sflag:s29] =	ssyncset.done $0x0  }
0x5b: {  	s10 =	sadd.s32 $0x2880, s9;
	[sflag:s29] =	ssyncadd.s32 $0xFFFFF000  }
0x5c: {  	[spmem:s2] =	stream.indirect.scatter.add.f32 [tilespmem:s23], [sflag:$0x5], $0x20, s10, s21, $0xb8;
	[tilespmem:$0x13000] =	vst v63  }
0x5d: {  	_ =	swait.ge [sflag:s13], $0x1000  }
0x5e: {  	[sflag:s13] =	ssyncset.done $0x0  }
0x5f: {  	s10 =	sadd.s32 $0x280, s9;
	[sflag:s13] =	ssyncadd.s32 $0xFFFFF000  }
0x60: {  	[tilespmem:s23], [sflag:$0x2] =	stream.indirect.gather [spmem:s3], $0x20, s10, s21, $0xb8;
	[tilespmem:$0x13000] =	vst v63  }
0x61: {  	_ =	swait.ge [sflag:s30], $0x1000  }
0x62: {  	[sflag:s30] =	ssyncset.done $0x0  }
0x63: {  	s10 =	sadd.s32 $0x2900, s9;
	[sflag:s30] =	ssyncadd.s32 $0xFFFFF000  }
0x64: {  	[spmem:s2] =	stream.indirect.scatter.add.f32 [tilespmem:s25], [sflag:$0x5], $0x20, s10, s21, $0xb8;
	[tilespmem:$0x13000] =	vst v63  }
0x65: {  	_ =	swait.ge [sflag:s13], $0x1000  }
0x66: {  	[sflag:s13] =	ssyncset.done $0x0  }
0x67: {  	s10 =	sadd.s32 $0x300, s9;
	[sflag:s13] =	ssyncadd.s32 $0xFFFFF000  }
0x68: {  	[tilespmem:s25], [sflag:$0x3] =	stream.indirect.gather [spmem:s3], $0x20, s10, s21, $0xb8;
	[tilespmem:$0x13000] =	vst v63  }
0x69: {  	_ =	swait.ge [sflag:s19], $0x1000  }
0x6a: {  	[sflag:s19] =	ssyncset.done $0x0  }
.Ltmp0:
0x6b: {  	s10 =	sadd.s32 $0x2980, s9;
	[sflag:s19] =	ssyncadd.s32 $0xFFFFF000;
	(pc) =	sbr.rel @p0 .LBB2_2-.Ltmp0, $4  }
0x6c: {  	[spmem:s2] =	stream.indirect.scatter.add.f32 [tilespmem:s28], [sflag:$0x5], $0x20, s10, s21, $0xb8;
	[tilespmem:$0x13000] =	vst v63  }
0x6d: {  	_ =	swait.ge [sflag:s13], $0x1000  }
0x6e: {  	[sflag:s13] =	ssyncset.done $0x0  }
0x6f: {  	s9 =	sadd.s32 $0x380, s9;
	[sflag:s13] =	ssyncadd.s32 $0xFFFFF000  }
0x70: {  	[tilespmem:s28], [sflag:$0x4] =	stream.indirect.gather [spmem:s3], $0x20, s9, s21, $0xb8;
	[tilespmem:$0x13000] =	vst v63  }
0x71: {  	_ =	swait.ge [sflag:s18], $0x1000  }
0x72: {  	[sflag:s18] =	ssyncset.done $0x0  }
0x73: {  	[sflag:s18] =	ssyncadd.s32 $0xFFFFF000  }
0x74: {  	[spmem:s2] =	stream.indirect.scatter.add.f32 [tilespmem:s22], [sflag:$0x5], $0x20, s31, s21, $0xb8;
	[tilespmem:$0x13000] =	vst v63  }
0x75: {  	_ =	swait.ge [sflag:s13], $0x1000  }
0x76: {  	[sflag:s13] =	ssyncset.done $0x0  }
0x77: {  	[sflag:s13] =	ssyncadd.s32 $0xFFFFF000  }
0x78: {  	_ =	swait.ge [sflag:s29], $0x1000  }
0x79: {  	[sflag:s29] =	ssyncset.done $0x0  }
0x7a: {  	[sflag:s29] =	ssyncadd.s32 $0xFFFFF000  }
0x7b: {  	[spmem:s2] =	stream.indirect.scatter.add.f32 [tilespmem:s23], [sflag:$0x5], $0x20, s1, s21, $0xb8;
	[tilespmem:$0x13000] =	vst v63  }
0x7c: {  	_ =	swait.ge [sflag:s13], $0x1000  }
0x7d: {  	[sflag:s13] =	ssyncset.done $0x0  }
0x7e: {  	[sflag:s13] =	ssyncadd.s32 $0xFFFFF000  }
0x7f: {  	_ =	swait.ge [sflag:s30], $0x1000  }
0x80: {  	[sflag:s30] =	ssyncset.done $0x0  }
0x81: {  	[sflag:s30] =	ssyncadd.s32 $0xFFFFF000  }
0x82: {  	[spmem:s2] =	stream.indirect.scatter.add.f32 [tilespmem:s25], [sflag:$0x5], $0x20, s0, s21, $0xb8;
	[tilespmem:$0x13000] =	vst v63  }
0x83: {  	_ =	swait.ge [sflag:s13], $0x1000  }
0x84: {  	[sflag:s13] =	ssyncset.done $0x0  }
0x85: {  	[sflag:s13] =	ssyncadd.s32 $0xFFFFF000  }
0x86: {  	_ =	swait.ge [sflag:s19], $0x1000  }
0x87: {  	[sflag:s19] =	ssyncset.done $0x0  }
0x88: {  	[sflag:s19] =	ssyncadd.s32 $0xFFFFF000  }
0x89: {  	[spmem:s2] =	stream.indirect.scatter.add.f32 [tilespmem:s28], [sflag:$0x5], $0x20, s14, s21, $0xb8;
	[tilespmem:$0x13000] =	vst v63  }
0x8a: {  	_ =	swait.ge [sflag:s13], $0x1000  }
0x8b: {  	[sflag:s13] =	ssyncset.done $0x0  }
0x8c: {  	[sflag:s13] =	ssyncadd.s32 $0xFFFFF000  }
0x8d: {  	[bflag:$0x0] =	sbarrier.arrive $0xFFFF  }
0x8e: {  	s5 =	rddreg [dreg:$0x5]  }
0x8f: {  	s7 =	rddreg [dreg:$0x9]  }
0x90: {  	s7 =	sadd.s32 s5, s7  }
0x91: {  	[hbm:s7], [sflag:s15] =	dma.local [spmem:s16], $0xA00  }
0x92: {  	_ =	swait.ge [sflag:s13], $0xA00  }
0x93: {  	[sflag:s13] =	ssyncset.done $0x0  }
0x94: {  	[sflag:s13] =	ssyncadd.s32 $0xFFFFF600  }
0x95: {  	[bflag:$0x0] =	sbarrier.arrive $0xFFFF  }
0x96: {  	[spmem:s16], [sflag:s15] =	dma.local [hbm:s8], $0xA00  }
0x97: {  	_ =	swait.ge [sflag:s13], $0xA00  }
0x98: {  	[sflag:s13] =	ssyncset.done $0x0  }
0x99: {  	[sflag:s13] =	ssyncadd.s32 $0xFFFFF600  }
0x9a: {  	[spmem:s17@s19], [sflag:s15] =	dma.strided [hbm:s11@s20], $0xA00, s18, $0x4   }
0x9b: {  	_ =	swait.ge [sflag:s13], $0xA00  }
0x9c: {  	[sflag:s13] =	ssyncset.done $0x0  }
0x9d: {  	[sflag:s13] =	ssyncadd.s32 $0xFFFFF600  }
0x9e: {  	s5 =	simm.s32 $0x0;
	[bflag:$0x0] =	sbarrier.arrive $0xFFFF  }
0x9f: {  	[tilespmem:s22], [sflag:$0x1] =	stream.indirect.gather [spmem:s3], $0x20, s5, s21, $0xb8;
	[tilespmem:$0x13000] =	vst v63  }
0xa0: {  	_ = 	snop  }
0xa1: {  	[tilespmem:s23], [sflag:$0x2] =	stream.indirect.gather [spmem:s3], $0x20, s21, s21, $0xb8;
	[tilespmem:$0x13000] =	vst v63  }
0xa2: {  	_ = 	snop  }
0xa3: {  	[tilespmem:s25], [sflag:$0x3] =	stream.indirect.gather [spmem:s3], $0x20, s24, s21, $0xb8;
	[tilespmem:$0x13000] =	vst v63  }
0xa4: {  	_ = 	snop  }
0xa5: {  	[tilespmem:s28], [sflag:$0x4] =	stream.indirect.gather [spmem:s3], $0x20, s26, s21, $0xb8;
	[tilespmem:$0x13000] =	vst v63  }
0xa6: {  	_ =	swait.ge [sflag:s18], $0x1000  }
0xa7: {  	[sflag:s18] =	ssyncset.done $0x0  }
0xa8: {  	s10 =	simm.s32 $0x2800;
	[sflag:s18] =	ssyncadd.s32 $0xFFFFF000  }
0xa9: {  	[spmem:s2] =	stream.indirect.scatter.add.f32 [tilespmem:s22], [sflag:$0x5], $0x20, s10, s21, $0xb8;
	[tilespmem:$0x13000] =	vst v63  }
0xaa: {  	_ =	swait.ge [sflag:s13], $0x1000  }
0xab: {  	[sflag:s13] =	ssyncset.done $0x0  }
0xac: {  	s5 =	simm.s32 $0x200;
	[sflag:s13] =	ssyncadd.s32 $0xFFFFF000  }
0xad: {  	[tilespmem:s22], [sflag:$0x1] =	stream.indirect.gather [spmem:s3], $0x20, s5, s21, $0xb8;
	[tilespmem:$0x13000] =	vst v63  }
0xae: {  	_ =	swait.ge [sflag:s29], $0x1000  }
0xaf: {  	[sflag:s29] =	ssyncset.done $0x0  }
0xb0: {  	s10 =	simm.s32 $0x2880;
	[sflag:s29] =	ssyncadd.s32 $0xFFFFF000  }
0xb1: {  	[spmem:s2] =	stream.indirect.scatter.add.f32 [tilespmem:s23], [sflag:$0x5], $0x20, s10, s21, $0xb8;
	[tilespmem:$0x13000] =	vst v63  }
0xb2: {  	_ =	swait.ge [sflag:s13], $0x1000  }
0xb3: {  	[sflag:s13] =	ssyncset.done $0x0  }
0xb4: {  	s5 =	simm.s32 $0x280;
	[sflag:s13] =	ssyncadd.s32 $0xFFFFF000  }
0xb5: {  	[tilespmem:s23], [sflag:$0x2] =	stream.indirect.gather [spmem:s3], $0x20, s5, s21, $0xb8;
	[tilespmem:$0x13000] =	vst v63  }
0xb6: {  	_ =	swait.ge [sflag:s30], $0x1000  }
0xb7: {  	[sflag:s30] =	ssyncset.done $0x0  }
0xb8: {  	s10 =	simm.s32 $0x2900;
	[sflag:s30] =	ssyncadd.s32 $0xFFFFF000  }
0xb9: {  	[spmem:s2] =	stream.indirect.scatter.add.f32 [tilespmem:s25], [sflag:$0x5], $0x20, s10, s21, $0xb8;
	[tilespmem:$0x13000] =	vst v63  }
0xba: {  	_ =	swait.ge [sflag:s13], $0x1000  }
0xbb: {  	[sflag:s13] =	ssyncset.done $0x0  }
0xbc: {  	s5 =	simm.s32 $0x300;
	[sflag:s13] =	ssyncadd.s32 $0xFFFFF000  }
0xbd: {  	[tilespmem:s25], [sflag:$0x3] =	stream.indirect.gather [spmem:s3], $0x20, s5, s21, $0xb8;
	[tilespmem:$0x13000] =	vst v63  }
0xbe: {  	_ =	swait.ge [sflag:s19], $0x1000  }
0xbf: {  	[sflag:s19] =	ssyncset.done $0x0  }
0xc0: {  	s10 =	simm.s32 $0x2980;
	[sflag:s19] =	ssyncadd.s32 $0xFFFFF000  }
0xc1: {  	[spmem:s2] =	stream.indirect.scatter.add.f32 [tilespmem:s28], [sflag:$0x5], $0x20, s10, s21, $0xb8;
	[tilespmem:$0x13000] =	vst v63  }
0xc2: {  	_ =	swait.ge [sflag:s13], $0x1000  }
0xc3: {  	[sflag:s13] =	ssyncset.done $0x0  }
0xc4: {  	s9 =	simm.s32 $0x800;
	s10 =	simm.s32 $0x380;
	[sflag:s13] =	ssyncadd.s32 $0xFFFFF000  }
.LBB2_4:
0xc5: {  	[tilespmem:s28], [sflag:$0x4] =	stream.indirect.gather [spmem:s3], $0x20, s10, s21, $0xb8;
	[tilespmem:$0x13000] =	vst v63  }
0xc6: {  	s10 =	smov.u32 s9  }
0xc7: {  	p0 =	sne.s32 s9, $0x9000;
	s9 =	sadd.s32 $0x800, s9;
	_ =	swait.ge [sflag:s18], $0x1000  }
0xc8: {  	s10 =	sshra.s32 s10, $0x2;
	[sflag:s18] =	ssyncset.done $0x0  }
0xc9: {  	s5 =	sadd.s32 $0x2800, s10;
	[sflag:s18] =	ssyncadd.s32 $0xFFFFF000  }
0xca: {  	[spmem:s2] =	stream.indirect.scatter.add.f32 [tilespmem:s22], [sflag:$0x5], $0x20, s5, s21, $0xb8;
	[tilespmem:$0x13000] =	vst v63  }
0xcb: {  	_ =	swait.ge [sflag:s13], $0x1000  }
0xcc: {  	[sflag:s13] =	ssyncset.done $0x0  }
0xcd: {  	s5 =	sadd.s32 $0x200, s10;
	[sflag:s13] =	ssyncadd.s32 $0xFFFFF000  }
0xce: {  	[tilespmem:s22], [sflag:$0x1] =	stream.indirect.gather [spmem:s3], $0x20, s5, s21, $0xb8;
	[tilespmem:$0x13000] =	vst v63  }
0xcf: {  	_ =	swait.ge [sflag:s29], $0x1000  }
0xd0: {  	[sflag:s29] =	ssyncset.done $0x0  }
0xd1: {  	s5 =	sadd.s32 $0x2880, s10;
	[sflag:s29] =	ssyncadd.s32 $0xFFFFF000  }
0xd2: {  	[spmem:s2] =	stream.indirect.scatter.add.f32 [tilespmem:s23], [sflag:$0x5], $0x20, s5, s21, $0xb8;
	[tilespmem:$0x13000] =	vst v63  }
0xd3: {  	_ =	swait.ge [sflag:s13], $0x1000  }
0xd4: {  	[sflag:s13] =	ssyncset.done $0x0  }
0xd5: {  	s5 =	sadd.s32 $0x280, s10;
	[sflag:s13] =	ssyncadd.s32 $0xFFFFF000  }
0xd6: {  	[tilespmem:s23], [sflag:$0x2] =	stream.indirect.gather [spmem:s3], $0x20, s5, s21, $0xb8;
	[tilespmem:$0x13000] =	vst v63  }
0xd7: {  	_ =	swait.ge [sflag:s30], $0x1000  }
0xd8: {  	[sflag:s30] =	ssyncset.done $0x0  }
0xd9: {  	s5 =	sadd.s32 $0x2900, s10;
	[sflag:s30] =	ssyncadd.s32 $0xFFFFF000  }
0xda: {  	[spmem:s2] =	stream.indirect.scatter.add.f32 [tilespmem:s25], [sflag:$0x5], $0x20, s5, s21, $0xb8;
	[tilespmem:$0x13000] =	vst v63  }
0xdb: {  	_ =	swait.ge [sflag:s13], $0x1000  }
0xdc: {  	[sflag:s13] =	ssyncset.done $0x0  }
0xdd: {  	s5 =	sadd.s32 $0x300, s10;
	[sflag:s13] =	ssyncadd.s32 $0xFFFFF000  }
0xde: {  	[tilespmem:s25], [sflag:$0x3] =	stream.indirect.gather [spmem:s3], $0x20, s5, s21, $0xb8;
	[tilespmem:$0x13000] =	vst v63  }
0xdf: {  	_ =	swait.ge [sflag:s19], $0x1000  }
0xe0: {  	[sflag:s19] =	ssyncset.done $0x0  }
.Ltmp1:
0xe1: {  	s5 =	sadd.s32 $0x2980, s10;
	[sflag:s19] =	ssyncadd.s32 $0xFFFFF000;
	(pc) =	sbr.rel @p0 .LBB2_4-.Ltmp1, $4  }
0xe2: {  	[spmem:s2] =	stream.indirect.scatter.add.f32 [tilespmem:s28], [sflag:$0x5], $0x20, s5, s21, $0xb8;
	[tilespmem:$0x13000] =	vst v63  }
0xe3: {  	_ =	swait.ge [sflag:s13], $0x1000  }
0xe4: {  	[sflag:s13] =	ssyncset.done $0x0  }
0xe5: {  	s10 =	sadd.s32 $0x380, s10;
	[sflag:s13] =	ssyncadd.s32 $0xFFFFF000  }
0xe6: {  	[tilespmem:s28], [sflag:$0x4] =	stream.indirect.gather [spmem:s3], $0x20, s10, s21, $0xb8;
	[tilespmem:$0x13000] =	vst v63  }
0xe7: {  	_ =	swait.ge [sflag:s18], $0x1000  }
0xe8: {  	[sflag:s18] =	ssyncset.done $0x0  }
0xe9: {  	[sflag:s18] =	ssyncadd.s32 $0xFFFFF000  }
0xea: {  	[spmem:s2] =	stream.indirect.scatter.add.f32 [tilespmem:s22], [sflag:$0x5], $0x20, s31, s21, $0xb8;
	[tilespmem:$0x13000] =	vst v63  }
0xeb: {  	_ =	swait.ge [sflag:s13], $0x1000  }
0xec: {  	[sflag:s13] =	ssyncset.done $0x0  }
0xed: {  	[sflag:s13] =	ssyncadd.s32 $0xFFFFF000  }
0xee: {  	_ =	swait.ge [sflag:s29], $0x1000  }
0xef: {  	[sflag:s29] =	ssyncset.done $0x0  }
0xf0: {  	[sflag:s29] =	ssyncadd.s32 $0xFFFFF000  }
0xf1: {  	[spmem:s2] =	stream.indirect.scatter.add.f32 [tilespmem:s23], [sflag:$0x5], $0x20, s1, s21, $0xb8;
	[tilespmem:$0x13000] =	vst v63  }
0xf2: {  	_ =	swait.ge [sflag:s13], $0x1000  }
0xf3: {  	[sflag:s13] =	ssyncset.done $0x0  }
0xf4: {  	[sflag:s13] =	ssyncadd.s32 $0xFFFFF000  }
0xf5: {  	_ =	swait.ge [sflag:s30], $0x1000  }
0xf6: {  	[sflag:s30] =	ssyncset.done $0x0  }
0xf7: {  	[sflag:s30] =	ssyncadd.s32 $0xFFFFF000  }
0xf8: {  	[spmem:s2] =	stream.indirect.scatter.add.f32 [tilespmem:s25], [sflag:$0x5], $0x20, s0, s21, $0xb8;
	[tilespmem:$0x13000] =	vst v63  }
0xf9: {  	_ =	swait.ge [sflag:s13], $0x1000  }
0xfa: {  	[sflag:s13] =	ssyncset.done $0x0  }
0xfb: {  	[sflag:s13] =	ssyncadd.s32 $0xFFFFF000  }
0xfc: {  	_ =	swait.ge [sflag:s19], $0x1000  }
0xfd: {  	[sflag:s19] =	ssyncset.done $0x0  }
0xfe: {  	[sflag:s19] =	ssyncadd.s32 $0xFFFFF000  }
0xff: {  	[spmem:s2] =	stream.indirect.scatter.add.f32 [tilespmem:s28], [sflag:$0x5], $0x20, s14, s21, $0xb8;
	[tilespmem:$0x13000] =	vst v63  }
0x100: {  	_ =	swait.ge [sflag:s13], $0x1000  }
0x101: {  	[sflag:s13] =	ssyncset.done $0x0  }
0x102: {  	s6 =	sadd.s32 $0x1, s6;
	[sflag:s13] =	ssyncadd.s32 $0xFFFFF000  }
0x103: {  	s5 =	sadd.s32 $0xA000, s7;
	p0 =	sne.s32 s6, s12;
	[bflag:$0x0] =	sbarrier.arrive $0xFFFF  }
0x104: {  	[hbm:s5], [sflag:s15] =	dma.local [spmem:s16], $0xA00  }
.Ltmp2:
0x105: {  	_ =	swait.ge [sflag:s13], $0xA00;
	(pc) =	sbr.rel @p0 .LBB2_1-.Ltmp2, $3  }
0x106: {  	[sflag:s13] =	ssyncset.done $0x0  }
0x107: {  	[sflag:s13] =	ssyncadd.s32 $0xFFFFF600  }
0x108: {  	[bflag:$0x0] =	sbarrier.arrive $0xFFFF;
	_ =	sdelay $0x1  }
0x109: {  	_ =	sfence.sel $0x180000  }
0x10a: {  	[bflag:$0x0] =	sbarrier.arrive $0xFFFF  }
0x10b: {  	_ =	strace $0x9000004D  }
0x10c: {  	s0 =	stileid.u32;
	[bflag:$0x2] =	sbarrier.arrive $0xFFFF  }
0x10d: {  	p0 =	sne.s32 s0, $0x0;
	s0 =	rddreg [dreg:$0x4]  }
0x10e: {  	s0 =	sadd.s32 @!p0 $0x100000, s0  }
0x10f: {  	[sflag:s0] =	ssyncadd.tile.s32 @!p0 $0x1;
	_ =	shalt  }
.Lfunc_end2:
_tile_overlayer_lowered:
.L_overlay_start_2:
0x110: {  	(tag) =	ssettag $0x2  }
0x111: {  	s0 =	rddreg [dreg:$0x0];
	s2 =	stileid.u32  }
0x112: {  	s1 =	rddreg [dreg:$0x1];
	p0 =	sne.s32 s2, $0x0  }
0x113: {  	s3 =	rddreg [dreg:$0x2];
	[bflag:$0x3] =	sbarrier.arrive $0xFFFF;
	s2 =	simm.s32 @!p0 $0x1C05  }
0x114: {  	[timem:s3], [sflag:s2] =	dma.local @!p0 [hbm:s0], s1  }
0x115: {  	s0 =	simm.s32 @!p0 $0x5  }
0x116: {  	_ =	swait.ge @!p0 [sflag:s0], s1  }
0x117: {  	s1 =	ssub.s32 @!p0 $0x0, s1;
	[sflag:s0] =	ssyncset.done @!p0 $0x0  }
0x118: {  	[sflag:s0] =	ssyncadd.s32 @!p0 s1  }
0x119: {  	[bflag:$0x3] =	sbarrier.arrive $0xFFFF  }
0x11a: {  	_ =	shalt  }

// kernel: kernel.22.cloned.1.call-start
scs
__scs_entry_jumppad:
0x0: {  	(pc) =	sbr.rel $0x88, $3  }
0x1: {  	(tag) =	ssettag $0x0;
	lr =	simm.s32 $0x1  }
0x2: {  	[smem:$0x3F8F] =	sst lr;
	_ =	strace $0xD0000000  }
0x3: {  	_ = 	snop  }
0x4: {  	_ = 	snop  }
0x5: {  	_ = 	snop  }
0x6: {  	_ = 	snop  }
0x7: {  	_ = 	snop  }
__scs_overlays_trampoline_lowered:
0x8: {  	[smem:$0x3F9E] =	sst s0  }
0x9: {  	[smem:$0x3F9F] =	sst s1  }
0xa: {  	[smem:$0x3FA0] =	sst s2  }
0xb: {  	[smem:$0x3FA1] =	sst s3  }
0xc: {  	[smem:$0x3FA2] =	sst s4  }
0xd: {  	[smem:$0x3FA3] =	sst s5  }
0xe: {  	[smem:$0x3FA4] =	sst s6  }
0xf: {  	[smem:$0x3FA5] =	sst s7  }
0x10: {  	[smem:$0x3FA6] =	sst s8  }
0x11: {  	[smem:$0x3FA7] =	sst s9;
	s0 =	simm.s32 @!p0 $0x0  }
0x12: {  	s1 =	sld [smem:$0x3F8D];
	s0 =	simm.s32 @p0 $0x1  }
0x13: {  	[smem:$0x3FA8] =	sst s0;
	s0 =	simm.s32 @!p1 $0x0  }
0x14: {  	s2 =	sld [smem:$0x3F8C];
	s0 =	simm.s32 @p1 $0x1  }
0x15: {  	[smem:$0x3FA9] =	sst s0;
	s0 =	simm.s32 @!p2 $0x0  }
0x16: {  	s3 =	sld [smem:$0x3FDB];
	s0 =	simm.s32 @p2 $0x1  }
0x17: {  	s4 =	simm.s32 $0x1BF5;
	[smem:$0x3FAB] =	sst s0  }
0x18: {  	s0 =	sld [smem:$0x3F8E];
	_ =	swait.ge [sflag:s4], $0x0  }
0x19: {  	s7 =	sld [smem:$0x3F8F]  }
0x1a: {  	s8 =	sadd.s32 $0xFFFFE003, lr  }
0x1b: {  	s9 =	sadd.s32 $0xFFFFFEF7, lr;
	s5 =	simm.s32 $0xFFFFFFFF;
	p2 =	slt.u32 s8, $0xFFFFF086  }
0x1c: {  	p1 =	slt.u32 s9, $0xF7A;
	s5 =	simm.s32 @!p2 $0x0  }
0x1d: {  	s5 =	simm.s32 @p1 $0x1;
	p0 =	seq.s32 s7, s2  }
0x1e: {  	s7 =	smul.u32 @!p0 $0xF7A, s2;
	p2 =	seq.s32 @!p0 s5, $0x0  }
0x1f: {  	s9 =	smul.u32 $0xF7A, s1;
	s8 =	simm.s32 @!p0 $0x1BF5;
	p2 =	por !p2, p0  }
0x20: {  	[sflag:s8] =	ssyncset.s32 @!p0 $0xFFFFF086;
	s6 =	sadd.s32 @!p0 s3, s7;
	s7 =	simm.s32 @!p0 $0x108  }
0x21: {  	s3 =	sadd.s32 s3, s9;
	s6 =	sadd.s32 @!p0 $0x88, s6;
	s7 =	simm.s32 @p2 $0x1082  }
0x22: {  	[simem:s7], [sflag:s8] =	dma.local @!p0 [hbm:s6], $0xF7A  }
0x23: {  	s9 =	sor.u32 $0xD0000000, s2;
	s6 =	simm.s32 $0x108;
	_ =	swait.ge @!p0 [sflag:s8], $0x0  }
0x24: {  	s3 =	sadd.s32 $0x88, s3;
	s6 =	simm.s32 @!p1 $0x1082;
	[sflag:s4] =	ssyncset.s32 $0xFFFFF086  }
0x25: {  	[simem:s6], [sflag:s4] =	dma.local [hbm:s3], $0xF7A  }
0x26: {  	[smem:$0x3F8F] =	sst s1;
	(tag) =	ssettag s2;
	_ =	strace s9  }
0x27: {  	s1 =	sld [smem:$0x3F9F]  }
0x28: {  	s2 =	sld [smem:$0x3FA0]  }
0x29: {  	s4 =	sld [smem:$0x3FA2]  }
0x2a: {  	p0 =	seq.s32 s5, $0x0;
	s5 =	sld [smem:$0x3FA3]  }
0x2b: {  	s6 =	sld [smem:$0x3FA4]  }
0x2c: {  	s7 =	sld [smem:$0x3FA5]  }
0x2d: {  	s3 =	simm.s32 $0x108;
	s8 =	sld [smem:$0x3FA6]  }
0x2e: {  	s3 =	simm.s32 @!p0 $0x1082;
	s9 =	sld [smem:$0x3FA7]  }
0x2f: {  	lr =	sadd.s32 s0, s3;
	s0 =	sld [smem:$0x3F9E]  }
0x30: {  	s3 =	sld [smem:$0x3FA1]  }
0x31: {  	[smem:$0x3FAA] =	sst s10  }
0x32: {  	s10 =	sld [smem:$0x3FA8];
	_ =	sdelay $0x3  }
0x33: {  	p0 =	seq.s32 s10, $0x1;
	s10 =	sld [smem:$0x3FAA];
	_ =	sdelay $0x3  }
0x34: {  	[smem:$0x3FAA] =	sst s10  }
0x35: {  	s10 =	sld [smem:$0x3FA9];
	_ =	sdelay $0x3  }
0x36: {  	p1 =	seq.s32 s10, $0x1;
	s10 =	sld [smem:$0x3FAA];
	_ =	sdelay $0x3  }
0x37: {  	[smem:$0x3FAA] =	sst s10  }
0x38: {  	s10 =	sld [smem:$0x3FAB]  }
0x39: {  	_ = 	snop;
	(pc) =	sbr.ind lr, $3  }
0x3a: {  	_ = 	snop  }
0x3b: {  	_ = 	snop  }
0x3c: {  	p2 =	seq.s32 s10, $0x1;
	s10 =	sld [smem:$0x3FAA]  }
0x3d: {  	_ =	shalt  }
0x3e: {  	_ =	shalt  }
0x3f: {  	_ =	shalt  }
0x40: {  	_ =	shalt  }
0x41: {  	_ =	shalt  }
0x42: {  	_ =	shalt  }
0x43: {  	_ =	shalt  }
0x44: {  	_ =	shalt  }
0x45: {  	_ =	shalt  }
0x46: {  	_ =	shalt  }
0x47: {  	_ =	shalt  }
0x48: {  	_ =	shalt  }
0x49: {  	_ =	shalt  }
0x4a: {  	_ =	shalt  }
0x4b: {  	_ =	shalt  }
0x4c: {  	_ =	shalt  }
0x4d: {  	_ =	shalt  }
0x4e: {  	_ =	shalt  }
0x4f: {  	_ =	shalt  }
0x50: {  	_ =	shalt  }
0x51: {  	_ =	shalt  }
0x52: {  	_ =	shalt  }
0x53: {  	_ =	shalt  }
0x54: {  	_ =	shalt  }
0x55: {  	_ =	shalt  }
0x56: {  	_ =	shalt  }
0x57: {  	_ =	shalt  }
0x58: {  	_ =	shalt  }
0x59: {  	_ =	shalt  }
0x5a: {  	_ =	shalt  }
0x5b: {  	_ =	shalt  }
0x5c: {  	_ =	shalt  }
0x5d: {  	_ =	shalt  }
0x5e: {  	_ =	shalt  }
0x5f: {  	_ =	shalt  }
0x60: {  	_ =	shalt  }
0x61: {  	_ =	shalt  }
0x62: {  	_ =	shalt  }
0x63: {  	_ =	shalt  }
0x64: {  	_ =	shalt  }
0x65: {  	_ =	shalt  }
0x66: {  	_ =	shalt  }
0x67: {  	_ =	shalt  }
0x68: {  	_ =	shalt  }
0x69: {  	_ =	shalt  }
0x6a: {  	_ =	shalt  }
0x6b: {  	_ =	shalt  }
0x6c: {  	_ =	shalt  }
0x6d: {  	_ =	shalt  }
0x6e: {  	_ =	shalt  }
0x6f: {  	_ =	shalt  }
0x70: {  	_ =	shalt  }
0x71: {  	_ =	shalt  }
0x72: {  	_ =	shalt  }
0x73: {  	_ =	shalt  }
0x74: {  	_ =	shalt  }
0x75: {  	_ =	shalt  }
0x76: {  	_ =	shalt  }
0x77: {  	_ =	shalt  }
0x78: {  	_ =	shalt  }
0x79: {  	_ =	shalt  }
0x7a: {  	_ =	shalt  }
0x7b: {  	_ =	shalt  }
0x7c: {  	_ =	shalt  }
0x7d: {  	_ =	shalt  }
0x7e: {  	_ =	shalt  }
0x7f: {  	_ =	shalt  }
0x80: {  	_ =	shalt  }
0x81: {  	_ =	shalt  }
0x82: {  	_ =	shalt  }
0x83: {  	_ =	shalt  }
0x84: {  	_ =	shalt  }
0x85: {  	_ =	shalt  }
0x86: {  	_ =	shalt  }
0x87: {  	_ =	shalt  }
.Lfunc_end0:
.L_simem_size_0:
called_computation.3_lowered:
.L_overlay_start_0:
0x88: {  	s2 =	sld [smem:$0x3FD9]  }
0x89: {  	s3 =	sld [smem:$0x3FFE];
	_ =	sdelay $0x1  }
0x8a: {  	s1 =	srdreg.scid  }
0x8b: {  	s0 =	sand.u32 $0x1, s1  }
0x8c: {  	s14 =	sshll.u32 s0, $0xA;
	s2 =	sadd.s32 s3, s2  }
0x8d: {  	s2 =	sadd.s32 s2, s14  }
0x8e: {  	[smem:$0x3FB6] =	sst s2  }
0x8f: {  	_ = 	snop  }
0x90: {  	s2 =	sld [smem:$0x3FD0];
	_ =	sdelay $0x2  }
0x91: {  	s15 =	simm.s32 $0xA;
	s4 =	simm.s32 $0x10  }
0x92: {  	[smem:s4], [sflag:s15] =	dma.local [hbm:s2], $0x1  }
0x93: {  	_ =	swait.eq [sflag:s15], $0x1  }
0x94: {  	[sflag:s15] =	ssyncset.done $0x0  }
0x95: {  	[sflag:s15] =	ssyncadd.s32 $0xFFFFFFFF  }
0x96: {  	s16 =	sld [smem:$0x10];
	(tm) =	ssettm $0x1  }
0x97: {  	s17 =	sld [smem:$0x3FFB];
	_ =	sdelay $0x3  }
0x98: {  	_ =	strace s17  }
0x99: {  	s3 =	sld [smem:$0x3FFC];
	_ =	sdelay $0x3  }
0x9a: {  	_ =	strace s3  }
0x9b: {  	s3 =	sld [smem:$0x3FFD];
	_ =	sdelay $0x3  }
0x9c: {  	_ =	strace s3  }
0x9d: {  	_ =	strace $0x8FFFFFFF  }
0x9e: {  	s18 =	sld [smem:$0x3FDB];
	_ =	sdelay $0x1  }
0x9f: {  	s19 =	simm.s32 $_scs_section_size  }
0xa0: {  	s5 =	simm.s32 $_size__tile_overlayer_lowered;
	s6 =	simm.s32 $_tile_overlayer_lowered  }
0xa1: {  	s22 =	simm.s32 $0x1BFF;
	s21 =	sshll.u32 s6, $0x1;
	s3 =	sadd.s32 s19, s18  }
0xa2: {  	s7 =	simm.s32 $0x0;
	s20 =	sshll.u32 s5, $0x1;
	s5 =	sadd.s32 s21, s3  }
0xa3: {  	[timem:s7], [sflag:s22] =	dma.local [hbm:s5], s20  }
0xa4: {  	_ =	swait.ge [sflag:s22], s20  }
0xa5: {  	s4 =	ssub.s32 $0x0, s20;
	[sflag:s22] =	ssyncset.done $0x0  }
0xa6: {  	[sflag:s22] =	ssyncadd.s32 s4;
	_ =	sdelay $0x1  }
0xa7: {  	s23 =	simm.s32 $0x1B8B  }
0xa8: {  	_ =	swait.ge [sflag:s23], $0x1  }
0xa9: {  	[sflag:s23] =	ssyncset.done $0x0  }
0xaa: {  	s25 =	simm.s32 $0x1B8E;
	s24 =	sld [smem:$0x3FFE];
	[sflag:s23] =	ssyncadd.s32 $0xFFFFFFFF  }
0xab: {  	s26 =	simm.s32 $execute0_lowered;
	[smem:$0x3FD2] =	sst s25  }
0xac: {  	s5 =	sshll.u32 s26, $0x1;
	_ =	strace $0x8000004F;
	[dreg:$0x1] =	wrdreg $0xFFFFFFFF  }
0xad: {  	s28 =	simm.s32 $_size_execute0_lowered;
	s3 =	sadd.s32 s3, s5;
	[dreg:$0x0] =	wrdreg $0x0  }
0xae: {  	s5 =	sshll.u32 s28, $0x1;
	[dreg:$0x2] =	wrdreg s3  }
0xaf: {  	[dreg:$0x3] =	wrdreg s5  }
0xb0: {  	[dreg:$0x4] =	wrdreg $0xC0  }
0xb1: {  	_ =	task [dreg:s7], $0x5FFFF  }
0xb2: {  	[dreg:$0x1] =	wrdreg $0xFFFFFFFF  }
0xb3: {  	[dreg:$0x0] =	wrdreg $0x60  }
0xb4: {  	[dreg:$0x2] =	wrdreg s24  }
0xb5: {  	[dreg:$0x3] =	wrdreg s16  }
0xb6: {  	[dreg:$0x4] =	wrdreg $0x90000  }
0xb7: {  	[dreg:$0x5] =	wrdreg $0xE0000  }
0xb8: {  	[dreg:$0x6] =	wrdreg $0x9  }
0xb9: {  	_ =	task.clear_ibuf [dreg:s7], $0x7FFFF;
	_ =	strace $0x9000004F  }
0xba: {  	s29 =	simm.s32 $0x9;
	_ =	strace $0x80000051  }
0xbb: {  	_ =	swait.ge [sflag:s29], $0x1  }
0xbc: {  	[sflag:s29] =	ssyncadd.s32 $0xFFFFFFFF  }
0xbd: {  	_ =	strace $0x90000051  }
0xbe: {  	_ =	sfence  }
0xbf: {  	s30 =	sld [smem:$0x0];
	_ =	sdelay $0x2  }
0xc0: {  	s31 =	sshll.u32 s1, $0xD;
	s1 =	sshrl.u32 s1, $0x2  }
0xc1: {  	s3 =	sand.u32 $0x4000, s31;
	s1 =	sadd.s32 s1, s30  }
0xc2: {  	s0 =	sor.u32 s3, s0;
	s1 =	sshll.u32 s1, $0x11  }
0xc3: {  	s0 =	sor.u32 s1, s0  }
0xc4: {  	s0 =	sadd.s32 $0x8F2B, s0  }
0xc5: {  	[sflag:s0] =	ssyncadd.remote.s32 $0x1  }
0xc6: {  	_ =	sfence.sel $0xFFFF  }
0xc7: {  	[dreg:$0x0] =	wrdreg $0xFFFFFFFF;
	(pc) =	sbr.abs _section_cstart, $3  }
0xc8: {  	[dreg:$0x1] =	wrdreg $0xFFFFFFFF  }
0xc9: {  	_ =	task.clear_ibuf [dreg:s7], $0x2FFFF;
	_ =	strace $0x9FFFFFFF  }
0xca: {  	(tm) =	ssettm $0x7FFFFFFF  }
0xcb: {  	_ =	shalt  }
tec
execute0_lowered:
.L_overlay_start_1:
0x0: {  	(tag) =	ssettag $0x1  }
0x1: {  	s0 =	rddreg [dreg:$0x0]  }
0x2: {  	s6 =	rddreg [dreg:$0x1]  }
0x3: {  	s1 =	srdreg.scid;
	s2 =	rddreg [dreg:$0x2]  }
0x4: {  	s14 =	stileid.u32;
	s3 =	rddreg [dreg:$0x3]  }
0x5: {  	s13 =	simm.s32 $0x5;
	s18 =	simm.s32 $0x1;
	s28 =	simm.s32 $0x8000  }
0x6: {  	s29 =	simm.s32 $0x2;
	s30 =	simm.s32 $0x3;
	s5 =	smul.u32 $0x1400, s14  }
0x7: {  	s31 =	simm.s32 $0x4E00;
	s1 =	sand.u32 $0x1, s1;
	s9 =	smul.u32 $0x5000, s14  }
0x8: {  	s26 =	sshll.u32 s14, $0x6;
	s4 =	sshll.u32 s1, $0x4;
	s8 =	smul.u32 $0x14000, s1  }
0x9: {  	s1 =	ssub.s32 $0x2, s1;
	s15 =	sor.u32 $0x1C05, s26;
	s26 =	simm.s32 $0x180  }
0xa: {  	s7 =	sor.u32 s14, s4;
	s4 =	simm.s32 $0x0;
	s10 =	sadd.s32 s5, s0  }
0xb: {  	s19 =	sshrl.u32 s9, $0x3;
	s20 =	sshrl.u32 s1, $0x1;
	s23 =	sadd.s32 s9, s2  }
0xc: {  	s24 =	sadd.s32 s9, s3;
	s14 =	simm.s32 $0x4F80;
	s7 =	smul.u32 $0x500, s7  }
0xd: {  	[smem:$0x7FF] =	sst s4;
	s12 =	sadd.s32 s19, s0;
	s1 =	ssub.s32 s1, s20  }
0xe: {  	s25 =	sadd.s32 $0x6EC00, s10;
	s16 =	sshrl.u32 s23, $0x3;
	s17 =	sshrl.u32 s24, $0x3  }
0xf: {  	s20 =	simm.s32 $0x8;
	_ =	strace $0x80000050;
	[dreg:$0x5] =	wrdreg s19  }
0x10: {  	s23 =	simm.s32 $0x6000;
	s24 =	simm.s32 $0x100;
	[dreg:$0x8] =	wrdreg s25  }
0x11: {  	s19 =	simm.s32 $0x4;
	s25 =	simm.s32 $0x7000;
	s11 =	sadd.s32 s7, s0  }
0x12: {  	s0 =	sadd.s32 s8, s0;
	s22 =	sadd.s32 s6, s7;
	s8 =	sadd.s32 $0x5C00, s12  }
0x13: {  	s12 =	smax.u32 s1, $0x1;
	s1 =	simm.s32 $0x4E80;
	s6 =	simm.s32 $0x0  }
0x14: {  	s21 =	sadd.s32 $0x14C00, s11;
	[dreg:$0x7] =	wrdreg s22;
	s0 =	sadd.s32 $0x82C00, s0  }
0x15: {  	s11 =	sadd.s32 $0x6EC04, s10;
	s22 =	simm.s32 $0x5000;
	[dreg:$0x6] =	wrdreg s21  }
0x16: {  	[dreg:$0x9] =	wrdreg s0;
	s21 =	simm.s32 $0x80;
	s0 =	simm.s32 $0x4F00  }
.LBB2_1:
0x17: {  	s5 =	rddreg [dreg:$0x6]  }
0x18: {  	[tilespmem:s4], [sflag:$0x5] =	stream.linear.gather [hbm4b:s5+s4], $0x2800, $0x38;
	[tilespmem:$0x13000] =	vst v63  }
0x19: {  	_ =	swait.ge [sflag:s13], $0x2800  }
0x1a: {  	[sflag:s13] =	ssyncset.done $0x0  }
0x1b: {  	s7 =	simm.s32 $0x2800;
	s10 =	rddreg [dreg:$0x7];
	[sflag:s13] =	ssyncadd.s32 $0xFFFFD800  }
0x1c: {  	[tilespmem:s7], [sflag:$0x5] =	stream.linear.gather [hbm4b:s10+s4], $0x2800, $0x38;
	[tilespmem:$0x13000] =	vst v63  }
0x1d: {  	_ =	swait.ge [sflag:s13], $0x2800  }
0x1e: {  	[sflag:s13] =	ssyncset.done $0x0  }
0x1f: {  	[sflag:s13] =	ssyncadd.s32 $0xFFFFD800  }
0x20: {  	[spmem:s16], [sflag:s15] =	dma.local [hbm:s8], $0xA00  }
0x21: {  	_ =	swait.ge [sflag:s13], $0xA00  }
0x22: {  	[sflag:s13] =	ssyncset.done $0x0  }
0x23: {  	s9 =	rddreg [dreg:$0x8];
	[sflag:s13] =	ssyncadd.s32 $0xFFFFF600  }
0x24: {  	[spmem:s17@s19], [sflag:s15] =	dma.strided [hbm:s9@s20], $0xA00, s18, $0x4   }
0x25: {  	_ =	swait.ge [sflag:s13], $0xA00  }
0x26: {  	[sflag:s13] =	ssyncset.done $0x0  }
0x27: {  	[sflag:s13] =	ssyncadd.s32 $0xFFFFF600  }
0x28: {  	[bflag:$0x0] =	sbarrier.arrive $0xFFFF  }
0x29: {  	[tilespmem:s22], [sflag:$0x1] =	stream.indirect.gather [spmem:s3], $0x20, s4, s21, $0xb8;
	[tilespmem:$0x13000] =	vst v63  }
0x2a: {  	_ = 	snop  }
0x2b: {  	[tilespmem:s23], [sflag:$0x2] =	stream.indirect.gather [spmem:s3], $0x20, s21, s21, $0xb8;
	[tilespmem:$0x13000] =	vst v63  }
0x2c: {  	_ = 	snop  }
0x2d: {  	[tilespmem:s25], [sflag:$0x3] =	stream.indirect.gather [spmem:s3], $0x20, s24, s21, $0xb8;
	[tilespmem:$0x13000] =	vst v63  }
0x2e: {  	_ = 	snop  }
0x2f: {  	[tilespmem:s28], [sflag:$0x4] =	stream.indirect.gather [spmem:s3], $0x20, s26, s21, $0xb8;
	[tilespmem:$0x13000] =	vst v63  }
0x30: {  	_ =	swait.ge [sflag:s18], $0x1000  }
0x31: {  	[sflag:s18] =	ssyncset.done $0x0  }
0x32: {  	s10 =	simm.s32 $0x2800;
	[sflag:s18] =	ssyncadd.s32 $0xFFFFF000  }
0x33: {  	[spmem:s2] =	stream.indirect.scatter.add.f32 [tilespmem:s22], [sflag:$0x5], $0x20, s10, s21, $0xb8;
	[tilespmem:$0x13000] =	vst v63  }
0x34: {  	_ =	swait.ge [sflag:s13], $0x1000  }
0x35: {  	[sflag:s13] =	ssyncset.done $0x0  }
0x36: {  	s5 =	simm.s32 $0x200;
	[sflag:s13] =	ssyncadd.s32 $0xFFFFF000  }
0x37: {  	[tilespmem:s22], [sflag:$0x1] =	stream.indirect.gather [spmem:s3], $0x20, s5, s21, $0xb8;
	[tilespmem:$0x13000] =	vst v63  }
0x38: {  	_ =	swait.ge [sflag:s29], $0x1000  }
0x39: {  	[sflag:s29] =	ssyncset.done $0x0  }
0x3a: {  	s9 =	simm.s32 $0x2880;
	[sflag:s29] =	ssyncadd.s32 $0xFFFFF000  }
0x3b: {  	[spmem:s2] =	stream.indirect.scatter.add.f32 [tilespmem:s23], [sflag:$0x5], $0x20, s9, s21, $0xb8;
	[tilespmem:$0x13000] =	vst v63  }
0x3c: {  	_ =	swait.ge [sflag:s13], $0x1000  }
0x3d: {  	[sflag:s13] =	ssyncset.done $0x0  }
0x3e: {  	s10 =	simm.s32 $0x280;
	[sflag:s13] =	ssyncadd.s32 $0xFFFFF000  }
0x3f: {  	[tilespmem:s23], [sflag:$0x2] =	stream.indirect.gather [spmem:s3], $0x20, s10, s21, $0xb8;
	[tilespmem:$0x13000] =	vst v63  }
0x40: {  	_ =	swait.ge [sflag:s30], $0x1000  }
0x41: {  	[sflag:s30] =	ssyncset.done $0x0  }
0x42: {  	s5 =	simm.s32 $0x2900;
	[sflag:s30] =	ssyncadd.s32 $0xFFFFF000  }
0x43: {  	[spmem:s2] =	stream.indirect.scatter.add.f32 [tilespmem:s25], [sflag:$0x5], $0x20, s5, s21, $0xb8;
	[tilespmem:$0x13000] =	vst v63  }
0x44: {  	_ =	swait.ge [sflag:s13], $0x1000  }
0x45: {  	[sflag:s13] =	ssyncset.done $0x0  }
0x46: {  	s9 =	simm.s32 $0x300;
	[sflag:s13] =	ssyncadd.s32 $0xFFFFF000  }
0x47: {  	[tilespmem:s25], [sflag:$0x3] =	stream.indirect.gather [spmem:s3], $0x20, s9, s21, $0xb8;
	[tilespmem:$0x13000] =	vst v63  }
0x48: {  	_ =	swait.ge [sflag:s19], $0x1000  }
0x49: {  	[sflag:s19] =	ssyncset.done $0x0  }
0x4a: {  	s10 =	simm.s32 $0x2980;
	[sflag:s19] =	ssyncadd.s32 $0xFFFFF000  }
0x4b: {  	[spmem:s2] =	stream.indirect.scatter.add.f32 [tilespmem:s28], [sflag:$0x5], $0x20, s10, s21, $0xb8;
	[tilespmem:$0x13000] =	vst v63  }
0x4c: {  	_ =	swait.ge [sflag:s13], $0x1000  }
0x4d: {  	[sflag:s13] =	ssyncset.done $0x0  }
0x4e: {  	s7 =	simm.s32 $0x800;
	s9 =	simm.s32 $0x380;
	[sflag:s13] =	ssyncadd.s32 $0xFFFFF000  }
.LBB2_2:
0x4f: {  	[tilespmem:s28], [sflag:$0x4] =	stream.indirect.gather [spmem:s3], $0x20, s9, s21, $0xb8;
	[tilespmem:$0x13000] =	vst v63  }
0x50: {  	s9 =	smov.u32 s7  }
0x51: {  	p0 =	sne.s32 s7, $0x9000;
	s7 =	sadd.s32 $0x800, s7;
	_ =	swait.ge [sflag:s18], $0x1000  }
0x52: {  	s9 =	sshra.s32 s9, $0x2;
	[sflag:s18] =	ssyncset.done $0x0  }
0x53: {  	s10 =	sadd.s32 $0x2800, s9;
	[sflag:s18] =	ssyncadd.s32 $0xFFFFF000  }
0x54: {  	[spmem:s2] =	stream.indirect.scatter.add.f32 [tilespmem:s22], [sflag:$0x5], $0x20, s10, s21, $0xb8;
	[tilespmem:$0x13000] =	vst v63  }
0x55: {  	_ =	swait.ge [sflag:s13], $0x1000  }
0x56: {  	[sflag:s13] =	ssyncset.done $0x0  }
0x57: {  	s10 =	sadd.s32 $0x200, s9;
	[sflag:s13] =	ssyncadd.s32 $0xFFFFF000  }
0x58: {  	[tilespmem:s22], [sflag:$0x1] =	stream.indirect.gather [spmem:s3], $0x20, s10, s21, $0xb8;
	[tilespmem:$0x13000] =	vst v63  }
0x59: {  	_ =	swait.ge [sflag:s29], $0x1000  }
0x5a: {  	[sflag:s29] =	ssyncset.done $0x0  }
0x5b: {  	s10 =	sadd.s32 $0x2880, s9;
	[sflag:s29] =	ssyncadd.s32 $0xFFFFF000  }
0x5c: {  	[spmem:s2] =	stream.indirect.scatter.add.f32 [tilespmem:s23], [sflag:$0x5], $0x20, s10, s21, $0xb8;
	[tilespmem:$0x13000] =	vst v63  }
0x5d: {  	_ =	swait.ge [sflag:s13], $0x1000  }
0x5e: {  	[sflag:s13] =	ssyncset.done $0x0  }
0x5f: {  	s10 =	sadd.s32 $0x280, s9;
	[sflag:s13] =	ssyncadd.s32 $0xFFFFF000  }
0x60: {  	[tilespmem:s23], [sflag:$0x2] =	stream.indirect.gather [spmem:s3], $0x20, s10, s21, $0xb8;
	[tilespmem:$0x13000] =	vst v63  }
0x61: {  	_ =	swait.ge [sflag:s30], $0x1000  }
0x62: {  	[sflag:s30] =	ssyncset.done $0x0  }
0x63: {  	s10 =	sadd.s32 $0x2900, s9;
	[sflag:s30] =	ssyncadd.s32 $0xFFFFF000  }
0x64: {  	[spmem:s2] =	stream.indirect.scatter.add.f32 [tilespmem:s25], [sflag:$0x5], $0x20, s10, s21, $0xb8;
	[tilespmem:$0x13000] =	vst v63  }
0x65: {  	_ =	swait.ge [sflag:s13], $0x1000  }
0x66: {  	[sflag:s13] =	ssyncset.done $0x0  }
0x67: {  	s10 =	sadd.s32 $0x300, s9;
	[sflag:s13] =	ssyncadd.s32 $0xFFFFF000  }
0x68: {  	[tilespmem:s25], [sflag:$0x3] =	stream.indirect.gather [spmem:s3], $0x20, s10, s21, $0xb8;
	[tilespmem:$0x13000] =	vst v63  }
0x69: {  	_ =	swait.ge [sflag:s19], $0x1000  }
0x6a: {  	[sflag:s19] =	ssyncset.done $0x0  }
.Ltmp0:
0x6b: {  	s10 =	sadd.s32 $0x2980, s9;
	[sflag:s19] =	ssyncadd.s32 $0xFFFFF000;
	(pc) =	sbr.rel @p0 .LBB2_2-.Ltmp0, $4  }
0x6c: {  	[spmem:s2] =	stream.indirect.scatter.add.f32 [tilespmem:s28], [sflag:$0x5], $0x20, s10, s21, $0xb8;
	[tilespmem:$0x13000] =	vst v63  }
0x6d: {  	_ =	swait.ge [sflag:s13], $0x1000  }
0x6e: {  	[sflag:s13] =	ssyncset.done $0x0  }
0x6f: {  	s9 =	sadd.s32 $0x380, s9;
	[sflag:s13] =	ssyncadd.s32 $0xFFFFF000  }
0x70: {  	[tilespmem:s28], [sflag:$0x4] =	stream.indirect.gather [spmem:s3], $0x20, s9, s21, $0xb8;
	[tilespmem:$0x13000] =	vst v63  }
0x71: {  	_ =	swait.ge [sflag:s18], $0x1000  }
0x72: {  	[sflag:s18] =	ssyncset.done $0x0  }
0x73: {  	[sflag:s18] =	ssyncadd.s32 $0xFFFFF000  }
0x74: {  	[spmem:s2] =	stream.indirect.scatter.add.f32 [tilespmem:s22], [sflag:$0x5], $0x20, s31, s21, $0xb8;
	[tilespmem:$0x13000] =	vst v63  }
0x75: {  	_ =	swait.ge [sflag:s13], $0x1000  }
0x76: {  	[sflag:s13] =	ssyncset.done $0x0  }
0x77: {  	[sflag:s13] =	ssyncadd.s32 $0xFFFFF000  }
0x78: {  	_ =	swait.ge [sflag:s29], $0x1000  }
0x79: {  	[sflag:s29] =	ssyncset.done $0x0  }
0x7a: {  	[sflag:s29] =	ssyncadd.s32 $0xFFFFF000  }
0x7b: {  	[spmem:s2] =	stream.indirect.scatter.add.f32 [tilespmem:s23], [sflag:$0x5], $0x20, s1, s21, $0xb8;
	[tilespmem:$0x13000] =	vst v63  }
0x7c: {  	_ =	swait.ge [sflag:s13], $0x1000  }
0x7d: {  	[sflag:s13] =	ssyncset.done $0x0  }
0x7e: {  	[sflag:s13] =	ssyncadd.s32 $0xFFFFF000  }
0x7f: {  	_ =	swait.ge [sflag:s30], $0x1000  }
0x80: {  	[sflag:s30] =	ssyncset.done $0x0  }
0x81: {  	[sflag:s30] =	ssyncadd.s32 $0xFFFFF000  }
0x82: {  	[spmem:s2] =	stream.indirect.scatter.add.f32 [tilespmem:s25], [sflag:$0x5], $0x20, s0, s21, $0xb8;
	[tilespmem:$0x13000] =	vst v63  }
0x83: {  	_ =	swait.ge [sflag:s13], $0x1000  }
0x84: {  	[sflag:s13] =	ssyncset.done $0x0  }
0x85: {  	[sflag:s13] =	ssyncadd.s32 $0xFFFFF000  }
0x86: {  	_ =	swait.ge [sflag:s19], $0x1000  }
0x87: {  	[sflag:s19] =	ssyncset.done $0x0  }
0x88: {  	[sflag:s19] =	ssyncadd.s32 $0xFFFFF000  }
0x89: {  	[spmem:s2] =	stream.indirect.scatter.add.f32 [tilespmem:s28], [sflag:$0x5], $0x20, s14, s21, $0xb8;
	[tilespmem:$0x13000] =	vst v63  }
0x8a: {  	_ =	swait.ge [sflag:s13], $0x1000  }
0x8b: {  	[sflag:s13] =	ssyncset.done $0x0  }
0x8c: {  	[sflag:s13] =	ssyncadd.s32 $0xFFFFF000  }
0x8d: {  	[bflag:$0x0] =	sbarrier.arrive $0xFFFF  }
0x8e: {  	s5 =	rddreg [dreg:$0x5]  }
0x8f: {  	s7 =	rddreg [dreg:$0x9]  }
0x90: {  	s7 =	sadd.s32 s5, s7  }
0x91: {  	[hbm:s7], [sflag:s15] =	dma.local [spmem:s16], $0xA00  }
0x92: {  	_ =	swait.ge [sflag:s13], $0xA00  }
0x93: {  	[sflag:s13] =	ssyncset.done $0x0  }
0x94: {  	[sflag:s13] =	ssyncadd.s32 $0xFFFFF600  }
0x95: {  	[bflag:$0x0] =	sbarrier.arrive $0xFFFF  }
0x96: {  	[spmem:s16], [sflag:s15] =	dma.local [hbm:s8], $0xA00  }
0x97: {  	_ =	swait.ge [sflag:s13], $0xA00  }
0x98: {  	[sflag:s13] =	ssyncset.done $0x0  }
0x99: {  	[sflag:s13] =	ssyncadd.s32 $0xFFFFF600  }
0x9a: {  	[spmem:s17@s19], [sflag:s15] =	dma.strided [hbm:s11@s20], $0xA00, s18, $0x4   }
0x9b: {  	_ =	swait.ge [sflag:s13], $0xA00  }
0x9c: {  	[sflag:s13] =	ssyncset.done $0x0  }
0x9d: {  	[sflag:s13] =	ssyncadd.s32 $0xFFFFF600  }
0x9e: {  	s5 =	simm.s32 $0x0;
	[bflag:$0x0] =	sbarrier.arrive $0xFFFF  }
0x9f: {  	[tilespmem:s22], [sflag:$0x1] =	stream.indirect.gather [spmem:s3], $0x20, s5, s21, $0xb8;
	[tilespmem:$0x13000] =	vst v63  }
0xa0: {  	_ = 	snop  }
0xa1: {  	[tilespmem:s23], [sflag:$0x2] =	stream.indirect.gather [spmem:s3], $0x20, s21, s21, $0xb8;
	[tilespmem:$0x13000] =	vst v63  }
0xa2: {  	_ = 	snop  }
0xa3: {  	[tilespmem:s25], [sflag:$0x3] =	stream.indirect.gather [spmem:s3], $0x20, s24, s21, $0xb8;
	[tilespmem:$0x13000] =	vst v63  }
0xa4: {  	_ = 	snop  }
0xa5: {  	[tilespmem:s28], [sflag:$0x4] =	stream.indirect.gather [spmem:s3], $0x20, s26, s21, $0xb8;
	[tilespmem:$0x13000] =	vst v63  }
0xa6: {  	_ =	swait.ge [sflag:s18], $0x1000  }
0xa7: {  	[sflag:s18] =	ssyncset.done $0x0  }
0xa8: {  	s10 =	simm.s32 $0x2800;
	[sflag:s18] =	ssyncadd.s32 $0xFFFFF000  }
0xa9: {  	[spmem:s2] =	stream.indirect.scatter.add.f32 [tilespmem:s22], [sflag:$0x5], $0x20, s10, s21, $0xb8;
	[tilespmem:$0x13000] =	vst v63  }
0xaa: {  	_ =	swait.ge [sflag:s13], $0x1000  }
0xab: {  	[sflag:s13] =	ssyncset.done $0x0  }
0xac: {  	s5 =	simm.s32 $0x200;
	[sflag:s13] =	ssyncadd.s32 $0xFFFFF000  }
0xad: {  	[tilespmem:s22], [sflag:$0x1] =	stream.indirect.gather [spmem:s3], $0x20, s5, s21, $0xb8;
	[tilespmem:$0x13000] =	vst v63  }
0xae: {  	_ =	swait.ge [sflag:s29], $0x1000  }
0xaf: {  	[sflag:s29] =	ssyncset.done $0x0  }
0xb0: {  	s10 =	simm.s32 $0x2880;
	[sflag:s29] =	ssyncadd.s32 $0xFFFFF000  }
0xb1: {  	[spmem:s2] =	stream.indirect.scatter.add.f32 [tilespmem:s23], [sflag:$0x5], $0x20, s10, s21, $0xb8;
	[tilespmem:$0x13000] =	vst v63  }
0xb2: {  	_ =	swait.ge [sflag:s13], $0x1000  }
0xb3: {  	[sflag:s13] =	ssyncset.done $0x0  }
0xb4: {  	s5 =	simm.s32 $0x280;
	[sflag:s13] =	ssyncadd.s32 $0xFFFFF000  }
0xb5: {  	[tilespmem:s23], [sflag:$0x2] =	stream.indirect.gather [spmem:s3], $0x20, s5, s21, $0xb8;
	[tilespmem:$0x13000] =	vst v63  }
0xb6: {  	_ =	swait.ge [sflag:s30], $0x1000  }
0xb7: {  	[sflag:s30] =	ssyncset.done $0x0  }
0xb8: {  	s10 =	simm.s32 $0x2900;
	[sflag:s30] =	ssyncadd.s32 $0xFFFFF000  }
0xb9: {  	[spmem:s2] =	stream.indirect.scatter.add.f32 [tilespmem:s25], [sflag:$0x5], $0x20, s10, s21, $0xb8;
	[tilespmem:$0x13000] =	vst v63  }
0xba: {  	_ =	swait.ge [sflag:s13], $0x1000  }
0xbb: {  	[sflag:s13] =	ssyncset.done $0x0  }
0xbc: {  	s5 =	simm.s32 $0x300;
	[sflag:s13] =	ssyncadd.s32 $0xFFFFF000  }
0xbd: {  	[tilespmem:s25], [sflag:$0x3] =	stream.indirect.gather [spmem:s3], $0x20, s5, s21, $0xb8;
	[tilespmem:$0x13000] =	vst v63  }
0xbe: {  	_ =	swait.ge [sflag:s19], $0x1000  }
0xbf: {  	[sflag:s19] =	ssyncset.done $0x0  }
0xc0: {  	s10 =	simm.s32 $0x2980;
	[sflag:s19] =	ssyncadd.s32 $0xFFFFF000  }
0xc1: {  	[spmem:s2] =	stream.indirect.scatter.add.f32 [tilespmem:s28], [sflag:$0x5], $0x20, s10, s21, $0xb8;
	[tilespmem:$0x13000] =	vst v63  }
0xc2: {  	_ =	swait.ge [sflag:s13], $0x1000  }
0xc3: {  	[sflag:s13] =	ssyncset.done $0x0  }
0xc4: {  	s9 =	simm.s32 $0x800;
	s10 =	simm.s32 $0x380;
	[sflag:s13] =	ssyncadd.s32 $0xFFFFF000  }
.LBB2_4:
0xc5: {  	[tilespmem:s28], [sflag:$0x4] =	stream.indirect.gather [spmem:s3], $0x20, s10, s21, $0xb8;
	[tilespmem:$0x13000] =	vst v63  }
0xc6: {  	s10 =	smov.u32 s9  }
0xc7: {  	p0 =	sne.s32 s9, $0x9000;
	s9 =	sadd.s32 $0x800, s9;
	_ =	swait.ge [sflag:s18], $0x1000  }
0xc8: {  	s10 =	sshra.s32 s10, $0x2;
	[sflag:s18] =	ssyncset.done $0x0  }
0xc9: {  	s5 =	sadd.s32 $0x2800, s10;
	[sflag:s18] =	ssyncadd.s32 $0xFFFFF000  }
0xca: {  	[spmem:s2] =	stream.indirect.scatter.add.f32 [tilespmem:s22], [sflag:$0x5], $0x20, s5, s21, $0xb8;
	[tilespmem:$0x13000] =	vst v63  }
0xcb: {  	_ =	swait.ge [sflag:s13], $0x1000  }
0xcc: {  	[sflag:s13] =	ssyncset.done $0x0  }
0xcd: {  	s5 =	sadd.s32 $0x200, s10;
	[sflag:s13] =	ssyncadd.s32 $0xFFFFF000  }
0xce: {  	[tilespmem:s22], [sflag:$0x1] =	stream.indirect.gather [spmem:s3], $0x20, s5, s21, $0xb8;
	[tilespmem:$0x13000] =	vst v63  }
0xcf: {  	_ =	swait.ge [sflag:s29], $0x1000  }
0xd0: {  	[sflag:s29] =	ssyncset.done $0x0  }
0xd1: {  	s5 =	sadd.s32 $0x2880, s10;
	[sflag:s29] =	ssyncadd.s32 $0xFFFFF000  }
0xd2: {  	[spmem:s2] =	stream.indirect.scatter.add.f32 [tilespmem:s23], [sflag:$0x5], $0x20, s5, s21, $0xb8;
	[tilespmem:$0x13000] =	vst v63  }
0xd3: {  	_ =	swait.ge [sflag:s13], $0x1000  }
0xd4: {  	[sflag:s13] =	ssyncset.done $0x0  }
0xd5: {  	s5 =	sadd.s32 $0x280, s10;
	[sflag:s13] =	ssyncadd.s32 $0xFFFFF000  }
0xd6: {  	[tilespmem:s23], [sflag:$0x2] =	stream.indirect.gather [spmem:s3], $0x20, s5, s21, $0xb8;
	[tilespmem:$0x13000] =	vst v63  }
0xd7: {  	_ =	swait.ge [sflag:s30], $0x1000  }
0xd8: {  	[sflag:s30] =	ssyncset.done $0x0  }
0xd9: {  	s5 =	sadd.s32 $0x2900, s10;
	[sflag:s30] =	ssyncadd.s32 $0xFFFFF000  }
0xda: {  	[spmem:s2] =	stream.indirect.scatter.add.f32 [tilespmem:s25], [sflag:$0x5], $0x20, s5, s21, $0xb8;
	[tilespmem:$0x13000] =	vst v63  }
0xdb: {  	_ =	swait.ge [sflag:s13], $0x1000  }
0xdc: {  	[sflag:s13] =	ssyncset.done $0x0  }
0xdd: {  	s5 =	sadd.s32 $0x300, s10;
	[sflag:s13] =	ssyncadd.s32 $0xFFFFF000  }
0xde: {  	[tilespmem:s25], [sflag:$0x3] =	stream.indirect.gather [spmem:s3], $0x20, s5, s21, $0xb8;
	[tilespmem:$0x13000] =	vst v63  }
0xdf: {  	_ =	swait.ge [sflag:s19], $0x1000  }
0xe0: {  	[sflag:s19] =	ssyncset.done $0x0  }
.Ltmp1:
0xe1: {  	s5 =	sadd.s32 $0x2980, s10;
	[sflag:s19] =	ssyncadd.s32 $0xFFFFF000;
	(pc) =	sbr.rel @p0 .LBB2_4-.Ltmp1, $4  }
0xe2: {  	[spmem:s2] =	stream.indirect.scatter.add.f32 [tilespmem:s28], [sflag:$0x5], $0x20, s5, s21, $0xb8;
	[tilespmem:$0x13000] =	vst v63  }
0xe3: {  	_ =	swait.ge [sflag:s13], $0x1000  }
0xe4: {  	[sflag:s13] =	ssyncset.done $0x0  }
0xe5: {  	s10 =	sadd.s32 $0x380, s10;
	[sflag:s13] =	ssyncadd.s32 $0xFFFFF000  }
0xe6: {  	[tilespmem:s28], [sflag:$0x4] =	stream.indirect.gather [spmem:s3], $0x20, s10, s21, $0xb8;
	[tilespmem:$0x13000] =	vst v63  }
0xe7: {  	_ =	swait.ge [sflag:s18], $0x1000  }
0xe8: {  	[sflag:s18] =	ssyncset.done $0x0  }
0xe9: {  	[sflag:s18] =	ssyncadd.s32 $0xFFFFF000  }
0xea: {  	[spmem:s2] =	stream.indirect.scatter.add.f32 [tilespmem:s22], [sflag:$0x5], $0x20, s31, s21, $0xb8;
	[tilespmem:$0x13000] =	vst v63  }
0xeb: {  	_ =	swait.ge [sflag:s13], $0x1000  }
0xec: {  	[sflag:s13] =	ssyncset.done $0x0  }
0xed: {  	[sflag:s13] =	ssyncadd.s32 $0xFFFFF000  }
0xee: {  	_ =	swait.ge [sflag:s29], $0x1000  }
0xef: {  	[sflag:s29] =	ssyncset.done $0x0  }
0xf0: {  	[sflag:s29] =	ssyncadd.s32 $0xFFFFF000  }
0xf1: {  	[spmem:s2] =	stream.indirect.scatter.add.f32 [tilespmem:s23], [sflag:$0x5], $0x20, s1, s21, $0xb8;
	[tilespmem:$0x13000] =	vst v63  }
0xf2: {  	_ =	swait.ge [sflag:s13], $0x1000  }
0xf3: {  	[sflag:s13] =	ssyncset.done $0x0  }
0xf4: {  	[sflag:s13] =	ssyncadd.s32 $0xFFFFF000  }
0xf5: {  	_ =	swait.ge [sflag:s30], $0x1000  }
0xf6: {  	[sflag:s30] =	ssyncset.done $0x0  }
0xf7: {  	[sflag:s30] =	ssyncadd.s32 $0xFFFFF000  }
0xf8: {  	[spmem:s2] =	stream.indirect.scatter.add.f32 [tilespmem:s25], [sflag:$0x5], $0x20, s0, s21, $0xb8;
	[tilespmem:$0x13000] =	vst v63  }
0xf9: {  	_ =	swait.ge [sflag:s13], $0x1000  }
0xfa: {  	[sflag:s13] =	ssyncset.done $0x0  }
0xfb: {  	[sflag:s13] =	ssyncadd.s32 $0xFFFFF000  }
0xfc: {  	_ =	swait.ge [sflag:s19], $0x1000  }
0xfd: {  	[sflag:s19] =	ssyncset.done $0x0  }
0xfe: {  	[sflag:s19] =	ssyncadd.s32 $0xFFFFF000  }
0xff: {  	[spmem:s2] =	stream.indirect.scatter.add.f32 [tilespmem:s28], [sflag:$0x5], $0x20, s14, s21, $0xb8;
	[tilespmem:$0x13000] =	vst v63  }
0x100: {  	_ =	swait.ge [sflag:s13], $0x1000  }
0x101: {  	[sflag:s13] =	ssyncset.done $0x0  }
0x102: {  	s6 =	sadd.s32 $0x1, s6;
	[sflag:s13] =	ssyncadd.s32 $0xFFFFF000  }
0x103: {  	s5 =	sadd.s32 $0xA000, s7;
	p0 =	sne.s32 s6, s12;
	[bflag:$0x0] =	sbarrier.arrive $0xFFFF  }
0x104: {  	[hbm:s5], [sflag:s15] =	dma.local [spmem:s16], $0xA00  }
.Ltmp2:
0x105: {  	_ =	swait.ge [sflag:s13], $0xA00;
	(pc) =	sbr.rel @p0 .LBB2_1-.Ltmp2, $3  }
0x106: {  	[sflag:s13] =	ssyncset.done $0x0  }
0x107: {  	[sflag:s13] =	ssyncadd.s32 $0xFFFFF600  }
0x108: {  	[bflag:$0x0] =	sbarrier.arrive $0xFFFF;
	_ =	sdelay $0x1  }
0x109: {  	_ =	sfence.sel $0x180000  }
0x10a: {  	[bflag:$0x0] =	sbarrier.arrive $0xFFFF  }
0x10b: {  	_ =	strace $0x90000050  }
0x10c: {  	s0 =	stileid.u32;
	[bflag:$0x2] =	sbarrier.arrive $0xFFFF  }
0x10d: {  	p0 =	sne.s32 s0, $0x0;
	s0 =	rddreg [dreg:$0x4]  }
0x10e: {  	s0 =	sadd.s32 @!p0 $0x100000, s0  }
0x10f: {  	[sflag:s0] =	ssyncadd.tile.s32 @!p0 $0x1;
	_ =	shalt  }
.Lfunc_end2:
_tile_overlayer_lowered:
.L_overlay_start_2:
0x110: {  	(tag) =	ssettag $0x2  }
0x111: {  	s0 =	rddreg [dreg:$0x0];
	s2 =	stileid.u32  }
0x112: {  	s1 =	rddreg [dreg:$0x1];
	p0 =	sne.s32 s2, $0x0  }
0x113: {  	s3 =	rddreg [dreg:$0x2];
	[bflag:$0x3] =	sbarrier.arrive $0xFFFF;
	s2 =	simm.s32 @!p0 $0x1C05  }
0x114: {  	[timem:s3], [sflag:s2] =	dma.local @!p0 [hbm:s0], s1  }
0x115: {  	s0 =	simm.s32 @!p0 $0x5  }
0x116: {  	_ =	swait.ge @!p0 [sflag:s0], s1  }
0x117: {  	s1 =	ssub.s32 @!p0 $0x0, s1;
	[sflag:s0] =	ssyncset.done @!p0 $0x0  }
0x118: {  	[sflag:s0] =	ssyncadd.s32 @!p0 s1  }
0x119: {  	[bflag:$0x3] =	sbarrier.arrive $0xFFFF  }
0x11a: {  	_ =	shalt  }

</sc_bundles>
